<compile_context>
chip_gen: v7x
topology: tpu7x:2x2x1
jax: 0.10.2.dev20260603
libtpu: 0.0.44.dev20260713+nightly
codegen_flags: <defaults>
</compile_context>

<pallas_src>
import functools

import jax
import jax.numpy as jnp
from jax import lax
from jax.experimental import pallas as pl
from jax.experimental.pallas import tpu as pltpu
from jax.experimental.pallas import tpu_sc as plsc

L = 16
D = 128
CH = D // L
TOKEN_TYPE_SHIFT = 30
CLEAN_MASK = ~(1 << TOKEN_TYPE_SHIFT)
EPS = 1e-12
RSQRT_MAGIC = 0x5F3759DF
HALVES = 4


def _build_sc_call(n_tokens):
    info = plsc.get_sparse_core_info()
    nw = info.num_cores * info.num_subcores
    assert n_tokens % nw == 0
    t_per_w = n_tokens // nw
    jw = min(32, t_per_w)
    jchunks = t_per_w // jw
    assert jw <= 128 and jchunks * jw == t_per_w
    assert jchunks % HALVES == 0
    jc_h = jchunks // HALVES
    t_h = t_per_w // HALVES

    mesh = plsc.VectorSubcoreMesh(core_axis_name="c", subcore_axis_name="s")

    @functools.partial(
        pl.kernel,
        mesh=mesh,
        out_type=jax.ShapeDtypeStruct((nw, t_per_w, D), jnp.float32),
        compiler_params=pltpu.CompilerParams(needs_layout_passes=False),
        scratch_types=[
            pltpu.VMEM((jchunks, jw), jnp.int32),
            pltpu.VMEM((jchunks, jw), jnp.int32),
            pltpu.VMEM((jchunks, jw), jnp.int32),
            pltpu.VMEM((t_per_w,), jnp.float32),
            pltpu.VMEM((t_per_w, D), jnp.float32),
            pltpu.VMEM((t_per_w, D), jnp.float32),
            pltpu.VMEM((2, D), jnp.float32),
            pltpu.VMEM((D,), jnp.float32),
            pltpu.VMEM((D,), jnp.float32),
            pltpu.SemaphoreType.DMA,
            pltpu.SemaphoreType.DMA,
            pltpu.SemaphoreType.DMA,
        ],
    )
    def sc_embed(ids_h, pos_h, word_h, ptab_h, ttab_h, gam_h, bet_h, out_h,
                 ids_v, pidx_v, cid_v, ttf_v, wrows, prows,
                 ttab_v, gam_v, bet_v, sem_s, sem_g, sem_o):
        wid = lax.axis_index("s") * info.num_cores + lax.axis_index("c")

        idp = [pltpu.async_copy(ids_h.at[wid], ids_v, sem_o),
               pltpu.async_copy(pos_h.at[wid], pidx_v, sem_o)]
        stage = [
            pltpu.async_copy(ttab_h, ttab_v, sem_s),
            pltpu.async_copy(gam_h, gam_v, sem_s),
            pltpu.async_copy(bet_h, bet_v, sem_s),
        ]
        for cp in idp:
            cp.wait()

        for j in range(jchunks):
            for k in range(jw // L):
                v = ids_v[j, pl.ds(k * L, L)]
                cid_v[j, pl.ds(k * L, L)] = v & CLEAN_MASK
                tt = (v >> TOKEN_TYPE_SHIFT) & 1
                ttf_v[pl.ds((j * jw // L + k) * L, L)] = tt.astype(jnp.float32)

        gathers = []
        for j in range(jchunks):
            rows = pl.ds(j * jw, jw)
            ji = jnp.int32(j)
            gathers.append(pltpu.async_copy(word_h.at[cid_v.at[ji]],
                                            wrows.at[rows], sem_g))
            gathers.append(pltpu.async_copy(ptab_h.at[pidx_v.at[ji]],
                                            prows.at[rows], sem_g))

        for cp in stage:
            cp.wait()
        g = [gam_v[pl.ds(c * L, L)] for c in range(CH)]
        b = [bet_v[pl.ds(c * L, L)] for c in range(CH)]
        t0 = [ttab_v[0, pl.ds(c * L, L)] for c in range(CH)]
        t1 = [ttab_v[1, pl.ds(c * L, L)] for c in range(CH)]
        inv_d = 1.0 / D

        writes = []
        for h in range(HALVES):
            for cp in gathers[2 * jc_h * h:2 * jc_h * (h + 1)]:
                cp.wait()

            @plsc.parallel_loop(jnp.int32(h * t_h), jnp.int32((h + 1) * t_h),
                                jnp.int32(1), unroll=8)
            def body(t):
                tsplat = jnp.full((L,), t, jnp.int32)
                ttf = plsc.load_gather(ttf_v, [tsplat])
                tmask = ttf > 0.5
                xs = []
                acc1 = jnp.zeros((L,), jnp.float32)
                acc2 = jnp.zeros((L,), jnp.float32)
                for c in range(CH):
                    sl = pl.ds(c * L, L)
                    x = wrows[t, sl] + prows[t, sl] + jnp.where(tmask, t1[c], t0[c])
                    xs.append(x)
                    acc1 = acc1 + x
                    acc2 = acc2 + x * x
                mean = jnp.full((L,), jnp.sum(acc1), jnp.float32) * inv_d
                ex2 = jnp.full((L,), jnp.sum(acc2), jnp.float32) * inv_d
                var = ex2 - mean * mean + EPS
                y = plsc.bitcast(RSQRT_MAGIC - (plsc.bitcast(var, jnp.int32) >> 1),
                                 jnp.float32)
                for _ in range(2):
                    y = y * (1.5 - 0.5 * var * y * y)
                for c in range(CH):
                    wrows[t, pl.ds(c * L, L)] = (xs[c] - mean) * y * g[c] + b[c]

            hrows = pl.ds(h * t_h, t_h)
            writes.append(pltpu.async_copy(wrows.at[hrows],
                                           out_h.at[wid].at[hrows], sem_o))
        for cp in writes:
            cp.wait()

    return sc_embed, nw, jchunks, jw


def kernel(input_ids, position_ids, word_emb, pos_emb, type_emb, ln_gamma, ln_beta):
    bsz, seq = input_ids.shape
    n = bsz * seq
    call, nw, jchunks, jw = _build_sc_call(n)
    ids32 = input_ids.astype(jnp.int32).reshape(nw, jchunks, jw)
    pos32 = position_ids.astype(jnp.int32).reshape(nw, jchunks, jw)
    out = call(ids32, pos32, word_emb, pos_emb, type_emb, ln_gamma, ln_beta)
    return out.reshape(bsz, seq, word_emb.shape[1])

# --- scband reference (transcript-rebuilt; emitter-appended) ---
"""Pipeline reference for scband-bert-embedding-11416023073388 (READ-ONLY COPY).

The authoritative reference and input builder live on the scoring server;
editing this copy changes nothing except your own understanding.
"""

import jax
jax.config.update('jax_enable_x64', True)
import jax.numpy as jnp
import numpy as np

VOCAB = 100000
MAX_POS = 2048
TYPE_VOCAB = 2
D = 128
B = 4
S = 2048
EPS = 1e-12
TOKEN_TYPE_SHIFT = 30


def setup_inputs(seed: int = 0) -> dict:
    key = jax.random.key(seed)
    ks = jax.random.split(key, 7)
    input_ids = jax.random.randint(ks[0], (B, S), 0, VOCAB, dtype=jnp.int64)
    position_ids = jax.random.randint(ks[1], (B, S), 0, MAX_POS, dtype=jnp.int64)
    word_emb = jax.random.normal(ks[2], (VOCAB, D), dtype=jnp.float32) * 0.02
    pos_emb = jax.random.normal(ks[3], (MAX_POS, D), dtype=jnp.float32) * 0.02
    type_emb = jax.random.normal(ks[4], (TYPE_VOCAB, D), dtype=jnp.float32) * 0.02
    ln_gamma = jnp.ones((D,), dtype=jnp.float32)
    ln_beta = jnp.zeros((D,), dtype=jnp.float32)
    return {
        'input_ids': input_ids,
        'position_ids': position_ids,
        'word_emb': word_emb,
        'pos_emb': pos_emb,
        'type_emb': type_emb,
        'ln_gamma': ln_gamma,
        'ln_beta': ln_beta,
    }


def _layer_norm(x, gamma, beta, eps):
    mean = jnp.mean(x, axis=-1, keepdims=True)
    var = jnp.mean(jnp.square(x - mean), axis=-1, keepdims=True)
    return gamma * (x - mean) / jnp.sqrt(var + eps) + beta


def reference(input_ids, position_ids, word_emb, pos_emb, type_emb, ln_gamma, ln_beta):
    # _decode_token_type_ids: token type packed into bit TOKEN_TYPE_SHIFT of input_ids
    ids_mask = jnp.left_shift(jnp.ones_like(input_ids), TOKEN_TYPE_SHIFT)
    tokens_mask = jnp.bitwise_not(ids_mask)
    token_type_ids = jnp.right_shift(jnp.bitwise_and(input_ids, ids_mask), TOKEN_TYPE_SHIFT)
    clean_ids = jnp.bitwise_and(input_ids, tokens_mask)
    inputs_embeds = jnp.take(word_emb, clean_ids, axis=0)
    position_embeddings = jnp.take(pos_emb, position_ids, axis=0)
    token_type_embeddings = jnp.take(type_emb, token_type_ids, axis=0)
    embeddings = inputs_embeds + token_type_embeddings + position_embeddings
    embeddings = _layer_norm(embeddings, ln_gamma, ln_beta, EPS)
    return embeddings

if __name__ == "__main__":
    import jax
    _d = setup_inputs()
    print(jax.jit(kernel)(*tuple(_d.values())))

</pallas_src>

<mosaic_0001>
#map = affine_map<(d0, d1) -> (0, 0, 0)>
#map1 = affine_map<(d0, d1) -> (0, 0)>
#map2 = affine_map<(d0, d1) -> (0)>
module attributes {stable_mosaic.version = 14 : i64} {
  func.func @sc_embed(%arg0: i32, %arg1: i32, %arg2: memref<32x8x32xi32, #tpu.memory_space<hbm>>, %arg3: memref<32x8x32xi32, #tpu.memory_space<hbm>>, %arg4: memref<100000x128xf32, #tpu.memory_space<hbm>>, %arg5: memref<2048x128xf32, #tpu.memory_space<hbm>>, %arg6: memref<2x128xf32, #tpu.memory_space<hbm>>, %arg7: memref<128xf32, #tpu.memory_space<hbm>>, %arg8: memref<128xf32, #tpu.memory_space<hbm>>, %arg9: memref<32x256x128xf32, #tpu.memory_space<hbm>>, %arg10: memref<8x32xi32, #tpu.memory_space<vmem>>, %arg11: memref<8x32xi32, #tpu.memory_space<vmem>>, %arg12: memref<8x32xi32, #tpu.memory_space<vmem>>, %arg13: memref<256xf32, #tpu.memory_space<vmem>>, %arg14: memref<256x128xf32, #tpu.memory_space<vmem>>, %arg15: memref<256x128xf32, #tpu.memory_space<vmem>>, %arg16: memref<2x128xf32, #tpu.memory_space<vmem>>, %arg17: memref<128xf32, #tpu.memory_space<vmem>>, %arg18: memref<128xf32, #tpu.memory_space<vmem>>, %arg19: memref<!tpu.dma_semaphore, #tpu.memory_space<semaphore_mem>>, %arg20: memref<!tpu.dma_semaphore, #tpu.memory_space<semaphore_mem>>, %arg21: memref<!tpu.dma_semaphore, #tpu.memory_space<semaphore_mem>>) attributes {dimension_semantics = [#tpu.dimension_semantics<core_parallel>, #tpu.dimension_semantics<subcore_parallel>], iteration_bounds = array<i64: 2, 16>, scalar_prefetch = 0 : i64, scratch_operands = 12 : i64, tpu.core_type = #tpu.core_type<sc_vector_subcore>, window_params = [{transform_indices = #map}, {transform_indices = #map}, {transform_indices = #map1}, {transform_indices = #map1}, {transform_indices = #map1}, {transform_indices = #map2}, {transform_indices = #map2}, {transform_indices = #map}]} {
    %mul3A = arith.constant 2 : i32
    %mul3A_0 = arith.muli %arg1, %mul3A : i32
    %add3A = arith.addi %mul3A_0, %arg0 : i32
    %dma_start3A = arith.constant 0 : i32
    %dma_start3A_1 = arith.constant 0 : i32
    %dma_start3A_2 = tpu.memref_slice %arg2[%add3A, %dma_start3A, %dma_start3A_1] : memref<32x8x32xi32, #tpu.memory_space<hbm>> -> memref<1x8x32xi32, #tpu.memory_space<hbm>>
    %dma_start3A_3 = tpu.memref_squeeze %dma_start3A_2 : memref<1x8x32xi32, #tpu.memory_space<hbm>> -> memref<8x32xi32, #tpu.memory_space<hbm>>
    %dma_start3A_4 = arith.constant 0 : i32
    %dma_start3A_5 = arith.constant 0 : i32
    %dma_start3A_6 = tpu.memref_slice %arg2[%add3A, %dma_start3A_4, %dma_start3A_5] : memref<32x8x32xi32, #tpu.memory_space<hbm>> -> memref<1x8x32xi32, #tpu.memory_space<hbm>>
    %dma_start3A_7 = tpu.memref_squeeze %dma_start3A_6 : memref<1x8x32xi32, #tpu.memory_space<hbm>> -> memref<8x32xi32, #tpu.memory_space<hbm>>
    tpu.enqueue_dma source(%dma_start3A_7 : memref<8x32xi32, #tpu.memory_space<hbm>>) target(%arg10 : memref<8x32xi32, #tpu.memory_space<vmem>>) target_semaphore(%arg21 : memref<!tpu.dma_semaphore, #tpu.memory_space<semaphore_mem>>)
    %dma_start3A_8 = arith.constant 0 : i32
    %dma_start3A_9 = arith.constant 0 : i32
    %dma_start3A_10 = tpu.memref_slice %arg3[%add3A, %dma_start3A_8, %dma_start3A_9] : memref<32x8x32xi32, #tpu.memory_space<hbm>> -> memref<1x8x32xi32, #tpu.memory_space<hbm>>
    %dma_start3A_11 = tpu.memref_squeeze %dma_start3A_10 : memref<1x8x32xi32, #tpu.memory_space<hbm>> -> memref<8x32xi32, #tpu.memory_space<hbm>>
    %dma_start3A_12 = arith.constant 0 : i32
    %dma_start3A_13 = arith.constant 0 : i32
    %dma_start3A_14 = tpu.memref_slice %arg3[%add3A, %dma_start3A_12, %dma_start3A_13] : memref<32x8x32xi32, #tpu.memory_space<hbm>> -> memref<1x8x32xi32, #tpu.memory_space<hbm>>
    %dma_start3A_15 = tpu.memref_squeeze %dma_start3A_14 : memref<1x8x32xi32, #tpu.memory_space<hbm>> -> memref<8x32xi32, #tpu.memory_space<hbm>>
    tpu.enqueue_dma source(%dma_start3A_15 : memref<8x32xi32, #tpu.memory_space<hbm>>) target(%arg11 : memref<8x32xi32, #tpu.memory_space<vmem>>) target_semaphore(%arg21 : memref<!tpu.dma_semaphore, #tpu.memory_space<semaphore_mem>>)
    tpu.enqueue_dma source(%arg6 : memref<2x128xf32, #tpu.memory_space<hbm>>) target(%arg16 : memref<2x128xf32, #tpu.memory_space<vmem>>) target_semaphore(%arg19 : memref<!tpu.dma_semaphore, #tpu.memory_space<semaphore_mem>>)
    tpu.enqueue_dma source(%arg7 : memref<128xf32, #tpu.memory_space<hbm>>) target(%arg17 : memref<128xf32, #tpu.memory_space<vmem>>) target_semaphore(%arg19 : memref<!tpu.dma_semaphore, #tpu.memory_space<semaphore_mem>>)
    tpu.enqueue_dma source(%arg8 : memref<128xf32, #tpu.memory_space<hbm>>) target(%arg18 : memref<128xf32, #tpu.memory_space<vmem>>) target_semaphore(%arg19 : memref<!tpu.dma_semaphore, #tpu.memory_space<semaphore_mem>>)
    %dma_wait3A = arith.constant 0 : i32
    %dma_wait3A_16 = arith.constant 0 : i32
    %dma_wait3A_17 = tpu.memref_slice %arg2[%add3A, %dma_wait3A, %dma_wait3A_16] : memref<32x8x32xi32, #tpu.memory_space<hbm>> -> memref<1x8x32xi32, #tpu.memory_space<hbm>>
    %dma_wait3A_18 = tpu.memref_squeeze %dma_wait3A_17 : memref<1x8x32xi32, #tpu.memory_space<hbm>> -> memref<8x32xi32, #tpu.memory_space<hbm>>
    %dma_wait3A_19 = arith.constant 0 : i32
    %dma_wait3A_20 = arith.constant 0 : i32
    %dma_wait3A_21 = tpu.memref_slice %arg2[%add3A, %dma_wait3A_19, %dma_wait3A_20] : memref<32x8x32xi32, #tpu.memory_space<hbm>> -> memref<1x8x32xi32, #tpu.memory_space<hbm>>
    %dma_wait3A_22 = tpu.memref_squeeze %dma_wait3A_21 : memref<1x8x32xi32, #tpu.memory_space<hbm>> -> memref<8x32xi32, #tpu.memory_space<hbm>>
    tpu.wait_dma2 semaphore(%arg21 : memref<!tpu.dma_semaphore, #tpu.memory_space<semaphore_mem>>) src(%dma_wait3A_22 : memref<8x32xi32, #tpu.memory_space<hbm>>) dst(%arg10 : memref<8x32xi32, #tpu.memory_space<vmem>>)
    %dma_wait3A_23 = arith.constant 0 : i32
    %dma_wait3A_24 = arith.constant 0 : i32
    %dma_wait3A_25 = tpu.memref_slice %arg3[%add3A, %dma_wait3A_23, %dma_wait3A_24] : memref<32x8x32xi32, #tpu.memory_space<hbm>> -> memref<1x8x32xi32, #tpu.memory_space<hbm>>
    %dma_wait3A_26 = tpu.memref_squeeze %dma_wait3A_25 : memref<1x8x32xi32, #tpu.memory_space<hbm>> -> memref<8x32xi32, #tpu.memory_space<hbm>>
    %dma_wait3A_27 = arith.constant 0 : i32
    %dma_wait3A_28 = arith.constant 0 : i32
    %dma_wait3A_29 = tpu.memref_slice %arg3[%add3A, %dma_wait3A_27, %dma_wait3A_28] : memref<32x8x32xi32, #tpu.memory_space<hbm>> -> memref<1x8x32xi32, #tpu.memory_space<hbm>>
    %dma_wait3A_30 = tpu.memref_squeeze %dma_wait3A_29 : memref<1x8x32xi32, #tpu.memory_space<hbm>> -> memref<8x32xi32, #tpu.memory_space<hbm>>
    tpu.wait_dma2 semaphore(%arg21 : memref<!tpu.dma_semaphore, #tpu.memory_space<semaphore_mem>>) src(%dma_wait3A_30 : memref<8x32xi32, #tpu.memory_space<hbm>>) dst(%arg11 : memref<8x32xi32, #tpu.memory_space<vmem>>)
    %get3A = arith.constant 0 : i64
    %get3A_31 = arith.index_cast %get3A : i64 to index
    %get3A_32 = arith.constant 0 : index
    %get3A_33 = tpu.vector_load %arg10[%get3A_31, %get3A_32] {strides = array<i32>} : memref<8x32xi32, #tpu.memory_space<vmem>>, vector<16xi32>,
    %and3A = arith.constant -1073741825 : i32
    %and3A_34 = vector.broadcast %and3A : i32 to vector<16xi32>
    %and3A_35 = arith.andi %get3A_33, %and3A_34 : vector<16xi32>
    %swap3A = arith.constant 0 : i64
    %swap3A_36 = arith.index_cast %swap3A : i64 to index
    %swap3A_37 = arith.constant 0 : index
    %swap3A_38 = tpu.vector_load %arg12[%swap3A_36, %swap3A_37] {strides = array<i32>} : memref<8x32xi32, #tpu.memory_space<vmem>>, vector<16xi32>,
    tpu.vector_store %arg12[%swap3A_36, %swap3A_37], %and3A_35 {strides = array<i32>} : memref<8x32xi32, #tpu.memory_space<vmem>>, vector<16xi32>,
    %shift_right_arithmetic3A = arith.constant 30 : i32
    %shift_right_arithmetic3A_39 = vector.broadcast %shift_right_arithmetic3A : i32 to vector<16xi32>
    %shift_right_arithmetic3A_40 = arith.shrsi %get3A_33, %shift_right_arithmetic3A_39 : vector<16xi32>
    %and3A_41 = arith.constant 1 : i32
    %and3A_42 = vector.broadcast %and3A_41 : i32 to vector<16xi32>
    %and3A_43 = arith.andi %shift_right_arithmetic3A_40, %and3A_42 : vector<16xi32>
    %convert_element_type3A = arith.sitofp %and3A_43 : vector<16xi32> to vector<16xf32>
    %swap3A_44 = arith.constant 0 : index
    %swap3A_45 = tpu.vector_load %arg13[%swap3A_44] {strides = array<i32>} : memref<256xf32, #tpu.memory_space<vmem>>, vector<16xf32>,
    tpu.vector_store %arg13[%swap3A_44], %convert_element_type3A {strides = array<i32>} : memref<256xf32, #tpu.memory_space<vmem>>, vector<16xf32>,
    %get3A_46 = arith.constant 0 : i64
    %get3A_47 = arith.index_cast %get3A_46 : i64 to index
    %get3A_48 = arith.constant 16 : index
    %get3A_49 = tpu.vector_load %arg10[%get3A_47, %get3A_48] {strides = array<i32>} : memref<8x32xi32, #tpu.memory_space<vmem>>, vector<16xi32>,
    %and3A_50 = arith.constant -1073741825 : i32
    %and3A_51 = vector.broadcast %and3A_50 : i32 to vector<16xi32>
    %and3A_52 = arith.andi %get3A_49, %and3A_51 : vector<16xi32>
    %swap3A_53 = arith.constant 0 : i64
    %swap3A_54 = arith.index_cast %swap3A_53 : i64 to index
    %swap3A_55 = arith.constant 16 : index
    %swap3A_56 = tpu.vector_load %arg12[%swap3A_54, %swap3A_55] {strides = array<i32>} : memref<8x32xi32, #tpu.memory_space<vmem>>, vector<16xi32>,
    tpu.vector_store %arg12[%swap3A_54, %swap3A_55], %and3A_52 {strides = array<i32>} : memref<8x32xi32, #tpu.memory_space<vmem>>, vector<16xi32>,
    %shift_right_arithmetic3A_57 = arith.constant 30 : i32
    %shift_right_arithmetic3A_58 = vector.broadcast %shift_right_arithmetic3A_57 : i32 to vector<16xi32>
    %shift_right_arithmetic3A_59 = arith.shrsi %get3A_49, %shift_right_arithmetic3A_58 : vector<16xi32>
    %and3A_60 = arith.constant 1 : i32
    %and3A_61 = vector.broadcast %and3A_60 : i32 to vector<16xi32>
    %and3A_62 = arith.andi %shift_right_arithmetic3A_59, %and3A_61 : vector<16xi32>
    %convert_element_type3A_63 = arith.sitofp %and3A_62 : vector<16xi32> to vector<16xf32>
    %swap3A_64 = arith.constant 16 : index
    %swap3A_65 = tpu.vector_load %arg13[%swap3A_64] {strides = array<i32>} : memref<256xf32, #tpu.memory_space<vmem>>, vector<16xf32>,
    tpu.vector_store %arg13[%swap3A_64], %convert_element_type3A_63 {strides = array<i32>} : memref<256xf32, #tpu.memory_space<vmem>>, vector<16xf32>,
    %get3A_66 = arith.constant 1 : i64
    %get3A_67 = arith.index_cast %get3A_66 : i64 to index
    %get3A_68 = arith.constant 0 : index
    %get3A_69 = tpu.vector_load %arg10[%get3A_67, %get3A_68] {strides = array<i32>} : memref<8x32xi32, #tpu.memory_space<vmem>>, vector<16xi32>,
    %and3A_70 = arith.constant -1073741825 : i32
    %and3A_71 = vector.broadcast %and3A_70 : i32 to vector<16xi32>
    %and3A_72 = arith.andi %get3A_69, %and3A_71 : vector<16xi32>
    %swap3A_73 = arith.constant 1 : i64
    %swap3A_74 = arith.index_cast %swap3A_73 : i64 to index
    %swap3A_75 = arith.constant 0 : index
    %swap3A_76 = tpu.vector_load %arg12[%swap3A_74, %swap3A_75] {strides = array<i32>} : memref<8x32xi32, #tpu.memory_space<vmem>>, vector<16xi32>,
    tpu.vector_store %arg12[%swap3A_74, %swap3A_75], %and3A_72 {strides = array<i32>} : memref<8x32xi32, #tpu.memory_space<vmem>>, vector<16xi32>,
    %shift_right_arithmetic3A_77 = arith.constant 30 : i32
    %shift_right_arithmetic3A_78 = vector.broadcast %shift_right_arithmetic3A_77 : i32 to vector<16xi32>
    %shift_right_arithmetic3A_79 = arith.shrsi %get3A_69, %shift_right_arithmetic3A_78 : vector<16xi32>
    %and3A_80 = arith.constant 1 : i32
    %and3A_81 = vector.broadcast %and3A_80 : i32 to vector<16xi32>
    %and3A_82 = arith.andi %shift_right_arithmetic3A_79, %and3A_81 : vector<16xi32>
    %convert_element_type3A_83 = arith.sitofp %and3A_82 : vector<16xi32> to vector<16xf32>
    %swap3A_84 = arith.constant 32 : index
    %swap3A_85 = tpu.vector_load %arg13[%swap3A_84] {strides = array<i32>} : memref<256xf32, #tpu.memory_space<vmem>>, vector<16xf32>,
    tpu.vector_store %arg13[%swap3A_84], %convert_element_type3A_83 {strides = array<i32>} : memref<256xf32, #tpu.memory_space<vmem>>, vector<16xf32>,
    %get3A_86 = arith.constant 1 : i64
    %get3A_87 = arith.index_cast %get3A_86 : i64 to index
    %get3A_88 = arith.constant 16 : index
    %get3A_89 = tpu.vector_load %arg10[%get3A_87, %get3A_88] {strides = array<i32>} : memref<8x32xi32, #tpu.memory_space<vmem>>, vector<16xi32>,
    %and3A_90 = arith.constant -1073741825 : i32
    %and3A_91 = vector.broadcast %and3A_90 : i32 to vector<16xi32>
    %and3A_92 = arith.andi %get3A_89, %and3A_91 : vector<16xi32>
    %swap3A_93 = arith.constant 1 : i64
    %swap3A_94 = arith.index_cast %swap3A_93 : i64 to index
    %swap3A_95 = arith.constant 16 : index
    %swap3A_96 = tpu.vector_load %arg12[%swap3A_94, %swap3A_95] {strides = array<i32>} : memref<8x32xi32, #tpu.memory_space<vmem>>, vector<16xi32>,
    tpu.vector_store %arg12[%swap3A_94, %swap3A_95], %and3A_92 {strides = array<i32>} : memref<8x32xi32, #tpu.memory_space<vmem>>, vector<16xi32>,
    %shift_right_arithmetic3A_97 = arith.constant 30 : i32
    %shift_right_arithmetic3A_98 = vector.broadcast %shift_right_arithmetic3A_97 : i32 to vector<16xi32>
    %shift_right_arithmetic3A_99 = arith.shrsi %get3A_89, %shift_right_arithmetic3A_98 : vector<16xi32>
    %and3A_100 = arith.constant 1 : i32
    %and3A_101 = vector.broadcast %and3A_100 : i32 to vector<16xi32>
    %and3A_102 = arith.andi %shift_right_arithmetic3A_99, %and3A_101 : vector<16xi32>
    %convert_element_type3A_103 = arith.sitofp %and3A_102 : vector<16xi32> to vector<16xf32>
    %swap3A_104 = arith.constant 48 : index
    %swap3A_105 = tpu.vector_load %arg13[%swap3A_104] {strides = array<i32>} : memref<256xf32, #tpu.memory_space<vmem>>, vector<16xf32>,
    tpu.vector_store %arg13[%swap3A_104], %convert_element_type3A_103 {strides = array<i32>} : memref<256xf32, #tpu.memory_space<vmem>>, vector<16xf32>,
    %get3A_106 = arith.constant 2 : i64
    %get3A_107 = arith.index_cast %get3A_106 : i64 to index
    %get3A_108 = arith.constant 0 : index
    %get3A_109 = tpu.vector_load %arg10[%get3A_107, %get3A_108] {strides = array<i32>} : memref<8x32xi32, #tpu.memory_space<vmem>>, vector<16xi32>,
    %and3A_110 = arith.constant -1073741825 : i32
    %and3A_111 = vector.broadcast %and3A_110 : i32 to vector<16xi32>
    %and3A_112 = arith.andi %get3A_109, %and3A_111 : vector<16xi32>
    %swap3A_113 = arith.constant 2 : i64
    %swap3A_114 = arith.index_cast %swap3A_113 : i64 to index
    %swap3A_115 = arith.constant 0 : index
    %swap3A_116 = tpu.vector_load %arg12[%swap3A_114, %swap3A_115] {strides = array<i32>} : memref<8x32xi32, #tpu.memory_space<vmem>>, vector<16xi32>,
    tpu.vector_store %arg12[%swap3A_114, %swap3A_115], %and3A_112 {strides = array<i32>} : memref<8x32xi32, #tpu.memory_space<vmem>>, vector<16xi32>,
    %shift_right_arithmetic3A_117 = arith.constant 30 : i32
    %shift_right_arithmetic3A_118 = vector.broadcast %shift_right_arithmetic3A_117 : i32 to vector<16xi32>
    %shift_right_arithmetic3A_119 = arith.shrsi %get3A_109, %shift_right_arithmetic3A_118 : vector<16xi32>
    %and3A_120 = arith.constant 1 : i32
    %and3A_121 = vector.broadcast %and3A_120 : i32 to vector<16xi32>
    %and3A_122 = arith.andi %shift_right_arithmetic3A_119, %and3A_121 : vector<16xi32>
    %convert_element_type3A_123 = arith.sitofp %and3A_122 : vector<16xi32> to vector<16xf32>
    %swap3A_124 = arith.constant 64 : index
    %swap3A_125 = tpu.vector_load %arg13[%swap3A_124] {strides = array<i32>} : memref<256xf32, #tpu.memory_space<vmem>>, vector<16xf32>,
    tpu.vector_store %arg13[%swap3A_124], %convert_element_type3A_123 {strides = array<i32>} : memref<256xf32, #tpu.memory_space<vmem>>, vector<16xf32>,
    %get3A_126 = arith.constant 2 : i64
    %get3A_127 = arith.index_cast %get3A_126 : i64 to index
    %get3A_128 = arith.constant 16 : index
    %get3A_129 = tpu.vector_load %arg10[%get3A_127, %get3A_128] {strides = array<i32>} : memref<8x32xi32, #tpu.memory_space<vmem>>, vector<16xi32>,
    %and3A_130 = arith.constant -1073741825 : i32
    %and3A_131 = vector.broadcast %and3A_130 : i32 to vector<16xi32>
    %and3A_132 = arith.andi %get3A_129, %and3A_131 : vector<16xi32>
    %swap3A_133 = arith.constant 2 : i64
    %swap3A_134 = arith.index_cast %swap3A_133 : i64 to index
    %swap3A_135 = arith.constant 16 : index
    %swap3A_136 = tpu.vector_load %arg12[%swap3A_134, %swap3A_135] {strides = array<i32>} : memref<8x32xi32, #tpu.memory_space<vmem>>, vector<16xi32>,
    tpu.vector_store %arg12[%swap3A_134, %swap3A_135], %and3A_132 {strides = array<i32>} : memref<8x32xi32, #tpu.memory_space<vmem>>, vector<16xi32>,
    %shift_right_arithmetic3A_137 = arith.constant 30 : i32
    %shift_right_arithmetic3A_138 = vector.broadcast %shift_right_arithmetic3A_137 : i32 to vector<16xi32>
    %shift_right_arithmetic3A_139 = arith.shrsi %get3A_129, %shift_right_arithmetic3A_138 : vector<16xi32>
    %and3A_140 = arith.constant 1 : i32
    %and3A_141 = vector.broadcast %and3A_140 : i32 to vector<16xi32>
    %and3A_142 = arith.andi %shift_right_arithmetic3A_139, %and3A_141 : vector<16xi32>
    %convert_element_type3A_143 = arith.sitofp %and3A_142 : vector<16xi32> to vector<16xf32>
    %swap3A_144 = arith.constant 80 : index
    %swap3A_145 = tpu.vector_load %arg13[%swap3A_144] {strides = array<i32>} : memref<256xf32, #tpu.memory_space<vmem>>, vector<16xf32>,
    tpu.vector_store %arg13[%swap3A_144], %convert_element_type3A_143 {strides = array<i32>} : memref<256xf32, #tpu.memory_space<vmem>>, vector<16xf32>,
    %get3A_146 = arith.constant 3 : i64
    %get3A_147 = arith.index_cast %get3A_146 : i64 to index
    %get3A_148 = arith.constant 0 : index
    %get3A_149 = tpu.vector_load %arg10[%get3A_147, %get3A_148] {strides = array<i32>} : memref<8x32xi32, #tpu.memory_space<vmem>>, vector<16xi32>,
    %and3A_150 = arith.constant -1073741825 : i32
    %and3A_151 = vector.broadcast %and3A_150 : i32 to vector<16xi32>
    %and3A_152 = arith.andi %get3A_149, %and3A_151 : vector<16xi32>
    %swap3A_153 = arith.constant 3 : i64
    %swap3A_154 = arith.index_cast %swap3A_153 : i64 to index
    %swap3A_155 = arith.constant 0 : index
    %swap3A_156 = tpu.vector_load %arg12[%swap3A_154, %swap3A_155] {strides = array<i32>} : memref<8x32xi32, #tpu.memory_space<vmem>>, vector<16xi32>,
    tpu.vector_store %arg12[%swap3A_154, %swap3A_155], %and3A_152 {strides = array<i32>} : memref<8x32xi32, #tpu.memory_space<vmem>>, vector<16xi32>,
    %shift_right_arithmetic3A_157 = arith.constant 30 : i32
    %shift_right_arithmetic3A_158 = vector.broadcast %shift_right_arithmetic3A_157 : i32 to vector<16xi32>
    %shift_right_arithmetic3A_159 = arith.shrsi %get3A_149, %shift_right_arithmetic3A_158 : vector<16xi32>
    %and3A_160 = arith.constant 1 : i32
    %and3A_161 = vector.broadcast %and3A_160 : i32 to vector<16xi32>
    %and3A_162 = arith.andi %shift_right_arithmetic3A_159, %and3A_161 : vector<16xi32>
    %convert_element_type3A_163 = arith.sitofp %and3A_162 : vector<16xi32> to vector<16xf32>
    %swap3A_164 = arith.constant 96 : index
    %swap3A_165 = tpu.vector_load %arg13[%swap3A_164] {strides = array<i32>} : memref<256xf32, #tpu.memory_space<vmem>>, vector<16xf32>,
    tpu.vector_store %arg13[%swap3A_164], %convert_element_type3A_163 {strides = array<i32>} : memref<256xf32, #tpu.memory_space<vmem>>, vector<16xf32>,
    %get3A_166 = arith.constant 3 : i64
    %get3A_167 = arith.index_cast %get3A_166 : i64 to index
    %get3A_168 = arith.constant 16 : index
    %get3A_169 = tpu.vector_load %arg10[%get3A_167, %get3A_168] {strides = array<i32>} : memref<8x32xi32, #tpu.memory_space<vmem>>, vector<16xi32>,
    %and3A_170 = arith.constant -1073741825 : i32
    %and3A_171 = vector.broadcast %and3A_170 : i32 to vector<16xi32>
    %and3A_172 = arith.andi %get3A_169, %and3A_171 : vector<16xi32>
    %swap3A_173 = arith.constant 3 : i64
    %swap3A_174 = arith.index_cast %swap3A_173 : i64 to index
    %swap3A_175 = arith.constant 16 : index
    %swap3A_176 = tpu.vector_load %arg12[%swap3A_174, %swap3A_175] {strides = array<i32>} : memref<8x32xi32, #tpu.memory_space<vmem>>, vector<16xi32>,
    tpu.vector_store %arg12[%swap3A_174, %swap3A_175], %and3A_172 {strides = array<i32>} : memref<8x32xi32, #tpu.memory_space<vmem>>, vector<16xi32>,
    %shift_right_arithmetic3A_177 = arith.constant 30 : i32
    %shift_right_arithmetic3A_178 = vector.broadcast %shift_right_arithmetic3A_177 : i32 to vector<16xi32>
    %shift_right_arithmetic3A_179 = arith.shrsi %get3A_169, %shift_right_arithmetic3A_178 : vector<16xi32>
    %and3A_180 = arith.constant 1 : i32
    %and3A_181 = vector.broadcast %and3A_180 : i32 to vector<16xi32>
    %and3A_182 = arith.andi %shift_right_arithmetic3A_179, %and3A_181 : vector<16xi32>
    %convert_element_type3A_183 = arith.sitofp %and3A_182 : vector<16xi32> to vector<16xf32>
    %swap3A_184 = arith.constant 112 : index
    %swap3A_185 = tpu.vector_load %arg13[%swap3A_184] {strides = array<i32>} : memref<256xf32, #tpu.memory_space<vmem>>, vector<16xf32>,
    tpu.vector_store %arg13[%swap3A_184], %convert_element_type3A_183 {strides = array<i32>} : memref<256xf32, #tpu.memory_space<vmem>>, vector<16xf32>,
    %get3A_186 = arith.constant 4 : i64
    %get3A_187 = arith.index_cast %get3A_186 : i64 to index
    %get3A_188 = arith.constant 0 : index
    %get3A_189 = tpu.vector_load %arg10[%get3A_187, %get3A_188] {strides = array<i32>} : memref<8x32xi32, #tpu.memory_space<vmem>>, vector<16xi32>,
    %and3A_190 = arith.constant -1073741825 : i32
    %and3A_191 = vector.broadcast %and3A_190 : i32 to vector<16xi32>
    %and3A_192 = arith.andi %get3A_189, %and3A_191 : vector<16xi32>
    %swap3A_193 = arith.constant 4 : i64
    %swap3A_194 = arith.index_cast %swap3A_193 : i64 to index
    %swap3A_195 = arith.constant 0 : index
    %swap3A_196 = tpu.vector_load %arg12[%swap3A_194, %swap3A_195] {strides = array<i32>} : memref<8x32xi32, #tpu.memory_space<vmem>>, vector<16xi32>,
    tpu.vector_store %arg12[%swap3A_194, %swap3A_195], %and3A_192 {strides = array<i32>} : memref<8x32xi32, #tpu.memory_space<vmem>>, vector<16xi32>,
    %shift_right_arithmetic3A_197 = arith.constant 30 : i32
    %shift_right_arithmetic3A_198 = vector.broadcast %shift_right_arithmetic3A_197 : i32 to vector<16xi32>
    %shift_right_arithmetic3A_199 = arith.shrsi %get3A_189, %shift_right_arithmetic3A_198 : vector<16xi32>
    %and3A_200 = arith.constant 1 : i32
    %and3A_201 = vector.broadcast %and3A_200 : i32 to vector<16xi32>
    %and3A_202 = arith.andi %shift_right_arithmetic3A_199, %and3A_201 : vector<16xi32>
    %convert_element_type3A_203 = arith.sitofp %and3A_202 : vector<16xi32> to vector<16xf32>
    %swap3A_204 = arith.constant 128 : index
    %swap3A_205 = tpu.vector_load %arg13[%swap3A_204] {strides = array<i32>} : memref<256xf32, #tpu.memory_space<vmem>>, vector<16xf32>,
    tpu.vector_store %arg13[%swap3A_204], %convert_element_type3A_203 {strides = array<i32>} : memref<256xf32, #tpu.memory_space<vmem>>, vector<16xf32>,
    %get3A_206 = arith.constant 4 : i64
    %get3A_207 = arith.index_cast %get3A_206 : i64 to index
    %get3A_208 = arith.constant 16 : index
    %get3A_209 = tpu.vector_load %arg10[%get3A_207, %get3A_208] {strides = array<i32>} : memref<8x32xi32, #tpu.memory_space<vmem>>, vector<16xi32>,
    %and3A_210 = arith.constant -1073741825 : i32
    %and3A_211 = vector.broadcast %and3A_210 : i32 to vector<16xi32>
    %and3A_212 = arith.andi %get3A_209, %and3A_211 : vector<16xi32>
    %swap3A_213 = arith.constant 4 : i64
    %swap3A_214 = arith.index_cast %swap3A_213 : i64 to index
    %swap3A_215 = arith.constant 16 : index
    %swap3A_216 = tpu.vector_load %arg12[%swap3A_214, %swap3A_215] {strides = array<i32>} : memref<8x32xi32, #tpu.memory_space<vmem>>, vector<16xi32>,
    tpu.vector_store %arg12[%swap3A_214, %swap3A_215], %and3A_212 {strides = array<i32>} : memref<8x32xi32, #tpu.memory_space<vmem>>, vector<16xi32>,
    %shift_right_arithmetic3A_217 = arith.constant 30 : i32
    %shift_right_arithmetic3A_218 = vector.broadcast %shift_right_arithmetic3A_217 : i32 to vector<16xi32>
    %shift_right_arithmetic3A_219 = arith.shrsi %get3A_209, %shift_right_arithmetic3A_218 : vector<16xi32>
    %and3A_220 = arith.constant 1 : i32
    %and3A_221 = vector.broadcast %and3A_220 : i32 to vector<16xi32>
    %and3A_222 = arith.andi %shift_right_arithmetic3A_219, %and3A_221 : vector<16xi32>
    %convert_element_type3A_223 = arith.sitofp %and3A_222 : vector<16xi32> to vector<16xf32>
    %swap3A_224 = arith.constant 144 : index
    %swap3A_225 = tpu.vector_load %arg13[%swap3A_224] {strides = array<i32>} : memref<256xf32, #tpu.memory_space<vmem>>, vector<16xf32>,
    tpu.vector_store %arg13[%swap3A_224], %convert_element_type3A_223 {strides = array<i32>} : memref<256xf32, #tpu.memory_space<vmem>>, vector<16xf32>,
    %get3A_226 = arith.constant 5 : i64
    %get3A_227 = arith.index_cast %get3A_226 : i64 to index
    %get3A_228 = arith.constant 0 : index
    %get3A_229 = tpu.vector_load %arg10[%get3A_227, %get3A_228] {strides = array<i32>} : memref<8x32xi32, #tpu.memory_space<vmem>>, vector<16xi32>,
    %and3A_230 = arith.constant -1073741825 : i32
    %and3A_231 = vector.broadcast %and3A_230 : i32 to vector<16xi32>
    %and3A_232 = arith.andi %get3A_229, %and3A_231 : vector<16xi32>
    %swap3A_233 = arith.constant 5 : i64
    %swap3A_234 = arith.index_cast %swap3A_233 : i64 to index
    %swap3A_235 = arith.constant 0 : index
    %swap3A_236 = tpu.vector_load %arg12[%swap3A_234, %swap3A_235] {strides = array<i32>} : memref<8x32xi32, #tpu.memory_space<vmem>>, vector<16xi32>,
    tpu.vector_store %arg12[%swap3A_234, %swap3A_235], %and3A_232 {strides = array<i32>} : memref<8x32xi32, #tpu.memory_space<vmem>>, vector<16xi32>,
    %shift_right_arithmetic3A_237 = arith.constant 30 : i32
    %shift_right_arithmetic3A_238 = vector.broadcast %shift_right_arithmetic3A_237 : i32 to vector<16xi32>
    %shift_right_arithmetic3A_239 = arith.shrsi %get3A_229, %shift_right_arithmetic3A_238 : vector<16xi32>
    %and3A_240 = arith.constant 1 : i32
    %and3A_241 = vector.broadcast %and3A_240 : i32 to vector<16xi32>
    %and3A_242 = arith.andi %shift_right_arithmetic3A_239, %and3A_241 : vector<16xi32>
    %convert_element_type3A_243 = arith.sitofp %and3A_242 : vector<16xi32> to vector<16xf32>
    %swap3A_244 = arith.constant 160 : index
    %swap3A_245 = tpu.vector_load %arg13[%swap3A_244] {strides = array<i32>} : memref<256xf32, #tpu.memory_space<vmem>>, vector<16xf32>,
    tpu.vector_store %arg13[%swap3A_244], %convert_element_type3A_243 {strides = array<i32>} : memref<256xf32, #tpu.memory_space<vmem>>, vector<16xf32>,
    %get3A_246 = arith.constant 5 : i64
    %get3A_247 = arith.index_cast %get3A_246 : i64 to index
    %get3A_248 = arith.constant 16 : index
    %get3A_249 = tpu.vector_load %arg10[%get3A_247, %get3A_248] {strides = array<i32>} : memref<8x32xi32, #tpu.memory_space<vmem>>, vector<16xi32>,
    %and3A_250 = arith.constant -1073741825 : i32
    %and3A_251 = vector.broadcast %and3A_250 : i32 to vector<16xi32>
    %and3A_252 = arith.andi %get3A_249, %and3A_251 : vector<16xi32>
    %swap3A_253 = arith.constant 5 : i64
    %swap3A_254 = arith.index_cast %swap3A_253 : i64 to index
    %swap3A_255 = arith.constant 16 : index
    %swap3A_256 = tpu.vector_load %arg12[%swap3A_254, %swap3A_255] {strides = array<i32>} : memref<8x32xi32, #tpu.memory_space<vmem>>, vector<16xi32>,
    tpu.vector_store %arg12[%swap3A_254, %swap3A_255], %and3A_252 {strides = array<i32>} : memref<8x32xi32, #tpu.memory_space<vmem>>, vector<16xi32>,
    %shift_right_arithmetic3A_257 = arith.constant 30 : i32
    %shift_right_arithmetic3A_258 = vector.broadcast %shift_right_arithmetic3A_257 : i32 to vector<16xi32>
    %shift_right_arithmetic3A_259 = arith.shrsi %get3A_249, %shift_right_arithmetic3A_258 : vector<16xi32>
    %and3A_260 = arith.constant 1 : i32
    %and3A_261 = vector.broadcast %and3A_260 : i32 to vector<16xi32>
    %and3A_262 = arith.andi %shift_right_arithmetic3A_259, %and3A_261 : vector<16xi32>
    %convert_element_type3A_263 = arith.sitofp %and3A_262 : vector<16xi32> to vector<16xf32>
    %swap3A_264 = arith.constant 176 : index
    %swap3A_265 = tpu.vector_load %arg13[%swap3A_264] {strides = array<i32>} : memref<256xf32, #tpu.memory_space<vmem>>, vector<16xf32>,
    tpu.vector_store %arg13[%swap3A_264], %convert_element_type3A_263 {strides = array<i32>} : memref<256xf32, #tpu.memory_space<vmem>>, vector<16xf32>,
    %get3A_266 = arith.constant 6 : i64
    %get3A_267 = arith.index_cast %get3A_266 : i64 to index
    %get3A_268 = arith.constant 0 : index
    %get3A_269 = tpu.vector_load %arg10[%get3A_267, %get3A_268] {strides = array<i32>} : memref<8x32xi32, #tpu.memory_space<vmem>>, vector<16xi32>,
    %and3A_270 = arith.constant -1073741825 : i32
    %and3A_271 = vector.broadcast %and3A_270 : i32 to vector<16xi32>
    %and3A_272 = arith.andi %get3A_269, %and3A_271 : vector<16xi32>
    %swap3A_273 = arith.constant 6 : i64
    %swap3A_274 = arith.index_cast %swap3A_273 : i64 to index
    %swap3A_275 = arith.constant 0 : index
    %swap3A_276 = tpu.vector_load %arg12[%swap3A_274, %swap3A_275] {strides = array<i32>} : memref<8x32xi32, #tpu.memory_space<vmem>>, vector<16xi32>,
    tpu.vector_store %arg12[%swap3A_274, %swap3A_275], %and3A_272 {strides = array<i32>} : memref<8x32xi32, #tpu.memory_space<vmem>>, vector<16xi32>,
    %shift_right_arithmetic3A_277 = arith.constant 30 : i32
    %shift_right_arithmetic3A_278 = vector.broadcast %shift_right_arithmetic3A_277 : i32 to vector<16xi32>
    %shift_right_arithmetic3A_279 = arith.shrsi %get3A_269, %shift_right_arithmetic3A_278 : vector<16xi32>
    %and3A_280 = arith.constant 1 : i32
    %and3A_281 = vector.broadcast %and3A_280 : i32 to vector<16xi32>
    %and3A_282 = arith.andi %shift_right_arithmetic3A_279, %and3A_281 : vector<16xi32>
    %convert_element_type3A_283 = arith.sitofp %and3A_282 : vector<16xi32> to vector<16xf32>
    %swap3A_284 = arith.constant 192 : index
    %swap3A_285 = tpu.vector_load %arg13[%swap3A_284] {strides = array<i32>} : memref<256xf32, #tpu.memory_space<vmem>>, vector<16xf32>,
    tpu.vector_store %arg13[%swap3A_284], %convert_element_type3A_283 {strides = array<i32>} : memref<256xf32, #tpu.memory_space<vmem>>, vector<16xf32>,
    %get3A_286 = arith.constant 6 : i64
    %get3A_287 = arith.index_cast %get3A_286 : i64 to index
    %get3A_288 = arith.constant 16 : index
    %get3A_289 = tpu.vector_load %arg10[%get3A_287, %get3A_288] {strides = array<i32>} : memref<8x32xi32, #tpu.memory_space<vmem>>, vector<16xi32>,
    %and3A_290 = arith.constant -1073741825 : i32
    %and3A_291 = vector.broadcast %and3A_290 : i32 to vector<16xi32>
    %and3A_292 = arith.andi %get3A_289, %and3A_291 : vector<16xi32>
    %swap3A_293 = arith.constant 6 : i64
    %swap3A_294 = arith.index_cast %swap3A_293 : i64 to index
    %swap3A_295 = arith.constant 16 : index
    %swap3A_296 = tpu.vector_load %arg12[%swap3A_294, %swap3A_295] {strides = array<i32>} : memref<8x32xi32, #tpu.memory_space<vmem>>, vector<16xi32>,
    tpu.vector_store %arg12[%swap3A_294, %swap3A_295], %and3A_292 {strides = array<i32>} : memref<8x32xi32, #tpu.memory_space<vmem>>, vector<16xi32>,
    %shift_right_arithmetic3A_297 = arith.constant 30 : i32
    %shift_right_arithmetic3A_298 = vector.broadcast %shift_right_arithmetic3A_297 : i32 to vector<16xi32>
    %shift_right_arithmetic3A_299 = arith.shrsi %get3A_289, %shift_right_arithmetic3A_298 : vector<16xi32>
    %and3A_300 = arith.constant 1 : i32
    %and3A_301 = vector.broadcast %and3A_300 : i32 to vector<16xi32>
    %and3A_302 = arith.andi %shift_right_arithmetic3A_299, %and3A_301 : vector<16xi32>
    %convert_element_type3A_303 = arith.sitofp %and3A_302 : vector<16xi32> to vector<16xf32>
    %swap3A_304 = arith.constant 208 : index
    %swap3A_305 = tpu.vector_load %arg13[%swap3A_304] {strides = array<i32>} : memref<256xf32, #tpu.memory_space<vmem>>, vector<16xf32>,
    tpu.vector_store %arg13[%swap3A_304], %convert_element_type3A_303 {strides = array<i32>} : memref<256xf32, #tpu.memory_space<vmem>>, vector<16xf32>,
    %get3A_306 = arith.constant 7 : i64
    %get3A_307 = arith.index_cast %get3A_306 : i64 to index
    %get3A_308 = arith.constant 0 : index
    %get3A_309 = tpu.vector_load %arg10[%get3A_307, %get3A_308] {strides = array<i32>} : memref<8x32xi32, #tpu.memory_space<vmem>>, vector<16xi32>,
    %and3A_310 = arith.constant -1073741825 : i32
    %and3A_311 = vector.broadcast %and3A_310 : i32 to vector<16xi32>
    %and3A_312 = arith.andi %get3A_309, %and3A_311 : vector<16xi32>
    %swap3A_313 = arith.constant 7 : i64
    %swap3A_314 = arith.index_cast %swap3A_313 : i64 to index
    %swap3A_315 = arith.constant 0 : index
    %swap3A_316 = tpu.vector_load %arg12[%swap3A_314, %swap3A_315] {strides = array<i32>} : memref<8x32xi32, #tpu.memory_space<vmem>>, vector<16xi32>,
    tpu.vector_store %arg12[%swap3A_314, %swap3A_315], %and3A_312 {strides = array<i32>} : memref<8x32xi32, #tpu.memory_space<vmem>>, vector<16xi32>,
    %shift_right_arithmetic3A_317 = arith.constant 30 : i32
    %shift_right_arithmetic3A_318 = vector.broadcast %shift_right_arithmetic3A_317 : i32 to vector<16xi32>
    %shift_right_arithmetic3A_319 = arith.shrsi %get3A_309, %shift_right_arithmetic3A_318 : vector<16xi32>
    %and3A_320 = arith.constant 1 : i32
    %and3A_321 = vector.broadcast %and3A_320 : i32 to vector<16xi32>
    %and3A_322 = arith.andi %shift_right_arithmetic3A_319, %and3A_321 : vector<16xi32>
    %convert_element_type3A_323 = arith.sitofp %and3A_322 : vector<16xi32> to vector<16xf32>
    %swap3A_324 = arith.constant 224 : index
    %swap3A_325 = tpu.vector_load %arg13[%swap3A_324] {strides = array<i32>} : memref<256xf32, #tpu.memory_space<vmem>>, vector<16xf32>,
    tpu.vector_store %arg13[%swap3A_324], %convert_element_type3A_323 {strides = array<i32>} : memref<256xf32, #tpu.memory_space<vmem>>, vector<16xf32>,
    %get3A_326 = arith.constant 7 : i64
    %get3A_327 = arith.index_cast %get3A_326 : i64 to index
    %get3A_328 = arith.constant 16 : index
    %get3A_329 = tpu.vector_load %arg10[%get3A_327, %get3A_328] {strides = array<i32>} : memref<8x32xi32, #tpu.memory_space<vmem>>, vector<16xi32>,
    %and3A_330 = arith.constant -1073741825 : i32
    %and3A_331 = vector.broadcast %and3A_330 : i32 to vector<16xi32>
    %and3A_332 = arith.andi %get3A_329, %and3A_331 : vector<16xi32>
    %swap3A_333 = arith.constant 7 : i64
    %swap3A_334 = arith.index_cast %swap3A_333 : i64 to index
    %swap3A_335 = arith.constant 16 : index
    %swap3A_336 = tpu.vector_load %arg12[%swap3A_334, %swap3A_335] {strides = array<i32>} : memref<8x32xi32, #tpu.memory_space<vmem>>, vector<16xi32>,
    tpu.vector_store %arg12[%swap3A_334, %swap3A_335], %and3A_332 {strides = array<i32>} : memref<8x32xi32, #tpu.memory_space<vmem>>, vector<16xi32>,
    %shift_right_arithmetic3A_337 = arith.constant 30 : i32
    %shift_right_arithmetic3A_338 = vector.broadcast %shift_right_arithmetic3A_337 : i32 to vector<16xi32>
    %shift_right_arithmetic3A_339 = arith.shrsi %get3A_329, %shift_right_arithmetic3A_338 : vector<16xi32>
    %and3A_340 = arith.constant 1 : i32
    %and3A_341 = vector.broadcast %and3A_340 : i32 to vector<16xi32>
    %and3A_342 = arith.andi %shift_right_arithmetic3A_339, %and3A_341 : vector<16xi32>
    %convert_element_type3A_343 = arith.sitofp %and3A_342 : vector<16xi32> to vector<16xf32>
    %swap3A_344 = arith.constant 240 : index
    %swap3A_345 = tpu.vector_load %arg13[%swap3A_344] {strides = array<i32>} : memref<256xf32, #tpu.memory_space<vmem>>, vector<16xf32>,
    tpu.vector_store %arg13[%swap3A_344], %convert_element_type3A_343 {strides = array<i32>} : memref<256xf32, #tpu.memory_space<vmem>>, vector<16xf32>,
    %dma_start3A_346 = arith.constant 0 : i32
    %dma_start3A_347 = arith.constant 0 : i32
    %dma_start3A_348 = arith.constant 0 : i32
    %dma_start3A_349 = tpu.memref_slice %arg14[%dma_start3A_347, %dma_start3A_348] : memref<256x128xf32, #tpu.memory_space<vmem>> -> memref<32x128xf32, #tpu.memory_space<vmem>>
    %dma_start3A_350 = arith.constant 0 : i32
    %dma_start3A_351 = tpu.memref_slice %arg12[%dma_start3A_346, %dma_start3A_350] : memref<8x32xi32, #tpu.memory_space<vmem>> -> memref<1x32xi32, #tpu.memory_space<vmem>>
    %dma_start3A_352 = tpu.memref_squeeze %dma_start3A_351 : memref<1x32xi32, #tpu.memory_space<vmem>> -> memref<32xi32, #tpu.memory_space<vmem>>
    %dma_start3A_353 = arith.constant 0 : i32
    %dma_start3A_354 = arith.constant 0 : i32
    %dma_start3A_355 = tpu.memref_slice %arg4[%dma_start3A_353, %dma_start3A_354] : memref<100000x128xf32, #tpu.memory_space<hbm>> -> memref<100000x128xf32, #tpu.memory_space<hbm>>
    tpu.enqueue_indirect_dma source(%dma_start3A_355 : memref<100000x128xf32, #tpu.memory_space<hbm>>) target(%dma_start3A_349 : memref<32x128xf32, #tpu.memory_space<vmem>>) offsets(%dma_start3A_352 : memref<32xi32, #tpu.memory_space<vmem>>) semaphore(%arg20 : memref<!tpu.dma_semaphore, #tpu.memory_space<semaphore_mem>>)
    %dma_start3A_356 = arith.constant 0 : i32
    %dma_start3A_357 = arith.constant 0 : i32
    %dma_start3A_358 = arith.constant 0 : i32
    %dma_start3A_359 = tpu.memref_slice %arg15[%dma_start3A_357, %dma_start3A_358] : memref<256x128xf32, #tpu.memory_space<vmem>> -> memref<32x128xf32, #tpu.memory_space<vmem>>
    %dma_start3A_360 = arith.constant 0 : i32
    %dma_start3A_361 = tpu.memref_slice %arg11[%dma_start3A_356, %dma_start3A_360] : memref<8x32xi32, #tpu.memory_space<vmem>> -> memref<1x32xi32, #tpu.memory_space<vmem>>
    %dma_start3A_362 = tpu.memref_squeeze %dma_start3A_361 : memref<1x32xi32, #tpu.memory_space<vmem>> -> memref<32xi32, #tpu.memory_space<vmem>>
    %dma_start3A_363 = arith.constant 0 : i32
    %dma_start3A_364 = arith.constant 0 : i32
    %dma_start3A_365 = tpu.memref_slice %arg5[%dma_start3A_363, %dma_start3A_364] : memref<2048x128xf32, #tpu.memory_space<hbm>> -> memref<2048x128xf32, #tpu.memory_space<hbm>>
    tpu.enqueue_indirect_dma source(%dma_start3A_365 : memref<2048x128xf32, #tpu.memory_space<hbm>>) target(%dma_start3A_359 : memref<32x128xf32, #tpu.memory_space<vmem>>) offsets(%dma_start3A_362 : memref<32xi32, #tpu.memory_space<vmem>>) semaphore(%arg20 : memref<!tpu.dma_semaphore, #tpu.memory_space<semaphore_mem>>)
    %dma_start3A_366 = arith.constant 1 : i32
    %dma_start3A_367 = arith.constant 32 : i32
    %dma_start3A_368 = arith.constant 0 : i32
    %dma_start3A_369 = tpu.memref_slice %arg14[%dma_start3A_367, %dma_start3A_368] : memref<256x128xf32, #tpu.memory_space<vmem>> -> memref<32x128xf32, #tpu.memory_space<vmem>>
    %dma_start3A_370 = arith.constant 0 : i32
    %dma_start3A_371 = tpu.memref_slice %arg12[%dma_start3A_366, %dma_start3A_370] : memref<8x32xi32, #tpu.memory_space<vmem>> -> memref<1x32xi32, #tpu.memory_space<vmem>>
    %dma_start3A_372 = tpu.memref_squeeze %dma_start3A_371 : memref<1x32xi32, #tpu.memory_space<vmem>> -> memref<32xi32, #tpu.memory_space<vmem>>
    %dma_start3A_373 = arith.constant 0 : i32
    %dma_start3A_374 = arith.constant 0 : i32
    %dma_start3A_375 = tpu.memref_slice %arg4[%dma_start3A_373, %dma_start3A_374] : memref<100000x128xf32, #tpu.memory_space<hbm>> -> memref<100000x128xf32, #tpu.memory_space<hbm>>
    tpu.enqueue_indirect_dma source(%dma_start3A_375 : memref<100000x128xf32, #tpu.memory_space<hbm>>) target(%dma_start3A_369 : memref<32x128xf32, #tpu.memory_space<vmem>>) offsets(%dma_start3A_372 : memref<32xi32, #tpu.memory_space<vmem>>) semaphore(%arg20 : memref<!tpu.dma_semaphore, #tpu.memory_space<semaphore_mem>>)
    %dma_start3A_376 = arith.constant 1 : i32
    %dma_start3A_377 = arith.constant 32 : i32
    %dma_start3A_378 = arith.constant 0 : i32
    %dma_start3A_379 = tpu.memref_slice %arg15[%dma_start3A_377, %dma_start3A_378] : memref<256x128xf32, #tpu.memory_space<vmem>> -> memref<32x128xf32, #tpu.memory_space<vmem>>
    %dma_start3A_380 = arith.constant 0 : i32
    %dma_start3A_381 = tpu.memref_slice %arg11[%dma_start3A_376, %dma_start3A_380] : memref<8x32xi32, #tpu.memory_space<vmem>> -> memref<1x32xi32, #tpu.memory_space<vmem>>
    %dma_start3A_382 = tpu.memref_squeeze %dma_start3A_381 : memref<1x32xi32, #tpu.memory_space<vmem>> -> memref<32xi32, #tpu.memory_space<vmem>>
    %dma_start3A_383 = arith.constant 0 : i32
    %dma_start3A_384 = arith.constant 0 : i32
    %dma_start3A_385 = tpu.memref_slice %arg5[%dma_start3A_383, %dma_start3A_384] : memref<2048x128xf32, #tpu.memory_space<hbm>> -> memref<2048x128xf32, #tpu.memory_space<hbm>>
    tpu.enqueue_indirect_dma source(%dma_start3A_385 : memref<2048x128xf32, #tpu.memory_space<hbm>>) target(%dma_start3A_379 : memref<32x128xf32, #tpu.memory_space<vmem>>) offsets(%dma_start3A_382 : memref<32xi32, #tpu.memory_space<vmem>>) semaphore(%arg20 : memref<!tpu.dma_semaphore, #tpu.memory_space<semaphore_mem>>)
    %dma_start3A_386 = arith.constant 2 : i32
    %dma_start3A_387 = arith.constant 64 : i32
    %dma_start3A_388 = arith.constant 0 : i32
    %dma_start3A_389 = tpu.memref_slice %arg14[%dma_start3A_387, %dma_start3A_388] : memref<256x128xf32, #tpu.memory_space<vmem>> -> memref<32x128xf32, #tpu.memory_space<vmem>>
    %dma_start3A_390 = arith.constant 0 : i32
    %dma_start3A_391 = tpu.memref_slice %arg12[%dma_start3A_386, %dma_start3A_390] : memref<8x32xi32, #tpu.memory_space<vmem>> -> memref<1x32xi32, #tpu.memory_space<vmem>>
    %dma_start3A_392 = tpu.memref_squeeze %dma_start3A_391 : memref<1x32xi32, #tpu.memory_space<vmem>> -> memref<32xi32, #tpu.memory_space<vmem>>
    %dma_start3A_393 = arith.constant 0 : i32
    %dma_start3A_394 = arith.constant 0 : i32
    %dma_start3A_395 = tpu.memref_slice %arg4[%dma_start3A_393, %dma_start3A_394] : memref<100000x128xf32, #tpu.memory_space<hbm>> -> memref<100000x128xf32, #tpu.memory_space<hbm>>
    tpu.enqueue_indirect_dma source(%dma_start3A_395 : memref<100000x128xf32, #tpu.memory_space<hbm>>) target(%dma_start3A_389 : memref<32x128xf32, #tpu.memory_space<vmem>>) offsets(%dma_start3A_392 : memref<32xi32, #tpu.memory_space<vmem>>) semaphore(%arg20 : memref<!tpu.dma_semaphore, #tpu.memory_space<semaphore_mem>>)
    %dma_start3A_396 = arith.constant 2 : i32
    %dma_start3A_397 = arith.constant 64 : i32
    %dma_start3A_398 = arith.constant 0 : i32
    %dma_start3A_399 = tpu.memref_slice %arg15[%dma_start3A_397, %dma_start3A_398] : memref<256x128xf32, #tpu.memory_space<vmem>> -> memref<32x128xf32, #tpu.memory_space<vmem>>
    %dma_start3A_400 = arith.constant 0 : i32
    %dma_start3A_401 = tpu.memref_slice %arg11[%dma_start3A_396, %dma_start3A_400] : memref<8x32xi32, #tpu.memory_space<vmem>> -> memref<1x32xi32, #tpu.memory_space<vmem>>
    %dma_start3A_402 = tpu.memref_squeeze %dma_start3A_401 : memref<1x32xi32, #tpu.memory_space<vmem>> -> memref<32xi32, #tpu.memory_space<vmem>>
    %dma_start3A_403 = arith.constant 0 : i32
    %dma_start3A_404 = arith.constant 0 : i32
    %dma_start3A_405 = tpu.memref_slice %arg5[%dma_start3A_403, %dma_start3A_404] : memref<2048x128xf32, #tpu.memory_space<hbm>> -> memref<2048x128xf32, #tpu.memory_space<hbm>>
    tpu.enqueue_indirect_dma source(%dma_start3A_405 : memref<2048x128xf32, #tpu.memory_space<hbm>>) target(%dma_start3A_399 : memref<32x128xf32, #tpu.memory_space<vmem>>) offsets(%dma_start3A_402 : memref<32xi32, #tpu.memory_space<vmem>>) semaphore(%arg20 : memref<!tpu.dma_semaphore, #tpu.memory_space<semaphore_mem>>)
    %dma_start3A_406 = arith.constant 3 : i32
    %dma_start3A_407 = arith.constant 96 : i32
    %dma_start3A_408 = arith.constant 0 : i32
    %dma_start3A_409 = tpu.memref_slice %arg14[%dma_start3A_407, %dma_start3A_408] : memref<256x128xf32, #tpu.memory_space<vmem>> -> memref<32x128xf32, #tpu.memory_space<vmem>>
    %dma_start3A_410 = arith.constant 0 : i32
    %dma_start3A_411 = tpu.memref_slice %arg12[%dma_start3A_406, %dma_start3A_410] : memref<8x32xi32, #tpu.memory_space<vmem>> -> memref<1x32xi32, #tpu.memory_space<vmem>>
    %dma_start3A_412 = tpu.memref_squeeze %dma_start3A_411 : memref<1x32xi32, #tpu.memory_space<vmem>> -> memref<32xi32, #tpu.memory_space<vmem>>
    %dma_start3A_413 = arith.constant 0 : i32
    %dma_start3A_414 = arith.constant 0 : i32
    %dma_start3A_415 = tpu.memref_slice %arg4[%dma_start3A_413, %dma_start3A_414] : memref<100000x128xf32, #tpu.memory_space<hbm>> -> memref<100000x128xf32, #tpu.memory_space<hbm>>
    tpu.enqueue_indirect_dma source(%dma_start3A_415 : memref<100000x128xf32, #tpu.memory_space<hbm>>) target(%dma_start3A_409 : memref<32x128xf32, #tpu.memory_space<vmem>>) offsets(%dma_start3A_412 : memref<32xi32, #tpu.memory_space<vmem>>) semaphore(%arg20 : memref<!tpu.dma_semaphore, #tpu.memory_space<semaphore_mem>>)
    %dma_start3A_416 = arith.constant 3 : i32
    %dma_start3A_417 = arith.constant 96 : i32
    %dma_start3A_418 = arith.constant 0 : i32
    %dma_start3A_419 = tpu.memref_slice %arg15[%dma_start3A_417, %dma_start3A_418] : memref<256x128xf32, #tpu.memory_space<vmem>> -> memref<32x128xf32, #tpu.memory_space<vmem>>
    %dma_start3A_420 = arith.constant 0 : i32
    %dma_start3A_421 = tpu.memref_slice %arg11[%dma_start3A_416, %dma_start3A_420] : memref<8x32xi32, #tpu.memory_space<vmem>> -> memref<1x32xi32, #tpu.memory_space<vmem>>
    %dma_start3A_422 = tpu.memref_squeeze %dma_start3A_421 : memref<1x32xi32, #tpu.memory_space<vmem>> -> memref<32xi32, #tpu.memory_space<vmem>>
    %dma_start3A_423 = arith.constant 0 : i32
    %dma_start3A_424 = arith.constant 0 : i32
    %dma_start3A_425 = tpu.memref_slice %arg5[%dma_start3A_423, %dma_start3A_424] : memref<2048x128xf32, #tpu.memory_space<hbm>> -> memref<2048x128xf32, #tpu.memory_space<hbm>>
    tpu.enqueue_indirect_dma source(%dma_start3A_425 : memref<2048x128xf32, #tpu.memory_space<hbm>>) target(%dma_start3A_419 : memref<32x128xf32, #tpu.memory_space<vmem>>) offsets(%dma_start3A_422 : memref<32xi32, #tpu.memory_space<vmem>>) semaphore(%arg20 : memref<!tpu.dma_semaphore, #tpu.memory_space<semaphore_mem>>)
    %dma_start3A_426 = arith.constant 4 : i32
    %dma_start3A_427 = arith.constant 128 : i32
    %dma_start3A_428 = arith.constant 0 : i32
    %dma_start3A_429 = tpu.memref_slice %arg14[%dma_start3A_427, %dma_start3A_428] : memref<256x128xf32, #tpu.memory_space<vmem>> -> memref<32x128xf32, #tpu.memory_space<vmem>>
    %dma_start3A_430 = arith.constant 0 : i32
    %dma_start3A_431 = tpu.memref_slice %arg12[%dma_start3A_426, %dma_start3A_430] : memref<8x32xi32, #tpu.memory_space<vmem>> -> memref<1x32xi32, #tpu.memory_space<vmem>>
    %dma_start3A_432 = tpu.memref_squeeze %dma_start3A_431 : memref<1x32xi32, #tpu.memory_space<vmem>> -> memref<32xi32, #tpu.memory_space<vmem>>
    %dma_start3A_433 = arith.constant 0 : i32
    %dma_start3A_434 = arith.constant 0 : i32
    %dma_start3A_435 = tpu.memref_slice %arg4[%dma_start3A_433, %dma_start3A_434] : memref<100000x128xf32, #tpu.memory_space<hbm>> -> memref<100000x128xf32, #tpu.memory_space<hbm>>
    tpu.enqueue_indirect_dma source(%dma_start3A_435 : memref<100000x128xf32, #tpu.memory_space<hbm>>) target(%dma_start3A_429 : memref<32x128xf32, #tpu.memory_space<vmem>>) offsets(%dma_start3A_432 : memref<32xi32, #tpu.memory_space<vmem>>) semaphore(%arg20 : memref<!tpu.dma_semaphore, #tpu.memory_space<semaphore_mem>>)
    %dma_start3A_436 = arith.constant 4 : i32
    %dma_start3A_437 = arith.constant 128 : i32
    %dma_start3A_438 = arith.constant 0 : i32
    %dma_start3A_439 = tpu.memref_slice %arg15[%dma_start3A_437, %dma_start3A_438] : memref<256x128xf32, #tpu.memory_space<vmem>> -> memref<32x128xf32, #tpu.memory_space<vmem>>
    %dma_start3A_440 = arith.constant 0 : i32
    %dma_start3A_441 = tpu.memref_slice %arg11[%dma_start3A_436, %dma_start3A_440] : memref<8x32xi32, #tpu.memory_space<vmem>> -> memref<1x32xi32, #tpu.memory_space<vmem>>
    %dma_start3A_442 = tpu.memref_squeeze %dma_start3A_441 : memref<1x32xi32, #tpu.memory_space<vmem>> -> memref<32xi32, #tpu.memory_space<vmem>>
    %dma_start3A_443 = arith.constant 0 : i32
    %dma_start3A_444 = arith.constant 0 : i32
    %dma_start3A_445 = tpu.memref_slice %arg5[%dma_start3A_443, %dma_start3A_444] : memref<2048x128xf32, #tpu.memory_space<hbm>> -> memref<2048x128xf32, #tpu.memory_space<hbm>>
    tpu.enqueue_indirect_dma source(%dma_start3A_445 : memref<2048x128xf32, #tpu.memory_space<hbm>>) target(%dma_start3A_439 : memref<32x128xf32, #tpu.memory_space<vmem>>) offsets(%dma_start3A_442 : memref<32xi32, #tpu.memory_space<vmem>>) semaphore(%arg20 : memref<!tpu.dma_semaphore, #tpu.memory_space<semaphore_mem>>)
    %dma_start3A_446 = arith.constant 5 : i32
    %dma_start3A_447 = arith.constant 160 : i32
    %dma_start3A_448 = arith.constant 0 : i32
    %dma_start3A_449 = tpu.memref_slice %arg14[%dma_start3A_447, %dma_start3A_448] : memref<256x128xf32, #tpu.memory_space<vmem>> -> memref<32x128xf32, #tpu.memory_space<vmem>>
    %dma_start3A_450 = arith.constant 0 : i32
    %dma_start3A_451 = tpu.memref_slice %arg12[%dma_start3A_446, %dma_start3A_450] : memref<8x32xi32, #tpu.memory_space<vmem>> -> memref<1x32xi32, #tpu.memory_space<vmem>>
    %dma_start3A_452 = tpu.memref_squeeze %dma_start3A_451 : memref<1x32xi32, #tpu.memory_space<vmem>> -> memref<32xi32, #tpu.memory_space<vmem>>
    %dma_start3A_453 = arith.constant 0 : i32
    %dma_start3A_454 = arith.constant 0 : i32
    %dma_start3A_455 = tpu.memref_slice %arg4[%dma_start3A_453, %dma_start3A_454] : memref<100000x128xf32, #tpu.memory_space<hbm>> -> memref<100000x128xf32, #tpu.memory_space<hbm>>
    tpu.enqueue_indirect_dma source(%dma_start3A_455 : memref<100000x128xf32, #tpu.memory_space<hbm>>) target(%dma_start3A_449 : memref<32x128xf32, #tpu.memory_space<vmem>>) offsets(%dma_start3A_452 : memref<32xi32, #tpu.memory_space<vmem>>) semaphore(%arg20 : memref<!tpu.dma_semaphore, #tpu.memory_space<semaphore_mem>>)
    %dma_start3A_456 = arith.constant 5 : i32
    %dma_start3A_457 = arith.constant 160 : i32
    %dma_start3A_458 = arith.constant 0 : i32
    %dma_start3A_459 = tpu.memref_slice %arg15[%dma_start3A_457, %dma_start3A_458] : memref<256x128xf32, #tpu.memory_space<vmem>> -> memref<32x128xf32, #tpu.memory_space<vmem>>
    %dma_start3A_460 = arith.constant 0 : i32
    %dma_start3A_461 = tpu.memref_slice %arg11[%dma_start3A_456, %dma_start3A_460] : memref<8x32xi32, #tpu.memory_space<vmem>> -> memref<1x32xi32, #tpu.memory_space<vmem>>
    %dma_start3A_462 = tpu.memref_squeeze %dma_start3A_461 : memref<1x32xi32, #tpu.memory_space<vmem>> -> memref<32xi32, #tpu.memory_space<vmem>>
    %dma_start3A_463 = arith.constant 0 : i32
    %dma_start3A_464 = arith.constant 0 : i32
    %dma_start3A_465 = tpu.memref_slice %arg5[%dma_start3A_463, %dma_start3A_464] : memref<2048x128xf32, #tpu.memory_space<hbm>> -> memref<2048x128xf32, #tpu.memory_space<hbm>>
    tpu.enqueue_indirect_dma source(%dma_start3A_465 : memref<2048x128xf32, #tpu.memory_space<hbm>>) target(%dma_start3A_459 : memref<32x128xf32, #tpu.memory_space<vmem>>) offsets(%dma_start3A_462 : memref<32xi32, #tpu.memory_space<vmem>>) semaphore(%arg20 : memref<!tpu.dma_semaphore, #tpu.memory_space<semaphore_mem>>)
    %dma_start3A_466 = arith.constant 6 : i32
    %dma_start3A_467 = arith.constant 192 : i32
    %dma_start3A_468 = arith.constant 0 : i32
    %dma_start3A_469 = tpu.memref_slice %arg14[%dma_start3A_467, %dma_start3A_468] : memref<256x128xf32, #tpu.memory_space<vmem>> -> memref<32x128xf32, #tpu.memory_space<vmem>>
    %dma_start3A_470 = arith.constant 0 : i32
    %dma_start3A_471 = tpu.memref_slice %arg12[%dma_start3A_466, %dma_start3A_470] : memref<8x32xi32, #tpu.memory_space<vmem>> -> memref<1x32xi32, #tpu.memory_space<vmem>>
    %dma_start3A_472 = tpu.memref_squeeze %dma_start3A_471 : memref<1x32xi32, #tpu.memory_space<vmem>> -> memref<32xi32, #tpu.memory_space<vmem>>
    %dma_start3A_473 = arith.constant 0 : i32
    %dma_start3A_474 = arith.constant 0 : i32
    %dma_start3A_475 = tpu.memref_slice %arg4[%dma_start3A_473, %dma_start3A_474] : memref<100000x128xf32, #tpu.memory_space<hbm>> -> memref<100000x128xf32, #tpu.memory_space<hbm>>
    tpu.enqueue_indirect_dma source(%dma_start3A_475 : memref<100000x128xf32, #tpu.memory_space<hbm>>) target(%dma_start3A_469 : memref<32x128xf32, #tpu.memory_space<vmem>>) offsets(%dma_start3A_472 : memref<32xi32, #tpu.memory_space<vmem>>) semaphore(%arg20 : memref<!tpu.dma_semaphore, #tpu.memory_space<semaphore_mem>>)
    %dma_start3A_476 = arith.constant 6 : i32
    %dma_start3A_477 = arith.constant 192 : i32
    %dma_start3A_478 = arith.constant 0 : i32
    %dma_start3A_479 = tpu.memref_slice %arg15[%dma_start3A_477, %dma_start3A_478] : memref<256x128xf32, #tpu.memory_space<vmem>> -> memref<32x128xf32, #tpu.memory_space<vmem>>
    %dma_start3A_480 = arith.constant 0 : i32
    %dma_start3A_481 = tpu.memref_slice %arg11[%dma_start3A_476, %dma_start3A_480] : memref<8x32xi32, #tpu.memory_space<vmem>> -> memref<1x32xi32, #tpu.memory_space<vmem>>
    %dma_start3A_482 = tpu.memref_squeeze %dma_start3A_481 : memref<1x32xi32, #tpu.memory_space<vmem>> -> memref<32xi32, #tpu.memory_space<vmem>>
    %dma_start3A_483 = arith.constant 0 : i32
    %dma_start3A_484 = arith.constant 0 : i32
    %dma_start3A_485 = tpu.memref_slice %arg5[%dma_start3A_483, %dma_start3A_484] : memref<2048x128xf32, #tpu.memory_space<hbm>> -> memref<2048x128xf32, #tpu.memory_space<hbm>>
    tpu.enqueue_indirect_dma source(%dma_start3A_485 : memref<2048x128xf32, #tpu.memory_space<hbm>>) target(%dma_start3A_479 : memref<32x128xf32, #tpu.memory_space<vmem>>) offsets(%dma_start3A_482 : memref<32xi32, #tpu.memory_space<vmem>>) semaphore(%arg20 : memref<!tpu.dma_semaphore, #tpu.memory_space<semaphore_mem>>)
    %dma_start3A_486 = arith.constant 7 : i32
    %dma_start3A_487 = arith.constant 224 : i32
    %dma_start3A_488 = arith.constant 0 : i32
    %dma_start3A_489 = tpu.memref_slice %arg14[%dma_start3A_487, %dma_start3A_488] : memref<256x128xf32, #tpu.memory_space<vmem>> -> memref<32x128xf32, #tpu.memory_space<vmem>>
    %dma_start3A_490 = arith.constant 0 : i32
    %dma_start3A_491 = tpu.memref_slice %arg12[%dma_start3A_486, %dma_start3A_490] : memref<8x32xi32, #tpu.memory_space<vmem>> -> memref<1x32xi32, #tpu.memory_space<vmem>>
    %dma_start3A_492 = tpu.memref_squeeze %dma_start3A_491 : memref<1x32xi32, #tpu.memory_space<vmem>> -> memref<32xi32, #tpu.memory_space<vmem>>
    %dma_start3A_493 = arith.constant 0 : i32
    %dma_start3A_494 = arith.constant 0 : i32
    %dma_start3A_495 = tpu.memref_slice %arg4[%dma_start3A_493, %dma_start3A_494] : memref<100000x128xf32, #tpu.memory_space<hbm>> -> memref<100000x128xf32, #tpu.memory_space<hbm>>
    tpu.enqueue_indirect_dma source(%dma_start3A_495 : memref<100000x128xf32, #tpu.memory_space<hbm>>) target(%dma_start3A_489 : memref<32x128xf32, #tpu.memory_space<vmem>>) offsets(%dma_start3A_492 : memref<32xi32, #tpu.memory_space<vmem>>) semaphore(%arg20 : memref<!tpu.dma_semaphore, #tpu.memory_space<semaphore_mem>>)
    %dma_start3A_496 = arith.constant 7 : i32
    %dma_start3A_497 = arith.constant 224 : i32
    %dma_start3A_498 = arith.constant 0 : i32
    %dma_start3A_499 = tpu.memref_slice %arg15[%dma_start3A_497, %dma_start3A_498] : memref<256x128xf32, #tpu.memory_space<vmem>> -> memref<32x128xf32, #tpu.memory_space<vmem>>
    %dma_start3A_500 = arith.constant 0 : i32
    %dma_start3A_501 = tpu.memref_slice %arg11[%dma_start3A_496, %dma_start3A_500] : memref<8x32xi32, #tpu.memory_space<vmem>> -> memref<1x32xi32, #tpu.memory_space<vmem>>
    %dma_start3A_502 = tpu.memref_squeeze %dma_start3A_501 : memref<1x32xi32, #tpu.memory_space<vmem>> -> memref<32xi32, #tpu.memory_space<vmem>>
    %dma_start3A_503 = arith.constant 0 : i32
    %dma_start3A_504 = arith.constant 0 : i32
    %dma_start3A_505 = tpu.memref_slice %arg5[%dma_start3A_503, %dma_start3A_504] : memref<2048x128xf32, #tpu.memory_space<hbm>> -> memref<2048x128xf32, #tpu.memory_space<hbm>>
    tpu.enqueue_indirect_dma source(%dma_start3A_505 : memref<2048x128xf32, #tpu.memory_space<hbm>>) target(%dma_start3A_499 : memref<32x128xf32, #tpu.memory_space<vmem>>) offsets(%dma_start3A_502 : memref<32xi32, #tpu.memory_space<vmem>>) semaphore(%arg20 : memref<!tpu.dma_semaphore, #tpu.memory_space<semaphore_mem>>)
    tpu.wait_dma2 semaphore(%arg19 : memref<!tpu.dma_semaphore, #tpu.memory_space<semaphore_mem>>) src(%arg6 : memref<2x128xf32, #tpu.memory_space<hbm>>) dst(%arg16 : memref<2x128xf32, #tpu.memory_space<vmem>>)
    tpu.wait_dma2 semaphore(%arg19 : memref<!tpu.dma_semaphore, #tpu.memory_space<semaphore_mem>>) src(%arg7 : memref<128xf32, #tpu.memory_space<hbm>>) dst(%arg17 : memref<128xf32, #tpu.memory_space<vmem>>)
    tpu.wait_dma2 semaphore(%arg19 : memref<!tpu.dma_semaphore, #tpu.memory_space<semaphore_mem>>) src(%arg8 : memref<128xf32, #tpu.memory_space<hbm>>) dst(%arg18 : memref<128xf32, #tpu.memory_space<vmem>>)
    %get3A_506 = arith.constant 0 : index
    %get3A_507 = tpu.vector_load %arg17[%get3A_506] {strides = array<i32>} : memref<128xf32, #tpu.memory_space<vmem>>, vector<16xf32>,
    %get3A_508 = arith.constant 16 : index
    %get3A_509 = tpu.vector_load %arg17[%get3A_508] {strides = array<i32>} : memref<128xf32, #tpu.memory_space<vmem>>, vector<16xf32>,
    %get3A_510 = arith.constant 32 : index
    %get3A_511 = tpu.vector_load %arg17[%get3A_510] {strides = array<i32>} : memref<128xf32, #tpu.memory_space<vmem>>, vector<16xf32>,
    %get3A_512 = arith.constant 48 : index
    %get3A_513 = tpu.vector_load %arg17[%get3A_512] {strides = array<i32>} : memref<128xf32, #tpu.memory_space<vmem>>, vector<16xf32>,
    %get3A_514 = arith.constant 64 : index
    %get3A_515 = tpu.vector_load %arg17[%get3A_514] {strides = array<i32>} : memref<128xf32, #tpu.memory_space<vmem>>, vector<16xf32>,
    %get3A_516 = arith.constant 80 : index
    %get3A_517 = tpu.vector_load %arg17[%get3A_516] {strides = array<i32>} : memref<128xf32, #tpu.memory_space<vmem>>, vector<16xf32>,
    %get3A_518 = arith.constant 96 : index
    %get3A_519 = tpu.vector_load %arg17[%get3A_518] {strides = array<i32>} : memref<128xf32, #tpu.memory_space<vmem>>, vector<16xf32>,
    %get3A_520 = arith.constant 112 : index
    %get3A_521 = tpu.vector_load %arg17[%get3A_520] {strides = array<i32>} : memref<128xf32, #tpu.memory_space<vmem>>, vector<16xf32>,
    %get3A_522 = arith.constant 0 : index
    %get3A_523 = tpu.vector_load %arg18[%get3A_522] {strides = array<i32>} : memref<128xf32, #tpu.memory_space<vmem>>, vector<16xf32>,
    %get3A_524 = arith.constant 16 : index
    %get3A_525 = tpu.vector_load %arg18[%get3A_524] {strides = array<i32>} : memref<128xf32, #tpu.memory_space<vmem>>, vector<16xf32>,
    %get3A_526 = arith.constant 32 : index
    %get3A_527 = tpu.vector_load %arg18[%get3A_526] {strides = array<i32>} : memref<128xf32, #tpu.memory_space<vmem>>, vector<16xf32>,
    %get3A_528 = arith.constant 48 : index
    %get3A_529 = tpu.vector_load %arg18[%get3A_528] {strides = array<i32>} : memref<128xf32, #tpu.memory_space<vmem>>, vector<16xf32>,
    %get3A_530 = arith.constant 64 : index
    %get3A_531 = tpu.vector_load %arg18[%get3A_530] {strides = array<i32>} : memref<128xf32, #tpu.memory_space<vmem>>, vector<16xf32>,
    %get3A_532 = arith.constant 80 : index
    %get3A_533 = tpu.vector_load %arg18[%get3A_532] {strides = array<i32>} : memref<128xf32, #tpu.memory_space<vmem>>, vector<16xf32>,
    %get3A_534 = arith.constant 96 : index
    %get3A_535 = tpu.vector_load %arg18[%get3A_534] {strides = array<i32>} : memref<128xf32, #tpu.memory_space<vmem>>, vector<16xf32>,
    %get3A_536 = arith.constant 112 : index
    %get3A_537 = tpu.vector_load %arg18[%get3A_536] {strides = array<i32>} : memref<128xf32, #tpu.memory_space<vmem>>, vector<16xf32>,
    %get3A_538 = arith.constant 0 : i64
    %get3A_539 = arith.index_cast %get3A_538 : i64 to index
    %get3A_540 = arith.constant 0 : index
    %get3A_541 = tpu.vector_load %arg16[%get3A_539, %get3A_540] {strides = array<i32>} : memref<2x128xf32, #tpu.memory_space<vmem>>, vector<16xf32>,
    %get3A_542 = arith.constant 0 : i64
    %get3A_543 = arith.index_cast %get3A_542 : i64 to index
    %get3A_544 = arith.constant 16 : index
    %get3A_545 = tpu.vector_load %arg16[%get3A_543, %get3A_544] {strides = array<i32>} : memref<2x128xf32, #tpu.memory_space<vmem>>, vector<16xf32>,
    %get3A_546 = arith.constant 0 : i64
    %get3A_547 = arith.index_cast %get3A_546 : i64 to index
    %get3A_548 = arith.constant 32 : index
    %get3A_549 = tpu.vector_load %arg16[%get3A_547, %get3A_548] {strides = array<i32>} : memref<2x128xf32, #tpu.memory_space<vmem>>, vector<16xf32>,
    %get3A_550 = arith.constant 0 : i64
    %get3A_551 = arith.index_cast %get3A_550 : i64 to index
    %get3A_552 = arith.constant 48 : index
    %get3A_553 = tpu.vector_load %arg16[%get3A_551, %get3A_552] {strides = array<i32>} : memref<2x128xf32, #tpu.memory_space<vmem>>, vector<16xf32>,
    %get3A_554 = arith.constant 0 : i64
    %get3A_555 = arith.index_cast %get3A_554 : i64 to index
    %get3A_556 = arith.constant 64 : index
    %get3A_557 = tpu.vector_load %arg16[%get3A_555, %get3A_556] {strides = array<i32>} : memref<2x128xf32, #tpu.memory_space<vmem>>, vector<16xf32>,
    %get3A_558 = arith.constant 0 : i64
    %get3A_559 = arith.index_cast %get3A_558 : i64 to index
    %get3A_560 = arith.constant 80 : index
    %get3A_561 = tpu.vector_load %arg16[%get3A_559, %get3A_560] {strides = array<i32>} : memref<2x128xf32, #tpu.memory_space<vmem>>, vector<16xf32>,
    %get3A_562 = arith.constant 0 : i64
    %get3A_563 = arith.index_cast %get3A_562 : i64 to index
    %get3A_564 = arith.constant 96 : index
    %get3A_565 = tpu.vector_load %arg16[%get3A_563, %get3A_564] {strides = array<i32>} : memref<2x128xf32, #tpu.memory_space<vmem>>, vector<16xf32>,
    %get3A_566 = arith.constant 0 : i64
    %get3A_567 = arith.index_cast %get3A_566 : i64 to index
    %get3A_568 = arith.constant 112 : index
    %get3A_569 = tpu.vector_load %arg16[%get3A_567, %get3A_568] {strides = array<i32>} : memref<2x128xf32, #tpu.memory_space<vmem>>, vector<16xf32>,
    %get3A_570 = arith.constant 1 : i64
    %get3A_571 = arith.index_cast %get3A_570 : i64 to index
    %get3A_572 = arith.constant 0 : index
    %get3A_573 = tpu.vector_load %arg16[%get3A_571, %get3A_572] {strides = array<i32>} : memref<2x128xf32, #tpu.memory_space<vmem>>, vector<16xf32>,
    %get3A_574 = arith.constant 1 : i64
    %get3A_575 = arith.index_cast %get3A_574 : i64 to index
    %get3A_576 = arith.constant 16 : index
    %get3A_577 = tpu.vector_load %arg16[%get3A_575, %get3A_576] {strides = array<i32>} : memref<2x128xf32, #tpu.memory_space<vmem>>, vector<16xf32>,
    %get3A_578 = arith.constant 1 : i64
    %get3A_579 = arith.index_cast %get3A_578 : i64 to index
    %get3A_580 = arith.constant 32 : index
    %get3A_581 = tpu.vector_load %arg16[%get3A_579, %get3A_580] {strides = array<i32>} : memref<2x128xf32, #tpu.memory_space<vmem>>, vector<16xf32>,
    %get3A_582 = arith.constant 1 : i64
    %get3A_583 = arith.index_cast %get3A_582 : i64 to index
    %get3A_584 = arith.constant 48 : index
    %get3A_585 = tpu.vector_load %arg16[%get3A_583, %get3A_584] {strides = array<i32>} : memref<2x128xf32, #tpu.memory_space<vmem>>, vector<16xf32>,
    %get3A_586 = arith.constant 1 : i64
    %get3A_587 = arith.index_cast %get3A_586 : i64 to index
    %get3A_588 = arith.constant 64 : index
    %get3A_589 = tpu.vector_load %arg16[%get3A_587, %get3A_588] {strides = array<i32>} : memref<2x128xf32, #tpu.memory_space<vmem>>, vector<16xf32>,
    %get3A_590 = arith.constant 1 : i64
    %get3A_591 = arith.index_cast %get3A_590 : i64 to index
    %get3A_592 = arith.constant 80 : index
    %get3A_593 = tpu.vector_load %arg16[%get3A_591, %get3A_592] {strides = array<i32>} : memref<2x128xf32, #tpu.memory_space<vmem>>, vector<16xf32>,
    %get3A_594 = arith.constant 1 : i64
    %get3A_595 = arith.index_cast %get3A_594 : i64 to index
    %get3A_596 = arith.constant 96 : index
    %get3A_597 = tpu.vector_load %arg16[%get3A_595, %get3A_596] {strides = array<i32>} : memref<2x128xf32, #tpu.memory_space<vmem>>, vector<16xf32>,
    %get3A_598 = arith.constant 1 : i64
    %get3A_599 = arith.index_cast %get3A_598 : i64 to index
    %get3A_600 = arith.constant 112 : index
    %get3A_601 = tpu.vector_load %arg16[%get3A_599, %get3A_600] {strides = array<i32>} : memref<2x128xf32, #tpu.memory_space<vmem>>, vector<16xf32>,
    %dma_wait3A_602 = arith.constant 0 : i32
    %dma_wait3A_603 = arith.constant 0 : i32
    %dma_wait3A_604 = arith.constant 0 : i32
    %dma_wait3A_605 = tpu.memref_slice %arg14[%dma_wait3A_603, %dma_wait3A_604] : memref<256x128xf32, #tpu.memory_space<vmem>> -> memref<32x128xf32, #tpu.memory_space<vmem>>
    %dma_wait3A_606 = arith.constant 0 : i32
    %dma_wait3A_607 = tpu.memref_slice %arg12[%dma_wait3A_602, %dma_wait3A_606] : memref<8x32xi32, #tpu.memory_space<vmem>> -> memref<1x32xi32, #tpu.memory_space<vmem>>
    %dma_wait3A_608 = tpu.memref_squeeze %dma_wait3A_607 : memref<1x32xi32, #tpu.memory_space<vmem>> -> memref<32xi32, #tpu.memory_space<vmem>>
    %dma_wait3A_609 = arith.constant 0 : i32
    %dma_wait3A_610 = arith.constant 0 : i32
    %dma_wait3A_611 = tpu.memref_slice %arg4[%dma_wait3A_609, %dma_wait3A_610] : memref<100000x128xf32, #tpu.memory_space<hbm>> -> memref<100000x128xf32, #tpu.memory_space<hbm>>
    tpu.wait_indirect_dma semaphore(%arg20 : memref<!tpu.dma_semaphore, #tpu.memory_space<semaphore_mem>>) src(%dma_wait3A_611 : memref<100000x128xf32, #tpu.memory_space<hbm>>) dst(%dma_wait3A_605 : memref<32x128xf32, #tpu.memory_space<vmem>>)
    %dma_wait3A_612 = arith.constant 0 : i32
    %dma_wait3A_613 = arith.constant 0 : i32
    %dma_wait3A_614 = arith.constant 0 : i32
    %dma_wait3A_615 = tpu.memref_slice %arg15[%dma_wait3A_613, %dma_wait3A_614] : memref<256x128xf32, #tpu.memory_space<vmem>> -> memref<32x128xf32, #tpu.memory_space<vmem>>
    %dma_wait3A_616 = arith.constant 0 : i32
    %dma_wait3A_617 = tpu.memref_slice %arg11[%dma_wait3A_612, %dma_wait3A_616] : memref<8x32xi32, #tpu.memory_space<vmem>> -> memref<1x32xi32, #tpu.memory_space<vmem>>
    %dma_wait3A_618 = tpu.memref_squeeze %dma_wait3A_617 : memref<1x32xi32, #tpu.memory_space<vmem>> -> memref<32xi32, #tpu.memory_space<vmem>>
    %dma_wait3A_619 = arith.constant 0 : i32
    %dma_wait3A_620 = arith.constant 0 : i32
    %dma_wait3A_621 = tpu.memref_slice %arg5[%dma_wait3A_619, %dma_wait3A_620] : memref<2048x128xf32, #tpu.memory_space<hbm>> -> memref<2048x128xf32, #tpu.memory_space<hbm>>
    tpu.wait_indirect_dma semaphore(%arg20 : memref<!tpu.dma_semaphore, #tpu.memory_space<semaphore_mem>>) src(%dma_wait3A_621 : memref<2048x128xf32, #tpu.memory_space<hbm>>) dst(%dma_wait3A_615 : memref<32x128xf32, #tpu.memory_space<vmem>>)
    %dma_wait3A_622 = arith.constant 1 : i32
    %dma_wait3A_623 = arith.constant 32 : i32
    %dma_wait3A_624 = arith.constant 0 : i32
    %dma_wait3A_625 = tpu.memref_slice %arg14[%dma_wait3A_623, %dma_wait3A_624] : memref<256x128xf32, #tpu.memory_space<vmem>> -> memref<32x128xf32, #tpu.memory_space<vmem>>
    %dma_wait3A_626 = arith.constant 0 : i32
    %dma_wait3A_627 = tpu.memref_slice %arg12[%dma_wait3A_622, %dma_wait3A_626] : memref<8x32xi32, #tpu.memory_space<vmem>> -> memref<1x32xi32, #tpu.memory_space<vmem>>
    %dma_wait3A_628 = tpu.memref_squeeze %dma_wait3A_627 : memref<1x32xi32, #tpu.memory_space<vmem>> -> memref<32xi32, #tpu.memory_space<vmem>>
    %dma_wait3A_629 = arith.constant 0 : i32
    %dma_wait3A_630 = arith.constant 0 : i32
    %dma_wait3A_631 = tpu.memref_slice %arg4[%dma_wait3A_629, %dma_wait3A_630] : memref<100000x128xf32, #tpu.memory_space<hbm>> -> memref<100000x128xf32, #tpu.memory_space<hbm>>
    tpu.wait_indirect_dma semaphore(%arg20 : memref<!tpu.dma_semaphore, #tpu.memory_space<semaphore_mem>>) src(%dma_wait3A_631 : memref<100000x128xf32, #tpu.memory_space<hbm>>) dst(%dma_wait3A_625 : memref<32x128xf32, #tpu.memory_space<vmem>>)
    %dma_wait3A_632 = arith.constant 1 : i32
    %dma_wait3A_633 = arith.constant 32 : i32
    %dma_wait3A_634 = arith.constant 0 : i32
    %dma_wait3A_635 = tpu.memref_slice %arg15[%dma_wait3A_633, %dma_wait3A_634] : memref<256x128xf32, #tpu.memory_space<vmem>> -> memref<32x128xf32, #tpu.memory_space<vmem>>
    %dma_wait3A_636 = arith.constant 0 : i32
    %dma_wait3A_637 = tpu.memref_slice %arg11[%dma_wait3A_632, %dma_wait3A_636] : memref<8x32xi32, #tpu.memory_space<vmem>> -> memref<1x32xi32, #tpu.memory_space<vmem>>
    %dma_wait3A_638 = tpu.memref_squeeze %dma_wait3A_637 : memref<1x32xi32, #tpu.memory_space<vmem>> -> memref<32xi32, #tpu.memory_space<vmem>>
    %dma_wait3A_639 = arith.constant 0 : i32
    %dma_wait3A_640 = arith.constant 0 : i32
    %dma_wait3A_641 = tpu.memref_slice %arg5[%dma_wait3A_639, %dma_wait3A_640] : memref<2048x128xf32, #tpu.memory_space<hbm>> -> memref<2048x128xf32, #tpu.memory_space<hbm>>
    tpu.wait_indirect_dma semaphore(%arg20 : memref<!tpu.dma_semaphore, #tpu.memory_space<semaphore_mem>>) src(%dma_wait3A_641 : memref<2048x128xf32, #tpu.memory_space<hbm>>) dst(%dma_wait3A_635 : memref<32x128xf32, #tpu.memory_space<vmem>>)
    %parallel_loop3A = arith.constant 0 : i32
    %parallel_loop3A_642 = arith.constant 64 : i32
    %parallel_loop3A_643 = arith.constant 1 : i32
    scf.for %parallel_loop3A_933 = %parallel_loop3A to %parallel_loop3A_642 step %parallel_loop3A_643  : i32 {
      %parallel_loop3A_934 = vector.broadcast %parallel_loop3A_933 : i32 to vector<16xi32>
      %parallel_loop3A_935 = tpu.vector_load_idx %arg13[%parallel_loop3A_934] : memref<256xf32, #tpu.memory_space<vmem>>[vector<16xi32>], vector<16xf32>,
      %parallel_loop3A_936 = arith.constant 5.000000e-01 : f32
      %parallel_loop3A_937 = vector.broadcast %parallel_loop3A_936 : f32 to vector<16xf32>
      %parallel_loop3A_938 = arith.cmpf ogt, %parallel_loop3A_935, %parallel_loop3A_937 : vector<16xf32>
      %parallel_loop3A_939 = arith.constant 0.000000e+00 : f32
      %parallel_loop3A_940 = vector.broadcast %parallel_loop3A_939 : f32 to vector<16xf32>
      %parallel_loop3A_941 = arith.constant 0.000000e+00 : f32
      %parallel_loop3A_942 = vector.broadcast %parallel_loop3A_941 : f32 to vector<16xf32>
      %parallel_loop3A_943 = arith.index_cast %parallel_loop3A_933 : i32 to index
      %parallel_loop3A_944 = arith.constant 0 : index
      %parallel_loop3A_945 = tpu.vector_load %arg14[%parallel_loop3A_943, %parallel_loop3A_944] {strides = array<i32>} : memref<256x128xf32, #tpu.memory_space<vmem>>, vector<16xf32>,
      %parallel_loop3A_946 = arith.index_cast %parallel_loop3A_933 : i32 to index
      %parallel_loop3A_947 = arith.constant 0 : index
      %parallel_loop3A_948 = tpu.vector_load %arg15[%parallel_loop3A_946, %parallel_loop3A_947] {strides = array<i32>} : memref<256x128xf32, #tpu.memory_space<vmem>>, vector<16xf32>,
      %parallel_loop3A_949 = arith.addf %parallel_loop3A_945, %parallel_loop3A_948 : vector<16xf32>
      %parallel_loop3A_950 = arith.select %parallel_loop3A_938, %get3A_573, %get3A_541 : vector<16xi1>, vector<16xf32>
      %parallel_loop3A_951 = arith.addf %parallel_loop3A_949, %parallel_loop3A_950 : vector<16xf32>
      %parallel_loop3A_952 = arith.addf %parallel_loop3A_940, %parallel_loop3A_951 : vector<16xf32>
      %parallel_loop3A_953 = arith.mulf %parallel_loop3A_951, %parallel_loop3A_951 : vector<16xf32>
      %parallel_loop3A_954 = arith.addf %parallel_loop3A_942, %parallel_loop3A_953 : vector<16xf32>
      %parallel_loop3A_955 = arith.index_cast %parallel_loop3A_933 : i32 to index
      %parallel_loop3A_956 = arith.constant 16 : index
      %parallel_loop3A_957 = tpu.vector_load %arg14[%parallel_loop3A_955, %parallel_loop3A_956] {strides = array<i32>} : memref<256x128xf32, #tpu.memory_space<vmem>>, vector<16xf32>,
      %parallel_loop3A_958 = arith.index_cast %parallel_loop3A_933 : i32 to index
      %parallel_loop3A_959 = arith.constant 16 : index
      %parallel_loop3A_960 = tpu.vector_load %arg15[%parallel_loop3A_958, %parallel_loop3A_959] {strides = array<i32>} : memref<256x128xf32, #tpu.memory_space<vmem>>, vector<16xf32>,
      %parallel_loop3A_961 = arith.addf %parallel_loop3A_957, %parallel_loop3A_960 : vector<16xf32>
      %parallel_loop3A_962 = arith.select %parallel_loop3A_938, %get3A_577, %get3A_545 : vector<16xi1>, vector<16xf32>
      %parallel_loop3A_963 = arith.addf %parallel_loop3A_961, %parallel_loop3A_962 : vector<16xf32>
      %parallel_loop3A_964 = arith.addf %parallel_loop3A_952, %parallel_loop3A_963 : vector<16xf32>
      %parallel_loop3A_965 = arith.mulf %parallel_loop3A_963, %parallel_loop3A_963 : vector<16xf32>
      %parallel_loop3A_966 = arith.addf %parallel_loop3A_954, %parallel_loop3A_965 : vector<16xf32>
      %parallel_loop3A_967 = arith.index_cast %parallel_loop3A_933 : i32 to index
      %parallel_loop3A_968 = arith.constant 32 : index
      %parallel_loop3A_969 = tpu.vector_load %arg14[%parallel_loop3A_967, %parallel_loop3A_968] {strides = array<i32>} : memref<256x128xf32, #tpu.memory_space<vmem>>, vector<16xf32>,
      %parallel_loop3A_970 = arith.index_cast %parallel_loop3A_933 : i32 to index
      %parallel_loop3A_971 = arith.constant 32 : index
      %parallel_loop3A_972 = tpu.vector_load %arg15[%parallel_loop3A_970, %parallel_loop3A_971] {strides = array<i32>} : memref<256x128xf32, #tpu.memory_space<vmem>>, vector<16xf32>,
      %parallel_loop3A_973 = arith.addf %parallel_loop3A_969, %parallel_loop3A_972 : vector<16xf32>
      %parallel_loop3A_974 = arith.select %parallel_loop3A_938, %get3A_581, %get3A_549 : vector<16xi1>, vector<16xf32>
      %parallel_loop3A_975 = arith.addf %parallel_loop3A_973, %parallel_loop3A_974 : vector<16xf32>
      %parallel_loop3A_976 = arith.addf %parallel_loop3A_964, %parallel_loop3A_975 : vector<16xf32>
      %parallel_loop3A_977 = arith.mulf %parallel_loop3A_975, %parallel_loop3A_975 : vector<16xf32>
      %parallel_loop3A_978 = arith.addf %parallel_loop3A_966, %parallel_loop3A_977 : vector<16xf32>
      %parallel_loop3A_979 = arith.index_cast %parallel_loop3A_933 : i32 to index
      %parallel_loop3A_980 = arith.constant 48 : index
      %parallel_loop3A_981 = tpu.vector_load %arg14[%parallel_loop3A_979, %parallel_loop3A_980] {strides = array<i32>} : memref<256x128xf32, #tpu.memory_space<vmem>>, vector<16xf32>,
      %parallel_loop3A_982 = arith.index_cast %parallel_loop3A_933 : i32 to index
      %parallel_loop3A_983 = arith.constant 48 : index
      %parallel_loop3A_984 = tpu.vector_load %arg15[%parallel_loop3A_982, %parallel_loop3A_983] {strides = array<i32>} : memref<256x128xf32, #tpu.memory_space<vmem>>, vector<16xf32>,
      %parallel_loop3A_985 = arith.addf %parallel_loop3A_981, %parallel_loop3A_984 : vector<16xf32>
      %parallel_loop3A_986 = arith.select %parallel_loop3A_938, %get3A_585, %get3A_553 : vector<16xi1>, vector<16xf32>
      %parallel_loop3A_987 = arith.addf %parallel_loop3A_985, %parallel_loop3A_986 : vector<16xf32>
      %parallel_loop3A_988 = arith.addf %parallel_loop3A_976, %parallel_loop3A_987 : vector<16xf32>
      %parallel_loop3A_989 = arith.mulf %parallel_loop3A_987, %parallel_loop3A_987 : vector<16xf32>
      %parallel_loop3A_990 = arith.addf %parallel_loop3A_978, %parallel_loop3A_989 : vector<16xf32>
      %parallel_loop3A_991 = arith.index_cast %parallel_loop3A_933 : i32 to index
      %parallel_loop3A_992 = arith.constant 64 : index
      %parallel_loop3A_993 = tpu.vector_load %arg14[%parallel_loop3A_991, %parallel_loop3A_992] {strides = array<i32>} : memref<256x128xf32, #tpu.memory_space<vmem>>, vector<16xf32>,
      %parallel_loop3A_994 = arith.index_cast %parallel_loop3A_933 : i32 to index
      %parallel_loop3A_995 = arith.constant 64 : index
      %parallel_loop3A_996 = tpu.vector_load %arg15[%parallel_loop3A_994, %parallel_loop3A_995] {strides = array<i32>} : memref<256x128xf32, #tpu.memory_space<vmem>>, vector<16xf32>,
      %parallel_loop3A_997 = arith.addf %parallel_loop3A_993, %parallel_loop3A_996 : vector<16xf32>
      %parallel_loop3A_998 = arith.select %parallel_loop3A_938, %get3A_589, %get3A_557 : vector<16xi1>, vector<16xf32>
      %parallel_loop3A_999 = arith.addf %parallel_loop3A_997, %parallel_loop3A_998 : vector<16xf32>
      %parallel_loop3A_1000 = arith.addf %parallel_loop3A_988, %parallel_loop3A_999 : vector<16xf32>
      %parallel_loop3A_1001 = arith.mulf %parallel_loop3A_999, %parallel_loop3A_999 : vector<16xf32>
      %parallel_loop3A_1002 = arith.addf %parallel_loop3A_990, %parallel_loop3A_1001 : vector<16xf32>
      %parallel_loop3A_1003 = arith.index_cast %parallel_loop3A_933 : i32 to index
      %parallel_loop3A_1004 = arith.constant 80 : index
      %parallel_loop3A_1005 = tpu.vector_load %arg14[%parallel_loop3A_1003, %parallel_loop3A_1004] {strides = array<i32>} : memref<256x128xf32, #tpu.memory_space<vmem>>, vector<16xf32>,
      %parallel_loop3A_1006 = arith.index_cast %parallel_loop3A_933 : i32 to index
      %parallel_loop3A_1007 = arith.constant 80 : index
      %parallel_loop3A_1008 = tpu.vector_load %arg15[%parallel_loop3A_1006, %parallel_loop3A_1007] {strides = array<i32>} : memref<256x128xf32, #tpu.memory_space<vmem>>, vector<16xf32>,
      %parallel_loop3A_1009 = arith.addf %parallel_loop3A_1005, %parallel_loop3A_1008 : vector<16xf32>
      %parallel_loop3A_1010 = arith.select %parallel_loop3A_938, %get3A_593, %get3A_561 : vector<16xi1>, vector<16xf32>
      %parallel_loop3A_1011 = arith.addf %parallel_loop3A_1009, %parallel_loop3A_1010 : vector<16xf32>
      %parallel_loop3A_1012 = arith.addf %parallel_loop3A_1000, %parallel_loop3A_1011 : vector<16xf32>
      %parallel_loop3A_1013 = arith.mulf %parallel_loop3A_1011, %parallel_loop3A_1011 : vector<16xf32>
      %parallel_loop3A_1014 = arith.addf %parallel_loop3A_1002, %parallel_loop3A_1013 : vector<16xf32>
      %parallel_loop3A_1015 = arith.index_cast %parallel_loop3A_933 : i32 to index
      %parallel_loop3A_1016 = arith.constant 96 : index
      %parallel_loop3A_1017 = tpu.vector_load %arg14[%parallel_loop3A_1015, %parallel_loop3A_1016] {strides = array<i32>} : memref<256x128xf32, #tpu.memory_space<vmem>>, vector<16xf32>,
      %parallel_loop3A_1018 = arith.index_cast %parallel_loop3A_933 : i32 to index
      %parallel_loop3A_1019 = arith.constant 96 : index
      %parallel_loop3A_1020 = tpu.vector_load %arg15[%parallel_loop3A_1018, %parallel_loop3A_1019] {strides = array<i32>} : memref<256x128xf32, #tpu.memory_space<vmem>>, vector<16xf32>,
      %parallel_loop3A_1021 = arith.addf %parallel_loop3A_1017, %parallel_loop3A_1020 : vector<16xf32>
      %parallel_loop3A_1022 = arith.select %parallel_loop3A_938, %get3A_597, %get3A_565 : vector<16xi1>, vector<16xf32>
      %parallel_loop3A_1023 = arith.addf %parallel_loop3A_1021, %parallel_loop3A_1022 : vector<16xf32>
      %parallel_loop3A_1024 = arith.addf %parallel_loop3A_1012, %parallel_loop3A_1023 : vector<16xf32>
      %parallel_loop3A_1025 = arith.mulf %parallel_loop3A_1023, %parallel_loop3A_1023 : vector<16xf32>
      %parallel_loop3A_1026 = arith.addf %parallel_loop3A_1014, %parallel_loop3A_1025 : vector<16xf32>
      %parallel_loop3A_1027 = arith.index_cast %parallel_loop3A_933 : i32 to index
      %parallel_loop3A_1028 = arith.constant 112 : index
      %parallel_loop3A_1029 = tpu.vector_load %arg14[%parallel_loop3A_1027, %parallel_loop3A_1028] {strides = array<i32>} : memref<256x128xf32, #tpu.memory_space<vmem>>, vector<16xf32>,
      %parallel_loop3A_1030 = arith.index_cast %parallel_loop3A_933 : i32 to index
      %parallel_loop3A_1031 = arith.constant 112 : index
      %parallel_loop3A_1032 = tpu.vector_load %arg15[%parallel_loop3A_1030, %parallel_loop3A_1031] {strides = array<i32>} : memref<256x128xf32, #tpu.memory_space<vmem>>, vector<16xf32>,
      %parallel_loop3A_1033 = arith.addf %parallel_loop3A_1029, %parallel_loop3A_1032 : vector<16xf32>
      %parallel_loop3A_1034 = arith.select %parallel_loop3A_938, %get3A_601, %get3A_569 : vector<16xi1>, vector<16xf32>
      %parallel_loop3A_1035 = arith.addf %parallel_loop3A_1033, %parallel_loop3A_1034 : vector<16xf32>
      %parallel_loop3A_1036 = arith.addf %parallel_loop3A_1024, %parallel_loop3A_1035 : vector<16xf32>
      %parallel_loop3A_1037 = arith.mulf %parallel_loop3A_1035, %parallel_loop3A_1035 : vector<16xf32>
      %parallel_loop3A_1038 = arith.addf %parallel_loop3A_1026, %parallel_loop3A_1037 : vector<16xf32>
      %parallel_loop3A_1039 = arith.constant true
      %parallel_loop3A_1040 = vector.broadcast %parallel_loop3A_1039 : i1 to vector<16xi1>
      %parallel_loop3A_1041 = tpu.scan <sum>, %parallel_loop3A_1036 masked %parallel_loop3A_1040 : vector<16xf32>, vector<16xi1> -> vector<16xf32>
      %parallel_loop3A_1042 = vector.extract %parallel_loop3A_1041[15] : f32 from vector<16xf32>
      %parallel_loop3A_1043 = vector.broadcast %parallel_loop3A_1042 : f32 to vector<16xf32>
      %parallel_loop3A_1044 = arith.constant 7.812500e-03 : f32
      %parallel_loop3A_1045 = vector.broadcast %parallel_loop3A_1044 : f32 to vector<16xf32>
      %parallel_loop3A_1046 = arith.mulf %parallel_loop3A_1043, %parallel_loop3A_1045 : vector<16xf32>
      %parallel_loop3A_1047 = arith.constant true
      %parallel_loop3A_1048 = vector.broadcast %parallel_loop3A_1047 : i1 to vector<16xi1>
      %parallel_loop3A_1049 = tpu.scan <sum>, %parallel_loop3A_1038 masked %parallel_loop3A_1048 : vector<16xf32>, vector<16xi1> -> vector<16xf32>
      %parallel_loop3A_1050 = vector.extract %parallel_loop3A_1049[15] : f32 from vector<16xf32>
      %parallel_loop3A_1051 = vector.broadcast %parallel_loop3A_1050 : f32 to vector<16xf32>
      %parallel_loop3A_1052 = arith.constant 7.812500e-03 : f32
      %parallel_loop3A_1053 = vector.broadcast %parallel_loop3A_1052 : f32 to vector<16xf32>
      %parallel_loop3A_1054 = arith.mulf %parallel_loop3A_1051, %parallel_loop3A_1053 : vector<16xf32>
      %parallel_loop3A_1055 = arith.mulf %parallel_loop3A_1046, %parallel_loop3A_1046 : vector<16xf32>
      %parallel_loop3A_1056 = arith.subf %parallel_loop3A_1054, %parallel_loop3A_1055 : vector<16xf32>
      %parallel_loop3A_1057 = arith.constant 9.99999996E-13 : f32
      %parallel_loop3A_1058 = vector.broadcast %parallel_loop3A_1057 : f32 to vector<16xf32>
      %parallel_loop3A_1059 = arith.addf %parallel_loop3A_1056, %parallel_loop3A_1058 : vector<16xf32>
      %parallel_loop3A_1060 = vector.bitcast %parallel_loop3A_1059 : vector<16xf32> to vector<16xi32>
      %parallel_loop3A_1061 = arith.constant 1 : i32
      %parallel_loop3A_1062 = vector.broadcast %parallel_loop3A_1061 : i32 to vector<16xi32>
      %parallel_loop3A_1063 = arith.shrsi %parallel_loop3A_1060, %parallel_loop3A_1062 : vector<16xi32>
      %parallel_loop3A_1064 = arith.constant 1597463007 : i32
      %parallel_loop3A_1065 = vector.broadcast %parallel_loop3A_1064 : i32 to vector<16xi32>
      %parallel_loop3A_1066 = arith.subi %parallel_loop3A_1065, %parallel_loop3A_1063 : vector<16xi32>
      %parallel_loop3A_1067 = vector.bitcast %parallel_loop3A_1066 : vector<16xi32> to vector<16xf32>
      %parallel_loop3A_1068 = arith.constant 5.000000e-01 : f32
      %parallel_loop3A_1069 = vector.broadcast %parallel_loop3A_1068 : f32 to vector<16xf32>
      %parallel_loop3A_1070 = arith.mulf %parallel_loop3A_1069, %parallel_loop3A_1059 : vector<16xf32>
      %parallel_loop3A_1071 = arith.mulf %parallel_loop3A_1070, %parallel_loop3A_1067 : vector<16xf32>
      %parallel_loop3A_1072 = arith.mulf %parallel_loop3A_1071, %parallel_loop3A_1067 : vector<16xf32>
      %parallel_loop3A_1073 = arith.constant 1.500000e+00 : f32
      %parallel_loop3A_1074 = vector.broadcast %parallel_loop3A_1073 : f32 to vector<16xf32>
      %parallel_loop3A_1075 = arith.subf %parallel_loop3A_1074, %parallel_loop3A_1072 : vector<16xf32>
      %parallel_loop3A_1076 = arith.mulf %parallel_loop3A_1067, %parallel_loop3A_1075 : vector<16xf32>
      %parallel_loop3A_1077 = arith.constant 5.000000e-01 : f32
      %parallel_loop3A_1078 = vector.broadcast %parallel_loop3A_1077 : f32 to vector<16xf32>
      %parallel_loop3A_1079 = arith.mulf %parallel_loop3A_1078, %parallel_loop3A_1059 : vector<16xf32>
      %parallel_loop3A_1080 = arith.mulf %parallel_loop3A_1079, %parallel_loop3A_1076 : vector<16xf32>
      %parallel_loop3A_1081 = arith.mulf %parallel_loop3A_1080, %parallel_loop3A_1076 : vector<16xf32>
      %parallel_loop3A_1082 = arith.constant 1.500000e+00 : f32
      %parallel_loop3A_1083 = vector.broadcast %parallel_loop3A_1082 : f32 to vector<16xf32>
      %parallel_loop3A_1084 = arith.subf %parallel_loop3A_1083, %parallel_loop3A_1081 : vector<16xf32>
      %parallel_loop3A_1085 = arith.mulf %parallel_loop3A_1076, %parallel_loop3A_1084 : vector<16xf32>
      %parallel_loop3A_1086 = arith.subf %parallel_loop3A_951, %parallel_loop3A_1046 : vector<16xf32>
      %parallel_loop3A_1087 = arith.mulf %parallel_loop3A_1086, %parallel_loop3A_1085 : vector<16xf32>
      %parallel_loop3A_1088 = arith.mulf %parallel_loop3A_1087, %get3A_507 : vector<16xf32>
      %parallel_loop3A_1089 = arith.addf %parallel_loop3A_1088, %get3A_523 : vector<16xf32>
      %parallel_loop3A_1090 = arith.index_cast %parallel_loop3A_933 : i32 to index
      %parallel_loop3A_1091 = arith.constant 0 : index
      %parallel_loop3A_1092 = tpu.vector_load %arg14[%parallel_loop3A_1090, %parallel_loop3A_1091] {strides = array<i32>} : memref<256x128xf32, #tpu.memory_space<vmem>>, vector<16xf32>,
      tpu.vector_store %arg14[%parallel_loop3A_1090, %parallel_loop3A_1091], %parallel_loop3A_1089 {strides = array<i32>} : memref<256x128xf32, #tpu.memory_space<vmem>>, vector<16xf32>,
      %parallel_loop3A_1093 = arith.subf %parallel_loop3A_963, %parallel_loop3A_1046 : vector<16xf32>
      %parallel_loop3A_1094 = arith.mulf %parallel_loop3A_1093, %parallel_loop3A_1085 : vector<16xf32>
      %parallel_loop3A_1095 = arith.mulf %parallel_loop3A_1094, %get3A_509 : vector<16xf32>
      %parallel_loop3A_1096 = arith.addf %parallel_loop3A_1095, %get3A_525 : vector<16xf32>
      %parallel_loop3A_1097 = arith.index_cast %parallel_loop3A_933 : i32 to index
      %parallel_loop3A_1098 = arith.constant 16 : index
      %parallel_loop3A_1099 = tpu.vector_load %arg14[%parallel_loop3A_1097, %parallel_loop3A_1098] {strides = array<i32>} : memref<256x128xf32, #tpu.memory_space<vmem>>, vector<16xf32>,
      tpu.vector_store %arg14[%parallel_loop3A_1097, %parallel_loop3A_1098], %parallel_loop3A_1096 {strides = array<i32>} : memref<256x128xf32, #tpu.memory_space<vmem>>, vector<16xf32>,
      %parallel_loop3A_1100 = arith.subf %parallel_loop3A_975, %parallel_loop3A_1046 : vector<16xf32>
      %parallel_loop3A_1101 = arith.mulf %parallel_loop3A_1100, %parallel_loop3A_1085 : vector<16xf32>
      %parallel_loop3A_1102 = arith.mulf %parallel_loop3A_1101, %get3A_511 : vector<16xf32>
      %parallel_loop3A_1103 = arith.addf %parallel_loop3A_1102, %get3A_527 : vector<16xf32>
      %parallel_loop3A_1104 = arith.index_cast %parallel_loop3A_933 : i32 to index
      %parallel_loop3A_1105 = arith.constant 32 : index
      %parallel_loop3A_1106 = tpu.vector_load %arg14[%parallel_loop3A_1104, %parallel_loop3A_1105] {strides = array<i32>} : memref<256x128xf32, #tpu.memory_space<vmem>>, vector<16xf32>,
      tpu.vector_store %arg14[%parallel_loop3A_1104, %parallel_loop3A_1105], %parallel_loop3A_1103 {strides = array<i32>} : memref<256x128xf32, #tpu.memory_space<vmem>>, vector<16xf32>,
      %parallel_loop3A_1107 = arith.subf %parallel_loop3A_987, %parallel_loop3A_1046 : vector<16xf32>
      %parallel_loop3A_1108 = arith.mulf %parallel_loop3A_1107, %parallel_loop3A_1085 : vector<16xf32>
      %parallel_loop3A_1109 = arith.mulf %parallel_loop3A_1108, %get3A_513 : vector<16xf32>
      %parallel_loop3A_1110 = arith.addf %parallel_loop3A_1109, %get3A_529 : vector<16xf32>
      %parallel_loop3A_1111 = arith.index_cast %parallel_loop3A_933 : i32 to index
      %parallel_loop3A_1112 = arith.constant 48 : index
      %parallel_loop3A_1113 = tpu.vector_load %arg14[%parallel_loop3A_1111, %parallel_loop3A_1112] {strides = array<i32>} : memref<256x128xf32, #tpu.memory_space<vmem>>, vector<16xf32>,
      tpu.vector_store %arg14[%parallel_loop3A_1111, %parallel_loop3A_1112], %parallel_loop3A_1110 {strides = array<i32>} : memref<256x128xf32, #tpu.memory_space<vmem>>, vector<16xf32>,
      %parallel_loop3A_1114 = arith.subf %parallel_loop3A_999, %parallel_loop3A_1046 : vector<16xf32>
      %parallel_loop3A_1115 = arith.mulf %parallel_loop3A_1114, %parallel_loop3A_1085 : vector<16xf32>
      %parallel_loop3A_1116 = arith.mulf %parallel_loop3A_1115, %get3A_515 : vector<16xf32>
      %parallel_loop3A_1117 = arith.addf %parallel_loop3A_1116, %get3A_531 : vector<16xf32>
      %parallel_loop3A_1118 = arith.index_cast %parallel_loop3A_933 : i32 to index
      %parallel_loop3A_1119 = arith.constant 64 : index
      %parallel_loop3A_1120 = tpu.vector_load %arg14[%parallel_loop3A_1118, %parallel_loop3A_1119] {strides = array<i32>} : memref<256x128xf32, #tpu.memory_space<vmem>>, vector<16xf32>,
      tpu.vector_store %arg14[%parallel_loop3A_1118, %parallel_loop3A_1119], %parallel_loop3A_1117 {strides = array<i32>} : memref<256x128xf32, #tpu.memory_space<vmem>>, vector<16xf32>,
      %parallel_loop3A_1121 = arith.subf %parallel_loop3A_1011, %parallel_loop3A_1046 : vector<16xf32>
      %parallel_loop3A_1122 = arith.mulf %parallel_loop3A_1121, %parallel_loop3A_1085 : vector<16xf32>
      %parallel_loop3A_1123 = arith.mulf %parallel_loop3A_1122, %get3A_517 : vector<16xf32>
      %parallel_loop3A_1124 = arith.addf %parallel_loop3A_1123, %get3A_533 : vector<16xf32>
      %parallel_loop3A_1125 = arith.index_cast %parallel_loop3A_933 : i32 to index
      %parallel_loop3A_1126 = arith.constant 80 : index
      %parallel_loop3A_1127 = tpu.vector_load %arg14[%parallel_loop3A_1125, %parallel_loop3A_1126] {strides = array<i32>} : memref<256x128xf32, #tpu.memory_space<vmem>>, vector<16xf32>,
      tpu.vector_store %arg14[%parallel_loop3A_1125, %parallel_loop3A_1126], %parallel_loop3A_1124 {strides = array<i32>} : memref<256x128xf32, #tpu.memory_space<vmem>>, vector<16xf32>,
      %parallel_loop3A_1128 = arith.subf %parallel_loop3A_1023, %parallel_loop3A_1046 : vector<16xf32>
      %parallel_loop3A_1129 = arith.mulf %parallel_loop3A_1128, %parallel_loop3A_1085 : vector<16xf32>
      %parallel_loop3A_1130 = arith.mulf %parallel_loop3A_1129, %get3A_519 : vector<16xf32>
      %parallel_loop3A_1131 = arith.addf %parallel_loop3A_1130, %get3A_535 : vector<16xf32>
      %parallel_loop3A_1132 = arith.index_cast %parallel_loop3A_933 : i32 to index
      %parallel_loop3A_1133 = arith.constant 96 : index
      %parallel_loop3A_1134 = tpu.vector_load %arg14[%parallel_loop3A_1132, %parallel_loop3A_1133] {strides = array<i32>} : memref<256x128xf32, #tpu.memory_space<vmem>>, vector<16xf32>,
      tpu.vector_store %arg14[%parallel_loop3A_1132, %parallel_loop3A_1133], %parallel_loop3A_1131 {strides = array<i32>} : memref<256x128xf32, #tpu.memory_space<vmem>>, vector<16xf32>,
      %parallel_loop3A_1135 = arith.subf %parallel_loop3A_1035, %parallel_loop3A_1046 : vector<16xf32>
      %parallel_loop3A_1136 = arith.mulf %parallel_loop3A_1135, %parallel_loop3A_1085 : vector<16xf32>
      %parallel_loop3A_1137 = arith.mulf %parallel_loop3A_1136, %get3A_521 : vector<16xf32>
      %parallel_loop3A_1138 = arith.addf %parallel_loop3A_1137, %get3A_537 : vector<16xf32>
      %parallel_loop3A_1139 = arith.index_cast %parallel_loop3A_933 : i32 to index
      %parallel_loop3A_1140 = arith.constant 112 : index
      %parallel_loop3A_1141 = tpu.vector_load %arg14[%parallel_loop3A_1139, %parallel_loop3A_1140] {strides = array<i32>} : memref<256x128xf32, #tpu.memory_space<vmem>>, vector<16xf32>,
      tpu.vector_store %arg14[%parallel_loop3A_1139, %parallel_loop3A_1140], %parallel_loop3A_1138 {strides = array<i32>} : memref<256x128xf32, #tpu.memory_space<vmem>>, vector<16xf32>,
    } {sc.loop_unroll_factor = 8 : i64, sc.parallel_access}
    %dma_start3A_644 = arith.constant 0 : i32
    %dma_start3A_645 = arith.constant 0 : i32
    %dma_start3A_646 = tpu.memref_slice %arg14[%dma_start3A_644, %dma_start3A_645] : memref<256x128xf32, #tpu.memory_space<vmem>> -> memref<64x128xf32, #tpu.memory_space<vmem>>
    %dma_start3A_647 = arith.constant 0 : i32
    %dma_start3A_648 = arith.constant 0 : i32
    %dma_start3A_649 = tpu.memref_slice %arg9[%add3A, %dma_start3A_647, %dma_start3A_648] : memref<32x256x128xf32, #tpu.memory_space<hbm>> -> memref<1x256x128xf32, #tpu.memory_space<hbm>>
    %dma_start3A_650 = tpu.memref_squeeze %dma_start3A_649 : memref<1x256x128xf32, #tpu.memory_space<hbm>> -> memref<256x128xf32, #tpu.memory_space<hbm>>
    %dma_start3A_651 = arith.constant 0 : i32
    %dma_start3A_652 = arith.constant 0 : i32
    %dma_start3A_653 = tpu.memref_slice %dma_start3A_650[%dma_start3A_651, %dma_start3A_652] : memref<256x128xf32, #tpu.memory_space<hbm>> -> memref<64x128xf32, #tpu.memory_space<hbm>>
    %dma_start3A_654 = arith.constant 0 : i32
    %dma_start3A_655 = arith.constant 0 : i32
    %dma_start3A_656 = tpu.memref_slice %arg9[%add3A, %dma_start3A_654, %dma_start3A_655] : memref<32x256x128xf32, #tpu.memory_space<hbm>> -> memref<1x256x128xf32, #tpu.memory_space<hbm>>
    %dma_start3A_657 = tpu.memref_squeeze %dma_start3A_656 : memref<1x256x128xf32, #tpu.memory_space<hbm>> -> memref<256x128xf32, #tpu.memory_space<hbm>>
    %dma_start3A_658 = arith.constant 0 : i32
    %dma_start3A_659 = arith.constant 0 : i32
    %dma_start3A_660 = tpu.memref_slice %dma_start3A_657[%dma_start3A_658, %dma_start3A_659] : memref<256x128xf32, #tpu.memory_space<hbm>> -> memref<64x128xf32, #tpu.memory_space<hbm>>
    %dma_start3A_661 = arith.constant 0 : i32
    %dma_start3A_662 = arith.constant 0 : i32
    %dma_start3A_663 = tpu.memref_slice %arg14[%dma_start3A_661, %dma_start3A_662] : memref<256x128xf32, #tpu.memory_space<vmem>> -> memref<64x128xf32, #tpu.memory_space<vmem>>
    tpu.enqueue_dma source(%dma_start3A_663 : memref<64x128xf32, #tpu.memory_space<vmem>>) target(%dma_start3A_660 : memref<64x128xf32, #tpu.memory_space<hbm>>) target_semaphore(%arg21 : memref<!tpu.dma_semaphore, #tpu.memory_space<semaphore_mem>>)
    %dma_wait3A_664 = arith.constant 2 : i32
    %dma_wait3A_665 = arith.constant 64 : i32
    %dma_wait3A_666 = arith.constant 0 : i32
    %dma_wait3A_667 = tpu.memref_slice %arg14[%dma_wait3A_665, %dma_wait3A_666] : memref<256x128xf32, #tpu.memory_space<vmem>> -> memref<32x128xf32, #tpu.memory_space<vmem>>
    %dma_wait3A_668 = arith.constant 0 : i32
    %dma_wait3A_669 = tpu.memref_slice %arg12[%dma_wait3A_664, %dma_wait3A_668] : memref<8x32xi32, #tpu.memory_space<vmem>> -> memref<1x32xi32, #tpu.memory_space<vmem>>
    %dma_wait3A_670 = tpu.memref_squeeze %dma_wait3A_669 : memref<1x32xi32, #tpu.memory_space<vmem>> -> memref<32xi32, #tpu.memory_space<vmem>>
    %dma_wait3A_671 = arith.constant 0 : i32
    %dma_wait3A_672 = arith.constant 0 : i32
    %dma_wait3A_673 = tpu.memref_slice %arg4[%dma_wait3A_671, %dma_wait3A_672] : memref<100000x128xf32, #tpu.memory_space<hbm>> -> memref<100000x128xf32, #tpu.memory_space<hbm>>
    tpu.wait_indirect_dma semaphore(%arg20 : memref<!tpu.dma_semaphore, #tpu.memory_space<semaphore_mem>>) src(%dma_wait3A_673 : memref<100000x128xf32, #tpu.memory_space<hbm>>) dst(%dma_wait3A_667 : memref<32x128xf32, #tpu.memory_space<vmem>>)
    %dma_wait3A_674 = arith.constant 2 : i32
    %dma_wait3A_675 = arith.constant 64 : i32
    %dma_wait3A_676 = arith.constant 0 : i32
    %dma_wait3A_677 = tpu.memref_slice %arg15[%dma_wait3A_675, %dma_wait3A_676] : memref<256x128xf32, #tpu.memory_space<vmem>> -> memref<32x128xf32, #tpu.memory_space<vmem>>
    %dma_wait3A_678 = arith.constant 0 : i32
    %dma_wait3A_679 = tpu.memref_slice %arg11[%dma_wait3A_674, %dma_wait3A_678] : memref<8x32xi32, #tpu.memory_space<vmem>> -> memref<1x32xi32, #tpu.memory_space<vmem>>
    %dma_wait3A_680 = tpu.memref_squeeze %dma_wait3A_679 : memref<1x32xi32, #tpu.memory_space<vmem>> -> memref<32xi32, #tpu.memory_space<vmem>>
    %dma_wait3A_681 = arith.constant 0 : i32
    %dma_wait3A_682 = arith.constant 0 : i32
    %dma_wait3A_683 = tpu.memref_slice %arg5[%dma_wait3A_681, %dma_wait3A_682] : memref<2048x128xf32, #tpu.memory_space<hbm>> -> memref<2048x128xf32, #tpu.memory_space<hbm>>
    tpu.wait_indirect_dma semaphore(%arg20 : memref<!tpu.dma_semaphore, #tpu.memory_space<semaphore_mem>>) src(%dma_wait3A_683 : memref<2048x128xf32, #tpu.memory_space<hbm>>) dst(%dma_wait3A_677 : memref<32x128xf32, #tpu.memory_space<vmem>>)
    %dma_wait3A_684 = arith.constant 3 : i32
    %dma_wait3A_685 = arith.constant 96 : i32
    %dma_wait3A_686 = arith.constant 0 : i32
    %dma_wait3A_687 = tpu.memref_slice %arg14[%dma_wait3A_685, %dma_wait3A_686] : memref<256x128xf32, #tpu.memory_space<vmem>> -> memref<32x128xf32, #tpu.memory_space<vmem>>
    %dma_wait3A_688 = arith.constant 0 : i32
    %dma_wait3A_689 = tpu.memref_slice %arg12[%dma_wait3A_684, %dma_wait3A_688] : memref<8x32xi32, #tpu.memory_space<vmem>> -> memref<1x32xi32, #tpu.memory_space<vmem>>
    %dma_wait3A_690 = tpu.memref_squeeze %dma_wait3A_689 : memref<1x32xi32, #tpu.memory_space<vmem>> -> memref<32xi32, #tpu.memory_space<vmem>>
    %dma_wait3A_691 = arith.constant 0 : i32
    %dma_wait3A_692 = arith.constant 0 : i32
    %dma_wait3A_693 = tpu.memref_slice %arg4[%dma_wait3A_691, %dma_wait3A_692] : memref<100000x128xf32, #tpu.memory_space<hbm>> -> memref<100000x128xf32, #tpu.memory_space<hbm>>
    tpu.wait_indirect_dma semaphore(%arg20 : memref<!tpu.dma_semaphore, #tpu.memory_space<semaphore_mem>>) src(%dma_wait3A_693 : memref<100000x128xf32, #tpu.memory_space<hbm>>) dst(%dma_wait3A_687 : memref<32x128xf32, #tpu.memory_space<vmem>>)
    %dma_wait3A_694 = arith.constant 3 : i32
    %dma_wait3A_695 = arith.constant 96 : i32
    %dma_wait3A_696 = arith.constant 0 : i32
    %dma_wait3A_697 = tpu.memref_slice %arg15[%dma_wait3A_695, %dma_wait3A_696] : memref<256x128xf32, #tpu.memory_space<vmem>> -> memref<32x128xf32, #tpu.memory_space<vmem>>
    %dma_wait3A_698 = arith.constant 0 : i32
    %dma_wait3A_699 = tpu.memref_slice %arg11[%dma_wait3A_694, %dma_wait3A_698] : memref<8x32xi32, #tpu.memory_space<vmem>> -> memref<1x32xi32, #tpu.memory_space<vmem>>
    %dma_wait3A_700 = tpu.memref_squeeze %dma_wait3A_699 : memref<1x32xi32, #tpu.memory_space<vmem>> -> memref<32xi32, #tpu.memory_space<vmem>>
    %dma_wait3A_701 = arith.constant 0 : i32
    %dma_wait3A_702 = arith.constant 0 : i32
    %dma_wait3A_703 = tpu.memref_slice %arg5[%dma_wait3A_701, %dma_wait3A_702] : memref<2048x128xf32, #tpu.memory_space<hbm>> -> memref<2048x128xf32, #tpu.memory_space<hbm>>
    tpu.wait_indirect_dma semaphore(%arg20 : memref<!tpu.dma_semaphore, #tpu.memory_space<semaphore_mem>>) src(%dma_wait3A_703 : memref<2048x128xf32, #tpu.memory_space<hbm>>) dst(%dma_wait3A_697 : memref<32x128xf32, #tpu.memory_space<vmem>>)
    %parallel_loop3A_704 = arith.constant 64 : i32
    %parallel_loop3A_705 = arith.constant 128 : i32
    %parallel_loop3A_706 = arith.constant 1 : i32
    scf.for %parallel_loop3A_933 = %parallel_loop3A_704 to %parallel_loop3A_705 step %parallel_loop3A_706  : i32 {
      %parallel_loop3A_934 = vector.broadcast %parallel_loop3A_933 : i32 to vector<16xi32>
      %parallel_loop3A_935 = tpu.vector_load_idx %arg13[%parallel_loop3A_934] : memref<256xf32, #tpu.memory_space<vmem>>[vector<16xi32>], vector<16xf32>,
      %parallel_loop3A_936 = arith.constant 5.000000e-01 : f32
      %parallel_loop3A_937 = vector.broadcast %parallel_loop3A_936 : f32 to vector<16xf32>
      %parallel_loop3A_938 = arith.cmpf ogt, %parallel_loop3A_935, %parallel_loop3A_937 : vector<16xf32>
      %parallel_loop3A_939 = arith.constant 0.000000e+00 : f32
      %parallel_loop3A_940 = vector.broadcast %parallel_loop3A_939 : f32 to vector<16xf32>
      %parallel_loop3A_941 = arith.constant 0.000000e+00 : f32
      %parallel_loop3A_942 = vector.broadcast %parallel_loop3A_941 : f32 to vector<16xf32>
      %parallel_loop3A_943 = arith.index_cast %parallel_loop3A_933 : i32 to index
      %parallel_loop3A_944 = arith.constant 0 : index
      %parallel_loop3A_945 = tpu.vector_load %arg14[%parallel_loop3A_943, %parallel_loop3A_944] {strides = array<i32>} : memref<256x128xf32, #tpu.memory_space<vmem>>, vector<16xf32>,
      %parallel_loop3A_946 = arith.index_cast %parallel_loop3A_933 : i32 to index
      %parallel_loop3A_947 = arith.constant 0 : index
      %parallel_loop3A_948 = tpu.vector_load %arg15[%parallel_loop3A_946, %parallel_loop3A_947] {strides = array<i32>} : memref<256x128xf32, #tpu.memory_space<vmem>>, vector<16xf32>,
      %parallel_loop3A_949 = arith.addf %parallel_loop3A_945, %parallel_loop3A_948 : vector<16xf32>
      %parallel_loop3A_950 = arith.select %parallel_loop3A_938, %get3A_573, %get3A_541 : vector<16xi1>, vector<16xf32>
      %parallel_loop3A_951 = arith.addf %parallel_loop3A_949, %parallel_loop3A_950 : vector<16xf32>
      %parallel_loop3A_952 = arith.addf %parallel_loop3A_940, %parallel_loop3A_951 : vector<16xf32>
      %parallel_loop3A_953 = arith.mulf %parallel_loop3A_951, %parallel_loop3A_951 : vector<16xf32>
      %parallel_loop3A_954 = arith.addf %parallel_loop3A_942, %parallel_loop3A_953 : vector<16xf32>
      %parallel_loop3A_955 = arith.index_cast %parallel_loop3A_933 : i32 to index
      %parallel_loop3A_956 = arith.constant 16 : index
      %parallel_loop3A_957 = tpu.vector_load %arg14[%parallel_loop3A_955, %parallel_loop3A_956] {strides = array<i32>} : memref<256x128xf32, #tpu.memory_space<vmem>>, vector<16xf32>,
      %parallel_loop3A_958 = arith.index_cast %parallel_loop3A_933 : i32 to index
      %parallel_loop3A_959 = arith.constant 16 : index
      %parallel_loop3A_960 = tpu.vector_load %arg15[%parallel_loop3A_958, %parallel_loop3A_959] {strides = array<i32>} : memref<256x128xf32, #tpu.memory_space<vmem>>, vector<16xf32>,
      %parallel_loop3A_961 = arith.addf %parallel_loop3A_957, %parallel_loop3A_960 : vector<16xf32>
      %parallel_loop3A_962 = arith.select %parallel_loop3A_938, %get3A_577, %get3A_545 : vector<16xi1>, vector<16xf32>
      %parallel_loop3A_963 = arith.addf %parallel_loop3A_961, %parallel_loop3A_962 : vector<16xf32>
      %parallel_loop3A_964 = arith.addf %parallel_loop3A_952, %parallel_loop3A_963 : vector<16xf32>
      %parallel_loop3A_965 = arith.mulf %parallel_loop3A_963, %parallel_loop3A_963 : vector<16xf32>
      %parallel_loop3A_966 = arith.addf %parallel_loop3A_954, %parallel_loop3A_965 : vector<16xf32>
      %parallel_loop3A_967 = arith.index_cast %parallel_loop3A_933 : i32 to index
      %parallel_loop3A_968 = arith.constant 32 : index
      %parallel_loop3A_969 = tpu.vector_load %arg14[%parallel_loop3A_967, %parallel_loop3A_968] {strides = array<i32>} : memref<256x128xf32, #tpu.memory_space<vmem>>, vector<16xf32>,
      %parallel_loop3A_970 = arith.index_cast %parallel_loop3A_933 : i32 to index
      %parallel_loop3A_971 = arith.constant 32 : index
      %parallel_loop3A_972 = tpu.vector_load %arg15[%parallel_loop3A_970, %parallel_loop3A_971] {strides = array<i32>} : memref<256x128xf32, #tpu.memory_space<vmem>>, vector<16xf32>,
      %parallel_loop3A_973 = arith.addf %parallel_loop3A_969, %parallel_loop3A_972 : vector<16xf32>
      %parallel_loop3A_974 = arith.select %parallel_loop3A_938, %get3A_581, %get3A_549 : vector<16xi1>, vector<16xf32>
      %parallel_loop3A_975 = arith.addf %parallel_loop3A_973, %parallel_loop3A_974 : vector<16xf32>
      %parallel_loop3A_976 = arith.addf %parallel_loop3A_964, %parallel_loop3A_975 : vector<16xf32>
      %parallel_loop3A_977 = arith.mulf %parallel_loop3A_975, %parallel_loop3A_975 : vector<16xf32>
      %parallel_loop3A_978 = arith.addf %parallel_loop3A_966, %parallel_loop3A_977 : vector<16xf32>
      %parallel_loop3A_979 = arith.index_cast %parallel_loop3A_933 : i32 to index
      %parallel_loop3A_980 = arith.constant 48 : index
      %parallel_loop3A_981 = tpu.vector_load %arg14[%parallel_loop3A_979, %parallel_loop3A_980] {strides = array<i32>} : memref<256x128xf32, #tpu.memory_space<vmem>>, vector<16xf32>,
      %parallel_loop3A_982 = arith.index_cast %parallel_loop3A_933 : i32 to index
      %parallel_loop3A_983 = arith.constant 48 : index
      %parallel_loop3A_984 = tpu.vector_load %arg15[%parallel_loop3A_982, %parallel_loop3A_983] {strides = array<i32>} : memref<256x128xf32, #tpu.memory_space<vmem>>, vector<16xf32>,
      %parallel_loop3A_985 = arith.addf %parallel_loop3A_981, %parallel_loop3A_984 : vector<16xf32>
      %parallel_loop3A_986 = arith.select %parallel_loop3A_938, %get3A_585, %get3A_553 : vector<16xi1>, vector<16xf32>
      %parallel_loop3A_987 = arith.addf %parallel_loop3A_985, %parallel_loop3A_986 : vector<16xf32>
      %parallel_loop3A_988 = arith.addf %parallel_loop3A_976, %parallel_loop3A_987 : vector<16xf32>
      %parallel_loop3A_989 = arith.mulf %parallel_loop3A_987, %parallel_loop3A_987 : vector<16xf32>
      %parallel_loop3A_990 = arith.addf %parallel_loop3A_978, %parallel_loop3A_989 : vector<16xf32>
      %parallel_loop3A_991 = arith.index_cast %parallel_loop3A_933 : i32 to index
      %parallel_loop3A_992 = arith.constant 64 : index
      %parallel_loop3A_993 = tpu.vector_load %arg14[%parallel_loop3A_991, %parallel_loop3A_992] {strides = array<i32>} : memref<256x128xf32, #tpu.memory_space<vmem>>, vector<16xf32>,
      %parallel_loop3A_994 = arith.index_cast %parallel_loop3A_933 : i32 to index
      %parallel_loop3A_995 = arith.constant 64 : index
      %parallel_loop3A_996 = tpu.vector_load %arg15[%parallel_loop3A_994, %parallel_loop3A_995] {strides = array<i32>} : memref<256x128xf32, #tpu.memory_space<vmem>>, vector<16xf32>,
      %parallel_loop3A_997 = arith.addf %parallel_loop3A_993, %parallel_loop3A_996 : vector<16xf32>
      %parallel_loop3A_998 = arith.select %parallel_loop3A_938, %get3A_589, %get3A_557 : vector<16xi1>, vector<16xf32>
      %parallel_loop3A_999 = arith.addf %parallel_loop3A_997, %parallel_loop3A_998 : vector<16xf32>
      %parallel_loop3A_1000 = arith.addf %parallel_loop3A_988, %parallel_loop3A_999 : vector<16xf32>
      %parallel_loop3A_1001 = arith.mulf %parallel_loop3A_999, %parallel_loop3A_999 : vector<16xf32>
      %parallel_loop3A_1002 = arith.addf %parallel_loop3A_990, %parallel_loop3A_1001 : vector<16xf32>
      %parallel_loop3A_1003 = arith.index_cast %parallel_loop3A_933 : i32 to index
      %parallel_loop3A_1004 = arith.constant 80 : index
      %parallel_loop3A_1005 = tpu.vector_load %arg14[%parallel_loop3A_1003, %parallel_loop3A_1004] {strides = array<i32>} : memref<256x128xf32, #tpu.memory_space<vmem>>, vector<16xf32>,
      %parallel_loop3A_1006 = arith.index_cast %parallel_loop3A_933 : i32 to index
      %parallel_loop3A_1007 = arith.constant 80 : index
      %parallel_loop3A_1008 = tpu.vector_load %arg15[%parallel_loop3A_1006, %parallel_loop3A_1007] {strides = array<i32>} : memref<256x128xf32, #tpu.memory_space<vmem>>, vector<16xf32>,
      %parallel_loop3A_1009 = arith.addf %parallel_loop3A_1005, %parallel_loop3A_1008 : vector<16xf32>
      %parallel_loop3A_1010 = arith.select %parallel_loop3A_938, %get3A_593, %get3A_561 : vector<16xi1>, vector<16xf32>
      %parallel_loop3A_1011 = arith.addf %parallel_loop3A_1009, %parallel_loop3A_1010 : vector<16xf32>
      %parallel_loop3A_1012 = arith.addf %parallel_loop3A_1000, %parallel_loop3A_1011 : vector<16xf32>
      %parallel_loop3A_1013 = arith.mulf %parallel_loop3A_1011, %parallel_loop3A_1011 : vector<16xf32>
      %parallel_loop3A_1014 = arith.addf %parallel_loop3A_1002, %parallel_loop3A_1013 : vector<16xf32>
      %parallel_loop3A_1015 = arith.index_cast %parallel_loop3A_933 : i32 to index
      %parallel_loop3A_1016 = arith.constant 96 : index
      %parallel_loop3A_1017 = tpu.vector_load %arg14[%parallel_loop3A_1015, %parallel_loop3A_1016] {strides = array<i32>} : memref<256x128xf32, #tpu.memory_space<vmem>>, vector<16xf32>,
      %parallel_loop3A_1018 = arith.index_cast %parallel_loop3A_933 : i32 to index
      %parallel_loop3A_1019 = arith.constant 96 : index
      %parallel_loop3A_1020 = tpu.vector_load %arg15[%parallel_loop3A_1018, %parallel_loop3A_1019] {strides = array<i32>} : memref<256x128xf32, #tpu.memory_space<vmem>>, vector<16xf32>,
      %parallel_loop3A_1021 = arith.addf %parallel_loop3A_1017, %parallel_loop3A_1020 : vector<16xf32>
      %parallel_loop3A_1022 = arith.select %parallel_loop3A_938, %get3A_597, %get3A_565 : vector<16xi1>, vector<16xf32>
      %parallel_loop3A_1023 = arith.addf %parallel_loop3A_1021, %parallel_loop3A_1022 : vector<16xf32>
      %parallel_loop3A_1024 = arith.addf %parallel_loop3A_1012, %parallel_loop3A_1023 : vector<16xf32>
      %parallel_loop3A_1025 = arith.mulf %parallel_loop3A_1023, %parallel_loop3A_1023 : vector<16xf32>
      %parallel_loop3A_1026 = arith.addf %parallel_loop3A_1014, %parallel_loop3A_1025 : vector<16xf32>
      %parallel_loop3A_1027 = arith.index_cast %parallel_loop3A_933 : i32 to index
      %parallel_loop3A_1028 = arith.constant 112 : index
      %parallel_loop3A_1029 = tpu.vector_load %arg14[%parallel_loop3A_1027, %parallel_loop3A_1028] {strides = array<i32>} : memref<256x128xf32, #tpu.memory_space<vmem>>, vector<16xf32>,
      %parallel_loop3A_1030 = arith.index_cast %parallel_loop3A_933 : i32 to index
      %parallel_loop3A_1031 = arith.constant 112 : index
      %parallel_loop3A_1032 = tpu.vector_load %arg15[%parallel_loop3A_1030, %parallel_loop3A_1031] {strides = array<i32>} : memref<256x128xf32, #tpu.memory_space<vmem>>, vector<16xf32>,
      %parallel_loop3A_1033 = arith.addf %parallel_loop3A_1029, %parallel_loop3A_1032 : vector<16xf32>
      %parallel_loop3A_1034 = arith.select %parallel_loop3A_938, %get3A_601, %get3A_569 : vector<16xi1>, vector<16xf32>
      %parallel_loop3A_1035 = arith.addf %parallel_loop3A_1033, %parallel_loop3A_1034 : vector<16xf32>
      %parallel_loop3A_1036 = arith.addf %parallel_loop3A_1024, %parallel_loop3A_1035 : vector<16xf32>
      %parallel_loop3A_1037 = arith.mulf %parallel_loop3A_1035, %parallel_loop3A_1035 : vector<16xf32>
      %parallel_loop3A_1038 = arith.addf %parallel_loop3A_1026, %parallel_loop3A_1037 : vector<16xf32>
      %parallel_loop3A_1039 = arith.constant true
      %parallel_loop3A_1040 = vector.broadcast %parallel_loop3A_1039 : i1 to vector<16xi1>
      %parallel_loop3A_1041 = tpu.scan <sum>, %parallel_loop3A_1036 masked %parallel_loop3A_1040 : vector<16xf32>, vector<16xi1> -> vector<16xf32>
      %parallel_loop3A_1042 = vector.extract %parallel_loop3A_1041[15] : f32 from vector<16xf32>
      %parallel_loop3A_1043 = vector.broadcast %parallel_loop3A_1042 : f32 to vector<16xf32>
      %parallel_loop3A_1044 = arith.constant 7.812500e-03 : f32
      %parallel_loop3A_1045 = vector.broadcast %parallel_loop3A_1044 : f32 to vector<16xf32>
      %parallel_loop3A_1046 = arith.mulf %parallel_loop3A_1043, %parallel_loop3A_1045 : vector<16xf32>
      %parallel_loop3A_1047 = arith.constant true
      %parallel_loop3A_1048 = vector.broadcast %parallel_loop3A_1047 : i1 to vector<16xi1>
      %parallel_loop3A_1049 = tpu.scan <sum>, %parallel_loop3A_1038 masked %parallel_loop3A_1048 : vector<16xf32>, vector<16xi1> -> vector<16xf32>
      %parallel_loop3A_1050 = vector.extract %parallel_loop3A_1049[15] : f32 from vector<16xf32>
      %parallel_loop3A_1051 = vector.broadcast %parallel_loop3A_1050 : f32 to vector<16xf32>
      %parallel_loop3A_1052 = arith.constant 7.812500e-03 : f32
      %parallel_loop3A_1053 = vector.broadcast %parallel_loop3A_1052 : f32 to vector<16xf32>
      %parallel_loop3A_1054 = arith.mulf %parallel_loop3A_1051, %parallel_loop3A_1053 : vector<16xf32>
      %parallel_loop3A_1055 = arith.mulf %parallel_loop3A_1046, %parallel_loop3A_1046 : vector<16xf32>
      %parallel_loop3A_1056 = arith.subf %parallel_loop3A_1054, %parallel_loop3A_1055 : vector<16xf32>
      %parallel_loop3A_1057 = arith.constant 9.99999996E-13 : f32
      %parallel_loop3A_1058 = vector.broadcast %parallel_loop3A_1057 : f32 to vector<16xf32>
      %parallel_loop3A_1059 = arith.addf %parallel_loop3A_1056, %parallel_loop3A_1058 : vector<16xf32>
      %parallel_loop3A_1060 = vector.bitcast %parallel_loop3A_1059 : vector<16xf32> to vector<16xi32>
      %parallel_loop3A_1061 = arith.constant 1 : i32
      %parallel_loop3A_1062 = vector.broadcast %parallel_loop3A_1061 : i32 to vector<16xi32>
      %parallel_loop3A_1063 = arith.shrsi %parallel_loop3A_1060, %parallel_loop3A_1062 : vector<16xi32>
      %parallel_loop3A_1064 = arith.constant 1597463007 : i32
      %parallel_loop3A_1065 = vector.broadcast %parallel_loop3A_1064 : i32 to vector<16xi32>
      %parallel_loop3A_1066 = arith.subi %parallel_loop3A_1065, %parallel_loop3A_1063 : vector<16xi32>
      %parallel_loop3A_1067 = vector.bitcast %parallel_loop3A_1066 : vector<16xi32> to vector<16xf32>
      %parallel_loop3A_1068 = arith.constant 5.000000e-01 : f32
      %parallel_loop3A_1069 = vector.broadcast %parallel_loop3A_1068 : f32 to vector<16xf32>
      %parallel_loop3A_1070 = arith.mulf %parallel_loop3A_1069, %parallel_loop3A_1059 : vector<16xf32>
      %parallel_loop3A_1071 = arith.mulf %parallel_loop3A_1070, %parallel_loop3A_1067 : vector<16xf32>
      %parallel_loop3A_1072 = arith.mulf %parallel_loop3A_1071, %parallel_loop3A_1067 : vector<16xf32>
      %parallel_loop3A_1073 = arith.constant 1.500000e+00 : f32
      %parallel_loop3A_1074 = vector.broadcast %parallel_loop3A_1073 : f32 to vector<16xf32>
      %parallel_loop3A_1075 = arith.subf %parallel_loop3A_1074, %parallel_loop3A_1072 : vector<16xf32>
      %parallel_loop3A_1076 = arith.mulf %parallel_loop3A_1067, %parallel_loop3A_1075 : vector<16xf32>
      %parallel_loop3A_1077 = arith.constant 5.000000e-01 : f32
      %parallel_loop3A_1078 = vector.broadcast %parallel_loop3A_1077 : f32 to vector<16xf32>
      %parallel_loop3A_1079 = arith.mulf %parallel_loop3A_1078, %parallel_loop3A_1059 : vector<16xf32>
      %parallel_loop3A_1080 = arith.mulf %parallel_loop3A_1079, %parallel_loop3A_1076 : vector<16xf32>
      %parallel_loop3A_1081 = arith.mulf %parallel_loop3A_1080, %parallel_loop3A_1076 : vector<16xf32>
      %parallel_loop3A_1082 = arith.constant 1.500000e+00 : f32
      %parallel_loop3A_1083 = vector.broadcast %parallel_loop3A_1082 : f32 to vector<16xf32>
      %parallel_loop3A_1084 = arith.subf %parallel_loop3A_1083, %parallel_loop3A_1081 : vector<16xf32>
      %parallel_loop3A_1085 = arith.mulf %parallel_loop3A_1076, %parallel_loop3A_1084 : vector<16xf32>
      %parallel_loop3A_1086 = arith.subf %parallel_loop3A_951, %parallel_loop3A_1046 : vector<16xf32>
      %parallel_loop3A_1087 = arith.mulf %parallel_loop3A_1086, %parallel_loop3A_1085 : vector<16xf32>
      %parallel_loop3A_1088 = arith.mulf %parallel_loop3A_1087, %get3A_507 : vector<16xf32>
      %parallel_loop3A_1089 = arith.addf %parallel_loop3A_1088, %get3A_523 : vector<16xf32>
      %parallel_loop3A_1090 = arith.index_cast %parallel_loop3A_933 : i32 to index
      %parallel_loop3A_1091 = arith.constant 0 : index
      %parallel_loop3A_1092 = tpu.vector_load %arg14[%parallel_loop3A_1090, %parallel_loop3A_1091] {strides = array<i32>} : memref<256x128xf32, #tpu.memory_space<vmem>>, vector<16xf32>,
      tpu.vector_store %arg14[%parallel_loop3A_1090, %parallel_loop3A_1091], %parallel_loop3A_1089 {strides = array<i32>} : memref<256x128xf32, #tpu.memory_space<vmem>>, vector<16xf32>,
      %parallel_loop3A_1093 = arith.subf %parallel_loop3A_963, %parallel_loop3A_1046 : vector<16xf32>
      %parallel_loop3A_1094 = arith.mulf %parallel_loop3A_1093, %parallel_loop3A_1085 : vector<16xf32>
      %parallel_loop3A_1095 = arith.mulf %parallel_loop3A_1094, %get3A_509 : vector<16xf32>
      %parallel_loop3A_1096 = arith.addf %parallel_loop3A_1095, %get3A_525 : vector<16xf32>
      %parallel_loop3A_1097 = arith.index_cast %parallel_loop3A_933 : i32 to index
      %parallel_loop3A_1098 = arith.constant 16 : index
      %parallel_loop3A_1099 = tpu.vector_load %arg14[%parallel_loop3A_1097, %parallel_loop3A_1098] {strides = array<i32>} : memref<256x128xf32, #tpu.memory_space<vmem>>, vector<16xf32>,
      tpu.vector_store %arg14[%parallel_loop3A_1097, %parallel_loop3A_1098], %parallel_loop3A_1096 {strides = array<i32>} : memref<256x128xf32, #tpu.memory_space<vmem>>, vector<16xf32>,
      %parallel_loop3A_1100 = arith.subf %parallel_loop3A_975, %parallel_loop3A_1046 : vector<16xf32>
      %parallel_loop3A_1101 = arith.mulf %parallel_loop3A_1100, %parallel_loop3A_1085 : vector<16xf32>
      %parallel_loop3A_1102 = arith.mulf %parallel_loop3A_1101, %get3A_511 : vector<16xf32>
      %parallel_loop3A_1103 = arith.addf %parallel_loop3A_1102, %get3A_527 : vector<16xf32>
      %parallel_loop3A_1104 = arith.index_cast %parallel_loop3A_933 : i32 to index
      %parallel_loop3A_1105 = arith.constant 32 : index
      %parallel_loop3A_1106 = tpu.vector_load %arg14[%parallel_loop3A_1104, %parallel_loop3A_1105] {strides = array<i32>} : memref<256x128xf32, #tpu.memory_space<vmem>>, vector<16xf32>,
      tpu.vector_store %arg14[%parallel_loop3A_1104, %parallel_loop3A_1105], %parallel_loop3A_1103 {strides = array<i32>} : memref<256x128xf32, #tpu.memory_space<vmem>>, vector<16xf32>,
      %parallel_loop3A_1107 = arith.subf %parallel_loop3A_987, %parallel_loop3A_1046 : vector<16xf32>
      %parallel_loop3A_1108 = arith.mulf %parallel_loop3A_1107, %parallel_loop3A_1085 : vector<16xf32>
      %parallel_loop3A_1109 = arith.mulf %parallel_loop3A_1108, %get3A_513 : vector<16xf32>
      %parallel_loop3A_1110 = arith.addf %parallel_loop3A_1109, %get3A_529 : vector<16xf32>
      %parallel_loop3A_1111 = arith.index_cast %parallel_loop3A_933 : i32 to index
      %parallel_loop3A_1112 = arith.constant 48 : index
      %parallel_loop3A_1113 = tpu.vector_load %arg14[%parallel_loop3A_1111, %parallel_loop3A_1112] {strides = array<i32>} : memref<256x128xf32, #tpu.memory_space<vmem>>, vector<16xf32>,
      tpu.vector_store %arg14[%parallel_loop3A_1111, %parallel_loop3A_1112], %parallel_loop3A_1110 {strides = array<i32>} : memref<256x128xf32, #tpu.memory_space<vmem>>, vector<16xf32>,
      %parallel_loop3A_1114 = arith.subf %parallel_loop3A_999, %parallel_loop3A_1046 : vector<16xf32>
      %parallel_loop3A_1115 = arith.mulf %parallel_loop3A_1114, %parallel_loop3A_1085 : vector<16xf32>
      %parallel_loop3A_1116 = arith.mulf %parallel_loop3A_1115, %get3A_515 : vector<16xf32>
      %parallel_loop3A_1117 = arith.addf %parallel_loop3A_1116, %get3A_531 : vector<16xf32>
      %parallel_loop3A_1118 = arith.index_cast %parallel_loop3A_933 : i32 to index
      %parallel_loop3A_1119 = arith.constant 64 : index
      %parallel_loop3A_1120 = tpu.vector_load %arg14[%parallel_loop3A_1118, %parallel_loop3A_1119] {strides = array<i32>} : memref<256x128xf32, #tpu.memory_space<vmem>>, vector<16xf32>,
      tpu.vector_store %arg14[%parallel_loop3A_1118, %parallel_loop3A_1119], %parallel_loop3A_1117 {strides = array<i32>} : memref<256x128xf32, #tpu.memory_space<vmem>>, vector<16xf32>,
      %parallel_loop3A_1121 = arith.subf %parallel_loop3A_1011, %parallel_loop3A_1046 : vector<16xf32>
      %parallel_loop3A_1122 = arith.mulf %parallel_loop3A_1121, %parallel_loop3A_1085 : vector<16xf32>
      %parallel_loop3A_1123 = arith.mulf %parallel_loop3A_1122, %get3A_517 : vector<16xf32>
      %parallel_loop3A_1124 = arith.addf %parallel_loop3A_1123, %get3A_533 : vector<16xf32>
      %parallel_loop3A_1125 = arith.index_cast %parallel_loop3A_933 : i32 to index
      %parallel_loop3A_1126 = arith.constant 80 : index
      %parallel_loop3A_1127 = tpu.vector_load %arg14[%parallel_loop3A_1125, %parallel_loop3A_1126] {strides = array<i32>} : memref<256x128xf32, #tpu.memory_space<vmem>>, vector<16xf32>,
      tpu.vector_store %arg14[%parallel_loop3A_1125, %parallel_loop3A_1126], %parallel_loop3A_1124 {strides = array<i32>} : memref<256x128xf32, #tpu.memory_space<vmem>>, vector<16xf32>,
      %parallel_loop3A_1128 = arith.subf %parallel_loop3A_1023, %parallel_loop3A_1046 : vector<16xf32>
      %parallel_loop3A_1129 = arith.mulf %parallel_loop3A_1128, %parallel_loop3A_1085 : vector<16xf32>
      %parallel_loop3A_1130 = arith.mulf %parallel_loop3A_1129, %get3A_519 : vector<16xf32>
      %parallel_loop3A_1131 = arith.addf %parallel_loop3A_1130, %get3A_535 : vector<16xf32>
      %parallel_loop3A_1132 = arith.index_cast %parallel_loop3A_933 : i32 to index
      %parallel_loop3A_1133 = arith.constant 96 : index
      %parallel_loop3A_1134 = tpu.vector_load %arg14[%parallel_loop3A_1132, %parallel_loop3A_1133] {strides = array<i32>} : memref<256x128xf32, #tpu.memory_space<vmem>>, vector<16xf32>,
      tpu.vector_store %arg14[%parallel_loop3A_1132, %parallel_loop3A_1133], %parallel_loop3A_1131 {strides = array<i32>} : memref<256x128xf32, #tpu.memory_space<vmem>>, vector<16xf32>,
      %parallel_loop3A_1135 = arith.subf %parallel_loop3A_1035, %parallel_loop3A_1046 : vector<16xf32>
      %parallel_loop3A_1136 = arith.mulf %parallel_loop3A_1135, %parallel_loop3A_1085 : vector<16xf32>
      %parallel_loop3A_1137 = arith.mulf %parallel_loop3A_1136, %get3A_521 : vector<16xf32>
      %parallel_loop3A_1138 = arith.addf %parallel_loop3A_1137, %get3A_537 : vector<16xf32>
      %parallel_loop3A_1139 = arith.index_cast %parallel_loop3A_933 : i32 to index
      %parallel_loop3A_1140 = arith.constant 112 : index
      %parallel_loop3A_1141 = tpu.vector_load %arg14[%parallel_loop3A_1139, %parallel_loop3A_1140] {strides = array<i32>} : memref<256x128xf32, #tpu.memory_space<vmem>>, vector<16xf32>,
      tpu.vector_store %arg14[%parallel_loop3A_1139, %parallel_loop3A_1140], %parallel_loop3A_1138 {strides = array<i32>} : memref<256x128xf32, #tpu.memory_space<vmem>>, vector<16xf32>,
    } {sc.loop_unroll_factor = 8 : i64, sc.parallel_access}
    %dma_start3A_707 = arith.constant 64 : i32
    %dma_start3A_708 = arith.constant 0 : i32
    %dma_start3A_709 = tpu.memref_slice %arg14[%dma_start3A_707, %dma_start3A_708] : memref<256x128xf32, #tpu.memory_space<vmem>> -> memref<64x128xf32, #tpu.memory_space<vmem>>
    %dma_start3A_710 = arith.constant 0 : i32
    %dma_start3A_711 = arith.constant 0 : i32
    %dma_start3A_712 = tpu.memref_slice %arg9[%add3A, %dma_start3A_710, %dma_start3A_711] : memref<32x256x128xf32, #tpu.memory_space<hbm>> -> memref<1x256x128xf32, #tpu.memory_space<hbm>>
    %dma_start3A_713 = tpu.memref_squeeze %dma_start3A_712 : memref<1x256x128xf32, #tpu.memory_space<hbm>> -> memref<256x128xf32, #tpu.memory_space<hbm>>
    %dma_start3A_714 = arith.constant 64 : i32
    %dma_start3A_715 = arith.constant 0 : i32
    %dma_start3A_716 = tpu.memref_slice %dma_start3A_713[%dma_start3A_714, %dma_start3A_715] : memref<256x128xf32, #tpu.memory_space<hbm>> -> memref<64x128xf32, #tpu.memory_space<hbm>>
    %dma_start3A_717 = arith.constant 0 : i32
    %dma_start3A_718 = arith.constant 0 : i32
    %dma_start3A_719 = tpu.memref_slice %arg9[%add3A, %dma_start3A_717, %dma_start3A_718] : memref<32x256x128xf32, #tpu.memory_space<hbm>> -> memref<1x256x128xf32, #tpu.memory_space<hbm>>
    %dma_start3A_720 = tpu.memref_squeeze %dma_start3A_719 : memref<1x256x128xf32, #tpu.memory_space<hbm>> -> memref<256x128xf32, #tpu.memory_space<hbm>>
    %dma_start3A_721 = arith.constant 64 : i32
    %dma_start3A_722 = arith.constant 0 : i32
    %dma_start3A_723 = tpu.memref_slice %dma_start3A_720[%dma_start3A_721, %dma_start3A_722] : memref<256x128xf32, #tpu.memory_space<hbm>> -> memref<64x128xf32, #tpu.memory_space<hbm>>
    %dma_start3A_724 = arith.constant 64 : i32
    %dma_start3A_725 = arith.constant 0 : i32
    %dma_start3A_726 = tpu.memref_slice %arg14[%dma_start3A_724, %dma_start3A_725] : memref<256x128xf32, #tpu.memory_space<vmem>> -> memref<64x128xf32, #tpu.memory_space<vmem>>
    tpu.enqueue_dma source(%dma_start3A_726 : memref<64x128xf32, #tpu.memory_space<vmem>>) target(%dma_start3A_723 : memref<64x128xf32, #tpu.memory_space<hbm>>) target_semaphore(%arg21 : memref<!tpu.dma_semaphore, #tpu.memory_space<semaphore_mem>>)
    %dma_wait3A_727 = arith.constant 4 : i32
    %dma_wait3A_728 = arith.constant 128 : i32
    %dma_wait3A_729 = arith.constant 0 : i32
    %dma_wait3A_730 = tpu.memref_slice %arg14[%dma_wait3A_728, %dma_wait3A_729] : memref<256x128xf32, #tpu.memory_space<vmem>> -> memref<32x128xf32, #tpu.memory_space<vmem>>
    %dma_wait3A_731 = arith.constant 0 : i32
    %dma_wait3A_732 = tpu.memref_slice %arg12[%dma_wait3A_727, %dma_wait3A_731] : memref<8x32xi32, #tpu.memory_space<vmem>> -> memref<1x32xi32, #tpu.memory_space<vmem>>
    %dma_wait3A_733 = tpu.memref_squeeze %dma_wait3A_732 : memref<1x32xi32, #tpu.memory_space<vmem>> -> memref<32xi32, #tpu.memory_space<vmem>>
    %dma_wait3A_734 = arith.constant 0 : i32
    %dma_wait3A_735 = arith.constant 0 : i32
    %dma_wait3A_736 = tpu.memref_slice %arg4[%dma_wait3A_734, %dma_wait3A_735] : memref<100000x128xf32, #tpu.memory_space<hbm>> -> memref<100000x128xf32, #tpu.memory_space<hbm>>
    tpu.wait_indirect_dma semaphore(%arg20 : memref<!tpu.dma_semaphore, #tpu.memory_space<semaphore_mem>>) src(%dma_wait3A_736 : memref<100000x128xf32, #tpu.memory_space<hbm>>) dst(%dma_wait3A_730 : memref<32x128xf32, #tpu.memory_space<vmem>>)
    %dma_wait3A_737 = arith.constant 4 : i32
    %dma_wait3A_738 = arith.constant 128 : i32
    %dma_wait3A_739 = arith.constant 0 : i32
    %dma_wait3A_740 = tpu.memref_slice %arg15[%dma_wait3A_738, %dma_wait3A_739] : memref<256x128xf32, #tpu.memory_space<vmem>> -> memref<32x128xf32, #tpu.memory_space<vmem>>
    %dma_wait3A_741 = arith.constant 0 : i32
    %dma_wait3A_742 = tpu.memref_slice %arg11[%dma_wait3A_737, %dma_wait3A_741] : memref<8x32xi32, #tpu.memory_space<vmem>> -> memref<1x32xi32, #tpu.memory_space<vmem>>
    %dma_wait3A_743 = tpu.memref_squeeze %dma_wait3A_742 : memref<1x32xi32, #tpu.memory_space<vmem>> -> memref<32xi32, #tpu.memory_space<vmem>>
    %dma_wait3A_744 = arith.constant 0 : i32
    %dma_wait3A_745 = arith.constant 0 : i32
    %dma_wait3A_746 = tpu.memref_slice %arg5[%dma_wait3A_744, %dma_wait3A_745] : memref<2048x128xf32, #tpu.memory_space<hbm>> -> memref<2048x128xf32, #tpu.memory_space<hbm>>
    tpu.wait_indirect_dma semaphore(%arg20 : memref<!tpu.dma_semaphore, #tpu.memory_space<semaphore_mem>>) src(%dma_wait3A_746 : memref<2048x128xf32, #tpu.memory_space<hbm>>) dst(%dma_wait3A_740 : memref<32x128xf32, #tpu.memory_space<vmem>>)
    %dma_wait3A_747 = arith.constant 5 : i32
    %dma_wait3A_748 = arith.constant 160 : i32
    %dma_wait3A_749 = arith.constant 0 : i32
    %dma_wait3A_750 = tpu.memref_slice %arg14[%dma_wait3A_748, %dma_wait3A_749] : memref<256x128xf32, #tpu.memory_space<vmem>> -> memref<32x128xf32, #tpu.memory_space<vmem>>
    %dma_wait3A_751 = arith.constant 0 : i32
    %dma_wait3A_752 = tpu.memref_slice %arg12[%dma_wait3A_747, %dma_wait3A_751] : memref<8x32xi32, #tpu.memory_space<vmem>> -> memref<1x32xi32, #tpu.memory_space<vmem>>
    %dma_wait3A_753 = tpu.memref_squeeze %dma_wait3A_752 : memref<1x32xi32, #tpu.memory_space<vmem>> -> memref<32xi32, #tpu.memory_space<vmem>>
    %dma_wait3A_754 = arith.constant 0 : i32
    %dma_wait3A_755 = arith.constant 0 : i32
    %dma_wait3A_756 = tpu.memref_slice %arg4[%dma_wait3A_754, %dma_wait3A_755] : memref<100000x128xf32, #tpu.memory_space<hbm>> -> memref<100000x128xf32, #tpu.memory_space<hbm>>
    tpu.wait_indirect_dma semaphore(%arg20 : memref<!tpu.dma_semaphore, #tpu.memory_space<semaphore_mem>>) src(%dma_wait3A_756 : memref<100000x128xf32, #tpu.memory_space<hbm>>) dst(%dma_wait3A_750 : memref<32x128xf32, #tpu.memory_space<vmem>>)
    %dma_wait3A_757 = arith.constant 5 : i32
    %dma_wait3A_758 = arith.constant 160 : i32
    %dma_wait3A_759 = arith.constant 0 : i32
    %dma_wait3A_760 = tpu.memref_slice %arg15[%dma_wait3A_758, %dma_wait3A_759] : memref<256x128xf32, #tpu.memory_space<vmem>> -> memref<32x128xf32, #tpu.memory_space<vmem>>
    %dma_wait3A_761 = arith.constant 0 : i32
    %dma_wait3A_762 = tpu.memref_slice %arg11[%dma_wait3A_757, %dma_wait3A_761] : memref<8x32xi32, #tpu.memory_space<vmem>> -> memref<1x32xi32, #tpu.memory_space<vmem>>
    %dma_wait3A_763 = tpu.memref_squeeze %dma_wait3A_762 : memref<1x32xi32, #tpu.memory_space<vmem>> -> memref<32xi32, #tpu.memory_space<vmem>>
    %dma_wait3A_764 = arith.constant 0 : i32
    %dma_wait3A_765 = arith.constant 0 : i32
    %dma_wait3A_766 = tpu.memref_slice %arg5[%dma_wait3A_764, %dma_wait3A_765] : memref<2048x128xf32, #tpu.memory_space<hbm>> -> memref<2048x128xf32, #tpu.memory_space<hbm>>
    tpu.wait_indirect_dma semaphore(%arg20 : memref<!tpu.dma_semaphore, #tpu.memory_space<semaphore_mem>>) src(%dma_wait3A_766 : memref<2048x128xf32, #tpu.memory_space<hbm>>) dst(%dma_wait3A_760 : memref<32x128xf32, #tpu.memory_space<vmem>>)
    %parallel_loop3A_767 = arith.constant 128 : i32
    %parallel_loop3A_768 = arith.constant 192 : i32
    %parallel_loop3A_769 = arith.constant 1 : i32
    scf.for %parallel_loop3A_933 = %parallel_loop3A_767 to %parallel_loop3A_768 step %parallel_loop3A_769  : i32 {
      %parallel_loop3A_934 = vector.broadcast %parallel_loop3A_933 : i32 to vector<16xi32>
      %parallel_loop3A_935 = tpu.vector_load_idx %arg13[%parallel_loop3A_934] : memref<256xf32, #tpu.memory_space<vmem>>[vector<16xi32>], vector<16xf32>,
      %parallel_loop3A_936 = arith.constant 5.000000e-01 : f32
      %parallel_loop3A_937 = vector.broadcast %parallel_loop3A_936 : f32 to vector<16xf32>
      %parallel_loop3A_938 = arith.cmpf ogt, %parallel_loop3A_935, %parallel_loop3A_937 : vector<16xf32>
      %parallel_loop3A_939 = arith.constant 0.000000e+00 : f32
      %parallel_loop3A_940 = vector.broadcast %parallel_loop3A_939 : f32 to vector<16xf32>
      %parallel_loop3A_941 = arith.constant 0.000000e+00 : f32
      %parallel_loop3A_942 = vector.broadcast %parallel_loop3A_941 : f32 to vector<16xf32>
      %parallel_loop3A_943 = arith.index_cast %parallel_loop3A_933 : i32 to index
      %parallel_loop3A_944 = arith.constant 0 : index
      %parallel_loop3A_945 = tpu.vector_load %arg14[%parallel_loop3A_943, %parallel_loop3A_944] {strides = array<i32>} : memref<256x128xf32, #tpu.memory_space<vmem>>, vector<16xf32>,
      %parallel_loop3A_946 = arith.index_cast %parallel_loop3A_933 : i32 to index
      %parallel_loop3A_947 = arith.constant 0 : index
      %parallel_loop3A_948 = tpu.vector_load %arg15[%parallel_loop3A_946, %parallel_loop3A_947] {strides = array<i32>} : memref<256x128xf32, #tpu.memory_space<vmem>>, vector<16xf32>,
      %parallel_loop3A_949 = arith.addf %parallel_loop3A_945, %parallel_loop3A_948 : vector<16xf32>
      %parallel_loop3A_950 = arith.select %parallel_loop3A_938, %get3A_573, %get3A_541 : vector<16xi1>, vector<16xf32>
      %parallel_loop3A_951 = arith.addf %parallel_loop3A_949, %parallel_loop3A_950 : vector<16xf32>
      %parallel_loop3A_952 = arith.addf %parallel_loop3A_940, %parallel_loop3A_951 : vector<16xf32>
      %parallel_loop3A_953 = arith.mulf %parallel_loop3A_951, %parallel_loop3A_951 : vector<16xf32>
      %parallel_loop3A_954 = arith.addf %parallel_loop3A_942, %parallel_loop3A_953 : vector<16xf32>
      %parallel_loop3A_955 = arith.index_cast %parallel_loop3A_933 : i32 to index
      %parallel_loop3A_956 = arith.constant 16 : index
      %parallel_loop3A_957 = tpu.vector_load %arg14[%parallel_loop3A_955, %parallel_loop3A_956] {strides = array<i32>} : memref<256x128xf32, #tpu.memory_space<vmem>>, vector<16xf32>,
      %parallel_loop3A_958 = arith.index_cast %parallel_loop3A_933 : i32 to index
      %parallel_loop3A_959 = arith.constant 16 : index
      %parallel_loop3A_960 = tpu.vector_load %arg15[%parallel_loop3A_958, %parallel_loop3A_959] {strides = array<i32>} : memref<256x128xf32, #tpu.memory_space<vmem>>, vector<16xf32>,
      %parallel_loop3A_961 = arith.addf %parallel_loop3A_957, %parallel_loop3A_960 : vector<16xf32>
      %parallel_loop3A_962 = arith.select %parallel_loop3A_938, %get3A_577, %get3A_545 : vector<16xi1>, vector<16xf32>
      %parallel_loop3A_963 = arith.addf %parallel_loop3A_961, %parallel_loop3A_962 : vector<16xf32>
      %parallel_loop3A_964 = arith.addf %parallel_loop3A_952, %parallel_loop3A_963 : vector<16xf32>
      %parallel_loop3A_965 = arith.mulf %parallel_loop3A_963, %parallel_loop3A_963 : vector<16xf32>
      %parallel_loop3A_966 = arith.addf %parallel_loop3A_954, %parallel_loop3A_965 : vector<16xf32>
      %parallel_loop3A_967 = arith.index_cast %parallel_loop3A_933 : i32 to index
      %parallel_loop3A_968 = arith.constant 32 : index
      %parallel_loop3A_969 = tpu.vector_load %arg14[%parallel_loop3A_967, %parallel_loop3A_968] {strides = array<i32>} : memref<256x128xf32, #tpu.memory_space<vmem>>, vector<16xf32>,
      %parallel_loop3A_970 = arith.index_cast %parallel_loop3A_933 : i32 to index
      %parallel_loop3A_971 = arith.constant 32 : index
      %parallel_loop3A_972 = tpu.vector_load %arg15[%parallel_loop3A_970, %parallel_loop3A_971] {strides = array<i32>} : memref<256x128xf32, #tpu.memory_space<vmem>>, vector<16xf32>,
      %parallel_loop3A_973 = arith.addf %parallel_loop3A_969, %parallel_loop3A_972 : vector<16xf32>
      %parallel_loop3A_974 = arith.select %parallel_loop3A_938, %get3A_581, %get3A_549 : vector<16xi1>, vector<16xf32>
      %parallel_loop3A_975 = arith.addf %parallel_loop3A_973, %parallel_loop3A_974 : vector<16xf32>
      %parallel_loop3A_976 = arith.addf %parallel_loop3A_964, %parallel_loop3A_975 : vector<16xf32>
      %parallel_loop3A_977 = arith.mulf %parallel_loop3A_975, %parallel_loop3A_975 : vector<16xf32>
      %parallel_loop3A_978 = arith.addf %parallel_loop3A_966, %parallel_loop3A_977 : vector<16xf32>
      %parallel_loop3A_979 = arith.index_cast %parallel_loop3A_933 : i32 to index
      %parallel_loop3A_980 = arith.constant 48 : index
      %parallel_loop3A_981 = tpu.vector_load %arg14[%parallel_loop3A_979, %parallel_loop3A_980] {strides = array<i32>} : memref<256x128xf32, #tpu.memory_space<vmem>>, vector<16xf32>,
      %parallel_loop3A_982 = arith.index_cast %parallel_loop3A_933 : i32 to index
      %parallel_loop3A_983 = arith.constant 48 : index
      %parallel_loop3A_984 = tpu.vector_load %arg15[%parallel_loop3A_982, %parallel_loop3A_983] {strides = array<i32>} : memref<256x128xf32, #tpu.memory_space<vmem>>, vector<16xf32>,
      %parallel_loop3A_985 = arith.addf %parallel_loop3A_981, %parallel_loop3A_984 : vector<16xf32>
      %parallel_loop3A_986 = arith.select %parallel_loop3A_938, %get3A_585, %get3A_553 : vector<16xi1>, vector<16xf32>
      %parallel_loop3A_987 = arith.addf %parallel_loop3A_985, %parallel_loop3A_986 : vector<16xf32>
      %parallel_loop3A_988 = arith.addf %parallel_loop3A_976, %parallel_loop3A_987 : vector<16xf32>
      %parallel_loop3A_989 = arith.mulf %parallel_loop3A_987, %parallel_loop3A_987 : vector<16xf32>
      %parallel_loop3A_990 = arith.addf %parallel_loop3A_978, %parallel_loop3A_989 : vector<16xf32>
      %parallel_loop3A_991 = arith.index_cast %parallel_loop3A_933 : i32 to index
      %parallel_loop3A_992 = arith.constant 64 : index
      %parallel_loop3A_993 = tpu.vector_load %arg14[%parallel_loop3A_991, %parallel_loop3A_992] {strides = array<i32>} : memref<256x128xf32, #tpu.memory_space<vmem>>, vector<16xf32>,
      %parallel_loop3A_994 = arith.index_cast %parallel_loop3A_933 : i32 to index
      %parallel_loop3A_995 = arith.constant 64 : index
      %parallel_loop3A_996 = tpu.vector_load %arg15[%parallel_loop3A_994, %parallel_loop3A_995] {strides = array<i32>} : memref<256x128xf32, #tpu.memory_space<vmem>>, vector<16xf32>,
      %parallel_loop3A_997 = arith.addf %parallel_loop3A_993, %parallel_loop3A_996 : vector<16xf32>
      %parallel_loop3A_998 = arith.select %parallel_loop3A_938, %get3A_589, %get3A_557 : vector<16xi1>, vector<16xf32>
      %parallel_loop3A_999 = arith.addf %parallel_loop3A_997, %parallel_loop3A_998 : vector<16xf32>
      %parallel_loop3A_1000 = arith.addf %parallel_loop3A_988, %parallel_loop3A_999 : vector<16xf32>
      %parallel_loop3A_1001 = arith.mulf %parallel_loop3A_999, %parallel_loop3A_999 : vector<16xf32>
      %parallel_loop3A_1002 = arith.addf %parallel_loop3A_990, %parallel_loop3A_1001 : vector<16xf32>
      %parallel_loop3A_1003 = arith.index_cast %parallel_loop3A_933 : i32 to index
      %parallel_loop3A_1004 = arith.constant 80 : index
      %parallel_loop3A_1005 = tpu.vector_load %arg14[%parallel_loop3A_1003, %parallel_loop3A_1004] {strides = array<i32>} : memref<256x128xf32, #tpu.memory_space<vmem>>, vector<16xf32>,
      %parallel_loop3A_1006 = arith.index_cast %parallel_loop3A_933 : i32 to index
      %parallel_loop3A_1007 = arith.constant 80 : index
      %parallel_loop3A_1008 = tpu.vector_load %arg15[%parallel_loop3A_1006, %parallel_loop3A_1007] {strides = array<i32>} : memref<256x128xf32, #tpu.memory_space<vmem>>, vector<16xf32>,
      %parallel_loop3A_1009 = arith.addf %parallel_loop3A_1005, %parallel_loop3A_1008 : vector<16xf32>
      %parallel_loop3A_1010 = arith.select %parallel_loop3A_938, %get3A_593, %get3A_561 : vector<16xi1>, vector<16xf32>
      %parallel_loop3A_1011 = arith.addf %parallel_loop3A_1009, %parallel_loop3A_1010 : vector<16xf32>
      %parallel_loop3A_1012 = arith.addf %parallel_loop3A_1000, %parallel_loop3A_1011 : vector<16xf32>
      %parallel_loop3A_1013 = arith.mulf %parallel_loop3A_1011, %parallel_loop3A_1011 : vector<16xf32>
      %parallel_loop3A_1014 = arith.addf %parallel_loop3A_1002, %parallel_loop3A_1013 : vector<16xf32>
      %parallel_loop3A_1015 = arith.index_cast %parallel_loop3A_933 : i32 to index
      %parallel_loop3A_1016 = arith.constant 96 : index
      %parallel_loop3A_1017 = tpu.vector_load %arg14[%parallel_loop3A_1015, %parallel_loop3A_1016] {strides = array<i32>} : memref<256x128xf32, #tpu.memory_space<vmem>>, vector<16xf32>,
      %parallel_loop3A_1018 = arith.index_cast %parallel_loop3A_933 : i32 to index
      %parallel_loop3A_1019 = arith.constant 96 : index
      %parallel_loop3A_1020 = tpu.vector_load %arg15[%parallel_loop3A_1018, %parallel_loop3A_1019] {strides = array<i32>} : memref<256x128xf32, #tpu.memory_space<vmem>>, vector<16xf32>,
      %parallel_loop3A_1021 = arith.addf %parallel_loop3A_1017, %parallel_loop3A_1020 : vector<16xf32>
      %parallel_loop3A_1022 = arith.select %parallel_loop3A_938, %get3A_597, %get3A_565 : vector<16xi1>, vector<16xf32>
      %parallel_loop3A_1023 = arith.addf %parallel_loop3A_1021, %parallel_loop3A_1022 : vector<16xf32>
      %parallel_loop3A_1024 = arith.addf %parallel_loop3A_1012, %parallel_loop3A_1023 : vector<16xf32>
      %parallel_loop3A_1025 = arith.mulf %parallel_loop3A_1023, %parallel_loop3A_1023 : vector<16xf32>
      %parallel_loop3A_1026 = arith.addf %parallel_loop3A_1014, %parallel_loop3A_1025 : vector<16xf32>
      %parallel_loop3A_1027 = arith.index_cast %parallel_loop3A_933 : i32 to index
      %parallel_loop3A_1028 = arith.constant 112 : index
      %parallel_loop3A_1029 = tpu.vector_load %arg14[%parallel_loop3A_1027, %parallel_loop3A_1028] {strides = array<i32>} : memref<256x128xf32, #tpu.memory_space<vmem>>, vector<16xf32>,
      %parallel_loop3A_1030 = arith.index_cast %parallel_loop3A_933 : i32 to index
      %parallel_loop3A_1031 = arith.constant 112 : index
      %parallel_loop3A_1032 = tpu.vector_load %arg15[%parallel_loop3A_1030, %parallel_loop3A_1031] {strides = array<i32>} : memref<256x128xf32, #tpu.memory_space<vmem>>, vector<16xf32>,
      %parallel_loop3A_1033 = arith.addf %parallel_loop3A_1029, %parallel_loop3A_1032 : vector<16xf32>
      %parallel_loop3A_1034 = arith.select %parallel_loop3A_938, %get3A_601, %get3A_569 : vector<16xi1>, vector<16xf32>
      %parallel_loop3A_1035 = arith.addf %parallel_loop3A_1033, %parallel_loop3A_1034 : vector<16xf32>
      %parallel_loop3A_1036 = arith.addf %parallel_loop3A_1024, %parallel_loop3A_1035 : vector<16xf32>
      %parallel_loop3A_1037 = arith.mulf %parallel_loop3A_1035, %parallel_loop3A_1035 : vector<16xf32>
      %parallel_loop3A_1038 = arith.addf %parallel_loop3A_1026, %parallel_loop3A_1037 : vector<16xf32>
      %parallel_loop3A_1039 = arith.constant true
      %parallel_loop3A_1040 = vector.broadcast %parallel_loop3A_1039 : i1 to vector<16xi1>
      %parallel_loop3A_1041 = tpu.scan <sum>, %parallel_loop3A_1036 masked %parallel_loop3A_1040 : vector<16xf32>, vector<16xi1> -> vector<16xf32>
      %parallel_loop3A_1042 = vector.extract %parallel_loop3A_1041[15] : f32 from vector<16xf32>
      %parallel_loop3A_1043 = vector.broadcast %parallel_loop3A_1042 : f32 to vector<16xf32>
      %parallel_loop3A_1044 = arith.constant 7.812500e-03 : f32
      %parallel_loop3A_1045 = vector.broadcast %parallel_loop3A_1044 : f32 to vector<16xf32>
      %parallel_loop3A_1046 = arith.mulf %parallel_loop3A_1043, %parallel_loop3A_1045 : vector<16xf32>
      %parallel_loop3A_1047 = arith.constant true
      %parallel_loop3A_1048 = vector.broadcast %parallel_loop3A_1047 : i1 to vector<16xi1>
      %parallel_loop3A_1049 = tpu.scan <sum>, %parallel_loop3A_1038 masked %parallel_loop3A_1048 : vector<16xf32>, vector<16xi1> -> vector<16xf32>
      %parallel_loop3A_1050 = vector.extract %parallel_loop3A_1049[15] : f32 from vector<16xf32>
      %parallel_loop3A_1051 = vector.broadcast %parallel_loop3A_1050 : f32 to vector<16xf32>
      %parallel_loop3A_1052 = arith.constant 7.812500e-03 : f32
      %parallel_loop3A_1053 = vector.broadcast %parallel_loop3A_1052 : f32 to vector<16xf32>
      %parallel_loop3A_1054 = arith.mulf %parallel_loop3A_1051, %parallel_loop3A_1053 : vector<16xf32>
      %parallel_loop3A_1055 = arith.mulf %parallel_loop3A_1046, %parallel_loop3A_1046 : vector<16xf32>
      %parallel_loop3A_1056 = arith.subf %parallel_loop3A_1054, %parallel_loop3A_1055 : vector<16xf32>
      %parallel_loop3A_1057 = arith.constant 9.99999996E-13 : f32
      %parallel_loop3A_1058 = vector.broadcast %parallel_loop3A_1057 : f32 to vector<16xf32>
      %parallel_loop3A_1059 = arith.addf %parallel_loop3A_1056, %parallel_loop3A_1058 : vector<16xf32>
      %parallel_loop3A_1060 = vector.bitcast %parallel_loop3A_1059 : vector<16xf32> to vector<16xi32>
      %parallel_loop3A_1061 = arith.constant 1 : i32
      %parallel_loop3A_1062 = vector.broadcast %parallel_loop3A_1061 : i32 to vector<16xi32>
      %parallel_loop3A_1063 = arith.shrsi %parallel_loop3A_1060, %parallel_loop3A_1062 : vector<16xi32>
      %parallel_loop3A_1064 = arith.constant 1597463007 : i32
      %parallel_loop3A_1065 = vector.broadcast %parallel_loop3A_1064 : i32 to vector<16xi32>
      %parallel_loop3A_1066 = arith.subi %parallel_loop3A_1065, %parallel_loop3A_1063 : vector<16xi32>
      %parallel_loop3A_1067 = vector.bitcast %parallel_loop3A_1066 : vector<16xi32> to vector<16xf32>
      %parallel_loop3A_1068 = arith.constant 5.000000e-01 : f32
      %parallel_loop3A_1069 = vector.broadcast %parallel_loop3A_1068 : f32 to vector<16xf32>
      %parallel_loop3A_1070 = arith.mulf %parallel_loop3A_1069, %parallel_loop3A_1059 : vector<16xf32>
      %parallel_loop3A_1071 = arith.mulf %parallel_loop3A_1070, %parallel_loop3A_1067 : vector<16xf32>
      %parallel_loop3A_1072 = arith.mulf %parallel_loop3A_1071, %parallel_loop3A_1067 : vector<16xf32>
      %parallel_loop3A_1073 = arith.constant 1.500000e+00 : f32
      %parallel_loop3A_1074 = vector.broadcast %parallel_loop3A_1073 : f32 to vector<16xf32>
      %parallel_loop3A_1075 = arith.subf %parallel_loop3A_1074, %parallel_loop3A_1072 : vector<16xf32>
      %parallel_loop3A_1076 = arith.mulf %parallel_loop3A_1067, %parallel_loop3A_1075 : vector<16xf32>
      %parallel_loop3A_1077 = arith.constant 5.000000e-01 : f32
      %parallel_loop3A_1078 = vector.broadcast %parallel_loop3A_1077 : f32 to vector<16xf32>
      %parallel_loop3A_1079 = arith.mulf %parallel_loop3A_1078, %parallel_loop3A_1059 : vector<16xf32>
      %parallel_loop3A_1080 = arith.mulf %parallel_loop3A_1079, %parallel_loop3A_1076 : vector<16xf32>
      %parallel_loop3A_1081 = arith.mulf %parallel_loop3A_1080, %parallel_loop3A_1076 : vector<16xf32>
      %parallel_loop3A_1082 = arith.constant 1.500000e+00 : f32
      %parallel_loop3A_1083 = vector.broadcast %parallel_loop3A_1082 : f32 to vector<16xf32>
      %parallel_loop3A_1084 = arith.subf %parallel_loop3A_1083, %parallel_loop3A_1081 : vector<16xf32>
      %parallel_loop3A_1085 = arith.mulf %parallel_loop3A_1076, %parallel_loop3A_1084 : vector<16xf32>
      %parallel_loop3A_1086 = arith.subf %parallel_loop3A_951, %parallel_loop3A_1046 : vector<16xf32>
      %parallel_loop3A_1087 = arith.mulf %parallel_loop3A_1086, %parallel_loop3A_1085 : vector<16xf32>
      %parallel_loop3A_1088 = arith.mulf %parallel_loop3A_1087, %get3A_507 : vector<16xf32>
      %parallel_loop3A_1089 = arith.addf %parallel_loop3A_1088, %get3A_523 : vector<16xf32>
      %parallel_loop3A_1090 = arith.index_cast %parallel_loop3A_933 : i32 to index
      %parallel_loop3A_1091 = arith.constant 0 : index
      %parallel_loop3A_1092 = tpu.vector_load %arg14[%parallel_loop3A_1090, %parallel_loop3A_1091] {strides = array<i32>} : memref<256x128xf32, #tpu.memory_space<vmem>>, vector<16xf32>,
      tpu.vector_store %arg14[%parallel_loop3A_1090, %parallel_loop3A_1091], %parallel_loop3A_1089 {strides = array<i32>} : memref<256x128xf32, #tpu.memory_space<vmem>>, vector<16xf32>,
      %parallel_loop3A_1093 = arith.subf %parallel_loop3A_963, %parallel_loop3A_1046 : vector<16xf32>
      %parallel_loop3A_1094 = arith.mulf %parallel_loop3A_1093, %parallel_loop3A_1085 : vector<16xf32>
      %parallel_loop3A_1095 = arith.mulf %parallel_loop3A_1094, %get3A_509 : vector<16xf32>
      %parallel_loop3A_1096 = arith.addf %parallel_loop3A_1095, %get3A_525 : vector<16xf32>
      %parallel_loop3A_1097 = arith.index_cast %parallel_loop3A_933 : i32 to index
      %parallel_loop3A_1098 = arith.constant 16 : index
      %parallel_loop3A_1099 = tpu.vector_load %arg14[%parallel_loop3A_1097, %parallel_loop3A_1098] {strides = array<i32>} : memref<256x128xf32, #tpu.memory_space<vmem>>, vector<16xf32>,
      tpu.vector_store %arg14[%parallel_loop3A_1097, %parallel_loop3A_1098], %parallel_loop3A_1096 {strides = array<i32>} : memref<256x128xf32, #tpu.memory_space<vmem>>, vector<16xf32>,
      %parallel_loop3A_1100 = arith.subf %parallel_loop3A_975, %parallel_loop3A_1046 : vector<16xf32>
      %parallel_loop3A_1101 = arith.mulf %parallel_loop3A_1100, %parallel_loop3A_1085 : vector<16xf32>
      %parallel_loop3A_1102 = arith.mulf %parallel_loop3A_1101, %get3A_511 : vector<16xf32>
      %parallel_loop3A_1103 = arith.addf %parallel_loop3A_1102, %get3A_527 : vector<16xf32>
      %parallel_loop3A_1104 = arith.index_cast %parallel_loop3A_933 : i32 to index
      %parallel_loop3A_1105 = arith.constant 32 : index
      %parallel_loop3A_1106 = tpu.vector_load %arg14[%parallel_loop3A_1104, %parallel_loop3A_1105] {strides = array<i32>} : memref<256x128xf32, #tpu.memory_space<vmem>>, vector<16xf32>,
      tpu.vector_store %arg14[%parallel_loop3A_1104, %parallel_loop3A_1105], %parallel_loop3A_1103 {strides = array<i32>} : memref<256x128xf32, #tpu.memory_space<vmem>>, vector<16xf32>,
      %parallel_loop3A_1107 = arith.subf %parallel_loop3A_987, %parallel_loop3A_1046 : vector<16xf32>
      %parallel_loop3A_1108 = arith.mulf %parallel_loop3A_1107, %parallel_loop3A_1085 : vector<16xf32>
      %parallel_loop3A_1109 = arith.mulf %parallel_loop3A_1108, %get3A_513 : vector<16xf32>
      %parallel_loop3A_1110 = arith.addf %parallel_loop3A_1109, %get3A_529 : vector<16xf32>
      %parallel_loop3A_1111 = arith.index_cast %parallel_loop3A_933 : i32 to index
      %parallel_loop3A_1112 = arith.constant 48 : index
      %parallel_loop3A_1113 = tpu.vector_load %arg14[%parallel_loop3A_1111, %parallel_loop3A_1112] {strides = array<i32>} : memref<256x128xf32, #tpu.memory_space<vmem>>, vector<16xf32>,
      tpu.vector_store %arg14[%parallel_loop3A_1111, %parallel_loop3A_1112], %parallel_loop3A_1110 {strides = array<i32>} : memref<256x128xf32, #tpu.memory_space<vmem>>, vector<16xf32>,
      %parallel_loop3A_1114 = arith.subf %parallel_loop3A_999, %parallel_loop3A_1046 : vector<16xf32>
      %parallel_loop3A_1115 = arith.mulf %parallel_loop3A_1114, %parallel_loop3A_1085 : vector<16xf32>
      %parallel_loop3A_1116 = arith.mulf %parallel_loop3A_1115, %get3A_515 : vector<16xf32>
      %parallel_loop3A_1117 = arith.addf %parallel_loop3A_1116, %get3A_531 : vector<16xf32>
      %parallel_loop3A_1118 = arith.index_cast %parallel_loop3A_933 : i32 to index
      %parallel_loop3A_1119 = arith.constant 64 : index
      %parallel_loop3A_1120 = tpu.vector_load %arg14[%parallel_loop3A_1118, %parallel_loop3A_1119] {strides = array<i32>} : memref<256x128xf32, #tpu.memory_space<vmem>>, vector<16xf32>,
      tpu.vector_store %arg14[%parallel_loop3A_1118, %parallel_loop3A_1119], %parallel_loop3A_1117 {strides = array<i32>} : memref<256x128xf32, #tpu.memory_space<vmem>>, vector<16xf32>,
      %parallel_loop3A_1121 = arith.subf %parallel_loop3A_1011, %parallel_loop3A_1046 : vector<16xf32>
      %parallel_loop3A_1122 = arith.mulf %parallel_loop3A_1121, %parallel_loop3A_1085 : vector<16xf32>
      %parallel_loop3A_1123 = arith.mulf %parallel_loop3A_1122, %get3A_517 : vector<16xf32>
      %parallel_loop3A_1124 = arith.addf %parallel_loop3A_1123, %get3A_533 : vector<16xf32>
      %parallel_loop3A_1125 = arith.index_cast %parallel_loop3A_933 : i32 to index
      %parallel_loop3A_1126 = arith.constant 80 : index
      %parallel_loop3A_1127 = tpu.vector_load %arg14[%parallel_loop3A_1125, %parallel_loop3A_1126] {strides = array<i32>} : memref<256x128xf32, #tpu.memory_space<vmem>>, vector<16xf32>,
      tpu.vector_store %arg14[%parallel_loop3A_1125, %parallel_loop3A_1126], %parallel_loop3A_1124 {strides = array<i32>} : memref<256x128xf32, #tpu.memory_space<vmem>>, vector<16xf32>,
      %parallel_loop3A_1128 = arith.subf %parallel_loop3A_1023, %parallel_loop3A_1046 : vector<16xf32>
      %parallel_loop3A_1129 = arith.mulf %parallel_loop3A_1128, %parallel_loop3A_1085 : vector<16xf32>
      %parallel_loop3A_1130 = arith.mulf %parallel_loop3A_1129, %get3A_519 : vector<16xf32>
      %parallel_loop3A_1131 = arith.addf %parallel_loop3A_1130, %get3A_535 : vector<16xf32>
      %parallel_loop3A_1132 = arith.index_cast %parallel_loop3A_933 : i32 to index
      %parallel_loop3A_1133 = arith.constant 96 : index
      %parallel_loop3A_1134 = tpu.vector_load %arg14[%parallel_loop3A_1132, %parallel_loop3A_1133] {strides = array<i32>} : memref<256x128xf32, #tpu.memory_space<vmem>>, vector<16xf32>,
      tpu.vector_store %arg14[%parallel_loop3A_1132, %parallel_loop3A_1133], %parallel_loop3A_1131 {strides = array<i32>} : memref<256x128xf32, #tpu.memory_space<vmem>>, vector<16xf32>,
      %parallel_loop3A_1135 = arith.subf %parallel_loop3A_1035, %parallel_loop3A_1046 : vector<16xf32>
      %parallel_loop3A_1136 = arith.mulf %parallel_loop3A_1135, %parallel_loop3A_1085 : vector<16xf32>
      %parallel_loop3A_1137 = arith.mulf %parallel_loop3A_1136, %get3A_521 : vector<16xf32>
      %parallel_loop3A_1138 = arith.addf %parallel_loop3A_1137, %get3A_537 : vector<16xf32>
      %parallel_loop3A_1139 = arith.index_cast %parallel_loop3A_933 : i32 to index
      %parallel_loop3A_1140 = arith.constant 112 : index
      %parallel_loop3A_1141 = tpu.vector_load %arg14[%parallel_loop3A_1139, %parallel_loop3A_1140] {strides = array<i32>} : memref<256x128xf32, #tpu.memory_space<vmem>>, vector<16xf32>,
      tpu.vector_store %arg14[%parallel_loop3A_1139, %parallel_loop3A_1140], %parallel_loop3A_1138 {strides = array<i32>} : memref<256x128xf32, #tpu.memory_space<vmem>>, vector<16xf32>,
    } {sc.loop_unroll_factor = 8 : i64, sc.parallel_access}
    %dma_start3A_770 = arith.constant 128 : i32
    %dma_start3A_771 = arith.constant 0 : i32
    %dma_start3A_772 = tpu.memref_slice %arg14[%dma_start3A_770, %dma_start3A_771] : memref<256x128xf32, #tpu.memory_space<vmem>> -> memref<64x128xf32, #tpu.memory_space<vmem>>
    %dma_start3A_773 = arith.constant 0 : i32
    %dma_start3A_774 = arith.constant 0 : i32
    %dma_start3A_775 = tpu.memref_slice %arg9[%add3A, %dma_start3A_773, %dma_start3A_774] : memref<32x256x128xf32, #tpu.memory_space<hbm>> -> memref<1x256x128xf32, #tpu.memory_space<hbm>>
    %dma_start3A_776 = tpu.memref_squeeze %dma_start3A_775 : memref<1x256x128xf32, #tpu.memory_space<hbm>> -> memref<256x128xf32, #tpu.memory_space<hbm>>
    %dma_start3A_777 = arith.constant 128 : i32
    %dma_start3A_778 = arith.constant 0 : i32
    %dma_start3A_779 = tpu.memref_slice %dma_start3A_776[%dma_start3A_777, %dma_start3A_778] : memref<256x128xf32, #tpu.memory_space<hbm>> -> memref<64x128xf32, #tpu.memory_space<hbm>>
    %dma_start3A_780 = arith.constant 0 : i32
    %dma_start3A_781 = arith.constant 0 : i32
    %dma_start3A_782 = tpu.memref_slice %arg9[%add3A, %dma_start3A_780, %dma_start3A_781] : memref<32x256x128xf32, #tpu.memory_space<hbm>> -> memref<1x256x128xf32, #tpu.memory_space<hbm>>
    %dma_start3A_783 = tpu.memref_squeeze %dma_start3A_782 : memref<1x256x128xf32, #tpu.memory_space<hbm>> -> memref<256x128xf32, #tpu.memory_space<hbm>>
    %dma_start3A_784 = arith.constant 128 : i32
    %dma_start3A_785 = arith.constant 0 : i32
    %dma_start3A_786 = tpu.memref_slice %dma_start3A_783[%dma_start3A_784, %dma_start3A_785] : memref<256x128xf32, #tpu.memory_space<hbm>> -> memref<64x128xf32, #tpu.memory_space<hbm>>
    %dma_start3A_787 = arith.constant 128 : i32
    %dma_start3A_788 = arith.constant 0 : i32
    %dma_start3A_789 = tpu.memref_slice %arg14[%dma_start3A_787, %dma_start3A_788] : memref<256x128xf32, #tpu.memory_space<vmem>> -> memref<64x128xf32, #tpu.memory_space<vmem>>
    tpu.enqueue_dma source(%dma_start3A_789 : memref<64x128xf32, #tpu.memory_space<vmem>>) target(%dma_start3A_786 : memref<64x128xf32, #tpu.memory_space<hbm>>) target_semaphore(%arg21 : memref<!tpu.dma_semaphore, #tpu.memory_space<semaphore_mem>>)
    %dma_wait3A_790 = arith.constant 6 : i32
    %dma_wait3A_791 = arith.constant 192 : i32
    %dma_wait3A_792 = arith.constant 0 : i32
    %dma_wait3A_793 = tpu.memref_slice %arg14[%dma_wait3A_791, %dma_wait3A_792] : memref<256x128xf32, #tpu.memory_space<vmem>> -> memref<32x128xf32, #tpu.memory_space<vmem>>
    %dma_wait3A_794 = arith.constant 0 : i32
    %dma_wait3A_795 = tpu.memref_slice %arg12[%dma_wait3A_790, %dma_wait3A_794] : memref<8x32xi32, #tpu.memory_space<vmem>> -> memref<1x32xi32, #tpu.memory_space<vmem>>
    %dma_wait3A_796 = tpu.memref_squeeze %dma_wait3A_795 : memref<1x32xi32, #tpu.memory_space<vmem>> -> memref<32xi32, #tpu.memory_space<vmem>>
    %dma_wait3A_797 = arith.constant 0 : i32
    %dma_wait3A_798 = arith.constant 0 : i32
    %dma_wait3A_799 = tpu.memref_slice %arg4[%dma_wait3A_797, %dma_wait3A_798] : memref<100000x128xf32, #tpu.memory_space<hbm>> -> memref<100000x128xf32, #tpu.memory_space<hbm>>
    tpu.wait_indirect_dma semaphore(%arg20 : memref<!tpu.dma_semaphore, #tpu.memory_space<semaphore_mem>>) src(%dma_wait3A_799 : memref<100000x128xf32, #tpu.memory_space<hbm>>) dst(%dma_wait3A_793 : memref<32x128xf32, #tpu.memory_space<vmem>>)
    %dma_wait3A_800 = arith.constant 6 : i32
    %dma_wait3A_801 = arith.constant 192 : i32
    %dma_wait3A_802 = arith.constant 0 : i32
    %dma_wait3A_803 = tpu.memref_slice %arg15[%dma_wait3A_801, %dma_wait3A_802] : memref<256x128xf32, #tpu.memory_space<vmem>> -> memref<32x128xf32, #tpu.memory_space<vmem>>
    %dma_wait3A_804 = arith.constant 0 : i32
    %dma_wait3A_805 = tpu.memref_slice %arg11[%dma_wait3A_800, %dma_wait3A_804] : memref<8x32xi32, #tpu.memory_space<vmem>> -> memref<1x32xi32, #tpu.memory_space<vmem>>
    %dma_wait3A_806 = tpu.memref_squeeze %dma_wait3A_805 : memref<1x32xi32, #tpu.memory_space<vmem>> -> memref<32xi32, #tpu.memory_space<vmem>>
    %dma_wait3A_807 = arith.constant 0 : i32
    %dma_wait3A_808 = arith.constant 0 : i32
    %dma_wait3A_809 = tpu.memref_slice %arg5[%dma_wait3A_807, %dma_wait3A_808] : memref<2048x128xf32, #tpu.memory_space<hbm>> -> memref<2048x128xf32, #tpu.memory_space<hbm>>
    tpu.wait_indirect_dma semaphore(%arg20 : memref<!tpu.dma_semaphore, #tpu.memory_space<semaphore_mem>>) src(%dma_wait3A_809 : memref<2048x128xf32, #tpu.memory_space<hbm>>) dst(%dma_wait3A_803 : memref<32x128xf32, #tpu.memory_space<vmem>>)
    %dma_wait3A_810 = arith.constant 7 : i32
    %dma_wait3A_811 = arith.constant 224 : i32
    %dma_wait3A_812 = arith.constant 0 : i32
    %dma_wait3A_813 = tpu.memref_slice %arg14[%dma_wait3A_811, %dma_wait3A_812] : memref<256x128xf32, #tpu.memory_space<vmem>> -> memref<32x128xf32, #tpu.memory_space<vmem>>
    %dma_wait3A_814 = arith.constant 0 : i32
    %dma_wait3A_815 = tpu.memref_slice %arg12[%dma_wait3A_810, %dma_wait3A_814] : memref<8x32xi32, #tpu.memory_space<vmem>> -> memref<1x32xi32, #tpu.memory_space<vmem>>
    %dma_wait3A_816 = tpu.memref_squeeze %dma_wait3A_815 : memref<1x32xi32, #tpu.memory_space<vmem>> -> memref<32xi32, #tpu.memory_space<vmem>>
    %dma_wait3A_817 = arith.constant 0 : i32
    %dma_wait3A_818 = arith.constant 0 : i32
    %dma_wait3A_819 = tpu.memref_slice %arg4[%dma_wait3A_817, %dma_wait3A_818] : memref<100000x128xf32, #tpu.memory_space<hbm>> -> memref<100000x128xf32, #tpu.memory_space<hbm>>
    tpu.wait_indirect_dma semaphore(%arg20 : memref<!tpu.dma_semaphore, #tpu.memory_space<semaphore_mem>>) src(%dma_wait3A_819 : memref<100000x128xf32, #tpu.memory_space<hbm>>) dst(%dma_wait3A_813 : memref<32x128xf32, #tpu.memory_space<vmem>>)
    %dma_wait3A_820 = arith.constant 7 : i32
    %dma_wait3A_821 = arith.constant 224 : i32
    %dma_wait3A_822 = arith.constant 0 : i32
    %dma_wait3A_823 = tpu.memref_slice %arg15[%dma_wait3A_821, %dma_wait3A_822] : memref<256x128xf32, #tpu.memory_space<vmem>> -> memref<32x128xf32, #tpu.memory_space<vmem>>
    %dma_wait3A_824 = arith.constant 0 : i32
    %dma_wait3A_825 = tpu.memref_slice %arg11[%dma_wait3A_820, %dma_wait3A_824] : memref<8x32xi32, #tpu.memory_space<vmem>> -> memref<1x32xi32, #tpu.memory_space<vmem>>
    %dma_wait3A_826 = tpu.memref_squeeze %dma_wait3A_825 : memref<1x32xi32, #tpu.memory_space<vmem>> -> memref<32xi32, #tpu.memory_space<vmem>>
    %dma_wait3A_827 = arith.constant 0 : i32
    %dma_wait3A_828 = arith.constant 0 : i32
    %dma_wait3A_829 = tpu.memref_slice %arg5[%dma_wait3A_827, %dma_wait3A_828] : memref<2048x128xf32, #tpu.memory_space<hbm>> -> memref<2048x128xf32, #tpu.memory_space<hbm>>
    tpu.wait_indirect_dma semaphore(%arg20 : memref<!tpu.dma_semaphore, #tpu.memory_space<semaphore_mem>>) src(%dma_wait3A_829 : memref<2048x128xf32, #tpu.memory_space<hbm>>) dst(%dma_wait3A_823 : memref<32x128xf32, #tpu.memory_space<vmem>>)
    %parallel_loop3A_830 = arith.constant 192 : i32
    %parallel_loop3A_831 = arith.constant 256 : i32
    %parallel_loop3A_832 = arith.constant 1 : i32
    scf.for %parallel_loop3A_933 = %parallel_loop3A_830 to %parallel_loop3A_831 step %parallel_loop3A_832  : i32 {
      %parallel_loop3A_934 = vector.broadcast %parallel_loop3A_933 : i32 to vector<16xi32>
      %parallel_loop3A_935 = tpu.vector_load_idx %arg13[%parallel_loop3A_934] : memref<256xf32, #tpu.memory_space<vmem>>[vector<16xi32>], vector<16xf32>,
      %parallel_loop3A_936 = arith.constant 5.000000e-01 : f32
      %parallel_loop3A_937 = vector.broadcast %parallel_loop3A_936 : f32 to vector<16xf32>
      %parallel_loop3A_938 = arith.cmpf ogt, %parallel_loop3A_935, %parallel_loop3A_937 : vector<16xf32>
      %parallel_loop3A_939 = arith.constant 0.000000e+00 : f32
      %parallel_loop3A_940 = vector.broadcast %parallel_loop3A_939 : f32 to vector<16xf32>
      %parallel_loop3A_941 = arith.constant 0.000000e+00 : f32
      %parallel_loop3A_942 = vector.broadcast %parallel_loop3A_941 : f32 to vector<16xf32>
      %parallel_loop3A_943 = arith.index_cast %parallel_loop3A_933 : i32 to index
      %parallel_loop3A_944 = arith.constant 0 : index
      %parallel_loop3A_945 = tpu.vector_load %arg14[%parallel_loop3A_943, %parallel_loop3A_944] {strides = array<i32>} : memref<256x128xf32, #tpu.memory_space<vmem>>, vector<16xf32>,
      %parallel_loop3A_946 = arith.index_cast %parallel_loop3A_933 : i32 to index
      %parallel_loop3A_947 = arith.constant 0 : index
      %parallel_loop3A_948 = tpu.vector_load %arg15[%parallel_loop3A_946, %parallel_loop3A_947] {strides = array<i32>} : memref<256x128xf32, #tpu.memory_space<vmem>>, vector<16xf32>,
      %parallel_loop3A_949 = arith.addf %parallel_loop3A_945, %parallel_loop3A_948 : vector<16xf32>
      %parallel_loop3A_950 = arith.select %parallel_loop3A_938, %get3A_573, %get3A_541 : vector<16xi1>, vector<16xf32>
      %parallel_loop3A_951 = arith.addf %parallel_loop3A_949, %parallel_loop3A_950 : vector<16xf32>
      %parallel_loop3A_952 = arith.addf %parallel_loop3A_940, %parallel_loop3A_951 : vector<16xf32>
      %parallel_loop3A_953 = arith.mulf %parallel_loop3A_951, %parallel_loop3A_951 : vector<16xf32>
      %parallel_loop3A_954 = arith.addf %parallel_loop3A_942, %parallel_loop3A_953 : vector<16xf32>
      %parallel_loop3A_955 = arith.index_cast %parallel_loop3A_933 : i32 to index
      %parallel_loop3A_956 = arith.constant 16 : index
      %parallel_loop3A_957 = tpu.vector_load %arg14[%parallel_loop3A_955, %parallel_loop3A_956] {strides = array<i32>} : memref<256x128xf32, #tpu.memory_space<vmem>>, vector<16xf32>,
      %parallel_loop3A_958 = arith.index_cast %parallel_loop3A_933 : i32 to index
      %parallel_loop3A_959 = arith.constant 16 : index
      %parallel_loop3A_960 = tpu.vector_load %arg15[%parallel_loop3A_958, %parallel_loop3A_959] {strides = array<i32>} : memref<256x128xf32, #tpu.memory_space<vmem>>, vector<16xf32>,
      %parallel_loop3A_961 = arith.addf %parallel_loop3A_957, %parallel_loop3A_960 : vector<16xf32>
      %parallel_loop3A_962 = arith.select %parallel_loop3A_938, %get3A_577, %get3A_545 : vector<16xi1>, vector<16xf32>
      %parallel_loop3A_963 = arith.addf %parallel_loop3A_961, %parallel_loop3A_962 : vector<16xf32>
      %parallel_loop3A_964 = arith.addf %parallel_loop3A_952, %parallel_loop3A_963 : vector<16xf32>
      %parallel_loop3A_965 = arith.mulf %parallel_loop3A_963, %parallel_loop3A_963 : vector<16xf32>
      %parallel_loop3A_966 = arith.addf %parallel_loop3A_954, %parallel_loop3A_965 : vector<16xf32>
      %parallel_loop3A_967 = arith.index_cast %parallel_loop3A_933 : i32 to index
      %parallel_loop3A_968 = arith.constant 32 : index
      %parallel_loop3A_969 = tpu.vector_load %arg14[%parallel_loop3A_967, %parallel_loop3A_968] {strides = array<i32>} : memref<256x128xf32, #tpu.memory_space<vmem>>, vector<16xf32>,
      %parallel_loop3A_970 = arith.index_cast %parallel_loop3A_933 : i32 to index
      %parallel_loop3A_971 = arith.constant 32 : index
      %parallel_loop3A_972 = tpu.vector_load %arg15[%parallel_loop3A_970, %parallel_loop3A_971] {strides = array<i32>} : memref<256x128xf32, #tpu.memory_space<vmem>>, vector<16xf32>,
      %parallel_loop3A_973 = arith.addf %parallel_loop3A_969, %parallel_loop3A_972 : vector<16xf32>
      %parallel_loop3A_974 = arith.select %parallel_loop3A_938, %get3A_581, %get3A_549 : vector<16xi1>, vector<16xf32>
      %parallel_loop3A_975 = arith.addf %parallel_loop3A_973, %parallel_loop3A_974 : vector<16xf32>
      %parallel_loop3A_976 = arith.addf %parallel_loop3A_964, %parallel_loop3A_975 : vector<16xf32>
      %parallel_loop3A_977 = arith.mulf %parallel_loop3A_975, %parallel_loop3A_975 : vector<16xf32>
      %parallel_loop3A_978 = arith.addf %parallel_loop3A_966, %parallel_loop3A_977 : vector<16xf32>
      %parallel_loop3A_979 = arith.index_cast %parallel_loop3A_933 : i32 to index
      %parallel_loop3A_980 = arith.constant 48 : index
      %parallel_loop3A_981 = tpu.vector_load %arg14[%parallel_loop3A_979, %parallel_loop3A_980] {strides = array<i32>} : memref<256x128xf32, #tpu.memory_space<vmem>>, vector<16xf32>,
      %parallel_loop3A_982 = arith.index_cast %parallel_loop3A_933 : i32 to index
      %parallel_loop3A_983 = arith.constant 48 : index
      %parallel_loop3A_984 = tpu.vector_load %arg15[%parallel_loop3A_982, %parallel_loop3A_983] {strides = array<i32>} : memref<256x128xf32, #tpu.memory_space<vmem>>, vector<16xf32>,
      %parallel_loop3A_985 = arith.addf %parallel_loop3A_981, %parallel_loop3A_984 : vector<16xf32>
      %parallel_loop3A_986 = arith.select %parallel_loop3A_938, %get3A_585, %get3A_553 : vector<16xi1>, vector<16xf32>
      %parallel_loop3A_987 = arith.addf %parallel_loop3A_985, %parallel_loop3A_986 : vector<16xf32>
      %parallel_loop3A_988 = arith.addf %parallel_loop3A_976, %parallel_loop3A_987 : vector<16xf32>
      %parallel_loop3A_989 = arith.mulf %parallel_loop3A_987, %parallel_loop3A_987 : vector<16xf32>
      %parallel_loop3A_990 = arith.addf %parallel_loop3A_978, %parallel_loop3A_989 : vector<16xf32>
      %parallel_loop3A_991 = arith.index_cast %parallel_loop3A_933 : i32 to index
      %parallel_loop3A_992 = arith.constant 64 : index
      %parallel_loop3A_993 = tpu.vector_load %arg14[%parallel_loop3A_991, %parallel_loop3A_992] {strides = array<i32>} : memref<256x128xf32, #tpu.memory_space<vmem>>, vector<16xf32>,
      %parallel_loop3A_994 = arith.index_cast %parallel_loop3A_933 : i32 to index
      %parallel_loop3A_995 = arith.constant 64 : index
      %parallel_loop3A_996 = tpu.vector_load %arg15[%parallel_loop3A_994, %parallel_loop3A_995] {strides = array<i32>} : memref<256x128xf32, #tpu.memory_space<vmem>>, vector<16xf32>,
      %parallel_loop3A_997 = arith.addf %parallel_loop3A_993, %parallel_loop3A_996 : vector<16xf32>
      %parallel_loop3A_998 = arith.select %parallel_loop3A_938, %get3A_589, %get3A_557 : vector<16xi1>, vector<16xf32>
      %parallel_loop3A_999 = arith.addf %parallel_loop3A_997, %parallel_loop3A_998 : vector<16xf32>
      %parallel_loop3A_1000 = arith.addf %parallel_loop3A_988, %parallel_loop3A_999 : vector<16xf32>
      %parallel_loop3A_1001 = arith.mulf %parallel_loop3A_999, %parallel_loop3A_999 : vector<16xf32>
      %parallel_loop3A_1002 = arith.addf %parallel_loop3A_990, %parallel_loop3A_1001 : vector<16xf32>
      %parallel_loop3A_1003 = arith.index_cast %parallel_loop3A_933 : i32 to index
      %parallel_loop3A_1004 = arith.constant 80 : index
      %parallel_loop3A_1005 = tpu.vector_load %arg14[%parallel_loop3A_1003, %parallel_loop3A_1004] {strides = array<i32>} : memref<256x128xf32, #tpu.memory_space<vmem>>, vector<16xf32>,
      %parallel_loop3A_1006 = arith.index_cast %parallel_loop3A_933 : i32 to index
      %parallel_loop3A_1007 = arith.constant 80 : index
      %parallel_loop3A_1008 = tpu.vector_load %arg15[%parallel_loop3A_1006, %parallel_loop3A_1007] {strides = array<i32>} : memref<256x128xf32, #tpu.memory_space<vmem>>, vector<16xf32>,
      %parallel_loop3A_1009 = arith.addf %parallel_loop3A_1005, %parallel_loop3A_1008 : vector<16xf32>
      %parallel_loop3A_1010 = arith.select %parallel_loop3A_938, %get3A_593, %get3A_561 : vector<16xi1>, vector<16xf32>
      %parallel_loop3A_1011 = arith.addf %parallel_loop3A_1009, %parallel_loop3A_1010 : vector<16xf32>
      %parallel_loop3A_1012 = arith.addf %parallel_loop3A_1000, %parallel_loop3A_1011 : vector<16xf32>
      %parallel_loop3A_1013 = arith.mulf %parallel_loop3A_1011, %parallel_loop3A_1011 : vector<16xf32>
      %parallel_loop3A_1014 = arith.addf %parallel_loop3A_1002, %parallel_loop3A_1013 : vector<16xf32>
      %parallel_loop3A_1015 = arith.index_cast %parallel_loop3A_933 : i32 to index
      %parallel_loop3A_1016 = arith.constant 96 : index
      %parallel_loop3A_1017 = tpu.vector_load %arg14[%parallel_loop3A_1015, %parallel_loop3A_1016] {strides = array<i32>} : memref<256x128xf32, #tpu.memory_space<vmem>>, vector<16xf32>,
      %parallel_loop3A_1018 = arith.index_cast %parallel_loop3A_933 : i32 to index
      %parallel_loop3A_1019 = arith.constant 96 : index
      %parallel_loop3A_1020 = tpu.vector_load %arg15[%parallel_loop3A_1018, %parallel_loop3A_1019] {strides = array<i32>} : memref<256x128xf32, #tpu.memory_space<vmem>>, vector<16xf32>,
      %parallel_loop3A_1021 = arith.addf %parallel_loop3A_1017, %parallel_loop3A_1020 : vector<16xf32>
      %parallel_loop3A_1022 = arith.select %parallel_loop3A_938, %get3A_597, %get3A_565 : vector<16xi1>, vector<16xf32>
      %parallel_loop3A_1023 = arith.addf %parallel_loop3A_1021, %parallel_loop3A_1022 : vector<16xf32>
      %parallel_loop3A_1024 = arith.addf %parallel_loop3A_1012, %parallel_loop3A_1023 : vector<16xf32>
      %parallel_loop3A_1025 = arith.mulf %parallel_loop3A_1023, %parallel_loop3A_1023 : vector<16xf32>
      %parallel_loop3A_1026 = arith.addf %parallel_loop3A_1014, %parallel_loop3A_1025 : vector<16xf32>
      %parallel_loop3A_1027 = arith.index_cast %parallel_loop3A_933 : i32 to index
      %parallel_loop3A_1028 = arith.constant 112 : index
      %parallel_loop3A_1029 = tpu.vector_load %arg14[%parallel_loop3A_1027, %parallel_loop3A_1028] {strides = array<i32>} : memref<256x128xf32, #tpu.memory_space<vmem>>, vector<16xf32>,
      %parallel_loop3A_1030 = arith.index_cast %parallel_loop3A_933 : i32 to index
      %parallel_loop3A_1031 = arith.constant 112 : index
      %parallel_loop3A_1032 = tpu.vector_load %arg15[%parallel_loop3A_1030, %parallel_loop3A_1031] {strides = array<i32>} : memref<256x128xf32, #tpu.memory_space<vmem>>, vector<16xf32>,
      %parallel_loop3A_1033 = arith.addf %parallel_loop3A_1029, %parallel_loop3A_1032 : vector<16xf32>
      %parallel_loop3A_1034 = arith.select %parallel_loop3A_938, %get3A_601, %get3A_569 : vector<16xi1>, vector<16xf32>
      %parallel_loop3A_1035 = arith.addf %parallel_loop3A_1033, %parallel_loop3A_1034 : vector<16xf32>
      %parallel_loop3A_1036 = arith.addf %parallel_loop3A_1024, %parallel_loop3A_1035 : vector<16xf32>
      %parallel_loop3A_1037 = arith.mulf %parallel_loop3A_1035, %parallel_loop3A_1035 : vector<16xf32>
      %parallel_loop3A_1038 = arith.addf %parallel_loop3A_1026, %parallel_loop3A_1037 : vector<16xf32>
      %parallel_loop3A_1039 = arith.constant true
      %parallel_loop3A_1040 = vector.broadcast %parallel_loop3A_1039 : i1 to vector<16xi1>
      %parallel_loop3A_1041 = tpu.scan <sum>, %parallel_loop3A_1036 masked %parallel_loop3A_1040 : vector<16xf32>, vector<16xi1> -> vector<16xf32>
      %parallel_loop3A_1042 = vector.extract %parallel_loop3A_1041[15] : f32 from vector<16xf32>
      %parallel_loop3A_1043 = vector.broadcast %parallel_loop3A_1042 : f32 to vector<16xf32>
      %parallel_loop3A_1044 = arith.constant 7.812500e-03 : f32
      %parallel_loop3A_1045 = vector.broadcast %parallel_loop3A_1044 : f32 to vector<16xf32>
      %parallel_loop3A_1046 = arith.mulf %parallel_loop3A_1043, %parallel_loop3A_1045 : vector<16xf32>
      %parallel_loop3A_1047 = arith.constant true
      %parallel_loop3A_1048 = vector.broadcast %parallel_loop3A_1047 : i1 to vector<16xi1>
      %parallel_loop3A_1049 = tpu.scan <sum>, %parallel_loop3A_1038 masked %parallel_loop3A_1048 : vector<16xf32>, vector<16xi1> -> vector<16xf32>
      %parallel_loop3A_1050 = vector.extract %parallel_loop3A_1049[15] : f32 from vector<16xf32>
      %parallel_loop3A_1051 = vector.broadcast %parallel_loop3A_1050 : f32 to vector<16xf32>
      %parallel_loop3A_1052 = arith.constant 7.812500e-03 : f32
      %parallel_loop3A_1053 = vector.broadcast %parallel_loop3A_1052 : f32 to vector<16xf32>
      %parallel_loop3A_1054 = arith.mulf %parallel_loop3A_1051, %parallel_loop3A_1053 : vector<16xf32>
      %parallel_loop3A_1055 = arith.mulf %parallel_loop3A_1046, %parallel_loop3A_1046 : vector<16xf32>
      %parallel_loop3A_1056 = arith.subf %parallel_loop3A_1054, %parallel_loop3A_1055 : vector<16xf32>
      %parallel_loop3A_1057 = arith.constant 9.99999996E-13 : f32
      %parallel_loop3A_1058 = vector.broadcast %parallel_loop3A_1057 : f32 to vector<16xf32>
      %parallel_loop3A_1059 = arith.addf %parallel_loop3A_1056, %parallel_loop3A_1058 : vector<16xf32>
      %parallel_loop3A_1060 = vector.bitcast %parallel_loop3A_1059 : vector<16xf32> to vector<16xi32>
      %parallel_loop3A_1061 = arith.constant 1 : i32
      %parallel_loop3A_1062 = vector.broadcast %parallel_loop3A_1061 : i32 to vector<16xi32>
      %parallel_loop3A_1063 = arith.shrsi %parallel_loop3A_1060, %parallel_loop3A_1062 : vector<16xi32>
      %parallel_loop3A_1064 = arith.constant 1597463007 : i32
      %parallel_loop3A_1065 = vector.broadcast %parallel_loop3A_1064 : i32 to vector<16xi32>
      %parallel_loop3A_1066 = arith.subi %parallel_loop3A_1065, %parallel_loop3A_1063 : vector<16xi32>
      %parallel_loop3A_1067 = vector.bitcast %parallel_loop3A_1066 : vector<16xi32> to vector<16xf32>
      %parallel_loop3A_1068 = arith.constant 5.000000e-01 : f32
      %parallel_loop3A_1069 = vector.broadcast %parallel_loop3A_1068 : f32 to vector<16xf32>
      %parallel_loop3A_1070 = arith.mulf %parallel_loop3A_1069, %parallel_loop3A_1059 : vector<16xf32>
      %parallel_loop3A_1071 = arith.mulf %parallel_loop3A_1070, %parallel_loop3A_1067 : vector<16xf32>
      %parallel_loop3A_1072 = arith.mulf %parallel_loop3A_1071, %parallel_loop3A_1067 : vector<16xf32>
      %parallel_loop3A_1073 = arith.constant 1.500000e+00 : f32
      %parallel_loop3A_1074 = vector.broadcast %parallel_loop3A_1073 : f32 to vector<16xf32>
      %parallel_loop3A_1075 = arith.subf %parallel_loop3A_1074, %parallel_loop3A_1072 : vector<16xf32>
      %parallel_loop3A_1076 = arith.mulf %parallel_loop3A_1067, %parallel_loop3A_1075 : vector<16xf32>
      %parallel_loop3A_1077 = arith.constant 5.000000e-01 : f32
      %parallel_loop3A_1078 = vector.broadcast %parallel_loop3A_1077 : f32 to vector<16xf32>
      %parallel_loop3A_1079 = arith.mulf %parallel_loop3A_1078, %parallel_loop3A_1059 : vector<16xf32>
      %parallel_loop3A_1080 = arith.mulf %parallel_loop3A_1079, %parallel_loop3A_1076 : vector<16xf32>
      %parallel_loop3A_1081 = arith.mulf %parallel_loop3A_1080, %parallel_loop3A_1076 : vector<16xf32>
      %parallel_loop3A_1082 = arith.constant 1.500000e+00 : f32
      %parallel_loop3A_1083 = vector.broadcast %parallel_loop3A_1082 : f32 to vector<16xf32>
      %parallel_loop3A_1084 = arith.subf %parallel_loop3A_1083, %parallel_loop3A_1081 : vector<16xf32>
      %parallel_loop3A_1085 = arith.mulf %parallel_loop3A_1076, %parallel_loop3A_1084 : vector<16xf32>
      %parallel_loop3A_1086 = arith.subf %parallel_loop3A_951, %parallel_loop3A_1046 : vector<16xf32>
      %parallel_loop3A_1087 = arith.mulf %parallel_loop3A_1086, %parallel_loop3A_1085 : vector<16xf32>
      %parallel_loop3A_1088 = arith.mulf %parallel_loop3A_1087, %get3A_507 : vector<16xf32>
      %parallel_loop3A_1089 = arith.addf %parallel_loop3A_1088, %get3A_523 : vector<16xf32>
      %parallel_loop3A_1090 = arith.index_cast %parallel_loop3A_933 : i32 to index
      %parallel_loop3A_1091 = arith.constant 0 : index
      %parallel_loop3A_1092 = tpu.vector_load %arg14[%parallel_loop3A_1090, %parallel_loop3A_1091] {strides = array<i32>} : memref<256x128xf32, #tpu.memory_space<vmem>>, vector<16xf32>,
      tpu.vector_store %arg14[%parallel_loop3A_1090, %parallel_loop3A_1091], %parallel_loop3A_1089 {strides = array<i32>} : memref<256x128xf32, #tpu.memory_space<vmem>>, vector<16xf32>,
      %parallel_loop3A_1093 = arith.subf %parallel_loop3A_963, %parallel_loop3A_1046 : vector<16xf32>
      %parallel_loop3A_1094 = arith.mulf %parallel_loop3A_1093, %parallel_loop3A_1085 : vector<16xf32>
      %parallel_loop3A_1095 = arith.mulf %parallel_loop3A_1094, %get3A_509 : vector<16xf32>
      %parallel_loop3A_1096 = arith.addf %parallel_loop3A_1095, %get3A_525 : vector<16xf32>
      %parallel_loop3A_1097 = arith.index_cast %parallel_loop3A_933 : i32 to index
      %parallel_loop3A_1098 = arith.constant 16 : index
      %parallel_loop3A_1099 = tpu.vector_load %arg14[%parallel_loop3A_1097, %parallel_loop3A_1098] {strides = array<i32>} : memref<256x128xf32, #tpu.memory_space<vmem>>, vector<16xf32>,
      tpu.vector_store %arg14[%parallel_loop3A_1097, %parallel_loop3A_1098], %parallel_loop3A_1096 {strides = array<i32>} : memref<256x128xf32, #tpu.memory_space<vmem>>, vector<16xf32>,
      %parallel_loop3A_1100 = arith.subf %parallel_loop3A_975, %parallel_loop3A_1046 : vector<16xf32>
      %parallel_loop3A_1101 = arith.mulf %parallel_loop3A_1100, %parallel_loop3A_1085 : vector<16xf32>
      %parallel_loop3A_1102 = arith.mulf %parallel_loop3A_1101, %get3A_511 : vector<16xf32>
      %parallel_loop3A_1103 = arith.addf %parallel_loop3A_1102, %get3A_527 : vector<16xf32>
      %parallel_loop3A_1104 = arith.index_cast %parallel_loop3A_933 : i32 to index
      %parallel_loop3A_1105 = arith.constant 32 : index
      %parallel_loop3A_1106 = tpu.vector_load %arg14[%parallel_loop3A_1104, %parallel_loop3A_1105] {strides = array<i32>} : memref<256x128xf32, #tpu.memory_space<vmem>>, vector<16xf32>,
      tpu.vector_store %arg14[%parallel_loop3A_1104, %parallel_loop3A_1105], %parallel_loop3A_1103 {strides = array<i32>} : memref<256x128xf32, #tpu.memory_space<vmem>>, vector<16xf32>,
      %parallel_loop3A_1107 = arith.subf %parallel_loop3A_987, %parallel_loop3A_1046 : vector<16xf32>
      %parallel_loop3A_1108 = arith.mulf %parallel_loop3A_1107, %parallel_loop3A_1085 : vector<16xf32>
      %parallel_loop3A_1109 = arith.mulf %parallel_loop3A_1108, %get3A_513 : vector<16xf32>
      %parallel_loop3A_1110 = arith.addf %parallel_loop3A_1109, %get3A_529 : vector<16xf32>
      %parallel_loop3A_1111 = arith.index_cast %parallel_loop3A_933 : i32 to index
      %parallel_loop3A_1112 = arith.constant 48 : index
      %parallel_loop3A_1113 = tpu.vector_load %arg14[%parallel_loop3A_1111, %parallel_loop3A_1112] {strides = array<i32>} : memref<256x128xf32, #tpu.memory_space<vmem>>, vector<16xf32>,
      tpu.vector_store %arg14[%parallel_loop3A_1111, %parallel_loop3A_1112], %parallel_loop3A_1110 {strides = array<i32>} : memref<256x128xf32, #tpu.memory_space<vmem>>, vector<16xf32>,
      %parallel_loop3A_1114 = arith.subf %parallel_loop3A_999, %parallel_loop3A_1046 : vector<16xf32>
      %parallel_loop3A_1115 = arith.mulf %parallel_loop3A_1114, %parallel_loop3A_1085 : vector<16xf32>
      %parallel_loop3A_1116 = arith.mulf %parallel_loop3A_1115, %get3A_515 : vector<16xf32>
      %parallel_loop3A_1117 = arith.addf %parallel_loop3A_1116, %get3A_531 : vector<16xf32>
      %parallel_loop3A_1118 = arith.index_cast %parallel_loop3A_933 : i32 to index
      %parallel_loop3A_1119 = arith.constant 64 : index
      %parallel_loop3A_1120 = tpu.vector_load %arg14[%parallel_loop3A_1118, %parallel_loop3A_1119] {strides = array<i32>} : memref<256x128xf32, #tpu.memory_space<vmem>>, vector<16xf32>,
      tpu.vector_store %arg14[%parallel_loop3A_1118, %parallel_loop3A_1119], %parallel_loop3A_1117 {strides = array<i32>} : memref<256x128xf32, #tpu.memory_space<vmem>>, vector<16xf32>,
      %parallel_loop3A_1121 = arith.subf %parallel_loop3A_1011, %parallel_loop3A_1046 : vector<16xf32>
      %parallel_loop3A_1122 = arith.mulf %parallel_loop3A_1121, %parallel_loop3A_1085 : vector<16xf32>
      %parallel_loop3A_1123 = arith.mulf %parallel_loop3A_1122, %get3A_517 : vector<16xf32>
      %parallel_loop3A_1124 = arith.addf %parallel_loop3A_1123, %get3A_533 : vector<16xf32>
      %parallel_loop3A_1125 = arith.index_cast %parallel_loop3A_933 : i32 to index
      %parallel_loop3A_1126 = arith.constant 80 : index
      %parallel_loop3A_1127 = tpu.vector_load %arg14[%parallel_loop3A_1125, %parallel_loop3A_1126] {strides = array<i32>} : memref<256x128xf32, #tpu.memory_space<vmem>>, vector<16xf32>,
      tpu.vector_store %arg14[%parallel_loop3A_1125, %parallel_loop3A_1126], %parallel_loop3A_1124 {strides = array<i32>} : memref<256x128xf32, #tpu.memory_space<vmem>>, vector<16xf32>,
      %parallel_loop3A_1128 = arith.subf %parallel_loop3A_1023, %parallel_loop3A_1046 : vector<16xf32>
      %parallel_loop3A_1129 = arith.mulf %parallel_loop3A_1128, %parallel_loop3A_1085 : vector<16xf32>
      %parallel_loop3A_1130 = arith.mulf %parallel_loop3A_1129, %get3A_519 : vector<16xf32>
      %parallel_loop3A_1131 = arith.addf %parallel_loop3A_1130, %get3A_535 : vector<16xf32>
      %parallel_loop3A_1132 = arith.index_cast %parallel_loop3A_933 : i32 to index
      %parallel_loop3A_1133 = arith.constant 96 : index
      %parallel_loop3A_1134 = tpu.vector_load %arg14[%parallel_loop3A_1132, %parallel_loop3A_1133] {strides = array<i32>} : memref<256x128xf32, #tpu.memory_space<vmem>>, vector<16xf32>,
      tpu.vector_store %arg14[%parallel_loop3A_1132, %parallel_loop3A_1133], %parallel_loop3A_1131 {strides = array<i32>} : memref<256x128xf32, #tpu.memory_space<vmem>>, vector<16xf32>,
      %parallel_loop3A_1135 = arith.subf %parallel_loop3A_1035, %parallel_loop3A_1046 : vector<16xf32>
      %parallel_loop3A_1136 = arith.mulf %parallel_loop3A_1135, %parallel_loop3A_1085 : vector<16xf32>
      %parallel_loop3A_1137 = arith.mulf %parallel_loop3A_1136, %get3A_521 : vector<16xf32>
      %parallel_loop3A_1138 = arith.addf %parallel_loop3A_1137, %get3A_537 : vector<16xf32>
      %parallel_loop3A_1139 = arith.index_cast %parallel_loop3A_933 : i32 to index
      %parallel_loop3A_1140 = arith.constant 112 : index
      %parallel_loop3A_1141 = tpu.vector_load %arg14[%parallel_loop3A_1139, %parallel_loop3A_1140] {strides = array<i32>} : memref<256x128xf32, #tpu.memory_space<vmem>>, vector<16xf32>,
      tpu.vector_store %arg14[%parallel_loop3A_1139, %parallel_loop3A_1140], %parallel_loop3A_1138 {strides = array<i32>} : memref<256x128xf32, #tpu.memory_space<vmem>>, vector<16xf32>,
    } {sc.loop_unroll_factor = 8 : i64, sc.parallel_access}
    %dma_start3A_833 = arith.constant 192 : i32
    %dma_start3A_834 = arith.constant 0 : i32
    %dma_start3A_835 = tpu.memref_slice %arg14[%dma_start3A_833, %dma_start3A_834] : memref<256x128xf32, #tpu.memory_space<vmem>> -> memref<64x128xf32, #tpu.memory_space<vmem>>
    %dma_start3A_836 = arith.constant 0 : i32
    %dma_start3A_837 = arith.constant 0 : i32
    %dma_start3A_838 = tpu.memref_slice %arg9[%add3A, %dma_start3A_836, %dma_start3A_837] : memref<32x256x128xf32, #tpu.memory_space<hbm>> -> memref<1x256x128xf32, #tpu.memory_space<hbm>>
    %dma_start3A_839 = tpu.memref_squeeze %dma_start3A_838 : memref<1x256x128xf32, #tpu.memory_space<hbm>> -> memref<256x128xf32, #tpu.memory_space<hbm>>
    %dma_start3A_840 = arith.constant 192 : i32
    %dma_start3A_841 = arith.constant 0 : i32
    %dma_start3A_842 = tpu.memref_slice %dma_start3A_839[%dma_start3A_840, %dma_start3A_841] : memref<256x128xf32, #tpu.memory_space<hbm>> -> memref<64x128xf32, #tpu.memory_space<hbm>>
    %dma_start3A_843 = arith.constant 0 : i32
    %dma_start3A_844 = arith.constant 0 : i32
    %dma_start3A_845 = tpu.memref_slice %arg9[%add3A, %dma_start3A_843, %dma_start3A_844] : memref<32x256x128xf32, #tpu.memory_space<hbm>> -> memref<1x256x128xf32, #tpu.memory_space<hbm>>
    %dma_start3A_846 = tpu.memref_squeeze %dma_start3A_845 : memref<1x256x128xf32, #tpu.memory_space<hbm>> -> memref<256x128xf32, #tpu.memory_space<hbm>>
    %dma_start3A_847 = arith.constant 192 : i32
    %dma_start3A_848 = arith.constant 0 : i32
    %dma_start3A_849 = tpu.memref_slice %dma_start3A_846[%dma_start3A_847, %dma_start3A_848] : memref<256x128xf32, #tpu.memory_space<hbm>> -> memref<64x128xf32, #tpu.memory_space<hbm>>
    %dma_start3A_850 = arith.constant 192 : i32
    %dma_start3A_851 = arith.constant 0 : i32
    %dma_start3A_852 = tpu.memref_slice %arg14[%dma_start3A_850, %dma_start3A_851] : memref<256x128xf32, #tpu.memory_space<vmem>> -> memref<64x128xf32, #tpu.memory_space<vmem>>
    tpu.enqueue_dma source(%dma_start3A_852 : memref<64x128xf32, #tpu.memory_space<vmem>>) target(%dma_start3A_849 : memref<64x128xf32, #tpu.memory_space<hbm>>) target_semaphore(%arg21 : memref<!tpu.dma_semaphore, #tpu.memory_space<semaphore_mem>>)
    %dma_wait3A_853 = arith.constant 0 : i32
    %dma_wait3A_854 = arith.constant 0 : i32
    %dma_wait3A_855 = tpu.memref_slice %arg14[%dma_wait3A_853, %dma_wait3A_854] : memref<256x128xf32, #tpu.memory_space<vmem>> -> memref<64x128xf32, #tpu.memory_space<vmem>>
    %dma_wait3A_856 = arith.constant 0 : i32
    %dma_wait3A_857 = arith.constant 0 : i32
    %dma_wait3A_858 = tpu.memref_slice %arg9[%add3A, %dma_wait3A_856, %dma_wait3A_857] : memref<32x256x128xf32, #tpu.memory_space<hbm>> -> memref<1x256x128xf32, #tpu.memory_space<hbm>>
    %dma_wait3A_859 = tpu.memref_squeeze %dma_wait3A_858 : memref<1x256x128xf32, #tpu.memory_space<hbm>> -> memref<256x128xf32, #tpu.memory_space<hbm>>
    %dma_wait3A_860 = arith.constant 0 : i32
    %dma_wait3A_861 = arith.constant 0 : i32
    %dma_wait3A_862 = tpu.memref_slice %dma_wait3A_859[%dma_wait3A_860, %dma_wait3A_861] : memref<256x128xf32, #tpu.memory_space<hbm>> -> memref<64x128xf32, #tpu.memory_space<hbm>>
    %dma_wait3A_863 = arith.constant 0 : i32
    %dma_wait3A_864 = arith.constant 0 : i32
    %dma_wait3A_865 = tpu.memref_slice %arg9[%add3A, %dma_wait3A_863, %dma_wait3A_864] : memref<32x256x128xf32, #tpu.memory_space<hbm>> -> memref<1x256x128xf32, #tpu.memory_space<hbm>>
    %dma_wait3A_866 = tpu.memref_squeeze %dma_wait3A_865 : memref<1x256x128xf32, #tpu.memory_space<hbm>> -> memref<256x128xf32, #tpu.memory_space<hbm>>
    %dma_wait3A_867 = arith.constant 0 : i32
    %dma_wait3A_868 = arith.constant 0 : i32
    %dma_wait3A_869 = tpu.memref_slice %dma_wait3A_866[%dma_wait3A_867, %dma_wait3A_868] : memref<256x128xf32, #tpu.memory_space<hbm>> -> memref<64x128xf32, #tpu.memory_space<hbm>>
    %dma_wait3A_870 = arith.constant 0 : i32
    %dma_wait3A_871 = arith.constant 0 : i32
    %dma_wait3A_872 = tpu.memref_slice %arg14[%dma_wait3A_870, %dma_wait3A_871] : memref<256x128xf32, #tpu.memory_space<vmem>> -> memref<64x128xf32, #tpu.memory_space<vmem>>
    tpu.wait_dma2 semaphore(%arg21 : memref<!tpu.dma_semaphore, #tpu.memory_space<semaphore_mem>>) src(%dma_wait3A_872 : memref<64x128xf32, #tpu.memory_space<vmem>>) dst(%dma_wait3A_869 : memref<64x128xf32, #tpu.memory_space<hbm>>)
    %dma_wait3A_873 = arith.constant 64 : i32
    %dma_wait3A_874 = arith.constant 0 : i32
    %dma_wait3A_875 = tpu.memref_slice %arg14[%dma_wait3A_873, %dma_wait3A_874] : memref<256x128xf32, #tpu.memory_space<vmem>> -> memref<64x128xf32, #tpu.memory_space<vmem>>
    %dma_wait3A_876 = arith.constant 0 : i32
    %dma_wait3A_877 = arith.constant 0 : i32
    %dma_wait3A_878 = tpu.memref_slice %arg9[%add3A, %dma_wait3A_876, %dma_wait3A_877] : memref<32x256x128xf32, #tpu.memory_space<hbm>> -> memref<1x256x128xf32, #tpu.memory_space<hbm>>
    %dma_wait3A_879 = tpu.memref_squeeze %dma_wait3A_878 : memref<1x256x128xf32, #tpu.memory_space<hbm>> -> memref<256x128xf32, #tpu.memory_space<hbm>>
    %dma_wait3A_880 = arith.constant 64 : i32
    %dma_wait3A_881 = arith.constant 0 : i32
    %dma_wait3A_882 = tpu.memref_slice %dma_wait3A_879[%dma_wait3A_880, %dma_wait3A_881] : memref<256x128xf32, #tpu.memory_space<hbm>> -> memref<64x128xf32, #tpu.memory_space<hbm>>
    %dma_wait3A_883 = arith.constant 0 : i32
    %dma_wait3A_884 = arith.constant 0 : i32
    %dma_wait3A_885 = tpu.memref_slice %arg9[%add3A, %dma_wait3A_883, %dma_wait3A_884] : memref<32x256x128xf32, #tpu.memory_space<hbm>> -> memref<1x256x128xf32, #tpu.memory_space<hbm>>
    %dma_wait3A_886 = tpu.memref_squeeze %dma_wait3A_885 : memref<1x256x128xf32, #tpu.memory_space<hbm>> -> memref<256x128xf32, #tpu.memory_space<hbm>>
    %dma_wait3A_887 = arith.constant 64 : i32
    %dma_wait3A_888 = arith.constant 0 : i32
    %dma_wait3A_889 = tpu.memref_slice %dma_wait3A_886[%dma_wait3A_887, %dma_wait3A_888] : memref<256x128xf32, #tpu.memory_space<hbm>> -> memref<64x128xf32, #tpu.memory_space<hbm>>
    %dma_wait3A_890 = arith.constant 64 : i32
    %dma_wait3A_891 = arith.constant 0 : i32
    %dma_wait3A_892 = tpu.memref_slice %arg14[%dma_wait3A_890, %dma_wait3A_891] : memref<256x128xf32, #tpu.memory_space<vmem>> -> memref<64x128xf32, #tpu.memory_space<vmem>>
    tpu.wait_dma2 semaphore(%arg21 : memref<!tpu.dma_semaphore, #tpu.memory_space<semaphore_mem>>) src(%dma_wait3A_892 : memref<64x128xf32, #tpu.memory_space<vmem>>) dst(%dma_wait3A_889 : memref<64x128xf32, #tpu.memory_space<hbm>>)
    %dma_wait3A_893 = arith.constant 128 : i32
    %dma_wait3A_894 = arith.constant 0 : i32
    %dma_wait3A_895 = tpu.memref_slice %arg14[%dma_wait3A_893, %dma_wait3A_894] : memref<256x128xf32, #tpu.memory_space<vmem>> -> memref<64x128xf32, #tpu.memory_space<vmem>>
    %dma_wait3A_896 = arith.constant 0 : i32
    %dma_wait3A_897 = arith.constant 0 : i32
    %dma_wait3A_898 = tpu.memref_slice %arg9[%add3A, %dma_wait3A_896, %dma_wait3A_897] : memref<32x256x128xf32, #tpu.memory_space<hbm>> -> memref<1x256x128xf32, #tpu.memory_space<hbm>>
    %dma_wait3A_899 = tpu.memref_squeeze %dma_wait3A_898 : memref<1x256x128xf32, #tpu.memory_space<hbm>> -> memref<256x128xf32, #tpu.memory_space<hbm>>
    %dma_wait3A_900 = arith.constant 128 : i32
    %dma_wait3A_901 = arith.constant 0 : i32
    %dma_wait3A_902 = tpu.memref_slice %dma_wait3A_899[%dma_wait3A_900, %dma_wait3A_901] : memref<256x128xf32, #tpu.memory_space<hbm>> -> memref<64x128xf32, #tpu.memory_space<hbm>>
    %dma_wait3A_903 = arith.constant 0 : i32
    %dma_wait3A_904 = arith.constant 0 : i32
    %dma_wait3A_905 = tpu.memref_slice %arg9[%add3A, %dma_wait3A_903, %dma_wait3A_904] : memref<32x256x128xf32, #tpu.memory_space<hbm>> -> memref<1x256x128xf32, #tpu.memory_space<hbm>>
    %dma_wait3A_906 = tpu.memref_squeeze %dma_wait3A_905 : memref<1x256x128xf32, #tpu.memory_space<hbm>> -> memref<256x128xf32, #tpu.memory_space<hbm>>
    %dma_wait3A_907 = arith.constant 128 : i32
    %dma_wait3A_908 = arith.constant 0 : i32
    %dma_wait3A_909 = tpu.memref_slice %dma_wait3A_906[%dma_wait3A_907, %dma_wait3A_908] : memref<256x128xf32, #tpu.memory_space<hbm>> -> memref<64x128xf32, #tpu.memory_space<hbm>>
    %dma_wait3A_910 = arith.constant 128 : i32
    %dma_wait3A_911 = arith.constant 0 : i32
    %dma_wait3A_912 = tpu.memref_slice %arg14[%dma_wait3A_910, %dma_wait3A_911] : memref<256x128xf32, #tpu.memory_space<vmem>> -> memref<64x128xf32, #tpu.memory_space<vmem>>
    tpu.wait_dma2 semaphore(%arg21 : memref<!tpu.dma_semaphore, #tpu.memory_space<semaphore_mem>>) src(%dma_wait3A_912 : memref<64x128xf32, #tpu.memory_space<vmem>>) dst(%dma_wait3A_909 : memref<64x128xf32, #tpu.memory_space<hbm>>)
    %dma_wait3A_913 = arith.constant 192 : i32
    %dma_wait3A_914 = arith.constant 0 : i32
    %dma_wait3A_915 = tpu.memref_slice %arg14[%dma_wait3A_913, %dma_wait3A_914] : memref<256x128xf32, #tpu.memory_space<vmem>> -> memref<64x128xf32, #tpu.memory_space<vmem>>
    %dma_wait3A_916 = arith.constant 0 : i32
    %dma_wait3A_917 = arith.constant 0 : i32
    %dma_wait3A_918 = tpu.memref_slice %arg9[%add3A, %dma_wait3A_916, %dma_wait3A_917] : memref<32x256x128xf32, #tpu.memory_space<hbm>> -> memref<1x256x128xf32, #tpu.memory_space<hbm>>
    %dma_wait3A_919 = tpu.memref_squeeze %dma_wait3A_918 : memref<1x256x128xf32, #tpu.memory_space<hbm>> -> memref<256x128xf32, #tpu.memory_space<hbm>>
    %dma_wait3A_920 = arith.constant 192 : i32
    %dma_wait3A_921 = arith.constant 0 : i32
    %dma_wait3A_922 = tpu.memref_slice %dma_wait3A_919[%dma_wait3A_920, %dma_wait3A_921] : memref<256x128xf32, #tpu.memory_space<hbm>> -> memref<64x128xf32, #tpu.memory_space<hbm>>
    %dma_wait3A_923 = arith.constant 0 : i32
    %dma_wait3A_924 = arith.constant 0 : i32
    %dma_wait3A_925 = tpu.memref_slice %arg9[%add3A, %dma_wait3A_923, %dma_wait3A_924] : memref<32x256x128xf32, #tpu.memory_space<hbm>> -> memref<1x256x128xf32, #tpu.memory_space<hbm>>
    %dma_wait3A_926 = tpu.memref_squeeze %dma_wait3A_925 : memref<1x256x128xf32, #tpu.memory_space<hbm>> -> memref<256x128xf32, #tpu.memory_space<hbm>>
    %dma_wait3A_927 = arith.constant 192 : i32
    %dma_wait3A_928 = arith.constant 0 : i32
    %dma_wait3A_929 = tpu.memref_slice %dma_wait3A_926[%dma_wait3A_927, %dma_wait3A_928] : memref<256x128xf32, #tpu.memory_space<hbm>> -> memref<64x128xf32, #tpu.memory_space<hbm>>
    %dma_wait3A_930 = arith.constant 192 : i32
    %dma_wait3A_931 = arith.constant 0 : i32
    %dma_wait3A_932 = tpu.memref_slice %arg14[%dma_wait3A_930, %dma_wait3A_931] : memref<256x128xf32, #tpu.memory_space<vmem>> -> memref<64x128xf32, #tpu.memory_space<vmem>>
    tpu.wait_dma2 semaphore(%arg21 : memref<!tpu.dma_semaphore, #tpu.memory_space<semaphore_mem>>) src(%dma_wait3A_932 : memref<64x128xf32, #tpu.memory_space<vmem>>) dst(%dma_wait3A_929 : memref<64x128xf32, #tpu.memory_space<hbm>>)
    return
  }
}

</mosaic_0001>

<sc_bundles>
// kernel: kernel.3.cloned.1.call-start
scs
__scs_entry_jumppad:
0x0: {  	(pc) =	sbr.rel $0x88, $3  }
0x1: {  	(tag) =	ssettag $0x0;
	lr =	simm.s32 $0x1  }
0x2: {  	[smem:$0x3F9A] =	sst lr;
	_ =	strace $0xD0000000  }
0x3: {  	_ = 	snop  }
0x4: {  	_ = 	snop  }
0x5: {  	_ = 	snop  }
0x6: {  	_ = 	snop  }
0x7: {  	_ = 	snop  }
__scs_overlays_trampoline_lowered:
0x8: {  	[smem:$0x3FA9] =	sst s0  }
0x9: {  	[smem:$0x3FAA] =	sst s1  }
0xa: {  	[smem:$0x3FAB] =	sst s2  }
0xb: {  	[smem:$0x3FAC] =	sst s3  }
0xc: {  	[smem:$0x3FAD] =	sst s4  }
0xd: {  	[smem:$0x3FAE] =	sst s5  }
0xe: {  	[smem:$0x3FAF] =	sst s6  }
0xf: {  	[smem:$0x3FB0] =	sst s7  }
0x10: {  	[smem:$0x3FB1] =	sst s8  }
0x11: {  	[smem:$0x3FB2] =	sst s9;
	s0 =	simm.s32 @!p0 $0x0  }
0x12: {  	s1 =	sld [smem:$0x3F98];
	s0 =	simm.s32 @p0 $0x1  }
0x13: {  	[smem:$0x3FB3] =	sst s0;
	s0 =	simm.s32 @!p1 $0x0  }
0x14: {  	s2 =	sld [smem:$0x3F97];
	s0 =	simm.s32 @p1 $0x1  }
0x15: {  	[smem:$0x3FB4] =	sst s0;
	s0 =	simm.s32 @!p2 $0x0  }
0x16: {  	s3 =	sld [smem:$0x3FDB];
	s0 =	simm.s32 @p2 $0x1  }
0x17: {  	s4 =	simm.s32 $0x1BF5;
	[smem:$0x3FB6] =	sst s0  }
0x18: {  	s0 =	sld [smem:$0x3F99];
	_ =	swait.ge [sflag:s4], $0x0  }
0x19: {  	s7 =	sld [smem:$0x3F9A]  }
0x1a: {  	s8 =	sadd.s32 $0xFFFFE003, lr  }
0x1b: {  	s9 =	sadd.s32 $0xFFFFFEF7, lr;
	s5 =	simm.s32 $0xFFFFFFFF;
	p2 =	slt.u32 s8, $0xFFFFF086  }
0x1c: {  	p1 =	slt.u32 s9, $0xF7A;
	s5 =	simm.s32 @!p2 $0x0  }
0x1d: {  	s5 =	simm.s32 @p1 $0x1;
	p0 =	seq.s32 s7, s2  }
0x1e: {  	s7 =	smul.u32 @!p0 $0xF7A, s2;
	p2 =	seq.s32 @!p0 s5, $0x0  }
0x1f: {  	s9 =	smul.u32 $0xF7A, s1;
	s8 =	simm.s32 @!p0 $0x1BF5;
	p2 =	por !p2, p0  }
0x20: {  	[sflag:s8] =	ssyncset.s32 @!p0 $0xFFFFF086;
	s6 =	sadd.s32 @!p0 s3, s7;
	s7 =	simm.s32 @!p0 $0x108  }
0x21: {  	s3 =	sadd.s32 s3, s9;
	s6 =	sadd.s32 @!p0 $0x88, s6;
	s7 =	simm.s32 @p2 $0x1082  }
0x22: {  	[simem:s7], [sflag:s8] =	dma.local @!p0 [hbm:s6], $0xF7A  }
0x23: {  	s9 =	sor.u32 $0xD0000000, s2;
	s6 =	simm.s32 $0x108;
	_ =	swait.ge @!p0 [sflag:s8], $0x0  }
0x24: {  	s3 =	sadd.s32 $0x88, s3;
	s6 =	simm.s32 @!p1 $0x1082;
	[sflag:s4] =	ssyncset.s32 $0xFFFFF086  }
0x25: {  	[simem:s6], [sflag:s4] =	dma.local [hbm:s3], $0xF7A  }
0x26: {  	[smem:$0x3F9A] =	sst s1;
	(tag) =	ssettag s2;
	_ =	strace s9  }
0x27: {  	s1 =	sld [smem:$0x3FAA]  }
0x28: {  	s2 =	sld [smem:$0x3FAB]  }
0x29: {  	s4 =	sld [smem:$0x3FAD]  }
0x2a: {  	p0 =	seq.s32 s5, $0x0;
	s5 =	sld [smem:$0x3FAE]  }
0x2b: {  	s6 =	sld [smem:$0x3FAF]  }
0x2c: {  	s7 =	sld [smem:$0x3FB0]  }
0x2d: {  	s3 =	simm.s32 $0x108;
	s8 =	sld [smem:$0x3FB1]  }
0x2e: {  	s3 =	simm.s32 @!p0 $0x1082;
	s9 =	sld [smem:$0x3FB2]  }
0x2f: {  	lr =	sadd.s32 s0, s3;
	s0 =	sld [smem:$0x3FA9]  }
0x30: {  	s3 =	sld [smem:$0x3FAC]  }
0x31: {  	[smem:$0x3FB5] =	sst s10  }
0x32: {  	s10 =	sld [smem:$0x3FB3];
	_ =	sdelay $0x3  }
0x33: {  	p0 =	seq.s32 s10, $0x1;
	s10 =	sld [smem:$0x3FB5];
	_ =	sdelay $0x3  }
0x34: {  	[smem:$0x3FB5] =	sst s10  }
0x35: {  	s10 =	sld [smem:$0x3FB4];
	_ =	sdelay $0x3  }
0x36: {  	p1 =	seq.s32 s10, $0x1;
	s10 =	sld [smem:$0x3FB5];
	_ =	sdelay $0x3  }
0x37: {  	[smem:$0x3FB5] =	sst s10  }
0x38: {  	s10 =	sld [smem:$0x3FB6]  }
0x39: {  	_ = 	snop;
	(pc) =	sbr.ind lr, $3  }
0x3a: {  	_ = 	snop  }
0x3b: {  	_ = 	snop  }
0x3c: {  	p2 =	seq.s32 s10, $0x1;
	s10 =	sld [smem:$0x3FB5]  }
0x3d: {  	_ =	shalt  }
0x3e: {  	_ =	shalt  }
0x3f: {  	_ =	shalt  }
0x40: {  	_ =	shalt  }
0x41: {  	_ =	shalt  }
0x42: {  	_ =	shalt  }
0x43: {  	_ =	shalt  }
0x44: {  	_ =	shalt  }
0x45: {  	_ =	shalt  }
0x46: {  	_ =	shalt  }
0x47: {  	_ =	shalt  }
0x48: {  	_ =	shalt  }
0x49: {  	_ =	shalt  }
0x4a: {  	_ =	shalt  }
0x4b: {  	_ =	shalt  }
0x4c: {  	_ =	shalt  }
0x4d: {  	_ =	shalt  }
0x4e: {  	_ =	shalt  }
0x4f: {  	_ =	shalt  }
0x50: {  	_ =	shalt  }
0x51: {  	_ =	shalt  }
0x52: {  	_ =	shalt  }
0x53: {  	_ =	shalt  }
0x54: {  	_ =	shalt  }
0x55: {  	_ =	shalt  }
0x56: {  	_ =	shalt  }
0x57: {  	_ =	shalt  }
0x58: {  	_ =	shalt  }
0x59: {  	_ =	shalt  }
0x5a: {  	_ =	shalt  }
0x5b: {  	_ =	shalt  }
0x5c: {  	_ =	shalt  }
0x5d: {  	_ =	shalt  }
0x5e: {  	_ =	shalt  }
0x5f: {  	_ =	shalt  }
0x60: {  	_ =	shalt  }
0x61: {  	_ =	shalt  }
0x62: {  	_ =	shalt  }
0x63: {  	_ =	shalt  }
0x64: {  	_ =	shalt  }
0x65: {  	_ =	shalt  }
0x66: {  	_ =	shalt  }
0x67: {  	_ =	shalt  }
0x68: {  	_ =	shalt  }
0x69: {  	_ =	shalt  }
0x6a: {  	_ =	shalt  }
0x6b: {  	_ =	shalt  }
0x6c: {  	_ =	shalt  }
0x6d: {  	_ =	shalt  }
0x6e: {  	_ =	shalt  }
0x6f: {  	_ =	shalt  }
0x70: {  	_ =	shalt  }
0x71: {  	_ =	shalt  }
0x72: {  	_ =	shalt  }
0x73: {  	_ =	shalt  }
0x74: {  	_ =	shalt  }
0x75: {  	_ =	shalt  }
0x76: {  	_ =	shalt  }
0x77: {  	_ =	shalt  }
0x78: {  	_ =	shalt  }
0x79: {  	_ =	shalt  }
0x7a: {  	_ =	shalt  }
0x7b: {  	_ =	shalt  }
0x7c: {  	_ =	shalt  }
0x7d: {  	_ =	shalt  }
0x7e: {  	_ =	shalt  }
0x7f: {  	_ =	shalt  }
0x80: {  	_ =	shalt  }
0x81: {  	_ =	shalt  }
0x82: {  	_ =	shalt  }
0x83: {  	_ =	shalt  }
0x84: {  	_ =	shalt  }
0x85: {  	_ =	shalt  }
0x86: {  	_ =	shalt  }
0x87: {  	_ =	shalt  }
.Lfunc_end0:
.L_simem_size_0:
called_computation_lowered:
.L_overlay_start_0:
0x88: {  	s2 =	sld [smem:$0x3FD9]  }
0x89: {  	s3 =	sld [smem:$0x3FFE];
	_ =	sdelay $0x1  }
0x8a: {  	s1 =	srdreg.scid  }
0x8b: {  	s0 =	sand.u32 $0x1, s1  }
0x8c: {  	s17 =	sshll.u32 s0, $0xA;
	s2 =	sadd.s32 s3, s2  }
0x8d: {  	s2 =	sadd.s32 s2, s17  }
0x8e: {  	[smem:$0x3FC1] =	sst s2  }
0x8f: {  	_ = 	snop  }
0x90: {  	s2 =	sld [smem:$0x3FC7]  }
0x91: {  	s18 =	sld [smem:$0x3FC6]  }
0x92: {  	s4 =	sld [smem:$0x3FC5]  }
0x93: {  	s5 =	sld [smem:$0x3FC4]  }
0x94: {  	s6 =	sld [smem:$0x3FC3]  }
0x95: {  	s7 =	sld [smem:$0x3FD0];
	(tm) =	ssettm $0x1  }
0x96: {  	s8 =	sld [smem:$0x3FFB];
	_ =	sdelay $0x3  }
0x97: {  	_ =	strace s8  }
0x98: {  	s8 =	sld [smem:$0x3FFC];
	_ =	sdelay $0x3  }
0x99: {  	_ =	strace s8  }
0x9a: {  	s8 =	sld [smem:$0x3FFD];
	_ =	sdelay $0x3  }
0x9b: {  	_ =	strace s8  }
0x9c: {  	_ =	strace $0x8FFFFFFF  }
0x9d: {  	s19 =	sld [smem:$0x3FDB];
	_ =	sdelay $0x1  }
0x9e: {  	s9 =	simm.s32 $_scs_section_size  }
0x9f: {  	s10 =	simm.s32 $_size__tile_overlayer_lowered;
	s11 =	simm.s32 $_tile_overlayer_lowered  }
0xa0: {  	s22 =	simm.s32 $0x1BFF;
	s21 =	sshll.u32 s11, $0x1;
	s8 =	sadd.s32 s9, s19  }
0xa1: {  	s12 =	simm.s32 $0x0;
	s20 =	sshll.u32 s10, $0x1;
	s10 =	sadd.s32 s21, s8  }
0xa2: {  	[timem:s12], [sflag:s22] =	dma.local [hbm:s10], s20  }
0xa3: {  	_ =	swait.ge [sflag:s22], s20  }
0xa4: {  	s9 =	ssub.s32 $0x0, s20;
	[sflag:s22] =	ssyncset.done $0x0  }
0xa5: {  	[sflag:s22] =	ssyncadd.s32 s9;
	_ =	sdelay $0x1  }
0xa6: {  	s23 =	simm.s32 $0x1B8B  }
0xa7: {  	_ =	swait.ge [sflag:s23], $0x1  }
0xa8: {  	[sflag:s23] =	ssyncset.done $0x0  }
0xa9: {  	s25 =	simm.s32 $0x1B8E;
	s24 =	sld [smem:$0x3FFE];
	[sflag:s23] =	ssyncadd.s32 $0xFFFFFFFF  }
0xaa: {  	s26 =	simm.s32 $execute0_lowered;
	[smem:$0x3FD2] =	sst s25  }
0xab: {  	s10 =	sshll.u32 s26, $0x1;
	_ =	strace $0x80000046;
	[dreg:$0x1] =	wrdreg $0xFFFFFFFF  }
0xac: {  	s28 =	simm.s32 $_size_execute0_lowered;
	s8 =	sadd.s32 s8, s10;
	[dreg:$0x0] =	wrdreg $0x0  }
0xad: {  	s10 =	sshll.u32 s28, $0x1;
	[dreg:$0x2] =	wrdreg s8  }
0xae: {  	[dreg:$0x3] =	wrdreg s10  }
0xaf: {  	[dreg:$0x4] =	wrdreg $0xC0  }
0xb0: {  	_ =	task [dreg:s12], $0x5FFFF  }
0xb1: {  	[dreg:$0x1] =	wrdreg $0xFFFFFFFF  }
0xb2: {  	[dreg:$0x0] =	wrdreg $0x60  }
0xb3: {  	[dreg:$0x2] =	wrdreg s24  }
0xb4: {  	[dreg:$0x3] =	wrdreg s2  }
0xb5: {  	[dreg:$0x4] =	wrdreg s18  }
0xb6: {  	[dreg:$0x5] =	wrdreg s4  }
0xb7: {  	[dreg:$0x6] =	wrdreg s5  }
0xb8: {  	[dreg:$0x7] =	wrdreg s6  }
0xb9: {  	[dreg:$0x8] =	wrdreg s7  }
0xba: {  	[dreg:$0x9] =	wrdreg $0x9  }
0xbb: {  	_ =	task.clear_ibuf [dreg:s12], $0xAFFFF;
	_ =	strace $0x90000046  }
0xbc: {  	s29 =	simm.s32 $0x9;
	_ =	strace $0x80000048  }
0xbd: {  	_ =	swait.ge [sflag:s29], $0x1  }
0xbe: {  	[sflag:s29] =	ssyncadd.s32 $0xFFFFFFFF  }
0xbf: {  	_ =	strace $0x90000048  }
0xc0: {  	_ =	sfence  }
0xc1: {  	s30 =	sld [smem:$0x0];
	_ =	sdelay $0x2  }
0xc2: {  	s31 =	sshll.u32 s1, $0xD;
	s1 =	sshrl.u32 s1, $0x2  }
0xc3: {  	s3 =	sand.u32 $0x4000, s31;
	s1 =	sadd.s32 s1, s30  }
0xc4: {  	s0 =	sor.u32 s3, s0;
	s1 =	sshll.u32 s1, $0x11  }
0xc5: {  	s0 =	sor.u32 s1, s0  }
0xc6: {  	s0 =	sadd.s32 $0x8F2B, s0  }
0xc7: {  	[sflag:s0] =	ssyncadd.remote.s32 $0x1  }
0xc8: {  	_ =	sfence.sel $0xFFFF  }
0xc9: {  	[dreg:$0x0] =	wrdreg $0xFFFFFFFF;
	(pc) =	sbr.abs _section_cstart, $3  }
0xca: {  	[dreg:$0x1] =	wrdreg $0xFFFFFFFF  }
0xcb: {  	_ =	task.clear_ibuf [dreg:s12], $0x2FFFF;
	_ =	strace $0x9FFFFFFF  }
0xcc: {  	(tm) =	ssettm $0x7FFFFFFF  }
0xcd: {  	_ =	shalt  }
tec
execute0_lowered:
.L_overlay_start_1:
0x0: {  	(tag) =	ssettag $0x1  }
0x1: {  	s0 =	rddreg [dreg:$0x0]  }
0x2: {  	s1 =	rddreg [dreg:$0x1]  }
0x3: {  	s2 =	rddreg [dreg:$0x2]  }
0x4: {  	s3 =	rddreg [dreg:$0x6]  }
0x5: {  	s4 =	srdreg.scid;
	s5 =	stileid.u32;
	s7 =	simm.s32 $0x0  }
0x6: {  	s12 =	simm.s32 $0x400;
	s16 =	simm.s32 $0x3;
	s17 =	simm.s32 $0x20  }
0x7: {  	s19 =	simm.s32 $0xD00;
	s26 =	simm.s32 $0x2D00;
	s22 =	simm.s32 $0x6D00  }
0x8: {  	s25 =	simm.s32 $0xB80;
	s28 =	simm.s32 $0x7D00;
	s29 =	simm.s32 $0x780  }
0x9: {  	s30 =	simm.s32 $0xFD00;
	s4 =	sand.u32 $0x1, s4;
	s5 =	sshll.u32 s5, $0x1  }
0xa: {  	s31 =	simm.s32 $0x1;
	[smem:$0x7FF] =	sst s7;
	s5 =	sor.u32 s4, s5  }
0xb: {  	s4 =	ssub.s32 $0x2, s4;
	_ =	strace $0x80000047;
	s6 =	sshll.u32 s5, $0x7  }
0xc: {  	s8 =	sshrl.u32 s4, $0x1;
	s5 =	sshll.u32 s5, $0xC;
	s0 =	sadd.s32 s6, s0  }
0xd: {  	s4 =	ssub.s32 s4, s8;
	s10 =	sadd.s32 s3, s5;
	s5 =	simm.s32 $0xC00  }
0xe: {  	s3 =	simm.s32 $0x0;
	s8 =	sadd.s32 $0x1400, s0;
	s9 =	sadd.s32 $0x400, s0  }
0xf: {  	s11 =	smax.u32 s4, $0x1;
	s4 =	simm.s32 $0x4D00;
	s0 =	simm.s32 $0x2  }
.LBB2_1:
0x10: {  	[tilespmem:s7], [sflag:$0x3] =	stream.linear.gather [hbm4b:s8+s7], $0x400, $0x38;
	[tilespmem:$0x10F00] =	vst v63  }
0x11: {  	_ = 	snop  }
0x12: {  	[tilespmem:s12], [sflag:$0x3] =	stream.linear.gather [hbm4b:s9+s7], $0x400, $0x38;
	[tilespmem:$0x10F00] =	vst v63  }
0x13: {  	s6 =	rddreg [dreg:$0x3];
	s13 =	simm.s32 $0x10D00  }
0x14: {  	[tilespmem:s13], [sflag:$0x1] =	stream.linear.gather [hbm4b:s6+s7], $0x100, $0x38;
	[tilespmem:$0x10F00] =	vst v63  }
0x15: {  	s18 =	rddreg [dreg:$0x4];
	s20 =	simm.s32 $0x10E00  }
0x16: {  	[tilespmem:s20], [sflag:$0x1] =	stream.linear.gather [hbm4b:s18+s7], $0x80, $0x38;
	[tilespmem:$0x10F00] =	vst v63  }
0x17: {  	s21 =	rddreg [dreg:$0x5];
	s23 =	simm.s32 $0x10E80  }
0x18: {  	[tilespmem:s23], [sflag:$0x1] =	stream.linear.gather [hbm4b:s21+s7], $0x80, $0x38;
	[tilespmem:$0x10F00] =	vst v63  }
0x19: {  	_ =	swait.ge [sflag:s16], $0x400  }
0x1a: {  	[sflag:s16] =	ssyncset.done $0x0  }
0x1b: {  	[sflag:s16] =	ssyncadd.s32 $0xFFFFFC00  }
0x1c: {  	_ =	swait.ge [sflag:s16], $0x400  }
0x1d: {  	[sflag:s16] =	ssyncset.done $0x0  }
0x1e: {  	[sflag:s16] =	ssyncadd.s32 $0xFFFFFC00  }
0x1f: {  	v0 =	vld [tilespmem:$0x0]  }
0x20: {  	v1 =	vld [tilespmem:$0x10]  }
0x21: {  	v2 =	vld [tilespmem:$0x80]  }
0x22: {  	v4 =	vld [tilespmem:$0x90]  }
0x23: {  	v48 =	vld [tilespmem:$0x100]  }
0x24: {  	v51 =	vld [tilespmem:$0x110];
	v3 =	vshrl.u32 v0, $0x1E;
	v0 =	vand.u32 $0xBFFFFFFF, v0  }
0x25: {  	v55 =	vld [tilespmem:$0x180];
	v5 =	vshrl.u32 v1, $0x1E;
	v1 =	vand.u32 $0xBFFFFFFF, v1;
	[tilespmem:$0x800] =	vst v0  }
0x26: {  	v59 =	vld [tilespmem:$0x190];
	v52 =	vand.u32 $0xBFFFFFFF, v2;
	[tilespmem:$0x810] =	vst v1  }
0x27: {  	v63 =	vld [tilespmem:$0x200];
	v56 =	vand.u32 $0xBFFFFFFF, v4;
	[tilespmem:$0x880] =	vst v52  }
0x28: {  	v10 =	vld [tilespmem:$0x210];
	v60 =	vand.u32 $0xBFFFFFFF, v48;
	[tilespmem:$0x890] =	vst v56  }
0x29: {  	v14 =	vld [tilespmem:$0x280];
	v7 =	vand.u32 $0xBFFFFFFF, v51;
	[tilespmem:$0x900] =	vst v60  }
0x2a: {  	v38 =	vld [tilespmem:$0x300];
	v11 =	vand.u32 $0xBFFFFFFF, v55;
	[tilespmem:$0x910] =	vst v7  }
0x2b: {  	v46 =	vld [tilespmem:$0x380];
	v15 =	vand.u32 $0xBFFFFFFF, v59;
	[tilespmem:$0x980] =	vst v11  }
0x2c: {  	v34 =	vld [tilespmem:$0x290];
	v35 =	vand.u32 $0xBFFFFFFF, v63;
	[tilespmem:$0x990] =	vst v15  }
0x2d: {  	v39 =	vand.u32 $0xBFFFFFFF, v10;
	[tilespmem:$0xA00] =	vst v35  }
0x2e: {  	v49 =	vshrl.u32 v2, $0x1E;
	v57 =	vshrl.u32 v48, $0x1E;
	v43 =	vand.u32 $0xBFFFFFFF, v14;
	[tilespmem:$0xA10] =	vst v39  }
0x2f: {  	v61 =	vshrl.u32 v51, $0x1E;
	v51 =	vand.u32 $0xBFFFFFFF, v38;
	v3 =	vand.u32 $0x1, v3;
	[tilespmem:$0xA80] =	vst v43  }
0x30: {  	v42 =	vld [tilespmem:$0x310];
	v47 =	vand.u32 $0x1, v5;
	v58 =	vand.u32 $0x1, v57;
	[tilespmem:$0xB00] =	vst v51;
	v57 =	vand.u32 $0xBFFFFFFF, v46  }
0x31: {  	v3 =	vcvt.s32.f32 v3;
	v0 =	vcvt.s32.f32 v47;
	v47 =	vand.u32 $0xBFFFFFFF, v34;
	[tilespmem:$0xB80] =	vst v57  }
0x32: {  	v50 =	vand.u32 $0x1, v49;
	[tilespmem:$0xA90] =	vst v47  }
0x33: {  	v53 =	vshrl.u32 v4, $0x1E;
	v1 =	vcvt.s32.f32 v50;
	[tilespmem:$0xC00] =	vst v3  }
0x34: {  	v54 =	vand.u32 $0x1, v53;
	[tilespmem:$0xC10] =	vst v0  }
0x35: {  	v50 =	vld [tilespmem:$0x390];
	[tilespmem:$0xC20] =	vst v1;
	v0 =	vcvt.s32.f32 v54;
	v54 =	vand.u32 $0xBFFFFFFF, v42  }
0x36: {  	v8 =	vshrl.u32 v55, $0x1E;
	v62 =	vand.u32 $0x1, v61;
	v1 =	vcvt.s32.f32 v58;
	[tilespmem:$0xB10] =	vst v54  }
0x37: {  	v9 =	vand.u32 $0x1, v8;
	[tilespmem:$0xC30] =	vst v0;
	v0 =	vcvt.s32.f32 v62  }
0x38: {  	v12 =	vshrl.u32 v59, $0x1E;
	[tilespmem:$0xC40] =	vst v1;
	v1 =	vcvt.s32.f32 v9  }
0x39: {  	v32 =	vshrl.u32 v63, $0x1E;
	v36 =	vshrl.u32 v10, $0x1E;
	v13 =	vand.u32 $0x1, v12;
	[tilespmem:$0xC50] =	vst v0  }
0x3a: {  	v33 =	vand.u32 $0x1, v32;
	v60 =	vand.u32 $0xBFFFFFFF, v50;
	[tilespmem:$0xC60] =	vst v1;
	v0 =	vcvt.s32.f32 v13  }
0x3b: {  	v40 =	vshrl.u32 v14, $0x1E;
	v37 =	vand.u32 $0x1, v36;
	v1 =	vcvt.s32.f32 v33;
	[tilespmem:$0xB90] =	vst v60  }
0x3c: {  	v44 =	vshrl.u32 v34, $0x1E;
	v41 =	vand.u32 $0x1, v40;
	[tilespmem:$0xC70] =	vst v0;
	v0 =	vcvt.s32.f32 v37  }
0x3d: {  	v48 =	vshrl.u32 v38, $0x1E;
	v45 =	vand.u32 $0x1, v44;
	[tilespmem:$0xC80] =	vst v1;
	v1 =	vcvt.s32.f32 v41  }
0x3e: {  	v49 =	vand.u32 $0x1, v48;
	v52 =	vshrl.u32 v42, $0x1E;
	[tilespmem:$0xC90] =	vst v0;
	v0 =	vcvt.s32.f32 v45  }
0x3f: {  	v55 =	vshrl.u32 v46, $0x1E;
	v53 =	vand.u32 $0x1, v52;
	[tilespmem:$0xCA0] =	vst v1;
	v1 =	vcvt.s32.f32 v49  }
0x40: {  	v56 =	vand.u32 $0x1, v55;
	v58 =	vshrl.u32 v50, $0x1E;
	[tilespmem:$0xCB0] =	vst v0;
	v0 =	vcvt.s32.f32 v53  }
0x41: {  	v59 =	vand.u32 $0x1, v58;
	[tilespmem:$0xCC0] =	vst v1;
	v1 =	vcvt.s32.f32 v56  }
0x42: {  	[tilespmem:$0xCD0] =	vst v0;
	v0 =	vcvt.s32.f32 v59  }
0x43: {  	[tilespmem:$0xCE0] =	vst v1  }
0x44: {  	s24 =	simm.s32 $0x800;
	[tilespmem:$0xCF0] =	vst v0  }
0x45: {  	[tilespmem:s19], [sflag:$0x2] =	stream.indirect.gather [hbm4b:s1+s17], $0x80, s24, s17, $0xb8;
	[tilespmem:$0x10F00] =	vst v63  }
0x46: {  	s13 =	simm.s32 $0x8D00  }
0x47: {  	[tilespmem:s13], [sflag:$0x2] =	stream.indirect.gather [hbm4b:s2+s17], $0x80, s12, s17, $0xb8;
	[tilespmem:$0x10F00] =	vst v63  }
0x48: {  	s14 =	simm.s32 $0x880;
	s15 =	simm.s32 $0x1D00  }
0x49: {  	[tilespmem:s15], [sflag:$0x2] =	stream.indirect.gather [hbm4b:s1+s17], $0x80, s14, s17, $0xb8;
	[tilespmem:$0x10F00] =	vst v63  }
0x4a: {  	s18 =	simm.s32 $0x480;
	s20 =	simm.s32 $0x9D00  }
0x4b: {  	[tilespmem:s20], [sflag:$0x2] =	stream.indirect.gather [hbm4b:s2+s17], $0x80, s18, s17, $0xb8;
	[tilespmem:$0x10F00] =	vst v63  }
0x4c: {  	s21 =	simm.s32 $0x900  }
0x4d: {  	[tilespmem:s26], [sflag:$0x2] =	stream.indirect.gather [hbm4b:s1+s17], $0x80, s21, s17, $0xb8;
	[tilespmem:$0x10F00] =	vst v63  }
0x4e: {  	s23 =	simm.s32 $0x500;
	s24 =	simm.s32 $0xAD00  }
0x4f: {  	[tilespmem:s24], [sflag:$0x2] =	stream.indirect.gather [hbm4b:s2+s17], $0x80, s23, s17, $0xb8;
	[tilespmem:$0x10F00] =	vst v63  }
0x50: {  	s14 =	simm.s32 $0x980;
	s15 =	simm.s32 $0x3D00  }
0x51: {  	[tilespmem:s15], [sflag:$0x2] =	stream.indirect.gather [hbm4b:s1+s17], $0x80, s14, s17, $0xb8;
	[tilespmem:$0x10F00] =	vst v63  }
0x52: {  	s18 =	simm.s32 $0x580;
	s20 =	simm.s32 $0xBD00  }
0x53: {  	[tilespmem:s20], [sflag:$0x2] =	stream.indirect.gather [hbm4b:s2+s17], $0x80, s18, s17, $0xb8;
	[tilespmem:$0x10F00] =	vst v63  }
0x54: {  	s21 =	simm.s32 $0xA00  }
0x55: {  	[tilespmem:s4], [sflag:$0x2] =	stream.indirect.gather [hbm4b:s1+s17], $0x80, s21, s17, $0xb8;
	[tilespmem:$0x10F00] =	vst v63  }
0x56: {  	s23 =	simm.s32 $0x600;
	s24 =	simm.s32 $0xCD00  }
0x57: {  	[tilespmem:s24], [sflag:$0x2] =	stream.indirect.gather [hbm4b:s2+s17], $0x80, s23, s17, $0xb8;
	[tilespmem:$0x10F00] =	vst v63  }
0x58: {  	s14 =	simm.s32 $0xA80;
	s15 =	simm.s32 $0x5D00  }
0x59: {  	[tilespmem:s15], [sflag:$0x2] =	stream.indirect.gather [hbm4b:s1+s17], $0x80, s14, s17, $0xb8;
	[tilespmem:$0x10F00] =	vst v63  }
0x5a: {  	s18 =	simm.s32 $0x680;
	s20 =	simm.s32 $0xDD00  }
0x5b: {  	[tilespmem:s20], [sflag:$0x2] =	stream.indirect.gather [hbm4b:s2+s17], $0x80, s18, s17, $0xb8;
	[tilespmem:$0x10F00] =	vst v63  }
0x5c: {  	s21 =	simm.s32 $0xB00  }
0x5d: {  	[tilespmem:s22], [sflag:$0x2] =	stream.indirect.gather [hbm4b:s1+s17], $0x80, s21, s17, $0xb8;
	[tilespmem:$0x10F00] =	vst v63  }
0x5e: {  	s23 =	simm.s32 $0x700;
	s24 =	simm.s32 $0xED00  }
0x5f: {  	[tilespmem:s24], [sflag:$0x2] =	stream.indirect.gather [hbm4b:s2+s17], $0x80, s23, s17, $0xb8;
	[tilespmem:$0x10F00] =	vst v63  }
0x60: {  	_ = 	snop  }
0x61: {  	[tilespmem:s28], [sflag:$0x2] =	stream.indirect.gather [hbm4b:s1+s17], $0x80, s25, s17, $0xb8;
	[tilespmem:$0x10F00] =	vst v63  }
0x62: {  	_ = 	snop  }
0x63: {  	[tilespmem:s30], [sflag:$0x2] =	stream.indirect.gather [hbm4b:s2+s17], $0x80, s29, s17, $0xb8;
	[tilespmem:$0x10F00] =	vst v63  }
0x64: {  	_ =	swait.ge [sflag:s31], $0x100  }
0x65: {  	[sflag:s31] =	ssyncset.done $0x0  }
0x66: {  	[sflag:s31] =	ssyncadd.s32 $0xFFFFFF00  }
0x67: {  	_ =	swait.ge [sflag:s31], $0x80  }
0x68: {  	[sflag:s31] =	ssyncset.done $0x0  }
0x69: {  	[sflag:s31] =	ssyncadd.s32 $0xFFFFFF80  }
0x6a: {  	_ =	swait.ge [sflag:s31], $0x80  }
0x6b: {  	[sflag:s31] =	ssyncset.done $0x0  }
0x6c: {  	[sflag:s31] =	ssyncadd.s32 $0xFFFFFF80  }
0x6d: {  	v9 =	vld [tilespmem:$0x10E00]  }
0x6e: {  	v11 =	vld [tilespmem:$0x10E10]  }
0x6f: {  	v12 =	vld [tilespmem:$0x10E20]  }
0x70: {  	v13 =	vld [tilespmem:$0x10E30]  }
0x71: {  	v10 =	vld [tilespmem:$0x10E40]  }
0x72: {  	v14 =	vld [tilespmem:$0x10E50]  }
0x73: {  	v61 =	vld [tilespmem:$0x10E60]  }
0x74: {  	v6 =	vld [tilespmem:$0x10E70]  }
0x75: {  	v15 =	vld [tilespmem:$0x10E80]  }
0x76: {  	v16 =	vld [tilespmem:$0x10E90]  }
0x77: {  	v17 =	vld [tilespmem:$0x10EA0]  }
0x78: {  	v18 =	vld [tilespmem:$0x10EB0]  }
0x79: {  	v7 =	vld [tilespmem:$0x10EC0]  }
0x7a: {  	v8 =	vld [tilespmem:$0x10ED0]  }
0x7b: {  	v62 =	vld [tilespmem:$0x10EE0]  }
0x7c: {  	v63 =	vld [tilespmem:$0x10EF0]  }
0x7d: {  	v47 =	vld [tilespmem:$0x10D00]  }
0x7e: {  	v39 =	vld [tilespmem:$0x10D10]  }
0x7f: {  	v45 =	vld [tilespmem:$0x10D20]  }
0x80: {  	v29 =	vld [tilespmem:$0x10D30]  }
0x81: {  	v31 =	vld [tilespmem:$0x10D40]  }
0x82: {  	v19 =	vld [tilespmem:$0x10D50]  }
0x83: {  	v20 =	vld [tilespmem:$0x10D60]  }
0x84: {  	v21 =	vld [tilespmem:$0x10D70]  }
0x85: {  	v22 =	vld [tilespmem:$0x10D80]  }
0x86: {  	v23 =	vld [tilespmem:$0x10D90]  }
0x87: {  	v24 =	vld [tilespmem:$0x10DA0]  }
0x88: {  	v25 =	vld [tilespmem:$0x10DB0]  }
0x89: {  	v26 =	vld [tilespmem:$0x10DC0]  }
0x8a: {  	v27 =	vld [tilespmem:$0x10DD0]  }
0x8b: {  	v28 =	vld [tilespmem:$0x10DE0]  }
0x8c: {  	v30 =	vld [tilespmem:$0x10DF0];
	_ =	swait.ge [sflag:s0], $0x1000  }
0x8d: {  	[sflag:s0] =	ssyncset.done $0x0  }
0x8e: {  	[sflag:s0] =	ssyncadd.s32 $0xFFFFF000  }
0x8f: {  	_ =	swait.ge [sflag:s0], $0x1000  }
0x90: {  	[sflag:s0] =	ssyncset.done $0x0  }
0x91: {  	[sflag:s0] =	ssyncadd.s32 $0xFFFFF000  }
0x92: {  	_ =	swait.ge [sflag:s0], $0x1000  }
0x93: {  	[sflag:s0] =	ssyncset.done $0x0  }
0x94: {  	[sflag:s0] =	ssyncadd.s32 $0xFFFFF000  }
0x95: {  	_ =	swait.ge [sflag:s0], $0x1000  }
0x96: {  	[tilespmem:$0x1FE00] =	vst v9  }
0x97: {  	[tilespmem:$0x1FE10] =	vst v11  }
0x98: {  	[tilespmem:$0x1FE20] =	vst v12  }
0x99: {  	[tilespmem:$0x1FE30] =	vst v13  }
0x9a: {  	[tilespmem:$0x1FE40] =	vst v10  }
0x9b: {  	[tilespmem:$0x1FE50] =	vst v14  }
0x9c: {  	[tilespmem:$0x1FE60] =	vst v61  }
0x9d: {  	[tilespmem:$0x1FE70] =	vst v6  }
0x9e: {  	[tilespmem:$0x1FE80] =	vst v15  }
0x9f: {  	[tilespmem:$0x1FE90] =	vst v16  }
0xa0: {  	[tilespmem:$0x1FEA0] =	vst v17  }
0xa1: {  	[tilespmem:$0x1FEB0] =	vst v18  }
0xa2: {  	[tilespmem:$0x1FEC0] =	vst v7  }
0xa3: {  	[tilespmem:$0x1FED0] =	vst v8  }
0xa4: {  	[tilespmem:$0x1FEE0] =	vst v62  }
0xa5: {  	[tilespmem:$0x1FEF0] =	vst v63  }
0xa6: {  	[tilespmem:$0x1FF00] =	vst v47  }
0xa7: {  	[tilespmem:$0x1FF10] =	vst v39  }
0xa8: {  	[tilespmem:$0x1FF20] =	vst v45  }
0xa9: {  	[tilespmem:$0x1FF30] =	vst v29  }
0xaa: {  	[tilespmem:$0x1FF40] =	vst v31  }
0xab: {  	[tilespmem:$0x1FF50] =	vst v19  }
0xac: {  	[tilespmem:$0x1FF60] =	vst v20  }
0xad: {  	[tilespmem:$0x1FF70] =	vst v21  }
0xae: {  	[tilespmem:$0x1FF80] =	vst v22  }
0xaf: {  	[tilespmem:$0x1FF90] =	vst v23  }
0xb0: {  	[tilespmem:$0x1FFA0] =	vst v24  }
0xb1: {  	[tilespmem:$0x1FFB0] =	vst v25  }
0xb2: {  	[tilespmem:$0x1FFC0] =	vst v26  }
0xb3: {  	[tilespmem:$0x1FFD0] =	vst v27  }
0xb4: {  	[sflag:s0] =	ssyncset.done $0x0;
	[tilespmem:$0x1FFE0] =	vst v28  }
0xb5: {  	s6 =	simm.s32 $0x0;
	[tilespmem:$0x1FFF0] =	vst v30;
	[sflag:s0] =	ssyncadd.s32 $0xFFFFF000  }
.LBB2_2:
0xb6: {  	s13 =	sshll.u32 s6, $0x7  }
0xb7: {  	v1 =	vld [tilespmem:s13+$0xD00]  }
0xb8: {  	v0 =	vmov s6;
	v2 =	vld [tilespmem:s13+$0x8D00]  }
0xb9: {  	v0 =	vand.u32 $0xFFFFFFF8, v0;
	v3 =	vld [tilespmem:s13+$0xD10]  }
0xba: {  	v4 =	vld [tilespmem:s13+$0x8D10];
	v0 =	vbroadcast v0, $0x0  }
0xbb: {  	v15 =	vld [tilespmem:s13+$0xD20]  }
0xbc: {  	v5 =	vld [tilespmem:s13+$0x8D20]  }
0xbd: {  	v34 =	vld [tilespmem:s13+$0xD30]  }
0xbe: {  	v6 =	vld [tilespmem:s13+$0x8D30]  }
0xbf: {  	v8 =	vld [tilespmem:s13+$0xD40]  }
0xc0: {  	v0 =	vld.idx.msk [tilespmem:v0+s5+$0x0], $0xffff  }
0xc1: {  	v9 =	vld [tilespmem:s13+$0x8D40]  }
0xc2: {  	v11 =	vld [tilespmem:s13+$0xD50]  }
0xc3: {  	v40 =	vld [tilespmem:s13+$0x8D50]  }
0xc4: {  	v46 =	vld [tilespmem:s13+$0xD60]  }
0xc5: {  	s14 =	sor.u32 $0x1, s6;
	v14 =	vadd.f32 v2, v1;
	v13 =	vld [tilespmem:s13+$0x8D60];
	vm0 =	vgt.f32 v0, $5.000000000e-01  }
0xc6: {  	v12 =	vmov s14;
	v33 =	vadd.f32 v4, v3;
	v32 =	vsel vm0, v22, v47  }
0xc7: {  	v41 =	vand.u32 $0xFFFFFFF9, v12;
	v2 =	vadd.f32 v5, v15;
	v0 =	vadd.f32 v14, v32  }
0xc8: {  	v38 =	vadd.f32 v6, v34;
	v44 =	vadd.f32 v9, v8;
	v35 =	vsel vm0, v23, v39  }
0xc9: {  	v12 =	vbroadcast v41, $0x0;
	v1 =	vadd.f32 v33, v35;
	v7 =	vadd.f32 $0.0e+00, v0  }
0xca: {  	v4 =	vadd.f32 v40, v11;
	v8 =	vadd.f32 v13, v46;
	v37 =	vsel vm0, v24, v45  }
0xcb: {  	v49 =	vld [tilespmem:s13+$0xD70];
	v3 =	vadd.f32 v2, v37;
	v7 =	vadd.f32 v1, v7  }
0xcc: {  	s14 =	sshll.u32 s14, $0x7;
	v50 =	vld [tilespmem:s13+$0x8D70];
	v42 =	vsel vm0, v25, v29;
	v10 =	vmul.f32 v0, v0;
	v36 =	vmul.f32 v1, v1  }
0xcd: {  	v54 =	vld [tilespmem:s14+$0xD00];
	v5 =	vadd.f32 v38, v42;
	v7 =	vadd.f32 v3, v7  }
0xce: {  	v58 =	vld [tilespmem:s14+$0x8D00];
	v48 =	vsel vm0, v26, v31;
	v43 =	vmul.f32 v3, v3;
	v10 =	vadd.f32 v36, v10  }
0xcf: {  	v53 =	vld.idx.msk [tilespmem:v12+s5+$0x0], $0xffff;
	v6 =	vadd.f32 v44, v48;
	v7 =	vadd.f32 v5, v7  }
0xd0: {  	v59 =	vld [tilespmem:s14+$0xD10];
	v52 =	vsel vm0, v27, v19;
	v57 =	vsel vm0, v28, v20;
	v10 =	vadd.f32 v43, v10  }
0xd1: {  	v62 =	vld [tilespmem:s14+$0x8D10];
	v14 =	vmul.f32 v5, v5;
	v15 =	vadd.f32 v6, v7;
	v7 =	vadd.f32 v4, v52  }
0xd2: {  	v63 =	vld [tilespmem:s14+$0xD20];
	v61 =	vsel vm0, v30, v21;
	v32 =	vadd.f32 v8, v57;
	v2 =	vadd.f32 v50, v49  }
0xd3: {  	v41 =	vld [tilespmem:s14+$0x8D30];
	v51 =	vmul.f32 v6, v6;
	v10 =	vadd.f32 v14, v10;
	v55 =	vadd.f32 v7, v15  }
0xd4: {  	vm10 =	vgt.f32 v53, $5.000000000e-01;
	v38 =	vld [tilespmem:s14+$0xD30];
	v33 =	vadd.f32 v2, v61  }
0xd5: {  	v35 =	vld [tilespmem:s14+$0x8D20];
	v10 =	vadd.f32 v51, v10;
	v56 =	vmul.f32 v7, v7;
	v12 =	vadd.f32 v32, v55  }
0xd6: {  	v53 =	vld [tilespmem:s14+$0xD60];
	v37 =	vsel vm10, v22, v47;
	v8 =	vadd.f32 v62, v59  }
0xd7: {  	v40 =	vsel vm10, v23, v39;
	v42 =	vld [tilespmem:s14+$0xD40];
	v60 =	vadd.f32 v56, v10;
	v10 =	vadd.f32 v33, v12  }
0xd8: {  	v44 =	vld [tilespmem:s14+$0x8D40];
	v49 =	vsel vm10, v24, v45;
	v18 =	vsel vm10, v25, v29;
	v16 =	vadd.f32 v8, v40  }
0xd9: {  	v50 =	vld [tilespmem:s14+$0xD50];
	v34 =	vmul.f32 v33, v33;
	v36 =	vadd.f32 v58, v54;
	(xrf2) =	vadd.scan.msk.f32 $0xffff, v10;
	v10 =	vadd.f32 v41, v38  }
0xda: {  	s15 =	sor.u32 $0x2, s6;
	v57 =	vld [tilespmem:s14+$0xD70];
	v48 =	vmul.f32 v16, v16;
	v2 =	vadd.f32 v35, v63;
	v14 =	vmul.f32 v32, v32  }
0xdb: {  	v52 =	vmov s15;
	v15 =	vadd.f32 v36, v37;
	v20 =	vadd.f32 v10, v18;
	v18 =	vld [tilespmem:s14+$0x8D60]  }
0xdc: {  	v17 =	vadd.f32 v2, v49;
	v51 =	vld [tilespmem:s14+$0x8D50];
	v13 =	vand.u32 $0xFFFFFFFA, v52;
	v9 =	vadd.f32 v14, v60  }
0xdd: {  	v22 =	vld [tilespmem:$0x1FF50];
	v4 =	vadd.f32 v44, v42;
	v54 =	vbroadcast v13, $0x0;
	v46 =	vmul.f32 v15, v15  }
0xde: {  	v58 =	vld [tilespmem:s14+$0x8D70];
	s15 =	sshll.u32 s15, $0x7;
	v43 =	vadd.f32 $0.0e+00, v15;
	v55 =	vsel vm10, v26, v31;
	v9 =	vadd.f32 v34, v9  }
0xdf: {  	v24 =	vld [tilespmem:s15+$0xD00];
	v21 =	vadd.f32 v4, v55;
	v12 =	vadd.f32 v48, v46;
	v14 =	vmul.f32 v17, v17  }
0xe0: {  	v8 =	vadd.f32 v16, v43;
	(xrf2) =	vadd.scan.msk.f32 $0xffff, v9;
	v9 =	vadd.f32 v18, v53;
	v18 =	vld [tilespmem:$0x1FF60]  }
0xe1: {  	v62 =	vld [tilespmem:s15+$0x8D00];
	v2 =	vadd.f32 v51, v50;
	v12 =	vadd.f32 v14, v12;
	v56 =	vmul.f32 v20, v20  }
0xe2: {  	v22 =	vsel vm10, v27, v22;
	v8 =	vadd.f32 v17, v8;
	v34 =	vld [tilespmem:$0x1FF70]  }
0xe3: {  	v35 =	vld [tilespmem:s15+$0xD10];
	v59 =	vmul.f32 v21, v21;
	v22 =	vadd.f32 v2, v22;
	v12 =	vadd.f32 v56, v12  }
0xe4: {  	v4 =	vadd.f32 v58, v57;
	v10 =	vld.idx.msk [tilespmem:v54+s5+$0x0], $0xffff;
	v8 =	vadd.f32 v20, v8  }
0xe5: {  	v27 =	vld [tilespmem:s15+$0x8D20];
	v61 =	vmul.f32 v22, v22;
	v12 =	vadd.f32 v59, v12;
	v18 =	vsel vm10, v28, v18  }
0xe6: {  	v36 =	vld [tilespmem:s15+$0x8D10];
	v8 =	vadd.f32 v21, v8;
	v23 =	vadd.f32 v9, v18  }
0xe7: {  	v41 =	vld [tilespmem:$0x1FF80];
	v63 =	vadd.f32 v61, v12;
	v12 =	vsel vm10, v30, v34  }
0xe8: {  	v26 =	vld [tilespmem:s15+$0xD20];
	v8 =	vadd.f32 v22, v8;
	v19, _, _ =	vpop (xrf2);
	v25 =	vadd.f32 v4, v12;
	v18 =	vmul.f32 v23, v23  }
0xe9: {  	v37 =	vadd.f32 v62, v24;
	v43 =	vld [tilespmem:$0x1FF90];
	vm11 =	vgt.f32 v10, $5.000000000e-01;
	v13 =	vmul.f32 $7.812500000e-03, v19  }
0xea: {  	v19, _, _ =	vpop (xrf2);
	v12 =	vmul.f32 v25, v25;
	v8 =	vadd.f32 v23, v8;
	v11 =	vadd.f32 v18, v63  }
0xeb: {  	v4 =	vadd.f32 v36, v35;
	v28 =	vld [tilespmem:$0x1FFA0];
	v19 =	vmul.f32 $7.812500000e-03, v19;
	v60 =	vmul.f32 v13, v13  }
0xec: {  	v8 =	vadd.f32 v25, v8;
	v11 =	vadd.f32 v12, v11;
	v12 =	vsel vm11, v41, v47  }
0xed: {  	v2 =	vsub.f32 v19, v60;
	v19 =	vadd.f32 v37, v12  }
0xee: {  	v42 =	vld [tilespmem:s15+$0x8D30];
	v50 =	vadd.f32 v27, v26;
	(xrf2) =	vadd.scan.msk.f32 $0xffff, v8;
	v8 =	vsel vm11, v43, v39  }
0xef: {  	v38 =	vld [tilespmem:s15+$0xD30];
	v18 =	vadd.f32 v4, v8;
	v49 =	vadd.f32 $0.0e+00, v19  }
0xf0: {  	v52 =	vld [tilespmem:$0x1FFB0];
	v28 =	vsel vm11, v28, v45  }
0xf1: {  	v44 =	vld [tilespmem:s15+$0xD40];
	(xrf2) =	vadd.scan.msk.f32 $0xffff, v11;
	v11 =	vadd.f32 v50, v28;
	v28 =	vadd.f32 v18, v49  }
0xf2: {  	v46 =	vld [tilespmem:s15+$0x8D40]  }
0xf3: {  	v55 =	vadd.f32 v11, v28;
	v28 =	vld [tilespmem:$0x1FFC0]  }
0xf4: {  	v51 =	vld [tilespmem:s15+$0x8D50];
	v9 =	vadd.f32 v42, v38  }
0xf5: {  	v62 =	vld [tilespmem:$0x1FF70];
	v10 =	vsel vm11, v52, v29;
	v26 =	vmul.f32 v19, v19;
	v27 =	vmul.f32 v18, v18  }
0xf6: {  	v53 =	vld [tilespmem:s15+$0x8D60];
	v10 =	vadd.f32 v9, v10;
	v2 =	vadd.f32 $9.999999960e-13, v2  }
0xf7: {  	v4 =	vadd.f32 v46, v44;
	v35 =	vmul.f32 v11, v11;
	v26 =	vadd.f32 v27, v26;
	v27 =	vld [tilespmem:s15+$0xD60]  }
0xf8: {  	v59 =	vld [tilespmem:$0x1FFD0];
	v2 =	vbroadcast v2, $0xF;
	v28 =	vsel vm11, v28, v31  }
0xf9: {  	v34 =	vld [tilespmem:s15+$0xD50];
	v56 =	vmul.f32 v10, v10;
	v26 =	vadd.f32 v35, v26;
	v4 =	vadd.f32 v4, v28  }
0xfa: {  	v30 =	vld [tilespmem:$0x1FF50];
	v40 =	vshra.s32 v2, $0x1;
	v2 =	vmul.f32 $5.000000000e-01, v2  }
0xfb: {  	v36 =	vld [tilespmem:s15+$0xD70];
	v24 =	vsub.s32 $0x5F3759DF, v40;
	v26 =	vadd.f32 v56, v26;
	v58 =	vmul.f32 v4, v4  }
0xfc: {  	v48 =	vmul.f32 v24, v2;
	v9 =	vadd.f32 v53, v27;
	v27 =	vld [tilespmem:$0x1FFE0]  }
0xfd: {  	v60 =	vadd.f32 v58, v26;
	v26 =	vld [tilespmem:$0x1FF60]  }
0xfe: {  	v8 =	vmul.f32 v24, v48;
	v37, _, _ =	vpop (xrf2);
	v28 =	vld [tilespmem:s15+$0x8D70]  }
0xff: {  	v14 =	vadd.f32 v51, v34;
	v38 =	vmul.f32 $7.812500000e-03, v37;
	v37 =	vsel vm11, v59, v30;
	v30 =	vld [tilespmem:$0x1FFF0]  }
0x100: {  	v54 =	vsub.f32 $1.500000000e+00, v8;
	v8 =	vadd.f32 v10, v55  }
0x101: {  	v57, _, _ =	vpop (xrf2);
	v42 =	vadd.f32 v14, v37  }
0x102: {  	v34 =	vmul.f32 $7.812500000e-03, v57;
	v8 =	vadd.f32 v4, v8;
	v26 =	vsel vm11, v27, v26  }
0x103: {  	v27 =	vmul.f32 v42, v42;
	v9 =	vadd.f32 v9, v26;
	v26 =	vadd.f32 v28, v36  }
0x104: {  	v61 =	vadd.f32 v42, v8;
	v8 =	vsel vm11, v30, v62;
	v28 =	vmul.f32 v38, v38  }
0x105: {  	v14 =	vadd.f32 v27, v60;
	v27 =	vmul.f32 v9, v9;
	v8 =	vadd.f32 v26, v8  }
0x106: {  	s18 =	sor.u32 $0x3, s6;
	v12 =	vmul.f32 v24, v54;
	v24 =	vsub.f32 v34, v28  }
0x107: {  	v28 =	vmov s18;
	v14 =	vadd.f32 v27, v14;
	v27 =	vmul.f32 v8, v8  }
0x108: {  	v28 =	vand.u32 $0xFFFFFFFB, v28  }
0x109: {  	v14 =	vadd.f32 v27, v14;
	v27 =	vbroadcast v28, $0x0;
	_ =	sdelay $0x1  }
0x10a: {  	v26 =	vadd.f32 v9, v61;
	_ =	sdelay $0x1  }
0x10b: {  	v26 =	vadd.f32 v8, v26  }
0x10c: {  	v24 =	vadd.f32 $9.999999960e-13, v24  }
0x10d: {  	v2 =	vmul.f32 v12, v2;
	(xrf2) =	vadd.scan.msk.f32 $0xffff, v26;
	v43 =	vld.idx.msk [tilespmem:v27+s5+$0x0], $0xffff;
	v27 =	vbroadcast v38, $0xF  }
0x10e: {  	v53 =	vld [tilespmem:$0x1FF90];
	s18 =	sshll.u32 s18, $0x7;
	v24 =	vbroadcast v24, $0xF;
	v26 =	vbroadcast v13, $0xF;
	(xrf2) =	vadd.scan.msk.f32 $0xffff, v14  }
0x10f: {  	v63 =	vmul.f32 v2, v12;
	v44 =	vld [tilespmem:s18+$0xD10];
	v59 =	vsub.f32 v16, v27;
	v16 =	vsub.f32 v17, v27  }
0x110: {  	v28 =	vld [tilespmem:s18+$0x8D00];
	v34 =	vshra.s32 v24, $0x1;
	v41 =	vsub.f32 v0, v26;
	v40 =	vsub.f32 v1, v26  }
0x111: {  	v2 =	vmul.f32 $5.000000000e-01, v24;
	v3 =	vsub.f32 v3, v26;
	v24 =	vld [tilespmem:s18+$0xD00];
	[tilespmem:$0x1FBF0] =	vst v16;
	v16 =	vsub.f32 v20, v27  }
0x112: {  	v20 =	vsub.f32 v22, v27;
	v22 =	vsub.f32 v25, v27;
	v25 =	vld [tilespmem:$0x1FF80]  }
0x113: {  	v37 =	vsub.f32 v5, v26;
	v61 =	vsub.f32 v6, v26;
	v17 =	vld [tilespmem:s18+$0xD20]  }
0x114: {  	v5 =	vsub.f32 v7, v26;
	v57 =	vsub.f32 v21, v27;
	v21 =	vld [tilespmem:s18+$0x8D20]  }
0x115: {  	v46 =	vld [tilespmem:s18+$0x8D10];
	v6 =	vsub.f32 v32, v26;
	v7 =	vsub.f32 v33, v26  }
0x116: {  	v55 =	vld [tilespmem:s18+$0x8D40];
	v13 =	vsub.s32 $0x5F3759DF, v34;
	v50 =	vadd.f32 v28, v24;
	vm12 =	vgt.f32 v43, $5.000000000e-01  }
0x117: {  	v35 =	vmul.f32 v13, v2;
	v24 =	vld [tilespmem:s18+$0x8D30];
	v15 =	vsub.f32 v15, v27;
	[tilespmem:$0x1FC00] =	vst v16;
	v16, _, _ =	vpop (xrf2);
	v25 =	vsel vm12, v25, v47  }
0x118: {  	v51 =	vsub.f32 v23, v27;
	v27 =	vld [tilespmem:$0x1FFA0];
	[tilespmem:$0x1FC10] =	vst v20;
	v16 =	vmul.f32 $7.812500000e-03, v16;
	v20, _, _ =	vpop (xrf2);
	v26 =	vadd.f32 v50, v25  }
0x119: {  	v0 =	vmul.f32 v13, v35;
	v54 =	vadd.f32 v21, v17;
	v20 =	vmul.f32 $7.812500000e-03, v20;
	v25 =	vld [tilespmem:s18+$0xD40]  }
0x11a: {  	v23 =	vmul.f32 v16, v16;
	[tilespmem:$0x1FCB0] =	vst v26;
	v17 =	vadd.f32 $0.0e+00, v26;
	v21 =	vmul.f32 v26, v26;
	v26 =	vld [tilespmem:$0x1FF20]  }
0x11b: {  	s20 =	sor.u32 $0x4, s6;
	v45 =	vsub.f32 $1.500000000e+00, v0;
	[tilespmem:$0x1FC20] =	vst v22;
	v22 =	vld [tilespmem:s18+$0xD30]  }
0x11c: {  	v52 =	vmov s20;
	v0 =	vadd.f32 v46, v44;
	v62 =	vsub.f32 v20, v23;
	v20 =	vld [tilespmem:$0x1FFB0]  }
0x11d: {  	v49 =	vld [tilespmem:$0x1FF70];
	[tilespmem:$0x1FBE0] =	vst v15;
	v15 =	vand.u32 $0xFFFFFFFC, v52;
	v1 =	vsel vm12, v53, v39  }
0x11e: {  	v48 =	vld [tilespmem:$0x1FF90];
	v15 =	vbroadcast v15, $0x0;
	v30 =	vadd.f32 v0, v1  }
0x11f: {  	v1 =	vadd.f32 v55, v25;
	v25 =	vld [tilespmem:$0x1FFC0];
	v26 =	vsel vm12, v27, v26  }
0x120: {  	v28 =	vmul.f32 v30, v30;
	v56 =	vadd.f32 v24, v22;
	v22 =	vld [tilespmem:s18+$0x8D50];
	v26 =	vadd.f32 v54, v26  }
0x121: {  	v17 =	vadd.f32 v30, v17;
	v27 =	vld [tilespmem:s18+$0xD50];
	v20 =	vsel vm12, v20, v29  }
0x122: {  	s20 =	sshll.u32 s20, $0x7;
	v36 =	vld [tilespmem:$0x1FF80];
	v21 =	vadd.f32 v28, v21;
	v35 =	vadd.f32 v56, v20;
	v24 =	vmul.f32 v26, v26  }
0x123: {  	v60 =	vld [tilespmem:s20+$0xD00];
	[tilespmem:$0x1FCD0] =	vst v26;
	v17 =	vadd.f32 v26, v17  }
0x124: {  	v25 =	vsel vm12, v25, v31;
	v26 =	vld.idx.msk [tilespmem:v15+s5+$0x0], $0xffff;
	v21 =	vadd.f32 v24, v21;
	v24 =	vmul.f32 v35, v35  }
0x125: {  	v34 =	vadd.f32 v1, v25;
	v25 =	vld [tilespmem:$0x1FF50]  }
0x126: {  	v15 =	vbroadcast v16, $0xF;
	v16 =	vadd.f32 v24, v21;
	v21 =	vadd.f32 v22, v27;
	v27 =	vld [tilespmem:$0x1FFD0]  }
0x127: {  	v58 =	vld [tilespmem:s18+$0x8D60]  }
0x128: {  	v32 =	vld [tilespmem:$0x1FF60]  }
0x129: {  	v50 =	vld [tilespmem:s20+$0xD40]  }
0x12a: {  	v23 =	vld [tilespmem:s18+$0xD60]  }
0x12b: {  	v14 =	vsub.f32 $1.500000000e+00, v63;
	v20 =	vld [tilespmem:s18+$0xD70];
	v25 =	vsel vm12, v27, v25  }
0x12c: {  	v63 =	vsub.f32 v19, v15;
	v19 =	vld [tilespmem:$0x1FFE0];
	v24 =	vmul.f32 v34, v34;
	v43 =	vadd.f32 v21, v25  }
0x12d: {  	v33 =	vsub.f32 v18, v15;
	v18 =	vld [tilespmem:s20+$0xD20]  }
0x12e: {  	v22 =	vld [tilespmem:s20+$0x8D00];
	v16 =	vadd.f32 v24, v16;
	v25 =	vmul.f32 v43, v43  }
0x12f: {  	v24 =	vld [tilespmem:s18+$0x8D70]  }
0x130: {  	v16 =	vadd.f32 v25, v16;
	v25 =	vld [tilespmem:$0x1FFF0]  }
0x131: {  	v27 =	vld [tilespmem:s20+$0xD10]  }
0x132: {  	v21 =	vadd.f32 v58, v23;
	v23 =	vld [tilespmem:s20+$0x8D10]  }
0x133: {  	v58 =	vld [tilespmem:$0x1FF20]  }
0x134: {  	vm1 =	vgt.f32 v26, $5.000000000e-01;
	v19 =	vsel vm12, v19, v32;
	v20 =	vadd.f32 v24, v20;
	v24 =	vld [tilespmem:s20+$0x8D30]  }
0x135: {  	v1 =	vadd.f32 v22, v60;
	v46 =	vadd.f32 v21, v19;
	v21 =	vld [tilespmem:s20+$0x8D20];
	v25 =	vsel vm12, v25, v49  }
0x136: {  	v19 =	vsel vm1, v36, v47;
	v54 =	vadd.f32 v20, v25;
	v25 =	vld [tilespmem:$0x1FFA0]  }
0x137: {  	v44 =	vadd.f32 v1, v19;
	v19 =	vld [tilespmem:s20+$0xD30];
	v38 =	vadd.f32 v23, v27  }
0x138: {  	[tilespmem:$0x1FC30] =	vst v63;
	v63 =	vld [tilespmem:$0x1FFC0];
	v22 =	vmul.f32 v46, v46;
	v23 =	vsel vm1, v48, v39  }
0x139: {  	v60 =	vld [tilespmem:$0x1FFB0];
	v26 =	vadd.f32 $0.0e+00, v44;
	v49 =	vadd.f32 v38, v23  }
0x13a: {  	v16 =	vadd.f32 v22, v16;
	v18 =	vadd.f32 v21, v18;
	v20 =	vld [tilespmem:s20+$0x8D40]  }
0x13b: {  	v22 =	vmul.f32 v44, v44;
	v23 =	vadd.f32 v49, v26;
	v26 =	vld [tilespmem:s20+$0xD50];
	v25 =	vsel vm1, v25, v58  }
0x13c: {  	v21 =	vmul.f32 v49, v49;
	v53 =	vadd.f32 v18, v25;
	v18 =	vadd.f32 v24, v19;
	v19 =	vld [tilespmem:s20+$0x8D50]  }
0x13d: {  	s21 =	sor.u32 $0x5, s6;
	[tilespmem:$0x1FC40] =	vst v33;
	v33 =	vld [tilespmem:$0x1FF50]  }
0x13e: {  	v32 =	vld [tilespmem:s20+$0x8D70];
	v27 =	vmov s21;
	v21 =	vadd.f32 v21, v22  }
0x13f: {  	v36 =	vld [tilespmem:$0x1FF60];
	v22 =	vsel vm1, v60, v29;
	v1 =	vadd.f32 v20, v50;
	v24 =	vand.u32 $0xFFFFFFFD, v27  }
0x140: {  	v27 =	vmul.f32 v53, v53;
	v56 =	vadd.f32 v18, v22;
	v20 =	vadd.f32 v53, v23;
	v23 =	vld [tilespmem:s20+$0xD70]  }
0x141: {  	v24 =	vbroadcast v24, $0x0;
	v22 =	vsel vm1, v63, v31;
	v19 =	vadd.f32 v19, v26;
	v26 =	vld [tilespmem:$0x1FFD0]  }
0x142: {  	v38 =	vld [tilespmem:$0x1FF70];
	v58 =	vadd.f32 v1, v22;
	v21 =	vadd.f32 v27, v21;
	v27 =	vmul.f32 v56, v56  }
0x143: {  	v17 =	vadd.f32 v35, v17;
	v25 =	vld [tilespmem:s20+$0xD60]  }
0x144: {  	v18 =	vld [tilespmem:s20+$0x8D60];
	v22 =	vmul.f32 v58, v58;
	v21 =	vadd.f32 v27, v21  }
0x145: {  	v17 =	vadd.f32 v34, v17;
	v1 =	vadd.f32 v32, v23;
	v23 =	vld [tilespmem:$0x1FFF0]  }
0x146: {  	v21 =	vadd.f32 v22, v21;
	v22 =	vld [tilespmem:$0x1FFE0];
	v26 =	vsel vm1, v26, v33  }
0x147: {  	v17 =	vadd.f32 v43, v17;
	s21 =	sshll.u32 s21, $0x7;
	v60 =	vadd.f32 v19, v26;
	v19 =	vld.idx.msk [tilespmem:v24+s5+$0x0], $0xffff  }
0x148: {  	v20 =	vadd.f32 v56, v20;
	v24 =	vld [tilespmem:s21+$0xD00]  }
0x149: {  	v17 =	vadd.f32 v46, v17;
	v26 =	vld [tilespmem:s21+$0xD10]  }
0x14a: {  	v20 =	vadd.f32 v58, v20;
	v18 =	vadd.f32 v18, v25;
	v23 =	vsel vm1, v23, v38;
	v38 =	vld [tilespmem:$0x1FF80]  }
0x14b: {  	v22 =	vsel vm1, v22, v36;
	v32 =	vadd.f32 v1, v23;
	v23 =	vld [tilespmem:s21+$0x8D10];
	v36 =	vsub.f32 v4, v15  }
0x14c: {  	v25 =	vmul.f32 v60, v60;
	v20 =	vadd.f32 v60, v20;
	v63 =	vadd.f32 v18, v22;
	v18 =	vld [tilespmem:s21+$0x8D00]  }
0x14d: {  	v48 =	vsub.f32 v11, v15;
	v17 =	vadd.f32 v54, v17;
	v22 =	vmul.f32 v54, v54;
	[tilespmem:$0x1FC70] =	vst v36;
	v36 =	vld [tilespmem:$0x1FF20]  }
0x14e: {  	v21 =	vadd.f32 v25, v21;
	v50 =	vadd.f32 v63, v20;
	v20 =	vld [tilespmem:s21+$0xD20]  }
0x14f: {  	v25 =	vmul.f32 v63, v63;
	v16 =	vadd.f32 v22, v16;
	v22 =	vld [tilespmem:s21+$0x8D20];
	vm13 =	vgt.f32 v19, $5.000000000e-01  }
0x150: {  	[tilespmem:$0x1FC50] =	vst v48;
	v48 =	vsel vm13, v38, v47;
	v38 =	vld [tilespmem:$0x1FFA0]  }
0x151: {  	(xrf2) =	vadd.scan.msk.f32 $0xffff, v17;
	v17 =	vadd.f32 v25, v21;
	v25 =	vld [tilespmem:s21+$0xD30]  }
0x152: {  	v21 =	vmul.f32 v32, v32;
	v55 =	vadd.f32 v32, v50;
	v50 =	vld [tilespmem:$0x1FF90]  }
0x153: {  	v18 =	vadd.f32 v18, v24;
	v24 =	vld [tilespmem:s21+$0x8D40]  }
0x154: {  	s23 =	sor.u32 $0x6, s6;
	(xrf2) =	vadd.scan.msk.f32 $0xffff, v16;
	v16 =	vadd.f32 v21, v17;
	v17 =	vld [tilespmem:s21+$0x8D30]  }
0x155: {  	v33 =	vmov s23;
	v21 =	vld [tilespmem:s21+$0xD40]  }
0x156: {  	v11 =	vand.u32 $0xFFFFFFFE, v33;
	(xrf2) =	vadd.scan.msk.f32 $0xffff, v55;
	v33 =	vadd.f32 v22, v20;
	v22 =	vld [tilespmem:s21+$0xD60]  }
0x157: {  	v55 =	vadd.f32 v18, v48;
	v18 =	vmul.f32 v14, v12;
	v14 =	vsub.f32 v42, v15;
	(xrf2) =	vadd.scan.msk.f32 $0xffff, v16;
	v16 =	vld [tilespmem:s21+$0xD50]  }
0x158: {  	v42 =	vsel vm13, v38, v36;
	v36 =	vld [tilespmem:$0x1FFC0]  }
0x159: {  	v52 =	vsub.f32 v10, v15;
	s23 =	sshll.u32 s23, $0x7;
	[tilespmem:$0x1FC80] =	vst v14;
	v14 =	vld [tilespmem:s21+$0x8D50]  }
0x15a: {  	[tilespmem:$0x1FCC0] =	vst v30;
	v19 =	vadd.f32 v23, v26;
	v23 =	vbroadcast v11, $0x0;
	v30 =	vadd.f32 v33, v42;
	v42 =	vld [tilespmem:s23+$0x8D00]  }
0x15b: {  	[tilespmem:$0x1FC60] =	vst v52;
	v52 =	vsel vm13, v50, v39;
	v33 =	vsub.f32 v8, v15;
	v8 =	vld [tilespmem:$0x1FFE0]  }
0x15c: {  	v11 =	vmov v55;
	[tilespmem:$0x1FD80] =	vst v55;
	v0 =	vadd.f32 v19, v52;
	v19 =	vmul.f32 v55, v55;
	v55 =	vld [tilespmem:$0x1FFB0]  }
0x15d: {  	v48 =	vadd.f32 v17, v25;
	v17 =	vld [tilespmem:s21+$0x8D60]  }
0x15e: {  	v21 =	vadd.f32 v24, v21;
	v24 =	vld [tilespmem:s23+$0xD00];
	v20 =	vmul.f32 v0, v0  }
0x15f: {  	v50 =	vsub.f32 v9, v15;
	v25 =	vld [tilespmem:s23+$0x8D10]  }
0x160: {  	v38 =	vsel vm13, v36, v31;
	v52 =	vadd.f32 v20, v19;
	v19 =	vld.idx.msk [tilespmem:v23+s5+$0x0], $0xffff  }
0x161: {  	[tilespmem:$0x1FC90] =	vst v50;
	v50 =	vadd.f32 v21, v38;
	v21 =	vld [tilespmem:s23+$0xD10]  }
0x162: {  	v23 =	vmul.f32 v30, v30;
	v1 =	vsel vm13, v55, v29;
	v55 =	vld [tilespmem:$0x1FF60]  }
0x163: {  	v10 =	vadd.f32 v48, v1;
	v48 =	vld [tilespmem:$0x1FF50]  }
0x164: {  	v26 =	vmul.f32 v13, v45;
	v20, _, _ =	vpop (xrf2);
	v9 =	vadd.f32 v23, v52;
	v52 =	vld [tilespmem:$0x1FFD0]  }
0x165: {  	v13 =	vld [tilespmem:$0x1FF80];
	v16 =	vadd.f32 v14, v16;
	v17 =	vadd.f32 v17, v22;
	v12 =	vmul.f32 $7.812500000e-03, v20;
	v20, _, _ =	vpop (xrf2)  }
0x166: {  	v36 =	vld [tilespmem:$0x1FF90];
	v15 =	vadd.f32 v42, v24;
	v23 =	vmul.f32 v10, v10;
	v45 =	vmul.f32 $7.812500000e-03, v20;
	v27, _, _ =	vpop (xrf2)  }
0x167: {  	[tilespmem:$0x1FCA0] =	vst v33;
	v20 =	vmul.f32 v12, v12;
	v33 =	vmul.f32 $7.812500000e-03, v27;
	vm14 =	vgt.f32 v19, $5.000000000e-01  }
0x168: {  	v24 =	vld [tilespmem:s23+$0x8D20];
	v19 =	vadd.f32 v25, v21;
	v9 =	vadd.f32 v23, v9;
	v23 =	vmul.f32 v50, v50  }
0x169: {  	v21 =	vld [tilespmem:s23+$0xD20];
	v22 =	vsel vm13, v8, v55;
	v8 =	vmul.f32 v18, v3;
	v28 =	vsel vm13, v52, v48  }
0x16a: {  	v3 =	vld [tilespmem:s21+$0x8D70];
	v14 =	vsub.f32 v45, v20;
	v55 =	vadd.f32 v17, v22;
	v17 =	vsel vm14, v13, v47  }
0x16b: {  	v22 =	vsel vm14, v36, v39;
	v45 =	vmul.f32 v18, v40;
	v13 =	vmul.f32 v18, v37;
	v40 =	vld [tilespmem:s23+$0x8D40]  }
0x16c: {  	v36 =	vmul.f32 v18, v61;
	v52 =	vadd.f32 v16, v28;
	v42 =	vadd.f32 v15, v17;
	v17 =	vld [tilespmem:s23+$0xD30]  }
0x16d: {  	v37 =	vmul.f32 v18, v5;
	[tilespmem:$0x1FD10] =	vst v13;
	v13 =	vld [tilespmem:$0x1FF20]  }
0x16e: {  	s24 =	sor.u32 $0x7, s6;
	v38 =	vmul.f32 v33, v33;
	v9 =	vadd.f32 v23, v9;
	v20, _, _ =	vpop (xrf2);
	[tilespmem:$0x1FD20] =	vst v36;
	v36 =	vld [tilespmem:$0x1FFA0];
	v23 =	vmul.f32 v52, v52  }
0x16f: {  	v48 =	vadd.f32 v19, v22;
	[tilespmem:$0x1FD30] =	vst v37;
	v37 =	vld [tilespmem:$0x1FFB0];
	v16 =	vmul.f32 $7.812500000e-03, v20;
	v20 =	vmov s24;
	s24 =	sshll.u32 s24, $0x7  }
0x170: {  	v39 =	vmul.f32 v18, v41;
	v19 =	vmul.f32 v55, v55;
	v28 =	vld [tilespmem:s24+$0x8D00];
	v9 =	vadd.f32 v23, v9  }
0x171: {  	v41 =	vmul.f32 v42, v42;
	v22 =	vsub.f32 v16, v38;
	v16 =	vmul.f32 v48, v48;
	v23 =	vld [tilespmem:s23+$0x8D30]  }
0x172: {  	v9 =	vadd.f32 v19, v9;
	v19 =	vld [tilespmem:s21+$0xD70]  }
0x173: {  	v15 =	vadd.f32 v16, v41;
	v16 =	vadd.f32 v24, v21;
	v21 =	vld [tilespmem:s23+$0xD40]  }
0x174: {  	v24 =	vld [tilespmem:s23+$0x8D50]  }
0x175: {  	v41 =	vmul.f32 v18, v7;
	v7 =	vld [tilespmem:s23+$0xD60]  }
0x176: {  	v38 =	vmul.f32 v18, v6;
	v18 =	vsel vm14, v36, v13;
	v13 =	vld [tilespmem:$0x1FF70]  }
0x177: {  	[tilespmem:$0x1FCE0] =	vst v39;
	v39 =	vadd.f32 $9.999999960e-13, v62;
	v36 =	vld [tilespmem:$0x1FFF0]  }
0x178: {  	v2 =	vmul.f32 v26, v2;
	v20 =	vld.idx.msk [tilespmem:v20+s5+$0x0], $0xffff  }
0x179: {  	v5 =	vbroadcast v39, $0xF;
	v39 =	vadd.f32 $0.0e+00, v11;
	v61 =	vadd.f32 v16, v18;
	v18 =	vld [tilespmem:s23+$0x8D60]  }
0x17a: {  	v2 =	vmul.f32 v2, v26;
	v4 =	vmov v0;
	[tilespmem:$0x1FD50] =	vst v41;
	v41 =	vld [tilespmem:$0x1FFC0]  }
0x17b: {  	[tilespmem:$0x1FD40] =	vst v38;
	v38 =	vshra.s32 v5, $0x1;
	v16 =	vmul.f32 $5.000000000e-01, v5;
	v5 =	vadd.f32 v4, v39;
	v4 =	vld [tilespmem:$0x1FF50]  }
0x17c: {  	[tilespmem:$0x1FCF0] =	vst v45;
	v45 =	vadd.f32 v23, v17;
	v17 =	vld [tilespmem:s23+$0xD50]  }
0x17d: {  	v2 =	vsub.f32 $1.500000000e+00, v2;
	v23 =	vsel vm14, v37, v29;
	v37 =	vld [tilespmem:$0x1FF90];
	v5 =	vadd.f32 v30, v5  }
0x17e: {  	v62 =	vadd.f32 v45, v23;
	v6 =	vadd.f32 v40, v21;
	v23 =	vld [tilespmem:s24+$0xD00]  }
0x17f: {  	v21 =	vsub.s32 $0x5F3759DF, v38;
	v40 =	vmul.f32 v61, v61;
	v38 =	vsel vm13, v36, v13;
	v13 =	vld [tilespmem:$0x1FF10]  }
0x180: {  	v25 =	vmul.f32 v2, v26;
	v11 =	vadd.f32 v10, v5;
	v5 =	vld [tilespmem:$0x1FFD0]  }
0x181: {  	v26 =	vmul.f32 v21, v16;
	v27 =	vsel vm14, v41, v31;
	v15 =	vadd.f32 v40, v15;
	v40 =	vld [tilespmem:$0x1FF20]  }
0x182: {  	v39 =	vadd.f32 v6, v27;
	v27 =	vld [tilespmem:s24+$0xD10]  }
0x183: {  	v3 =	vadd.f32 v3, v19;
	v45 =	vmul.f32 v62, v62;
	v19 =	vmul.f32 v21, v26;
	v26 =	vld [tilespmem:s24+$0x8D10]  }
0x184: {  	[tilespmem:$0x1FDB0] =	vst v10;
	v10 =	vadd.f32 v50, v11;
	v11 =	vld [tilespmem:$0x1FF80]  }
0x185: {  	v6 =	vadd.f32 v45, v15;
	v15 =	vadd.f32 v24, v17;
	v24 =	vld [tilespmem:s24+$0xD20]  }
0x186: {  	v36 =	vadd.f32 v3, v38;
	v45 =	vld [tilespmem:s24+$0x8D20];
	v17 =	vmul.f32 v39, v39  }
0x187: {  	vm15 =	vgt.f32 v20, $5.000000000e-01;
	v7 =	vadd.f32 v18, v7;
	v41 =	vld [tilespmem:$0x1FFA0];
	v19 =	vsub.f32 $1.500000000e+00, v19  }
0x188: {  	[tilespmem:$0x1FD00] =	vst v8;
	v8 =	vsel vm14, v5, v4;
	v6 =	vadd.f32 v17, v6;
	v17 =	vadd.f32 v28, v23;
	v28 =	vld [tilespmem:s24+$0x8D40]  }
0x189: {  	[tilespmem:$0x1FD90] =	vst v0;
	v0 =	vmul.f32 v21, v19;
	v38 =	vadd.f32 v15, v8;
	v19 =	vsel vm15, v11, v47;
	v47 =	vld [tilespmem:$0x1FFE0]  }
0x18a: {  	v15 =	vadd.f32 v52, v10;
	v10 =	vadd.f32 v17, v19;
	v19 =	vld [tilespmem:s23+$0xD70]  }
0x18b: {  	v18 =	vadd.f32 v26, v27;
	v17 =	vadd.f32 v45, v24;
	v24 =	vld [tilespmem:s24+$0xD30]  }
0x18c: {  	v20 =	vsel vm15, v37, v13;
	v45 =	vld [tilespmem:$0x1FF60]  }
0x18d: {  	v5 =	vadd.f32 v18, v20;
	v18 =	vld [tilespmem:s23+$0x8D70];
	v20 =	vsel vm15, v41, v40  }
0x18e: {  	v40 =	vld [tilespmem:$0x1FBE0];
	v8 =	vadd.f32 v17, v20;
	v17 =	vmul.f32 v36, v36;
	v20 =	vmul.f32 v38, v38  }
0x18f: {  	v41 =	vld [tilespmem:$0x1FBF0];
	v21 =	vmul.f32 v10, v10;
	v23 =	vmul.f32 v5, v5  }
0x190: {  	v9 =	vadd.f32 v17, v9;
	v17 =	vld [tilespmem:s24+$0x8D30]  }
0x191: {  	v26 =	vadd.f32 v20, v6;
	v37 =	vmul.f32 v8, v8;
	v6 =	vld [tilespmem:$0x1FC10];
	v11 =	vadd.f32 v23, v21  }
0x192: {  	v3 =	vsel vm14, v47, v45;
	v45 =	vld [tilespmem:$0x1FC00]  }
0x193: {  	v27 =	vadd.f32 v18, v19;
	v19 =	vmul.f32 v25, v59;
	v59 =	vadd.f32 v37, v11;
	v11 =	vld [tilespmem:$0x1FFB0]  }
0x194: {  	v15 =	vadd.f32 v55, v15;
	v37 =	vld [tilespmem:$0x1FC20]  }
0x195: {  	v23 =	vld [tilespmem:s24+$0xD40];
	v47 =	vmul.f32 v25, v57;
	v57 =	vmul.f32 v0, v16  }
0x196: {  	v15 =	vadd.f32 v36, v15;
	v20 =	vmul.f32 v25, v41;
	v41 =	vld [tilespmem:$0x1FF70]  }
0x197: {  	v13 =	vadd.f32 v7, v3;
	v7 =	vmul.f32 v57, v0;
	v57 =	vld [tilespmem:$0x1FFF0]  }
0x198: {  	v14 =	vadd.f32 $9.999999960e-13, v14;
	(xrf2) =	vadd.scan.msk.f32 $0xffff, v15;
	v18 =	vmul.f32 v25, v40;
	v15 =	vsel vm15, v11, v29;
	v29 =	vld [tilespmem:s24+$0xD50]  }
0x199: {  	(xrf2) =	vadd.scan.msk.f32 $0xffff, v9;
	v24 =	vadd.f32 v17, v24;
	v21 =	vmul.f32 v25, v45;
	v45 =	vmul.f32 v25, v37;
	v37 =	vld [tilespmem:$0x1FFC0]  }
0x19a: {  	v9 =	vmul.f32 v25, v51;
	[tilespmem:$0x1FD60] =	vst v47;
	v47 =	vmul.f32 v25, v6;
	v25 =	vsub.f32 $1.500000000e+00, v7;
	v7 =	vld [tilespmem:$0x1FF50]  }
0x19b: {  	v51 =	vadd.f32 v24, v15;
	v24 =	vld [tilespmem:s24+$0x8D50]  }
0x19c: {  	v14 =	vbroadcast v14, $0xF;
	v11 =	vld [tilespmem:$0x1FFD0];
	_ =	sdelay $0x1  }
0x19d: {  	[tilespmem:$0x1FDA0] =	vst v30;
	v30 =	vmul.f32 $5.000000000e-01, v14;
	v40 =	vshra.s32 v14, $0x1;
	v23 =	vadd.f32 v28, v23  }
0x19e: {  	v28 =	vsub.s32 $0x5F3759DF, v40;
	v3 =	vsel vm14, v57, v41;
	v40 =	vsel vm15, v37, v31  }
0x19f: {  	v6 =	vmul.f32 v51, v51;
	v57 =	vadd.f32 v23, v40;
	v23 =	vadd.f32 v24, v29  }
0x1a0: {  	[tilespmem:$0x1FD70] =	vst v9;
	v9 =	vadd.f32 v27, v3;
	v27 =	vmul.f32 v28, v30;
	v15 =	vsel vm15, v11, v7  }
0x1a1: {  	v41 =	vadd.f32 v6, v59;
	v59 =	vadd.f32 v23, v15;
	v40 =	vmul.f32 v57, v57  }
0x1a2: {  	v31 =	vmul.f32 v25, v0  }
0x1a3: {  	v37 =	vld [tilespmem:s24+$0x8D60];
	v24 =	vmul.f32 v28, v27;
	v0 =	vadd.f32 v40, v41;
	v41 =	vmul.f32 v59, v59  }
0x1a4: {  	v29 =	vmul.f32 v13, v13;
	v6, _, _ =	vpop (xrf2);
	v40 =	vld [tilespmem:$0x1FF60]  }
0x1a5: {  	v14 =	vmul.f32 $7.812500000e-03, v6;
	v24 =	vsub.f32 $1.500000000e+00, v24;
	v6 =	vadd.f32 v41, v0;
	v41 =	vld [tilespmem:$0x1FFE0]  }
0x1a6: {  	v11 =	vld [tilespmem:$0x1FC30];
	v26 =	vadd.f32 v29, v26;
	v29 =	vmul.f32 v9, v9  }
0x1a7: {  	v27 =	vld [tilespmem:s24+$0xD60];
	v4 =	vmul.f32 v28, v24;
	v24 =	vadd.f32 $0.0e+00, v42  }
0x1a8: {  	v7 =	vadd.f32 v29, v26  }
0x1a9: {  	v25, _, _ =	vpop (xrf2);
	v26 =	vadd.f32 $0.0e+00, v10;
	v15 =	vadd.f32 v48, v24  }
0x1aa: {  	v25 =	vmul.f32 $7.812500000e-03, v25;
	v23 =	vmul.f32 v14, v14;
	v24 =	vsel vm15, v41, v40;
	v40 =	vld [tilespmem:$0x1FC70]  }
0x1ab: {  	[tilespmem:$0x1FDD0] =	vst v10;
	v10 =	vld [tilespmem:$0x1FC50];
	v3 =	vadd.f32 v61, v15;
	v15 =	vadd.f32 v5, v26  }
0x1ac: {  	[tilespmem:$0x1FDC0] =	vst v42;
	v42 =	vadd.f32 v37, v27;
	v23 =	vsub.f32 v25, v23;
	v25 =	vmul.f32 v31, v11;
	v11 =	vld [tilespmem:$0x1FC60]  }
0x1ad: {  	v1 =	vadd.f32 v8, v15;
	v15 =	vld [tilespmem:$0x1FC90]  }
0x1ae: {  	v37 =	vadd.f32 v42, v24;
	v42 =	vld [tilespmem:$0x1FC40]  }
0x1af: {  	v29 =	vmul.f32 v31, v40;
	v40 =	vld [tilespmem:$0x1FCA0]  }
0x1b0: {  	v28 =	vmul.f32 v31, v10;
	v10 =	vld [tilespmem:$0x1FC80];
	v3 =	vadd.f32 v62, v3  }
0x1b1: {  	v24 =	vmul.f32 v31, v11;
	v11 =	vld [tilespmem:s24+$0x8D70]  }
0x1b2: {  	v22 =	vadd.f32 $9.999999960e-13, v22;
	v3 =	vadd.f32 v39, v3;
	v16 =	vmul.f32 v31, v15;
	v15 =	vld [tilespmem:$0x1FF70]  }
0x1b3: {  	v30 =	vmul.f32 v4, v30;
	v1 =	vadd.f32 v51, v1;
	v27 =	vmul.f32 v31, v42;
	v42 =	vld [tilespmem:s24+$0xD70]  }
0x1b4: {  	v41 =	vmul.f32 v37, v37;
	v3 =	vadd.f32 v38, v3;
	v17 =	vmul.f32 v31, v40;
	v40 =	vld [tilespmem:$0x1FFF0]  }
0x1b5: {  	v22 =	vbroadcast v22, $0xF;
	v26 =	vmul.f32 v31, v10;
	v1 =	vadd.f32 v57, v1  }
0x1b6: {  	v6 =	vadd.f32 v41, v6;
	v41 =	vmul.f32 v30, v4;
	v3 =	vadd.f32 v13, v3  }
0x1b7: {  	[tilespmem:$0x1FDF0] =	vst v8;
	v8 =	vld [tilespmem:$0x1FCB0];
	v1 =	vadd.f32 v59, v1;
	v31 =	vshra.s32 v22, $0x1;
	v22 =	vmul.f32 $5.000000000e-01, v22  }
0x1b8: {  	v3 =	vadd.f32 v9, v3;
	v31 =	vsub.s32 $0x5F3759DF, v31;
	v2 =	vadd.f32 v11, v42  }
0x1b9: {  	v41 =	vsub.f32 $1.500000000e+00, v41;
	v42 =	vmul.f32 v31, v22;
	v30 =	vsel vm15, v40, v15  }
0x1ba: {  	[tilespmem:$0x1FDE0] =	vst v5;
	v5 =	vbroadcast v12, $0xF;
	(xrf2) =	vadd.scan.msk.f32 $0xffff, v3;
	v11 =	vld [tilespmem:$0x1FCC0];
	v30 =	vadd.f32 v2, v30  }
0x1bb: {  	v1 =	vadd.f32 v37, v1;
	v4 =	vmul.f32 v41, v4;
	v0 =	vmul.f32 v31, v42  }
0x1bc: {  	v3 =	vsub.f32 v8, v5;
	(xrf2) =	vadd.scan.msk.f32 $0xffff, v7;
	v42 =	vadd.f32 $9.999999960e-13, v23;
	v10 =	vmul.f32 v30, v30  }
0x1bd: {  	v33 =	vbroadcast v33, $0xF;
	v0 =	vsub.f32 $1.500000000e+00, v0;
	v1 =	vadd.f32 v30, v1  }
0x1be: {  	v12 =	vmul.f32 v4, v3;
	v15 =	vld [tilespmem:$0x1FCD0];
	v2 =	vbroadcast v42, $0xF;
	v6 =	vadd.f32 v10, v6  }
0x1bf: {  	v3 =	vsub.f32 v34, v5;
	v7 =	vsub.f32 v11, v5;
	v0 =	vmul.f32 v31, v0;
	(xrf2) =	vadd.scan.msk.f32 $0xffff, v1  }
0x1c0: {  	v42 =	vsub.f32 v35, v5;
	v40 =	vshra.s32 v2, $0x1;
	v23 =	vmul.f32 $5.000000000e-01, v2;
	(xrf2) =	vadd.scan.msk.f32 $0xffff, v6  }
0x1c1: {  	v8 =	vmul.f32 v4, v7;
	v41 =	vmul.f32 v0, v22;
	v22 =	vsub.s32 $0x5F3759DF, v40  }
0x1c2: {  	v11 =	vsub.f32 v43, v5;
	v43 =	vmul.f32 v4, v42;
	v31 =	vmul.f32 v22, v23  }
0x1c3: {  	v1 =	vsub.f32 v15, v5;
	v15 =	vsub.f32 v46, v5;
	v46 =	vmul.f32 v4, v3  }
0x1c4: {  	v5 =	vsub.f32 v54, v5;
	v40 =	vmul.f32 v4, v11;
	v7, _, _ =	vpop (xrf2);
	v31 =	vmul.f32 v22, v31  }
0x1c5: {  	v34 =	vmul.f32 $7.812500000e-03, v7;
	v10 =	vmul.f32 v4, v1  }
0x1c6: {  	v11, _, _ =	vpop (xrf2);
	v1 =	vmul.f32 v41, v0;
	v42 =	vmul.f32 v4, v5;
	v31 =	vsub.f32 $1.500000000e+00, v31  }
0x1c7: {  	v54 =	vsub.f32 v58, v33;
	v5 =	vmul.f32 $7.812500000e-03, v11;
	v6 =	vmul.f32 v34, v34  }
0x1c8: {  	v22 =	vmul.f32 v22, v31;
	v31 =	vsub.f32 v44, v33;
	v44 =	vsub.f32 v49, v33  }
0x1c9: {  	v41 =	vmul.f32 v4, v15;
	v49 =	vsub.f32 v53, v33;
	v53 =	vsub.f32 v56, v33;
	v4, _, _ =	vpop (xrf2)  }
0x1ca: {  	v56 =	vsub.f32 v60, v33;
	v60 =	vsub.f32 v5, v6;
	v6 =	vld [tilespmem:$0x1FE10];
	v7, _, _ =	vpop (xrf2)  }
0x1cb: {  	v58 =	vsub.f32 v63, v33;
	v63 =	vsub.f32 v32, v33;
	v32 =	vmul.f32 $7.812500000e-03, v7;
	v7 =	vld [tilespmem:$0x1FCF0]  }
0x1cc: {  	v15 =	vmul.f32 $7.812500000e-03, v4;
	_ =	sdelay $0x1  }
0x1cd: {  	v11 =	vmul.f32 v15, v15;
	_ =	sdelay $0x1  }
0x1ce: {  	v35 =	vmul.f32 v7, v6;
	v7 =	vsub.f32 v32, v11;
	v11 =	vld [tilespmem:$0x1FE20]  }
0x1cf: {  	v32 =	vld [tilespmem:$0x1FD00]  }
0x1d0: {  	v5 =	vld [tilespmem:$0x1FCE0]  }
0x1d1: {  	v33 =	vld [tilespmem:$0x1FE30]  }
0x1d2: {  	v4 =	vld [tilespmem:$0x1FE00]  }
0x1d3: {  	v6 =	vld [tilespmem:$0x1FD10]  }
0x1d4: {  	v32 =	vmul.f32 v32, v11;
	v11 =	vld [tilespmem:$0x1FE80]  }
0x1d5: {  	v1 =	vsub.f32 $1.500000000e+00, v1;
	_ =	sdelay $0x1  }
0x1d6: {  	v0 =	vmul.f32 v1, v0;
	v1 =	vmul.f32 v5, v4  }
0x1d7: {  	v2 =	vld [tilespmem:$0x1FE50]  }
0x1d8: {  	v33 =	vmul.f32 v6, v33;
	v6 =	vadd.f32 v1, v11;
	v11 =	vld [tilespmem:$0x1FD30];
	_ =	sdelay $0x4  }
0x1d9: {  	v2 =	vmul.f32 v11, v2;
	v11 =	vld [tilespmem:$0x1FE90];
	_ =	sdelay $0x1  }
0x1da: {  	v3 =	vld [tilespmem:$0x1FE60]  }
0x1db: {  	v4 =	vld [tilespmem:$0x1FE40]  }
0x1dc: {  	v5 =	vld [tilespmem:$0x1FD20]  }
0x1dd: {  	v35 =	vadd.f32 v35, v11;
	v11 =	vld [tilespmem:$0x1FD40];
	_ =	sdelay $0x3  }
0x1de: {  	v1 =	vmul.f32 v5, v4;
	v4 =	vld [tilespmem:$0x1FE70]  }
0x1df: {  	v3 =	vmul.f32 v11, v3;
	v11 =	vld [tilespmem:$0x1FD50];
	_ =	sdelay $0x4  }
0x1e0: {  	v4 =	vmul.f32 v11, v4;
	v11 =	vld [tilespmem:$0x1FEA0];
	_ =	sdelay $0x4  }
0x1e1: {  	v32 =	vadd.f32 v32, v11;
	v11 =	vld [tilespmem:$0x1FE00];
	_ =	sdelay $0x4  }
0x1e2: {  	v18 =	vmul.f32 v18, v11;
	v11 =	vld [tilespmem:$0x1FE10];
	_ =	sdelay $0x4  }
0x1e3: {  	v19 =	vmul.f32 v19, v11;
	v11 =	vld [tilespmem:$0x1FEB0];
	_ =	sdelay $0x4  }
0x1e4: {  	v33 =	vadd.f32 v33, v11;
	v11 =	vld [tilespmem:$0x1FE20];
	_ =	sdelay $0x4  }
0x1e5: {  	v20 =	vmul.f32 v20, v11;
	v11 =	vld [tilespmem:$0x1FE30];
	_ =	sdelay $0x4  }
0x1e6: {  	v5 =	vmul.f32 v21, v11;
	v11 =	vld [tilespmem:$0x1FEC0];
	_ =	sdelay $0x3  }
0x1e7: {  	v21 =	vmul.f32 v0, v44;
	v44 =	vmul.f32 v0, v53;
	v53 =	vld [tilespmem:$0x1FEE0]  }
0x1e8: {  	v1 =	vadd.f32 v1, v11;
	v11 =	vmul.f32 v0, v31;
	v31 =	vld [tilespmem:$0x1FED0];
	_ =	sdelay $0x3  }
0x1e9: {  	v49 =	vmul.f32 v0, v49;
	v53 =	vadd.f32 v3, v53  }
0x1ea: {  	v3 =	vmul.f32 v0, v58;
	v31 =	vadd.f32 v2, v31;
	v2 =	vmul.f32 v0, v54  }
0x1eb: {  	v54 =	vmul.f32 v0, v56;
	v0 =	vmul.f32 v0, v63;
	v63 =	vld [tilespmem:$0x1FE80];
	_ =	sdelay $0x4  }
0x1ec: {  	v18 =	vadd.f32 v18, v63;
	v63 =	vld [tilespmem:$0x1FE90];
	_ =	sdelay $0x4  }
0x1ed: {  	v19 =	vadd.f32 v19, v63;
	v63 =	vld [tilespmem:$0x1FEA0];
	_ =	sdelay $0x3  }
0x1ee: {  	v56 =	vld [tilespmem:$0x1FEF0]  }
0x1ef: {  	v20 =	vadd.f32 v20, v63;
	v63 =	vld [tilespmem:$0x1FEB0];
	_ =	sdelay $0x3  }
0x1f0: {  	v4 =	vadd.f32 v4, v56;
	v56 =	vld [tilespmem:$0x1FE40]  }
0x1f1: {  	v5 =	vadd.f32 v5, v63;
	v63 =	vld [tilespmem:$0x1FD60]  }
0x1f2: {  	[tilespmem:s13+$0xD00] =	vst v6;
	v6 =	vld [tilespmem:$0x1FE60]  }
0x1f3: {  	v58 =	vadd.f32 $9.999999960e-13, v60;
	v60 =	vld [tilespmem:$0x1FD70]  }
0x1f4: {  	v23 =	vmul.f32 v22, v23;
	_ =	sdelay $0x1  }
0x1f5: {  	v23 =	vmul.f32 v23, v22;
	v56 =	vmul.f32 v63, v56;
	v63 =	vld [tilespmem:$0x1FE50];
	_ =	sdelay $0x1  }
0x1f6: {  	v23 =	vsub.f32 $1.500000000e+00, v23;
	v6 =	vmul.f32 v60, v6;
	v60 =	vld [tilespmem:$0x1FE70];
	_ =	sdelay $0x1  }
0x1f7: {  	v22 =	vmul.f32 v23, v22;
	v23 =	vld [tilespmem:$0x1FEE0]  }
0x1f8: {  	v47 =	vmul.f32 v47, v63;
	v63 =	vld [tilespmem:$0x1FEC0]  }
0x1f9: {  	[tilespmem:s13+$0xD20] =	vst v32;
	v32 =	vld [tilespmem:$0x1FEF0]  }
0x1fa: {  	v45 =	vmul.f32 v45, v60;
	v60 =	vld [tilespmem:$0x1FED0]  }
0x1fb: {  	[tilespmem:s13+$0xD60] =	vst v53;
	v53 =	vld [tilespmem:$0x1FE90]  }
0x1fc: {  	[tilespmem:s13+$0xD10] =	vst v35;
	v6 =	vadd.f32 v6, v23;
	v23 =	vld [tilespmem:$0x1FEF0]  }
0x1fd: {  	[tilespmem:s13+$0xD50] =	vst v31;
	v31 =	vld [tilespmem:$0x1FE80];
	v35 =	vadd.f32 v56, v63;
	v63 =	vbroadcast v58, $0xF  }
0x1fe: {  	v58 =	vld [tilespmem:$0x1FE00]  }
0x1ff: {  	[tilespmem:s13+$0xD30] =	vst v33;
	v47 =	vadd.f32 v47, v60;
	v60 =	vshra.s32 v63, $0x1;
	v33 =	vmul.f32 $5.000000000e-01, v63;
	v63 =	vld [tilespmem:$0x1FE10]  }
0x200: {  	v56 =	vld [tilespmem:$0x1FE40]  }
0x201: {  	[tilespmem:s14+$0xD10] =	vst v19;
	v19 =	vld [tilespmem:$0x1FE70]  }
0x202: {  	[tilespmem:s14+$0xD00] =	vst v18;
	v18 =	vld [tilespmem:$0x1FEC0]  }
0x203: {  	v23 =	vadd.f32 v45, v23;
	v45 =	vld [tilespmem:$0x1FF20]  }
0x204: {  	[tilespmem:s13+$0xD40] =	vst v1;
	v1 =	vmul.f32 v27, v63;
	v27 =	vld [tilespmem:$0x1FE20]  }
0x205: {  	v25 =	vmul.f32 v25, v58;
	v29 =	vmul.f32 v29, v56;
	v58 =	vld [tilespmem:$0x1FE50]  }
0x206: {  	v17 =	vmul.f32 v17, v19;
	v19 =	vld [tilespmem:$0x1FE00]  }
0x207: {  	v18 =	vadd.f32 v29, v18;
	v29 =	vld [tilespmem:$0x1FED0]  }
0x208: {  	[tilespmem:s14+$0xD20] =	vst v20;
	v20 =	vld [tilespmem:$0x1FEE0]  }
0x209: {  	v27 =	vmul.f32 v28, v27;
	v28 =	vsub.s32 $0x5F3759DF, v60;
	v60 =	vld [tilespmem:$0x1FEA0]  }
0x20a: {  	[tilespmem:s14+$0xD50] =	vst v47;
	v47 =	vld [tilespmem:$0x1FF00];
	v26 =	vmul.f32 v26, v58  }
0x20b: {  	v25 =	vadd.f32 v25, v31;
	v31 =	vld [tilespmem:$0x1FE30]  }
0x20c: {  	v26 =	vadd.f32 v26, v29;
	v29 =	vld [tilespmem:$0x1FE60]  }
0x20d: {  	[tilespmem:s14+$0xD40] =	vst v35;
	v35 =	vld [tilespmem:$0x1FE90]  }
0x20e: {  	[tilespmem:s13+$0xD70] =	vst v4;
	v4 =	vadd.f32 v27, v60;
	v27 =	vld [tilespmem:$0x1FEB0]  }
0x20f: {  	v56 =	vld [tilespmem:$0x1FEA0]  }
0x210: {  	v1 =	vadd.f32 v1, v53;
	v53 =	vld [tilespmem:$0x1FE40];
	v24 =	vmul.f32 v24, v31;
	[tilespmem:s15+$0xD50] =	vst v26;
	v26 =	vbroadcast v34, $0xF  }
0x211: {  	v31 =	vmul.f32 v28, v33;
	v34 =	vld [tilespmem:$0x1FE30];
	v16 =	vmul.f32 v16, v29  }
0x212: {  	v29 =	vld [tilespmem:$0x1FDB0];
	v60 =	vsub.f32 v61, v26  }
0x213: {  	v61 =	vld [tilespmem:$0x1FE50];
	v16 =	vadd.f32 v16, v20;
	v24 =	vadd.f32 v24, v27;
	v27 =	vmul.f32 v28, v31  }
0x214: {  	v20 =	vld [tilespmem:$0x1FE10]  }
0x215: {  	v12 =	vmul.f32 v12, v19;
	[tilespmem:s15+$0xD60] =	vst v16;
	v16 =	vld [tilespmem:$0x1FEC0];
	v19 =	vsub.f32 $1.500000000e+00, v27  }
0x216: {  	v14 =	vbroadcast v14, $0xF;
	v27 =	vld [tilespmem:$0x1FD90]  }
0x217: {  	v63 =	vmul.f32 v28, v19;
	v19 =	vld [tilespmem:$0x1FEF0]  }
0x218: {  	v29 =	vsub.f32 v29, v14;
	v28 =	vld [tilespmem:$0x1FDA0]  }
0x219: {  	[tilespmem:s15+$0xD00] =	vst v25;
	v8 =	vmul.f32 v8, v20;
	v20 =	vld [tilespmem:$0x1FE30]  }
0x21a: {  	v25 =	vmul.f32 v22, v29;
	v29 =	vsub.f32 v52, v14;
	[tilespmem:s15+$0xD30] =	vst v24;
	v24 =	vld [tilespmem:$0x1FEB0]  }
0x21b: {  	v7 =	vadd.f32 $9.999999960e-13, v7;
	v52 =	vld [tilespmem:$0x1FE90]  }
0x21c: {  	v58 =	vmul.f32 v22, v29;
	v29 =	vsub.f32 v39, v26;
	v39 =	vld [tilespmem:$0x1FF10];
	v27 =	vsub.f32 v27, v14  }
0x21d: {  	v7 =	vbroadcast v7, $0xF;
	[tilespmem:s14+$0xD60] =	vst v6;
	v17 =	vadd.f32 v17, v19;
	v19 =	vld [tilespmem:$0x1FE80];
	v28 =	vsub.f32 v28, v14  }
0x21e: {  	[tilespmem:s14+$0xD70] =	vst v23;
	v31 =	vmul.f32 v63, v33;
	v33 =	vld [tilespmem:$0x1FE80];
	v20 =	vmul.f32 v43, v20  }
0x21f: {  	[tilespmem:s15+$0xD40] =	vst v18;
	v43 =	vld [tilespmem:$0x1FED0];
	v23 =	vmul.f32 v22, v27;
	v27 =	vmul.f32 v22, v28;
	v28 =	vsub.f32 v50, v14  }
0x220: {  	v18 =	vshra.s32 v7, $0x1;
	v7 =	vmul.f32 $5.000000000e-01, v7;
	v6 =	vmul.f32 v46, v53;
	[tilespmem:s15+$0xD70] =	vst v17;
	v17 =	vld [tilespmem:$0x1FDC0]  }
0x221: {  	[tilespmem:s15+$0xD10] =	vst v1;
	v20 =	vadd.f32 v20, v24;
	v1 =	vmul.f32 v22, v28;
	v28 =	vsub.f32 v55, v14;
	v55 =	vld [tilespmem:$0x1FE40]  }
0x222: {  	v18 =	vsub.s32 $0x5F3759DF, v18;
	v12 =	vadd.f32 v12, v19;
	v19 =	vld [tilespmem:$0x1FE90]  }
0x223: {  	v6 =	vadd.f32 v6, v16;
	v16 =	vmul.f32 v18, v7;
	[tilespmem:s18+$0xD30] =	vst v20;
	v20 =	vld [tilespmem:$0x1FED0]  }
0x224: {  	v50 =	vld [tilespmem:$0x1FE20];
	v24 =	vmul.f32 v22, v28;
	v28 =	vmul.f32 v31, v63  }
0x225: {  	v16 =	vmul.f32 v18, v16;
	v31 =	vsub.f32 v38, v26;
	v38 =	vld [tilespmem:$0x1FEB0]  }
0x226: {  	v28 =	vsub.f32 $1.500000000e+00, v28;
	v1 =	vmul.f32 v1, v55;
	v55 =	vld [tilespmem:$0x1FE70]  }
0x227: {  	v16 =	vsub.f32 $1.500000000e+00, v16;
	v8 =	vadd.f32 v8, v19;
	v19 =	vld [tilespmem:$0x1FE20]  }
0x228: {  	[tilespmem:s14+$0xD30] =	vst v5;
	v5 =	vmul.f32 v28, v63;
	v28 =	vsub.f32 v62, v26;
	v62 =	vld [tilespmem:$0x1FE60]  }
0x229: {  	v63 =	vmul.f32 v18, v16;
	v16 =	vld [tilespmem:$0x1FEE0]  }
0x22a: {  	v18 =	vld [tilespmem:$0x1FE20]  }
0x22b: {  	[tilespmem:s18+$0xD10] =	vst v8;
	v8 =	vmul.f32 v40, v61;
	v40 =	vld [tilespmem:$0x1FE10]  }
0x22c: {  	v46 =	vmul.f32 v5, v29;
	v29 =	vld [tilespmem:$0x1FF30]  }
0x22d: {  	[tilespmem:s18+$0xD00] =	vst v12;
	v12 =	vmul.f32 v5, v60;
	v60 =	vld [tilespmem:$0x1FE60]  }
0x22e: {  	v61 =	vld [tilespmem:$0x1FEC0]  }
0x22f: {  	v8 =	vadd.f32 v8, v20;
	v20 =	vld [tilespmem:$0x1FE70]  }
0x230: {  	v10 =	vmul.f32 v10, v19;
	v19 =	vld [tilespmem:$0x1FD80]  }
0x231: {  	v18 =	vmul.f32 v49, v18;
	v49 =	vld [tilespmem:$0x1FE80]  }
0x232: {  	[tilespmem:s15+$0xD20] =	vst v4;
	v4 =	vadd.f32 v10, v56;
	v56 =	vld [tilespmem:$0x1FE50]  }
0x233: {  	v1 =	vadd.f32 v1, v61;
	v61 =	vld [tilespmem:$0x1FEE0]  }
0x234: {  	[tilespmem:s18+$0xD20] =	vst v4;
	v4 =	vmul.f32 v41, v62;
	v41 =	vld [tilespmem:$0x1FEC0]  }
0x235: {  	v62 =	vld [tilespmem:$0x1FED0]  }
0x236: {  	v20 =	vmul.f32 v42, v20;
	v19 =	vsub.f32 v19, v14;
	v14 =	vsub.f32 v36, v14;
	v36 =	vld [tilespmem:$0x1FEA0]  }
0x237: {  	v4 =	vadd.f32 v4, v16;
	v16 =	vld [tilespmem:$0x1FE00]  }
0x238: {  	v13 =	vsub.f32 v13, v26;
	[tilespmem:s18+$0xD50] =	vst v8;
	v8 =	vadd.f32 v20, v32;
	v20 =	vld [tilespmem:$0x1FE40]  }
0x239: {  	v9 =	vsub.f32 v9, v26;
	v17 =	vsub.f32 v17, v26;
	v32 =	vld [tilespmem:$0x1FE00]  }
0x23a: {  	v19 =	vmul.f32 v22, v19;
	v14 =	vmul.f32 v22, v14;
	v22 =	vsub.f32 v48, v26;
	v26 =	vld [tilespmem:$0x1FFC0]  }
0x23b: {  	v48 =	vld [tilespmem:$0x1FEF0]  }
0x23c: {  	v42 =	vmul.f32 v5, v22;
	v22 =	vld [tilespmem:$0x1FF80]  }
0x23d: {  	v11 =	vmul.f32 v11, v16;
	v16 =	vld [tilespmem:$0x1FE10]  }
0x23e: {  	v2 =	vmul.f32 v2, v20;
	v20 =	vld [tilespmem:$0x1FE60]  }
0x23f: {  	[tilespmem:s18+$0xD60] =	vst v4;
	v4 =	vadd.f32 v11, v33;
	v11 =	vmul.f32 v44, v34;
	v44 =	vld [tilespmem:$0x1FEE0]  }
0x240: {  	v33 =	vld [tilespmem:$0x1FE10]  }
0x241: {  	v34 =	vld [tilespmem:$0x1FEF0]  }
0x242: {  	v2 =	vadd.f32 v2, v41;
	v41 =	vld [tilespmem:$0x1FE80]  }
0x243: {  	[tilespmem:s20+$0xD00] =	vst v4;
	v4 =	vadd.f32 v18, v36;
	v18 =	vld [tilespmem:$0x1FE70]  }
0x244: {  	v36 =	vld [tilespmem:$0x1FE80]  }
0x245: {  	v16 =	vmul.f32 v21, v16;
	v21 =	vld [tilespmem:$0x1FF70]  }
0x246: {  	v3 =	vmul.f32 v3, v20;
	v20 =	vld [tilespmem:$0x1FF60]  }
0x247: {  	[tilespmem:s18+$0xD70] =	vst v8;
	v8 =	vadd.f32 v16, v35;
	v16 =	vld [tilespmem:$0x1FE50]  }
0x248: {  	v35 =	vld [tilespmem:$0x1FE20]  }
0x249: {  	[tilespmem:s20+$0xD40] =	vst v2;
	v2 =	vadd.f32 v3, v44;
	v44 =	vld [tilespmem:$0x1FDD0]  }
0x24a: {  	v0 =	vmul.f32 v0, v18;
	v18 =	vld [tilespmem:$0x1FE00]  }
0x24b: {  	[tilespmem:s20+$0xD10] =	vst v8;
	v8 =	vadd.f32 v11, v38;
	v11 =	vmul.f32 v23, v40;
	v23 =	vld [tilespmem:$0x1FF90]  }
0x24c: {  	v7 =	vmul.f32 v63, v7;
	v38 =	vld [tilespmem:$0x1FE90]  }
0x24d: {  	[tilespmem:s20+$0xD60] =	vst v2;
	v2 =	vmul.f32 v5, v9;
	v9 =	vmul.f32 v27, v50;
	v50 =	vld [tilespmem:$0x1FEC0];
	v0 =	vadd.f32 v0, v48  }
0x24e: {  	v7 =	vmul.f32 v7, v63;
	v16 =	vmul.f32 v54, v16;
	v54 =	vld [tilespmem:$0x1FEA0]  }
0x24f: {  	[tilespmem:s20+$0xD70] =	vst v0;
	v0 =	vadd.f32 v11, v52;
	v11 =	vld [tilespmem:$0x1FEE0]  }
0x250: {  	v7 =	vsub.f32 $1.500000000e+00, v7;
	[tilespmem:s20+$0xD20] =	vst v4;
	v52 =	vld [tilespmem:$0x1FE60]  }
0x251: {  	v17 =	vmul.f32 v5, v17;
	[tilespmem:s20+$0xD30] =	vst v8;
	v8 =	vadd.f32 v16, v43;
	v43 =	vld [tilespmem:$0x1FE40]  }
0x252: {  	v18 =	vmul.f32 v19, v18;
	[tilespmem:s21+$0xD10] =	vst v0;
	v0 =	vmul.f32 v7, v63;
	v63 =	vld [tilespmem:$0x1FE70]  }
0x253: {  	v4 =	vmul.f32 v42, v33;
	[tilespmem:s20+$0xD50] =	vst v8;
	v8 =	vmul.f32 v5, v13;
	v13 =	vld [tilespmem:$0x1FE30]  }
0x254: {  	v16 =	vmul.f32 v5, v28;
	v19 =	vmul.f32 v5, v31;
	v5 =	vadd.f32 v18, v49;
	v49 =	vld [tilespmem:$0x1FDE0]  }
0x255: {  	[tilespmem:s18+$0xD40] =	vst v6;
	v10 =	vbroadcast v15, $0xF;
	v7 =	vmul.f32 v24, v60;
	v18 =	vld [tilespmem:$0x1FEB0]  }
0x256: {  	v4 =	vadd.f32 v4, v38;
	v60 =	vld [tilespmem:$0x1FE00];
	[tilespmem:s21+$0xD00] =	vst v5;
	v5 =	vadd.f32 v9, v54;
	v9 =	vmul.f32 v58, v56  }
0x257: {  	[tilespmem:s21+$0xD40] =	vst v1;
	v6 =	vadd.f32 v7, v11;
	v7 =	vmul.f32 v17, v32;
	v17 =	vld [tilespmem:$0x1FEA0];
	v3 =	vmul.f32 v46, v43  }
0x258: {  	v32 =	vld [tilespmem:$0x1FEF0];
	[tilespmem:s21+$0xD20] =	vst v5;
	v5 =	vadd.f32 v9, v62;
	v9 =	vmul.f32 v14, v63;
	v53 =	vmul.f32 v25, v13  }
0x259: {  	[tilespmem:s23+$0xD10] =	vst v4;
	v14 =	vld [tilespmem:$0x1FE50];
	v11 =	vsub.f32 v49, v10;
	v3 =	vadd.f32 v3, v50  }
0x25a: {  	[tilespmem:s21+$0xD60] =	vst v6;
	v63 =	vld [tilespmem:$0x1FDF0];
	v1 =	vadd.f32 v9, v34;
	v9 =	vmul.f32 v12, v35;
	v58 =	vadd.f32 v53, v18  }
0x25b: {  	v54 =	vld [tilespmem:$0x1FED0];
	v40 =	vmul.f32 v16, v13;
	[tilespmem:s21+$0xD50] =	vst v5;
	v5 =	vadd.f32 v7, v36;
	v34 =	vsub.f32 v51, v10  }
0x25c: {  	v2 =	vmul.f32 v2, v55;
	v42 =	vadd.f32 v9, v17;
	v9 =	vsub.f32 v44, v10;
	[tilespmem:s21+$0xD30] =	vst v58;
	v58 =	vld [tilespmem:$0x1FE10]  }
0x25d: {  	v16 =	vld [tilespmem:$0x1FE90];
	v46 =	vadd.f32 v40, v18;
	v56 =	vmul.f32 v0, v11;
	[tilespmem:s23+$0xD40] =	vst v3;
	v40 =	vmul.f32 v0, v34  }
0x25e: {  	v38 =	vsub.f32 v57, v10;
	v12 =	vld [tilespmem:$0x1FE20];
	[tilespmem:s21+$0xD70] =	vst v1;
	v48 =	vmul.f32 v19, v14;
	v53 =	vmul.f32 v0, v9  }
0x25f: {  	v50 =	vld [tilespmem:$0x1FE40];
	[tilespmem:s23+$0xD00] =	vst v5;
	v5 =	vmul.f32 v8, v52;
	v1 =	vadd.f32 v2, v32;
	v8 =	vsub.f32 v63, v10  }
0x260: {  	[tilespmem:s23+$0xD30] =	vst v46;
	v46 =	vmul.f32 v40, v13;
	v4 =	vadd.f32 v48, v54;
	v54 =	vld [tilespmem:$0x1FED0];
	v62 =	vmul.f32 v53, v60  }
0x261: {  	[tilespmem:s23+$0xD20] =	vst v42;
	v5 =	vadd.f32 v5, v61;
	v36 =	vmul.f32 v0, v8;
	v33 =	vmul.f32 v56, v58;
	v56 =	vld [tilespmem:$0x1FEC0]  }
0x262: {  	v43 =	vmul.f32 v0, v38;
	[tilespmem:s23+$0xD70] =	vst v1;
	v35 =	vadd.f32 v62, v41;
	v41 =	vsub.f32 v59, v10;
	v58 =	vld [tilespmem:$0x1FE60]  }
0x263: {  	v44 =	vsub.f32 v37, v10;
	[tilespmem:s23+$0xD60] =	vst v5;
	v1 =	vadd.f32 v46, v18;
	v42 =	vmul.f32 v36, v12;
	v59 =	vld [tilespmem:$0x1FE70]  }
0x264: {  	v49 =	vsub.f32 v30, v10;
	v61 =	vld [tilespmem:$0x1FEE0];
	[tilespmem:s23+$0xD50] =	vst v4;
	v48 =	vmul.f32 v0, v41  }
0x265: {  	v63 =	vld [tilespmem:$0x1FEF0];
	v52 =	vmul.f32 v43, v50;
	v53 =	vmul.f32 v0, v44;
	[tilespmem:s24+$0xD30] =	vst v1;
	v51 =	vadd.f32 v42, v17  }
0x266: {  	v27 =	vld [tilespmem:$0x1FFD0];
	v2 =	vadd.f32 v33, v16;
	[tilespmem:s24+$0xD00] =	vst v35;
	v0 =	vmul.f32 v0, v49;
	v55 =	vmul.f32 v48, v14  }
0x267: {  	p0 =	slt.u32 s6, $0x38;
	v28 =	vld [tilespmem:$0x1FFE0];
	[tilespmem:s24+$0xD20] =	vst v51;
	v57 =	vadd.f32 v52, v56;
	v4 =	vmul.f32 v53, v58  }
.Ltmp0:
0x268: {  	v31 =	vld [tilespmem:$0x1FF40];
	[tilespmem:s24+$0xD10] =	vst v2;
	v0 =	vmul.f32 v0, v59;
	v60 =	vadd.f32 v55, v54;
	(pc) =	sbr.rel @p0 .LBB2_2-.Ltmp0, $4  }
0x269: {  	v24 =	vld [tilespmem:$0x1FFA0];
	[tilespmem:s24+$0xD40] =	vst v57;
	v62 =	vadd.f32 v4, v61  }
0x26a: {  	v25 =	vld [tilespmem:$0x1FFB0];
	v0 =	vadd.f32 v0, v63;
	[tilespmem:s24+$0xD50] =	vst v60  }
0x26b: {  	v30 =	vld [tilespmem:$0x1FFF0];
	[tilespmem:s24+$0xD60] =	vst v62  }
0x26c: {  	s6 =	sadd.s32 $0x8, s6;
	v19 =	vld [tilespmem:$0x1FF50];
	[tilespmem:s24+$0xD70] =	vst v0  }
0x26d: {  	[hbm4b:s10+s7] =	stream.linear.scatter [tilespmem:s19], [sflag:$0x3], $0x2000, $0x38;
	[tilespmem:$0x10F00] =	vst v63  }
0x26e: {  	_ =	swait.ge [sflag:s0], $0x1000  }
0x26f: {  	[sflag:s0] =	ssyncset.done $0x0  }
0x270: {  	[sflag:s0] =	ssyncadd.s32 $0xFFFFF000  }
0x271: {  	_ =	swait.ge [sflag:s0], $0x1000  }
0x272: {  	[sflag:s0] =	ssyncset.done $0x0  }
0x273: {  	[sflag:s0] =	ssyncadd.s32 $0xFFFFF000  }
0x274: {  	_ =	swait.ge [sflag:s0], $0x1000  }
0x275: {  	[sflag:s0] =	ssyncset.done $0x0  }
0x276: {  	[sflag:s0] =	ssyncadd.s32 $0xFFFFF000  }
0x277: {  	_ =	swait.ge [sflag:s0], $0x1000  }
0x278: {  	[sflag:s0] =	ssyncset.done $0x0  }
0x279: {  	s6 =	simm.s32 $0x40;
	[sflag:s0] =	ssyncadd.s32 $0xFFFFF000  }
.LBB2_4:
0x27a: {  	s13 =	sshll.u32 s6, $0x7  }
0x27b: {  	v1 =	vld [tilespmem:s13+$0xD00]  }
0x27c: {  	v0 =	vmov s6;
	v2 =	vld [tilespmem:s13+$0x8D00]  }
0x27d: {  	v0 =	vand.u32 $0xFFFFFFF8, v0;
	v3 =	vld [tilespmem:s13+$0xD10]  }
0x27e: {  	v4 =	vld [tilespmem:s13+$0x8D10];
	v0 =	vbroadcast v0, $0x0  }
0x27f: {  	v32 =	vld [tilespmem:s13+$0xD20]  }
0x280: {  	v5 =	vld [tilespmem:s13+$0x8D20]  }
0x281: {  	v35 =	vld [tilespmem:s13+$0xD30]  }
0x282: {  	v6 =	vld [tilespmem:s13+$0x8D30]  }
0x283: {  	v8 =	vld [tilespmem:s13+$0xD40]  }
0x284: {  	v0 =	vld.idx.msk [tilespmem:v0+s5+$0x0], $0xffff  }
0x285: {  	v9 =	vld [tilespmem:s13+$0x8D40]  }
0x286: {  	v11 =	vld [tilespmem:s13+$0xD50]  }
0x287: {  	v41 =	vld [tilespmem:s13+$0x8D50]  }
0x288: {  	v48 =	vld [tilespmem:s13+$0xD60]  }
0x289: {  	v15 =	vadd.f32 v2, v1;
	v13 =	vld [tilespmem:s13+$0x8D60];
	vm0 =	vgt.f32 v0, $5.000000000e-01  }
0x28a: {  	s14 =	sor.u32 $0x1, s6;
	v34 =	vadd.f32 v4, v3;
	v33 =	vsel vm0, v22, v47  }
0x28b: {  	v12 =	vmov s14;
	v2 =	vadd.f32 v5, v32;
	v0 =	vadd.f32 v15, v33  }
0x28c: {  	v40 =	vadd.f32 v6, v35;
	v46 =	vadd.f32 v9, v8;
	v36 =	vsel vm0, v23, v39  }
0x28d: {  	v42 =	vand.u32 $0xFFFFFFF9, v12;
	v1 =	vadd.f32 v34, v36;
	v7 =	vadd.f32 $0.0e+00, v0  }
0x28e: {  	v3 =	vadd.f32 v41, v11;
	v8 =	vadd.f32 v13, v48;
	v38 =	vsel vm0, v24, v45  }
0x28f: {  	v12 =	vbroadcast v42, $0x0;
	v50 =	vld [tilespmem:s13+$0xD70];
	v4 =	vadd.f32 v2, v38;
	v7 =	vadd.f32 v1, v7  }
0x290: {  	s14 =	sshll.u32 s14, $0x7;
	v51 =	vld [tilespmem:s13+$0x8D70];
	v43 =	vsel vm0, v25, v29;
	v10 =	vmul.f32 v0, v0;
	v37 =	vmul.f32 v1, v1  }
0x291: {  	v55 =	vld [tilespmem:s14+$0xD00];
	v5 =	vadd.f32 v40, v43;
	v7 =	vadd.f32 v4, v7  }
0x292: {  	v59 =	vld [tilespmem:s14+$0x8D00];
	v49 =	vsel vm0, v26, v31;
	v44 =	vmul.f32 v4, v4;
	v10 =	vadd.f32 v37, v10  }
0x293: {  	v60 =	vld [tilespmem:s14+$0xD10];
	v6 =	vadd.f32 v46, v49;
	v7 =	vadd.f32 v5, v7  }
0x294: {  	v63 =	vld [tilespmem:s14+$0x8D10];
	v53 =	vsel vm0, v27, v19;
	v58 =	vsel vm0, v28, v20;
	v10 =	vadd.f32 v44, v10  }
0x295: {  	v54 =	vld.idx.msk [tilespmem:v12+s5+$0x0], $0xffff;
	v14 =	vmul.f32 v5, v5;
	v15 =	vadd.f32 v6, v7;
	v7 =	vadd.f32 v3, v53  }
0x296: {  	v35 =	vld [tilespmem:s14+$0xD20];
	v62 =	vsel vm0, v30, v21;
	v32 =	vadd.f32 v8, v58;
	v2 =	vadd.f32 v51, v50  }
0x297: {  	v41 =	vld [tilespmem:s14+$0xD30];
	v52 =	vmul.f32 v6, v6;
	v10 =	vadd.f32 v14, v10;
	v56 =	vadd.f32 v7, v15  }
0x298: {  	v43 =	vld [tilespmem:s14+$0x8D30];
	v33 =	vadd.f32 v2, v62  }
0x299: {  	v48 =	vld [tilespmem:s14+$0x8D40];
	v10 =	vadd.f32 v52, v10;
	v57 =	vmul.f32 v7, v7;
	v12 =	vadd.f32 v32, v56  }
0x29a: {  	s15 =	sor.u32 $0x2, s6;
	vm10 =	vgt.f32 v54, $5.000000000e-01;
	v38 =	vadd.f32 v59, v55;
	v8 =	vadd.f32 v63, v60;
	v37 =	vld [tilespmem:s14+$0x8D20]  }
0x29b: {  	v54 =	vmov s15;
	v55 =	vld [tilespmem:s14+$0xD60];
	v61 =	vadd.f32 v57, v10;
	v10 =	vadd.f32 v33, v12  }
0x29c: {  	v40 =	vsel vm10, v22, v47;
	v42 =	vsel vm10, v23, v39;
	v44 =	vld [tilespmem:s14+$0xD40];
	v14 =	vmul.f32 v32, v32  }
0x29d: {  	v18 =	vsel vm10, v25, v29;
	v59 =	vld [tilespmem:s14+$0xD70];
	v16 =	vadd.f32 v8, v42;
	(xrf2) =	vadd.scan.msk.f32 $0xffff, v10;
	v10 =	vadd.f32 v43, v41  }
0x29e: {  	v36 =	vmul.f32 v33, v33;
	v52 =	vld [tilespmem:s14+$0xD50];
	v15 =	vadd.f32 v38, v40;
	v9 =	vadd.f32 v14, v61  }
0x29f: {  	v51 =	vsel vm10, v24, v45;
	v2 =	vadd.f32 v37, v35;
	v20 =	vadd.f32 v10, v18;
	v18 =	vld [tilespmem:s14+$0x8D60]  }
0x2a0: {  	v50 =	vmul.f32 v16, v16;
	v53 =	vld [tilespmem:s14+$0x8D50];
	v46 =	vadd.f32 $0.0e+00, v15;
	v9 =	vadd.f32 v36, v9  }
0x2a1: {  	v22 =	vld [tilespmem:$0x1FF50];
	v17 =	vadd.f32 v2, v51;
	v3 =	vadd.f32 v48, v44;
	v49 =	vmul.f32 v15, v15  }
0x2a2: {  	s15 =	sshll.u32 s15, $0x7;
	v13 =	vand.u32 $0xFFFFFFFA, v54;
	v60 =	vld [tilespmem:s14+$0x8D70];
	v57 =	vsel vm10, v26, v31;
	v8 =	vadd.f32 v16, v46;
	(xrf2) =	vadd.scan.msk.f32 $0xffff, v9  }
0x2a3: {  	v24 =	vld [tilespmem:s15+$0xD00];
	v21 =	vadd.f32 v3, v57;
	v12 =	vadd.f32 v50, v49;
	v14 =	vmul.f32 v17, v17  }
0x2a4: {  	v56 =	vbroadcast v13, $0x0;
	v8 =	vadd.f32 v17, v8;
	v9 =	vadd.f32 v18, v55;
	v18 =	vld [tilespmem:$0x1FF60]  }
0x2a5: {  	v34 =	vld [tilespmem:s15+$0x8D00];
	v2 =	vadd.f32 v53, v52;
	v12 =	vadd.f32 v14, v12;
	v58 =	vmul.f32 v20, v20  }
0x2a6: {  	v22 =	vsel vm10, v27, v22;
	v36 =	vld [tilespmem:$0x1FF70];
	v8 =	vadd.f32 v20, v8  }
0x2a7: {  	v37 =	vld [tilespmem:s15+$0xD10];
	v61 =	vmul.f32 v21, v21;
	v22 =	vadd.f32 v2, v22;
	v12 =	vadd.f32 v58, v12  }
0x2a8: {  	v38 =	vld [tilespmem:s15+$0x8D10];
	v3 =	vadd.f32 v60, v59;
	v8 =	vadd.f32 v21, v8  }
0x2a9: {  	v46 =	vld [tilespmem:$0x1FF90];
	v63 =	vmul.f32 v22, v22;
	v12 =	vadd.f32 v61, v12;
	v18 =	vsel vm10, v28, v18  }
0x2aa: {  	v10 =	vld.idx.msk [tilespmem:v56+s5+$0x0], $0xffff;
	v8 =	vadd.f32 v22, v8;
	v19, _, _ =	vpop (xrf2);
	v23 =	vadd.f32 v9, v18  }
0x2ab: {  	v43 =	vld [tilespmem:$0x1FF80];
	v35 =	vadd.f32 v63, v12;
	v12 =	vsel vm10, v30, v36;
	v13 =	vmul.f32 $7.812500000e-03, v19  }
0x2ac: {  	v29 =	vld [tilespmem:s15+$0xD50];
	v25 =	vadd.f32 v3, v12;
	v19, _, _ =	vpop (xrf2);
	v8 =	vadd.f32 v23, v8;
	v18 =	vmul.f32 v23, v23  }
0x2ad: {  	v27 =	vld [tilespmem:s15+$0x8D20];
	v40 =	vadd.f32 v34, v24;
	v19 =	vmul.f32 $7.812500000e-03, v19;
	v62 =	vmul.f32 v13, v13  }
0x2ae: {  	v26 =	vld [tilespmem:s15+$0xD20];
	v12 =	vmul.f32 v25, v25;
	v11 =	vadd.f32 v18, v35;
	v8 =	vadd.f32 v25, v8  }
0x2af: {  	v54 =	vld [tilespmem:$0x1FF30];
	vm11 =	vgt.f32 v10, $5.000000000e-01;
	v3 =	vadd.f32 v38, v37;
	v2 =	vsub.f32 v19, v62  }
0x2b0: {  	v44 =	vld [tilespmem:s15+$0x8D30];
	v11 =	vadd.f32 v12, v11;
	(xrf2) =	vadd.scan.msk.f32 $0xffff, v8;
	v12 =	vsel vm11, v43, v47;
	v8 =	vsel vm11, v46, v39  }
0x2b1: {  	v48 =	vld [tilespmem:s15+$0xD40];
	v19 =	vadd.f32 v40, v12;
	v18 =	vadd.f32 v3, v8  }
0x2b2: {  	v53 =	vld [tilespmem:s15+$0x8D50]  }
0x2b3: {  	v52 =	vadd.f32 v27, v26;
	v28 =	vld [tilespmem:$0x1FFA0];
	v26 =	vmul.f32 v19, v19;
	v27 =	vmul.f32 v18, v18  }
0x2b4: {  	v41 =	vld [tilespmem:s15+$0xD30]  }
0x2b5: {  	v26 =	vadd.f32 v27, v26;
	v27 =	vld [tilespmem:$0x1FFB0]  }
0x2b6: {  	v49 =	vld [tilespmem:s15+$0x8D40]  }
0x2b7: {  	v58 =	vld [tilespmem:$0x1FFC0]  }
0x2b8: {  	v59 =	vadd.f32 v53, v29;
	v28 =	vsel vm11, v28, v45;
	v51 =	vadd.f32 $0.0e+00, v19  }
0x2b9: {  	v9 =	vadd.f32 v44, v41;
	v36 =	vadd.f32 v52, v28  }
0x2ba: {  	v55 =	vld [tilespmem:s15+$0x8D60];
	v2 =	vadd.f32 $9.999999960e-13, v2;
	(xrf2) =	vadd.scan.msk.f32 $0xffff, v11;
	v10 =	vadd.f32 v18, v51;
	v11 =	vsel vm11, v27, v54  }
0x2bb: {  	v28 =	vmul.f32 v36, v36;
	v3 =	vadd.f32 v49, v48;
	v27 =	vld [tilespmem:s15+$0xD60];
	v11 =	vadd.f32 v9, v11  }
0x2bc: {  	v34 =	vld [tilespmem:s15+$0x8D70];
	v2 =	vbroadcast v2, $0xF;
	v57 =	vadd.f32 v36, v10;
	v10 =	vsel vm11, v58, v31  }
0x2bd: {  	v29 =	vld [tilespmem:$0x1FF50];
	v26 =	vadd.f32 v28, v26;
	v3 =	vadd.f32 v3, v10;
	v28 =	vmul.f32 v11, v11  }
0x2be: {  	v61 =	vld [tilespmem:$0x1FF70];
	v42 =	vshra.s32 v2, $0x1;
	v2 =	vmul.f32 $5.000000000e-01, v2  }
0x2bf: {  	v35 =	vld [tilespmem:$0x1FFD0];
	v24 =	vsub.s32 $0x5F3759DF, v42;
	v26 =	vadd.f32 v28, v26;
	v28 =	vmul.f32 v3, v3  }
0x2c0: {  	v50 =	vmul.f32 v24, v2;
	v9 =	vadd.f32 v55, v27;
	v27 =	vld [tilespmem:$0x1FF60]  }
0x2c1: {  	v26 =	vadd.f32 v28, v26;
	v28 =	vld [tilespmem:$0x1FFE0]  }
0x2c2: {  	v30 =	vld [tilespmem:s15+$0xD70];
	v8 =	vmul.f32 v24, v50  }
0x2c3: {  	v62 =	vld [tilespmem:$0x1FFF0]  }
0x2c4: {  	v29 =	vsel vm11, v35, v29;
	v56 =	vsub.f32 $1.500000000e+00, v8;
	v8 =	vadd.f32 v11, v57  }
0x2c5: {  	v10 =	vadd.f32 v59, v29  }
0x2c6: {  	v8 =	vadd.f32 v3, v8;
	v27 =	vsel vm11, v28, v27  }
0x2c7: {  	v28 =	vmul.f32 v10, v10;
	v9 =	vadd.f32 v9, v27;
	v27 =	vadd.f32 v34, v30  }
0x2c8: {  	v30 =	vadd.f32 v10, v8;
	v8 =	vsel vm11, v62, v61  }
0x2c9: {  	v26 =	vadd.f32 v28, v26;
	v28 =	vmul.f32 v9, v9;
	v8 =	vadd.f32 v27, v8  }
0x2ca: {  	s18 =	sor.u32 $0x3, s6  }
0x2cb: {  	v31, _, _ =	vpop (xrf2);
	v26 =	vadd.f32 v28, v26;
	v27 =	vmul.f32 v8, v8;
	v28 =	vmov s18  }
0x2cc: {  	v31 =	vmul.f32 $7.812500000e-03, v31;
	v28 =	vand.u32 $0xFFFFFFFB, v28  }
0x2cd: {  	v60, _, _ =	vpop (xrf2);
	v26 =	vadd.f32 v27, v26;
	v27 =	vbroadcast v28, $0x0  }
0x2ce: {  	v14 =	vmul.f32 $7.812500000e-03, v60;
	v29 =	vmul.f32 v31, v31;
	_ =	sdelay $0x1  }
0x2cf: {  	v12 =	vmul.f32 v24, v56;
	v14 =	vsub.f32 v14, v29;
	v24 =	vadd.f32 v9, v30;
	_ =	sdelay $0x1  }
0x2d0: {  	v14 =	vadd.f32 $9.999999960e-13, v14;
	v24 =	vadd.f32 v8, v24  }
0x2d1: {  	v2 =	vmul.f32 v12, v2;
	v35 =	vld.idx.msk [tilespmem:v27+s5+$0x0], $0xffff;
	v27 =	vbroadcast v31, $0xF  }
0x2d2: {  	v14 =	vbroadcast v14, $0xF;
	(xrf2) =	vadd.scan.msk.f32 $0xffff, v24  }
0x2d3: {  	v48 =	vld [tilespmem:$0x1FF90];
	s18 =	sshll.u32 s18, $0x7;
	(xrf2) =	vadd.scan.msk.f32 $0xffff, v26;
	v26 =	vmul.f32 v2, v12;
	v59 =	vsub.f32 v16, v27;
	v16 =	vsub.f32 v17, v27  }
0x2d4: {  	v63 =	vshra.s32 v14, $0x1;
	v24 =	vbroadcast v13, $0xF;
	v28 =	vld [tilespmem:s18+$0x8D00]  }
0x2d5: {  	s20 =	sor.u32 $0x4, s6;
	v2 =	vmul.f32 $5.000000000e-01, v14;
	v14 =	vsub.f32 $1.500000000e+00, v26;
	v26 =	vld [tilespmem:s18+$0xD00];
	[tilespmem:$0x1F9F0] =	vst v16;
	v16 =	vsub.f32 v20, v27  }
0x2d6: {  	v46 =	vmov s20;
	s20 =	sshll.u32 s20, $0x7;
	v20 =	vsub.f32 v22, v27;
	v22 =	vsub.f32 v25, v27;
	v25 =	vld [tilespmem:$0x1FF80]  }
0x2d7: {  	v54 =	vld [tilespmem:s20+$0xD00];
	v61 =	vsub.f32 v0, v24  }
0x2d8: {  	v41 =	vsub.f32 v1, v24;
	v4 =	vsub.f32 v4, v24;
	v17 =	vld [tilespmem:s18+$0xD20]  }
0x2d9: {  	v13 =	vsub.s32 $0x5F3759DF, v63;
	v40 =	vsub.f32 v5, v24;
	v57 =	vsub.f32 v21, v27;
	v21 =	vld [tilespmem:s18+$0x8D20]  }
0x2da: {  	v38 =	vld [tilespmem:s18+$0xD10];
	v5 =	vsub.f32 v6, v24;
	v44 =	vadd.f32 v28, v26;
	vm12 =	vgt.f32 v35, $5.000000000e-01  }
0x2db: {  	v43 =	vld [tilespmem:s18+$0x8D10];
	v6 =	vsub.f32 v7, v24;
	v34 =	vmul.f32 v13, v2;
	v25 =	vsel vm12, v25, v47  }
0x2dc: {  	v50 =	vld [tilespmem:s18+$0x8D40];
	v7 =	vsub.f32 v32, v24;
	[tilespmem:$0x1FA00] =	vst v16;
	v16, _, _ =	vpop (xrf2);
	v26 =	vadd.f32 v44, v25  }
0x2dd: {  	v37 =	vsub.f32 v33, v24;
	v24 =	vld [tilespmem:s18+$0x8D30];
	v0 =	vmul.f32 v13, v34;
	[tilespmem:$0x1FA10] =	vst v20;
	v16 =	vmul.f32 $7.812500000e-03, v16  }
0x2de: {  	v49 =	vadd.f32 v21, v17;
	v20, _, _ =	vpop (xrf2);
	[tilespmem:$0x1FA90] =	vst v26;
	v17 =	vadd.f32 $0.0e+00, v26;
	v21 =	vmul.f32 v26, v26;
	v26 =	vld [tilespmem:$0x1FFA0]  }
0x2df: {  	v51 =	vsub.f32 v23, v27;
	[tilespmem:$0x1FA20] =	vst v22;
	v22 =	vld [tilespmem:s18+$0xD30];
	v20 =	vmul.f32 $7.812500000e-03, v20;
	v23 =	vmul.f32 v16, v16  }
0x2e0: {  	v42 =	vsub.f32 $1.500000000e+00, v0;
	v0 =	vadd.f32 v43, v38;
	v25 =	vld [tilespmem:s18+$0xD40]  }
0x2e1: {  	v1 =	vsel vm12, v48, v39;
	v62 =	vsub.f32 v20, v23;
	v20 =	vld [tilespmem:$0x1FF30]  }
0x2e2: {  	v15 =	vsub.f32 v15, v27;
	v29 =	vadd.f32 v0, v1;
	v23 =	vld [tilespmem:$0x1FFB0]  }
0x2e3: {  	v56 =	vld [tilespmem:$0x1FF60];
	v26 =	vsel vm12, v26, v45  }
0x2e4: {  	[tilespmem:$0x1F9E0] =	vst v15;
	v15 =	vand.u32 $0xFFFFFFFC, v46;
	v27 =	vld [tilespmem:s18+$0xD50];
	v17 =	vadd.f32 v29, v17;
	v26 =	vadd.f32 v49, v26  }
0x2e5: {  	v15 =	vbroadcast v15, $0x0;
	v28 =	vmul.f32 v29, v29;
	v1 =	vadd.f32 v50, v25;
	v25 =	vld [tilespmem:$0x1FF40]  }
0x2e6: {  	v52 =	vadd.f32 v24, v22;
	[tilespmem:$0x1FAB0] =	vst v26;
	v24 =	vmul.f32 v26, v26;
	v17 =	vadd.f32 v26, v17;
	v26 =	vld [tilespmem:$0x1FFC0]  }
0x2e7: {  	v22 =	vld [tilespmem:s18+$0x8D50];
	v20 =	vsel vm12, v23, v20  }
0x2e8: {  	v60 =	vld [tilespmem:$0x1FF80];
	v21 =	vadd.f32 v28, v21;
	v35 =	vadd.f32 v52, v20  }
0x2e9: {  	v53 =	vld [tilespmem:s18+$0x8D60]  }
0x2ea: {  	v32 =	vld [tilespmem:$0x1FF90];
	v21 =	vadd.f32 v24, v21;
	v24 =	vmul.f32 v35, v35  }
0x2eb: {  	v25 =	vsel vm12, v26, v25;
	v26 =	vld.idx.msk [tilespmem:v15+s5+$0x0], $0xffff  }
0x2ec: {  	v15 =	vbroadcast v16, $0xF;
	v16 =	vadd.f32 v24, v21;
	v21 =	vadd.f32 v22, v27;
	v27 =	vld [tilespmem:$0x1FFD0]  }
0x2ed: {  	v34 =	vadd.f32 v1, v25;
	v25 =	vld [tilespmem:$0x1FF50]  }
0x2ee: {  	v23 =	vld [tilespmem:s18+$0xD60]  }
0x2ef: {  	v33 =	vld [tilespmem:$0x1FF70]  }
0x2f0: {  	v22 =	vld [tilespmem:s20+$0x8D00]  }
0x2f1: {  	v55 =	vsub.f32 v19, v15;
	v19 =	vld [tilespmem:$0x1FFE0]  }
0x2f2: {  	v25 =	vsel vm12, v27, v25;
	v27 =	vld [tilespmem:s20+$0xD10]  }
0x2f3: {  	v43 =	vadd.f32 v21, v25;
	v21 =	vadd.f32 v53, v23;
	v23 =	vld [tilespmem:s20+$0x8D10]  }
0x2f4: {  	v38 =	vld [tilespmem:s20+$0xD40];
	v24 =	vmul.f32 v34, v34  }
0x2f5: {  	v20 =	vld [tilespmem:s18+$0xD70]  }
0x2f6: {  	v58 =	vsub.f32 v18, v15;
	v18 =	vld [tilespmem:s20+$0xD20];
	v16 =	vadd.f32 v24, v16;
	v19 =	vsel vm12, v19, v56  }
0x2f7: {  	vm1 =	vgt.f32 v26, $5.000000000e-01;
	v25 =	vmul.f32 v43, v43;
	v46 =	vadd.f32 v21, v19;
	v21 =	vld [tilespmem:s20+$0x8D20]  }
0x2f8: {  	v24 =	vld [tilespmem:s18+$0x8D70];
	v1 =	vadd.f32 v22, v54;
	v19 =	vsel vm1, v60, v47;
	v63 =	vadd.f32 v23, v27  }
0x2f9: {  	v48 =	vld [tilespmem:$0x1FFA0];
	v16 =	vadd.f32 v25, v16;
	v22 =	vmul.f32 v46, v46;
	v23 =	vsel vm1, v32, v39  }
0x2fa: {  	v50 =	vld [tilespmem:$0x1FF30];
	v44 =	vadd.f32 v1, v19;
	v49 =	vadd.f32 v63, v23  }
0x2fb: {  	v25 =	vld [tilespmem:$0x1FFF0];
	v16 =	vadd.f32 v22, v16  }
0x2fc: {  	v19 =	vld [tilespmem:s20+$0xD30];
	v22 =	vmul.f32 v44, v44;
	v18 =	vadd.f32 v21, v18;
	v21 =	vmul.f32 v49, v49  }
0x2fd: {  	v20 =	vadd.f32 v24, v20;
	v24 =	vld [tilespmem:s20+$0x8D30]  }
0x2fe: {  	v21 =	vadd.f32 v21, v22;
	v22 =	vld [tilespmem:$0x1FFB0]  }
0x2ff: {  	v52 =	vld [tilespmem:$0x1FF40]  }
0x300: {  	[tilespmem:$0x1FA30] =	vst v55;
	v55 =	vld [tilespmem:s20+$0x8D70];
	v25 =	vsel vm12, v25, v33  }
0x301: {  	v60 =	vld [tilespmem:$0x1FF50];
	v54 =	vadd.f32 v20, v25;
	v25 =	vsel vm1, v48, v45  }
0x302: {  	v32 =	vld [tilespmem:$0x1FF70];
	v53 =	vadd.f32 v18, v25;
	v18 =	vadd.f32 v24, v19  }
0x303: {  	v26 =	vadd.f32 $0.0e+00, v44;
	v20 =	vld [tilespmem:s20+$0x8D40];
	v22 =	vsel vm1, v22, v50  }
0x304: {  	v56 =	vadd.f32 v18, v22;
	v22 =	vld [tilespmem:$0x1FFC0]  }
0x305: {  	v23 =	vadd.f32 v49, v26;
	v26 =	vld [tilespmem:s20+$0xD50]  }
0x306: {  	s21 =	sor.u32 $0x5, s6;
	v19 =	vld [tilespmem:s20+$0x8D50]  }
0x307: {  	v27 =	vmov s21;
	v63 =	vld [tilespmem:$0x1FF60];
	v33 =	vsub.f32 v36, v15;
	v36 =	vsub.f32 v11, v15  }
0x308: {  	v24 =	vand.u32 $0xFFFFFFFD, v27;
	v25 =	vld [tilespmem:s20+$0xD60];
	v27 =	vmul.f32 v53, v53;
	v1 =	vadd.f32 v20, v38  }
0x309: {  	[tilespmem:$0x1FA60] =	vst v36;
	v36 =	vld [tilespmem:$0x1FFA0];
	v20 =	vadd.f32 v53, v23;
	v22 =	vsel vm1, v22, v52  }
0x30a: {  	[tilespmem:$0x1FA40] =	vst v58;
	v23 =	vld [tilespmem:s20+$0xD70];
	v21 =	vadd.f32 v27, v21;
	v27 =	vmul.f32 v56, v56;
	v58 =	vadd.f32 v1, v22  }
0x30b: {  	v17 =	vadd.f32 v35, v17;
	v24 =	vbroadcast v24, $0x0;
	v19 =	vadd.f32 v19, v26;
	v26 =	vld [tilespmem:$0x1FFD0]  }
0x30c: {  	v50 =	vld [tilespmem:$0x1FF80];
	v21 =	vadd.f32 v27, v21;
	v22 =	vmul.f32 v58, v58  }
0x30d: {  	v17 =	vadd.f32 v34, v17;
	v18 =	vld [tilespmem:s20+$0x8D60]  }
0x30e: {  	s21 =	sshll.u32 s21, $0x7;
	v21 =	vadd.f32 v22, v21;
	v22 =	vld [tilespmem:$0x1FFE0]  }
0x30f: {  	v17 =	vadd.f32 v43, v17;
	v27 =	vld [tilespmem:s21+$0xD20]  }
0x310: {  	v20 =	vadd.f32 v56, v20;
	v26 =	vsel vm1, v26, v60;
	v1 =	vadd.f32 v55, v23;
	v23 =	vld [tilespmem:$0x1FFF0]  }
0x311: {  	v17 =	vadd.f32 v46, v17;
	v60 =	vadd.f32 v19, v26;
	v19 =	vld.idx.msk [tilespmem:v24+s5+$0x0], $0xffff  }
0x312: {  	v18 =	vadd.f32 v18, v25;
	v24 =	vld [tilespmem:s21+$0xD00];
	v20 =	vadd.f32 v58, v20  }
0x313: {  	v17 =	vadd.f32 v54, v17;
	v26 =	vld [tilespmem:s21+$0xD10];
	v25 =	vmul.f32 v60, v60;
	v22 =	vsel vm1, v22, v63  }
0x314: {  	v55 =	vld [tilespmem:$0x1FF90];
	v20 =	vadd.f32 v60, v20;
	v63 =	vadd.f32 v18, v22  }
0x315: {  	v23 =	vsel vm1, v23, v32;
	v21 =	vadd.f32 v25, v21;
	v18 =	vld [tilespmem:s21+$0x8D00];
	v22 =	vmul.f32 v54, v54  }
0x316: {  	v32 =	vadd.f32 v1, v23;
	v23 =	vld [tilespmem:s21+$0x8D10];
	v25 =	vmul.f32 v63, v63;
	v20 =	vadd.f32 v63, v20  }
0x317: {  	s23 =	sor.u32 $0x6, s6;
	v16 =	vadd.f32 v22, v16;
	v22 =	vld [tilespmem:s21+$0x8D20]  }
0x318: {  	(xrf2) =	vadd.scan.msk.f32 $0xffff, v17;
	v17 =	vadd.f32 v25, v21;
	v38 =	vadd.f32 v32, v20;
	v20 =	vld [tilespmem:s21+$0xD30];
	v25 =	vmov s23  }
0x319: {  	vm13 =	vgt.f32 v19, $5.000000000e-01;
	v21 =	vmul.f32 v32, v32;
	v19 =	vand.u32 $0xFFFFFFFE, v25;
	v25 =	vld [tilespmem:s21+$0x8D40]  }
0x31a: {  	v18 =	vadd.f32 v18, v24;
	v24 =	vsel vm13, v55, v39;
	v55 =	vld [tilespmem:$0x1FFB0]  }
0x31b: {  	(xrf2) =	vadd.scan.msk.f32 $0xffff, v16;
	v16 =	vadd.f32 v21, v17;
	v17 =	vld [tilespmem:s21+$0x8D30]  }
0x31c: {  	v21 =	vadd.f32 v23, v26;
	v23 =	vld [tilespmem:s21+$0xD40]  }
0x31d: {  	s23 =	sshll.u32 s23, $0x7;
	v26 =	vmul.f32 v13, v42;
	v13 =	vld [tilespmem:$0x1FF40]  }
0x31e: {  	v48 =	vsub.f32 v3, v15;
	v52 =	vsel vm13, v50, v47;
	(xrf2) =	vadd.scan.msk.f32 $0xffff, v38;
	v38 =	vsel vm13, v36, v45;
	v36 =	vld [tilespmem:s23+$0x8D00]  }
0x31f: {  	v42 =	vsub.f32 v9, v15;
	v30 =	vadd.f32 v18, v52;
	v52 =	vld [tilespmem:$0x1FF30]  }
0x320: {  	v18 =	vmul.f32 v14, v12;
	v14 =	vsub.f32 v10, v15;
	v10 =	vsub.f32 v8, v15;
	v15 =	vld [tilespmem:$0x1FFC0]  }
0x321: {  	(xrf2) =	vadd.scan.msk.f32 $0xffff, v16;
	v16 =	vld [tilespmem:s21+$0xD50]  }
0x322: {  	[tilespmem:$0x1FA50] =	vst v33;
	v33 =	vadd.f32 v22, v27;
	v0 =	vadd.f32 v21, v24;
	v24 =	vld [tilespmem:s21+$0xD60]  }
0x323: {  	[tilespmem:$0x1FA80] =	vst v14;
	v14 =	vld [tilespmem:s21+$0x8D50]  }
0x324: {  	v19 =	vbroadcast v19, $0x0;
	v31 =	vadd.f32 v33, v38;
	v38 =	vld [tilespmem:s23+$0xD10];
	v41 =	vmul.f32 v18, v41  }
0x325: {  	[tilespmem:$0x1FA70] =	vst v48;
	v21 =	vmul.f32 v30, v30;
	v22 =	vmul.f32 v0, v0;
	v48 =	vadd.f32 v17, v20;
	v17 =	vld [tilespmem:s21+$0x8D60]  }
0x326: {  	[tilespmem:$0x1FAD0] =	vst v41;
	v41 =	vld [tilespmem:s23+$0x8D40]  }
0x327: {  	v50 =	vadd.f32 v22, v21;
	v22 =	vadd.f32 v25, v23;
	v23 =	vld [tilespmem:s23+$0xD00]  }
0x328: {  	v11 =	vsel vm13, v55, v52;
	v52 =	vld [tilespmem:$0x1FFD0]  }
0x329: {  	v20, _, _ =	vpop (xrf2);
	v12 =	vadd.f32 v48, v11;
	v48 =	vld [tilespmem:$0x1FF50]  }
0x32a: {  	v19 =	vld.idx.msk [tilespmem:v19+s5+$0x0], $0xffff;
	v21 =	vmul.f32 v31, v31;
	v11 =	vmul.f32 $7.812500000e-03, v20;
	v20, _, _ =	vpop (xrf2)  }
0x32b: {  	v33 =	vsel vm13, v15, v13;
	v25 =	vld [tilespmem:s23+$0x8D10];
	v20 =	vmul.f32 $7.812500000e-03, v20  }
0x32c: {  	v55 =	vld [tilespmem:$0x1FF60];
	v9 =	vadd.f32 v21, v50;
	v50 =	vadd.f32 v22, v33;
	v21 =	vmul.f32 v12, v12  }
0x32d: {  	v16 =	vadd.f32 v14, v16;
	v22 =	vmul.f32 v11, v11;
	v15 =	vadd.f32 v36, v23;
	v36 =	vld [tilespmem:$0x1FF90]  }
0x32e: {  	[tilespmem:$0x1FAA0] =	vst v29;
	v27, _, _ =	vpop (xrf2);
	v28 =	vmul.f32 v50, v50;
	v21 =	vadd.f32 v21, v9;
	v9 =	vld [tilespmem:$0x1FFE0];
	v29 =	vsel vm13, v52, v48  }
0x32f: {  	s24 =	sor.u32 $0x7, s6;
	v13 =	vld [tilespmem:$0x1FF80];
	v14 =	vsub.f32 v20, v22;
	vm14 =	vgt.f32 v19, $5.000000000e-01;
	v20, _, _ =	vpop (xrf2);
	v52 =	vadd.f32 v16, v29  }
0x330: {  	v19 =	vld [tilespmem:s23+$0xD20];
	v16 =	vmul.f32 $7.812500000e-03, v20;
	v20 =	vadd.f32 v28, v21;
	v21 =	vmov s24;
	s24 =	sshll.u32 s24, $0x7  }
0x331: {  	v17 =	vadd.f32 v17, v24;
	v28 =	vld [tilespmem:s24+$0x8D00]  }
0x332: {  	v8 =	vadd.f32 v25, v38;
	v29 =	vld [tilespmem:s24+$0xD20];
	v23 =	vsel vm14, v36, v39;
	v36 =	vmul.f32 v18, v61  }
0x333: {  	v24 =	vsel vm13, v9, v55;
	v61 =	vmul.f32 v18, v4;
	v9 =	vmul.f32 v18, v5;
	v5 =	vld [tilespmem:s23+$0xD40]  }
0x334: {  	v4 =	vmul.f32 v18, v40;
	v40 =	vadd.f32 $9.999999960e-13, v62;
	v62 =	vmul.f32 v18, v37;
	v37 =	vld [tilespmem:$0x1FFB0]  }
0x335: {  	v55 =	vadd.f32 v17, v24;
	v24 =	vld [tilespmem:s23+$0x8D20]  }
0x336: {  	v48 =	vadd.f32 v8, v23;
	v8 =	vld [tilespmem:s23+$0xD30]  }
0x337: {  	v33 =	vmul.f32 $7.812500000e-03, v27;
	v23 =	vld [tilespmem:s23+$0x8D30];
	[tilespmem:$0x1FAC0] =	vst v36  }
0x338: {  	v22 =	vmul.f32 v52, v52;
	v17 =	vsel vm14, v13, v47;
	[tilespmem:$0x1FAF0] =	vst v4;
	v4 =	vld [tilespmem:s21+$0x8D70]  }
0x339: {  	v38 =	vmul.f32 v33, v33;
	v13 =	vadd.f32 v15, v17;
	[tilespmem:$0x1FB00] =	vst v9;
	v36 =	vmul.f32 v18, v6;
	v9 =	vld [tilespmem:$0x1FFA0]  }
0x33a: {  	v17 =	vadd.f32 v22, v20;
	v20 =	vmul.f32 v55, v55;
	v21 =	vld.idx.msk [tilespmem:v21+s5+$0x0], $0xffff  }
0x33b: {  	v22 =	vsub.f32 v16, v38;
	v16 =	vmul.f32 v48, v48;
	v38 =	vmul.f32 v13, v13;
	[tilespmem:$0x1FB10] =	vst v36;
	v36 =	vld [tilespmem:$0x1FF30]  }
0x33c: {  	v17 =	vadd.f32 v20, v17;
	v20 =	vld [tilespmem:s21+$0xD70]  }
0x33d: {  	v15 =	vadd.f32 v16, v38;
	v38 =	vmul.f32 v18, v7;
	v18 =	vld [tilespmem:s23+$0xD50]  }
0x33e: {  	v2 =	vmul.f32 v26, v2;
	v16 =	vadd.f32 v24, v19;
	v24 =	vld [tilespmem:s23+$0x8D50]  }
0x33f: {  	v6 =	vbroadcast v40, $0xF;
	v40 =	vadd.f32 $0.0e+00, v30;
	v19 =	vsel vm14, v9, v45;
	v9 =	vld [tilespmem:$0x1FF40]  }
0x340: {  	v3 =	vmov v0;
	[tilespmem:$0x1FAE0] =	vst v61;
	v8 =	vadd.f32 v23, v8;
	v61 =	vadd.f32 v16, v19;
	v19 =	vld [tilespmem:s23+$0x8D60]  }
0x341: {  	[tilespmem:$0x1FB20] =	vst v38;
	v38 =	vshra.s32 v6, $0x1;
	v16 =	vmul.f32 $5.000000000e-01, v6;
	v6 =	vadd.f32 v3, v40;
	v40 =	vld [tilespmem:$0x1FF70]  }
0x342: {  	v2 =	vmul.f32 v2, v26;
	v23 =	vsel vm14, v37, v36;
	v36 =	vld [tilespmem:$0x1FFC0]  }
0x343: {  	[tilespmem:$0x1FB30] =	vst v62;
	v5 =	vadd.f32 v41, v5;
	v62 =	vadd.f32 v8, v23;
	v8 =	vld [tilespmem:s23+$0xD60];
	v41 =	vmul.f32 v61, v61  }
0x344: {  	v2 =	vsub.f32 $1.500000000e+00, v2;
	v23 =	vld [tilespmem:s24+$0xD00];
	v6 =	vadd.f32 v31, v6  }
0x345: {  	v7 =	vsub.s32 $0x5F3759DF, v38;
	v15 =	vadd.f32 v41, v15;
	v41 =	vld [tilespmem:$0x1FFF0]  }
0x346: {  	[tilespmem:$0x1FB90] =	vst v12;
	v25 =	vmul.f32 v2, v26;
	v26 =	vmul.f32 v7, v16;
	v6 =	vadd.f32 v12, v6;
	v12 =	vld [tilespmem:$0x1FFD0]  }
0x347: {  	v27 =	vsel vm14, v36, v9;
	v9 =	vld [tilespmem:$0x1FF50]  }
0x348: {  	v4 =	vadd.f32 v4, v20;
	v20 =	vmul.f32 v7, v26;
	v26 =	vld [tilespmem:s24+$0x8D10]  }
0x349: {  	v37 =	vmul.f32 v62, v62;
	v38 =	vadd.f32 v5, v27;
	v27 =	vld [tilespmem:s24+$0xD10]  }
0x34a: {  	v6 =	vadd.f32 v50, v6;
	v2 =	vsel vm13, v41, v40;
	v41 =	vld [tilespmem:$0x1FF80]  }
0x34b: {  	[tilespmem:$0x1FB60] =	vst v30;
	v30 =	vld [tilespmem:s24+$0x8D20];
	v18 =	vadd.f32 v24, v18;
	v15 =	vadd.f32 v37, v15;
	v24 =	vmul.f32 v38, v38  }
0x34c: {  	v20 =	vsub.f32 $1.500000000e+00, v20;
	v6 =	vadd.f32 v52, v6;
	v37 =	vsel vm14, v12, v9;
	v9 =	vld [tilespmem:$0x1FF90]  }
0x34d: {  	v40 =	vadd.f32 v28, v23;
	v15 =	vadd.f32 v24, v15;
	v12 =	vld [tilespmem:$0x1FFA0]  }
0x34e: {  	vm15 =	vgt.f32 v21, $5.000000000e-01;
	v37 =	vadd.f32 v18, v37;
	v18 =	vadd.f32 v26, v27;
	v26 =	vld [tilespmem:s24+$0xD30]  }
0x34f: {  	v24 =	vmul.f32 v7, v20;
	v7 =	vadd.f32 v19, v8;
	v19 =	vsel vm15, v41, v47;
	v41 =	vld [tilespmem:$0x1FFE0]  }
0x350: {  	v36 =	vadd.f32 v4, v2;
	v4 =	vadd.f32 v40, v19;
	v40 =	vld [tilespmem:$0x1FF60]  }
0x351: {  	v47 =	vadd.f32 v30, v29;
	v29 =	vld [tilespmem:s24+$0x8D40]  }
0x352: {  	v6 =	vadd.f32 v55, v6;
	v19 =	vld [tilespmem:s23+$0xD70];
	v20 =	vsel vm15, v9, v39;
	v39 =	vmul.f32 v36, v36  }
0x353: {  	v9 =	vadd.f32 v18, v20;
	v18 =	vld [tilespmem:s23+$0x8D70]  }
0x354: {  	v6 =	vadd.f32 v36, v6;
	v8 =	vadd.f32 v39, v17;
	v17 =	vld [tilespmem:s24+$0x8D30]  }
0x355: {  	v20 =	vsel vm15, v12, v45;
	v45 =	vsel vm14, v41, v40;
	v40 =	vld [tilespmem:$0x1F9E0]  }
0x356: {  	(xrf2) =	vadd.scan.msk.f32 $0xffff, v6;
	v5 =	vadd.f32 v47, v20;
	v20 =	vmul.f32 v37, v37;
	v41 =	vld [tilespmem:$0x1F9F0]  }
0x357: {  	v21 =	vmul.f32 v4, v4;
	v23 =	vmul.f32 v9, v9;
	(xrf2) =	vadd.scan.msk.f32 $0xffff, v8;
	v8 =	vld [tilespmem:$0x1FF30]  }
0x358: {  	v27 =	vadd.f32 v20, v15;
	v15 =	vld [tilespmem:$0x1FFB0]  }
0x359: {  	v14 =	vadd.f32 $9.999999960e-13, v14;
	v47 =	vadd.f32 v23, v21;
	v23 =	vld [tilespmem:s24+$0xD40]  }
0x35a: {  	v39 =	vmul.f32 v5, v5;
	v12 =	vadd.f32 v7, v45;
	v45 =	vld [tilespmem:$0x1FA00]  }
0x35b: {  	v14 =	vbroadcast v14, $0xF;
	v28 =	vadd.f32 v18, v19;
	v19 =	vmul.f32 v25, v59;
	v59 =	vld [tilespmem:$0x1FA10]  }
0x35c: {  	v30 =	vadd.f32 v39, v47;
	v47 =	vmul.f32 v25, v57;
	v57 =	vmul.f32 v24, v16;
	v39 =	vld [tilespmem:$0x1FA20]  }
0x35d: {  	v26 =	vadd.f32 v17, v26;
	v18 =	vmul.f32 v25, v40;
	v20 =	vmul.f32 v25, v41;
	v41 =	vld [tilespmem:$0x1FF70]  }
0x35e: {  	[tilespmem:$0x1FB80] =	vst v31;
	v7 =	vmul.f32 v57, v24;
	v31 =	vsel vm15, v15, v8;
	v40 =	vshra.s32 v14, $0x1;
	v57 =	vld [tilespmem:$0x1FFF0]  }
0x35f: {  	v6 =	vmul.f32 v25, v51;
	v51 =	vadd.f32 v26, v31;
	v31 =	vsub.s32 $0x5F3759DF, v40;
	v40 =	vld [tilespmem:$0x1FFC0]  }
0x360: {  	[tilespmem:$0x1FB40] =	vst v47;
	v47 =	vmul.f32 v25, v59;
	v59 =	vld [tilespmem:s24+$0xD50]  }
0x361: {  	v21 =	vmul.f32 v25, v45;
	v45 =	vmul.f32 v25, v39;
	v39 =	vld [tilespmem:$0x1FF40]  }
0x362: {  	v25 =	vld [tilespmem:s24+$0x8D50]  }
0x363: {  	v23 =	vadd.f32 v29, v23;
	v29 =	vmul.f32 $5.000000000e-01, v14  }
0x364: {  	v15 =	vld [tilespmem:$0x1FFD0];
	v3 =	vsel vm14, v57, v41  }
0x365: {  	v26 =	vsub.f32 $1.500000000e+00, v7;
	v7 =	vld [tilespmem:$0x1FF50];
	v8 =	vadd.f32 v28, v3;
	v28 =	vmul.f32 v31, v29  }
0x366: {  	v41 =	vsel vm15, v40, v39;
	v40 =	vld [tilespmem:s24+$0x8D60]  }
0x367: {  	v57 =	vadd.f32 v23, v41;
	v23 =	vadd.f32 v25, v59;
	v25 =	vmul.f32 v31, v28;
	v28 =	vld [tilespmem:s24+$0xD60]  }
0x368: {  	[tilespmem:$0x1FB70] =	vst v0;
	v14 =	vmul.f32 v51, v51  }
0x369: {  	[tilespmem:$0x1FB50] =	vst v6;
	v6, _, _ =	vpop (xrf2);
	v0 =	vmul.f32 v26, v24  }
0x36a: {  	v24 =	vadd.f32 v14, v30;
	v14 =	vmul.f32 $7.812500000e-03, v6;
	v6 =	vld [tilespmem:$0x1FA30];
	v39 =	vsel vm15, v15, v7  }
0x36b: {  	v30 =	vmul.f32 v12, v12;
	v59 =	vadd.f32 v23, v39;
	v39 =	vld [tilespmem:$0x1FF60]  }
0x36c: {  	v22 =	vadd.f32 $9.999999960e-13, v22;
	v26, _, _ =	vpop (xrf2);
	v41 =	vmul.f32 v57, v57;
	v2 =	vadd.f32 v40, v28;
	v40 =	vld [tilespmem:$0x1FFE0]  }
0x36d: {  	v26 =	vmul.f32 $7.812500000e-03, v26;
	v27 =	vadd.f32 v30, v27;
	v23 =	vmul.f32 v14, v14  }
0x36e: {  	v30 =	vmul.f32 v8, v8;
	v25 =	vsub.f32 $1.500000000e+00, v25;
	v1 =	vadd.f32 v41, v24;
	v41 =	vld [tilespmem:$0x1FA40]  }
0x36f: {  	[tilespmem:$0x1FBA0] =	vst v13;
	v23 =	vsub.f32 v26, v23;
	v24 =	vmul.f32 v59, v59;
	v26 =	vadd.f32 $0.0e+00, v13  }
0x370: {  	[tilespmem:$0x1FBB0] =	vst v4;
	v31 =	vmul.f32 v31, v25;
	v25 =	vmul.f32 v0, v6;
	v13 =	vadd.f32 $0.0e+00, v4;
	v4 =	vld [tilespmem:$0x1FA50]  }
0x371: {  	v6 =	vld [tilespmem:$0x1FA60];
	v15 =	vadd.f32 v24, v1;
	v26 =	vadd.f32 v48, v26;
	v24 =	vsel vm15, v40, v39  }
0x372: {  	[tilespmem:$0x1FBC0] =	vst v9;
	v9 =	vadd.f32 v9, v13;
	v13 =	vld [tilespmem:$0x1FA70];
	v39 =	vadd.f32 v2, v24  }
0x373: {  	v7 =	vadd.f32 v30, v27;
	v27 =	vmul.f32 v0, v41;
	v41 =	vld [tilespmem:$0x1FA80];
	v2 =	vadd.f32 v61, v26  }
0x374: {  	v22 =	vbroadcast v22, $0xF;
	v3 =	vadd.f32 v5, v9;
	v40 =	vmul.f32 v39, v39  }
0x375: {  	v17 =	vmul.f32 v0, v10;
	v28 =	vmul.f32 v0, v4;
	v2 =	vadd.f32 v62, v2  }
0x376: {  	v9 =	vld [tilespmem:s24+$0x8D70];
	v24 =	vmul.f32 v0, v6;
	v6 =	vadd.f32 v40, v15;
	v15 =	vadd.f32 v51, v3  }
0x377: {  	v4 =	vld [tilespmem:s24+$0xD70];
	v16 =	vmul.f32 v0, v13;
	v40 =	vmul.f32 v31, v29  }
0x378: {  	v26 =	vmul.f32 v0, v41;
	v13 =	vadd.f32 v38, v2;
	v2 =	vadd.f32 v57, v15;
	v15 =	vld [tilespmem:$0x1FF70]  }
0x379: {  	v29 =	vshra.s32 v22, $0x1;
	v22 =	vmul.f32 $5.000000000e-01, v22;
	v41 =	vmul.f32 v40, v31;
	v40 =	vld [tilespmem:$0x1FFF0]  }
0x37a: {  	v30 =	vmul.f32 v0, v42;
	v29 =	vsub.s32 $0x5F3759DF, v29;
	v0 =	vadd.f32 v37, v13  }
0x37b: {  	v42 =	vmul.f32 v29, v22;
	v13 =	vld [tilespmem:$0x1FAA0]  }
0x37c: {  	[tilespmem:$0x1FBD0] =	vst v5;
	v5 =	vbroadcast v11, $0xF;
	v4 =	vadd.f32 v9, v4;
	v0 =	vadd.f32 v12, v0  }
0x37d: {  	v10 =	vld [tilespmem:$0x1FA90];
	v2 =	vadd.f32 v59, v2;
	v41 =	vsub.f32 $1.500000000e+00, v41;
	v1 =	vmul.f32 v29, v42  }
0x37e: {  	v42 =	vadd.f32 $9.999999960e-13, v23;
	v0 =	vadd.f32 v8, v0;
	v3 =	vsel vm15, v40, v15  }
0x37f: {  	v2 =	vadd.f32 v39, v2;
	v15 =	vadd.f32 v4, v3  }
0x380: {  	v1 =	vsub.f32 $1.500000000e+00, v1;
	v11 =	vbroadcast v42, $0xF;
	v40 =	vsub.f32 v13, v5;
	(xrf2) =	vadd.scan.msk.f32 $0xffff, v0  }
0x381: {  	v13 =	vsub.f32 v43, v5;
	(xrf2) =	vadd.scan.msk.f32 $0xffff, v7;
	v2 =	vadd.f32 v15, v2;
	v23 =	vmul.f32 v15, v15  }
0x382: {  	v4 =	vmul.f32 v41, v31;
	v0 =	vsub.f32 v10, v5;
	v1 =	vmul.f32 v29, v1;
	v41 =	vld [tilespmem:$0x1FAB0]  }
0x383: {  	v42 =	vshra.s32 v11, $0x1;
	v10 =	vsub.f32 v35, v5;
	v6 =	vadd.f32 v23, v6;
	(xrf2) =	vadd.scan.msk.f32 $0xffff, v2  }
0x384: {  	v11 =	vmul.f32 $5.000000000e-01, v11;
	v29 =	vsub.f32 v34, v5;
	v7 =	vmul.f32 v4, v40  }
0x385: {  	v43 =	vmul.f32 v4, v10;
	(xrf2) =	vadd.scan.msk.f32 $0xffff, v6;
	v6 =	vmul.f32 v1, v22;
	v22 =	vsub.s32 $0x5F3759DF, v42  }
0x386: {  	v46 =	vsub.f32 v46, v5;
	v29 =	vmul.f32 v4, v29;
	v31 =	vmul.f32 v22, v11  }
0x387: {  	v23 =	vmul.f32 v4, v0;
	v0 =	vsub.f32 v41, v5;
	v5 =	vsub.f32 v54, v5  }
0x388: {  	v40 =	vmul.f32 v4, v13;
	v31 =	vmul.f32 v22, v31  }
0x389: {  	v41 =	vmul.f32 v4, v46;
	v9 =	vmul.f32 v4, v0  }
0x38a: {  	v42 =	vmul.f32 v4, v5;
	v0 =	vmul.f32 v6, v1;
	v4, _, _ =	vpop (xrf2);
	v31 =	vsub.f32 $1.500000000e+00, v31  }
0x38b: {  	v33 =	vbroadcast v33, $0xF;
	v5, _, _ =	vpop (xrf2);
	v34 =	vmul.f32 $7.812500000e-03, v4  }
0x38c: {  	v3 =	vsub.f32 $1.500000000e+00, v0;
	v4 =	vld [tilespmem:$0x1FE00];
	v10 =	vmul.f32 $7.812500000e-03, v5;
	v22 =	vmul.f32 v22, v31  }
0x38d: {  	v5 =	vld [tilespmem:$0x1FAC0];
	v31 =	vsub.f32 v44, v33;
	v44 =	vsub.f32 v49, v33;
	v2 =	vmul.f32 v34, v34;
	v6, _, _ =	vpop (xrf2)  }
0x38e: {  	v49 =	vsub.f32 v53, v33;
	v53 =	vsub.f32 v56, v33;
	v13 =	vmul.f32 $7.812500000e-03, v6;
	v6 =	vld [tilespmem:$0x1FE10]  }
0x38f: {  	v56 =	vsub.f32 v60, v33;
	v60 =	vsub.f32 v10, v2;
	v10 =	vld [tilespmem:$0x1FAD0]  }
0x390: {  	v54 =	vsub.f32 v58, v33;
	v46 =	vmul.f32 v3, v1;
	v3, _, _ =	vpop (xrf2)  }
0x391: {  	v58 =	vsub.f32 v63, v33;
	v63 =	vsub.f32 v32, v33;
	v32 =	vmul.f32 $7.812500000e-03, v3  }
0x392: {  	v33 =	vmul.f32 v13, v13;
	v1 =	vmul.f32 v5, v4;
	v4 =	vld [tilespmem:$0x1FE30]  }
0x393: {  	v5 =	vld [tilespmem:$0x1FAF0]  }
0x394: {  	v35 =	vmul.f32 v10, v6;
	v6 =	vsub.f32 v32, v33;
	v32 =	vld [tilespmem:$0x1FE20]  }
0x395: {  	v33 =	vld [tilespmem:$0x1FAE0]  }
0x396: {  	v10 =	vld [tilespmem:$0x1FE80];
	_ =	sdelay $0x3  }
0x397: {  	v32 =	vmul.f32 v33, v32;
	v33 =	vmul.f32 v5, v4;
	v4 =	vld [tilespmem:$0x1FE40]  }
0x398: {  	v5 =	vadd.f32 v1, v10;
	v10 =	vld [tilespmem:$0x1FB00];
	_ =	sdelay $0x4  }
0x399: {  	v0 =	vmul.f32 v10, v4;
	v4 =	vld [tilespmem:$0x1FE50]  }
0x39a: {  	v10 =	vld [tilespmem:$0x1FB10];
	_ =	sdelay $0x3  }
0x39b: {  	v2 =	vld [tilespmem:$0x1FE60]  }
0x39c: {  	v1 =	vmul.f32 v10, v4;
	v10 =	vld [tilespmem:$0x1FB20];
	_ =	sdelay $0x3  }
0x39d: {  	v3 =	vld [tilespmem:$0x1FE70]  }
0x39e: {  	v2 =	vmul.f32 v10, v2;
	v10 =	vld [tilespmem:$0x1FB30];
	_ =	sdelay $0x4  }
0x39f: {  	v3 =	vmul.f32 v10, v3;
	v10 =	vld [tilespmem:$0x1FEA0];
	_ =	sdelay $0x4  }
0x3a0: {  	v32 =	vadd.f32 v32, v10;
	v10 =	vld [tilespmem:$0x1FE00];
	_ =	sdelay $0x4  }
0x3a1: {  	v18 =	vmul.f32 v18, v10;
	v10 =	vld [tilespmem:$0x1FE10];
	_ =	sdelay $0x4  }
0x3a2: {  	v19 =	vmul.f32 v19, v10;
	v10 =	vld [tilespmem:$0x1FEB0];
	_ =	sdelay $0x4  }
0x3a3: {  	v33 =	vadd.f32 v33, v10;
	v10 =	vld [tilespmem:$0x1FE20];
	_ =	sdelay $0x3  }
0x3a4: {  	v4 =	vld [tilespmem:$0x1FE90]  }
0x3a5: {  	v20 =	vmul.f32 v20, v10;
	v10 =	vld [tilespmem:$0x1FE30];
	_ =	sdelay $0x4  }
0x3a6: {  	v35 =	vadd.f32 v35, v4;
	v4 =	vmul.f32 v21, v10;
	v10 =	vld [tilespmem:$0x1FEC0];
	_ =	sdelay $0x2  }
0x3a7: {  	v21 =	vmul.f32 v46, v44;
	v44 =	vmul.f32 v46, v53;
	v53 =	vld [tilespmem:$0x1FEE0];
	_ =	sdelay $0x1  }
0x3a8: {  	v0 =	vadd.f32 v0, v10;
	v10 =	vmul.f32 v46, v31;
	v31 =	vld [tilespmem:$0x1FED0];
	_ =	sdelay $0x2  }
0x3a9: {  	v2 =	vadd.f32 v2, v53;
	v53 =	vmul.f32 v46, v56  }
0x3aa: {  	v56 =	vmul.f32 v22, v11;
	v11 =	vmul.f32 v46, v63;
	v63 =	vld [tilespmem:$0x1FE80]  }
0x3ab: {  	v31 =	vadd.f32 v1, v31;
	v1 =	vmul.f32 v46, v54;
	v54 =	vld [tilespmem:$0x1FEF0];
	_ =	sdelay $0x3  }
0x3ac: {  	v49 =	vmul.f32 v46, v49;
	[tilespmem:s13+$0xD00] =	vst v5;
	v5 =	vld [tilespmem:$0x1FE60];
	v18 =	vadd.f32 v18, v63  }
0x3ad: {  	v63 =	vld [tilespmem:$0x1FEA0];
	v54 =	vadd.f32 v3, v54;
	v3 =	vmul.f32 v46, v58;
	v46 =	vmul.f32 v56, v22  }
0x3ae: {  	[tilespmem:s13+$0xD30] =	vst v33;
	v33 =	vld [tilespmem:$0x1FE90]  }
0x3af: {  	v58 =	vld [tilespmem:$0x1FE90];
	v46 =	vsub.f32 $1.500000000e+00, v46  }
0x3b0: {  	v56 =	vld [tilespmem:$0x1FE40]  }
0x3b1: {  	v22 =	vmul.f32 v46, v22;
	v46 =	vld [tilespmem:$0x1FE00]  }
0x3b2: {  	v20 =	vadd.f32 v20, v63;
	v63 =	vld [tilespmem:$0x1FB40]  }
0x3b3: {  	[tilespmem:s13+$0xD50] =	vst v31;
	v31 =	vld [tilespmem:$0x1FE80]  }
0x3b4: {  	[tilespmem:s14+$0xD00] =	vst v18;
	v18 =	vld [tilespmem:$0x1FEC0]  }
0x3b5: {  	v19 =	vadd.f32 v19, v58;
	v58 =	vld [tilespmem:$0x1FEB0]  }
0x3b6: {  	v25 =	vmul.f32 v25, v46;
	v46 =	vld [tilespmem:$0x1FE40]  }
0x3b7: {  	v56 =	vmul.f32 v63, v56;
	v63 =	vld [tilespmem:$0x1FE50]  }
0x3b8: {  	[tilespmem:s14+$0xD20] =	vst v20;
	v20 =	vld [tilespmem:$0x1FEE0]  }
0x3b9: {  	[tilespmem:s13+$0xD70] =	vst v54;
	v54 =	vld [tilespmem:$0x1FEE0]  }
0x3ba: {  	v4 =	vadd.f32 v4, v58;
	v58 =	vadd.f32 $9.999999960e-13, v60;
	v60 =	vld [tilespmem:$0x1FB50]  }
0x3bb: {  	[tilespmem:s13+$0xD60] =	vst v2;
	v2 =	vmul.f32 v16, v46;
	v16 =	vld [tilespmem:$0x1FE50]  }
0x3bc: {  	v47 =	vmul.f32 v47, v63;
	v63 =	vld [tilespmem:$0x1FED0]  }
0x3bd: {  	v2 =	vadd.f32 v2, v18;
	v18 =	vld [tilespmem:$0x1FED0]  }
0x3be: {  	[tilespmem:s14+$0xD10] =	vst v19;
	v19 =	vld [tilespmem:$0x1FE70]  }
0x3bf: {  	v5 =	vmul.f32 v60, v5;
	v60 =	vld [tilespmem:$0x1FE70]  }
0x3c0: {  	v25 =	vadd.f32 v25, v31;
	v31 =	vld [tilespmem:$0x1FE30];
	v16 =	vmul.f32 v26, v16  }
0x3c1: {  	v47 =	vadd.f32 v47, v63;
	v63 =	vld [tilespmem:$0x1FEF0]  }
0x3c2: {  	v16 =	vadd.f32 v16, v18;
	v18 =	vld [tilespmem:$0x1FE60]  }
0x3c3: {  	v17 =	vmul.f32 v17, v19;
	v19 =	vld [tilespmem:$0x1FE00]  }
0x3c4: {  	v46 =	vld [tilespmem:$0x1FEB0];
	v45 =	vmul.f32 v45, v60  }
0x3c5: {  	[tilespmem:s14+$0xD50] =	vst v47;
	v47 =	vld [tilespmem:$0x1FF00]  }
0x3c6: {  	[tilespmem:s13+$0xD20] =	vst v32;
	v32 =	vadd.f32 v45, v63;
	v63 =	vld [tilespmem:$0x1FE10]  }
0x3c7: {  	v26 =	vld [tilespmem:$0x1FEA0];
	v18 =	vmul.f32 v30, v18  }
0x3c8: {  	v60 =	vld [tilespmem:$0x1FEC0]  }
0x3c9: {  	v18 =	vadd.f32 v18, v20;
	v20 =	vld [tilespmem:$0x1FE10]  }
0x3ca: {  	v45 =	vld [tilespmem:$0x1FF20]  }
0x3cb: {  	[tilespmem:s13+$0xD40] =	vst v0;
	v0 =	vmul.f32 v27, v63;
	v27 =	vld [tilespmem:$0x1FE20]  }
0x3cc: {  	[tilespmem:s14+$0xD70] =	vst v32;
	v32 =	vld [tilespmem:$0x1FE50]  }
0x3cd: {  	[tilespmem:s13+$0xD10] =	vst v35;
	v35 =	vadd.f32 v56, v60;
	v60 =	vld [tilespmem:$0x1FEE0]  }
0x3ce: {  	v56 =	vbroadcast v58, $0xF;
	v7 =	vmul.f32 v7, v20;
	v20 =	vld [tilespmem:$0x1FEF0]  }
0x3cf: {  	[tilespmem:s14+$0xD40] =	vst v35;
	v35 =	vld [tilespmem:$0x1FEE0]  }
0x3d0: {  	v58 =	vshra.s32 v56, $0x1;
	v0 =	vadd.f32 v0, v33;
	v33 =	vld [tilespmem:$0x1FE60];
	v27 =	vmul.f32 v28, v27  }
0x3d1: {  	v28 =	vsub.s32 $0x5F3759DF, v58;
	v58 =	vld [tilespmem:$0x1FE40]  }
0x3d2: {  	v26 =	vadd.f32 v27, v26;
	v27 =	vld [tilespmem:$0x1FEB0]  }
0x3d3: {  	v17 =	vadd.f32 v17, v20;
	v20 =	vld [tilespmem:$0x1FE80]  }
0x3d4: {  	v5 =	vadd.f32 v5, v60;
	v60 =	vmul.f32 $5.000000000e-01, v56;
	[tilespmem:s15+$0xD60] =	vst v18;
	v18 =	vld [tilespmem:$0x1FEC0]  }
0x3d5: {  	v24 =	vmul.f32 v24, v31;
	v19 =	vmul.f32 v23, v19;
	[tilespmem:s15+$0xD20] =	vst v26;
	v26 =	vld [tilespmem:$0x1FEA0]  }
0x3d6: {  	[tilespmem:s14+$0xD60] =	vst v5;
	v31 =	vmul.f32 v28, v60;
	v5 =	vmul.f32 v29, v58;
	v29 =	vld [tilespmem:$0x1FB90]  }
0x3d7: {  	v58 =	vld [tilespmem:$0x1FE80]  }
0x3d8: {  	v24 =	vadd.f32 v24, v27;
	v27 =	vmul.f32 v28, v31;
	v19 =	vadd.f32 v19, v20;
	v20 =	vld [tilespmem:$0x1FE90]  }
0x3d9: {  	[tilespmem:s15+$0xD70] =	vst v17;
	v17 =	vld [tilespmem:$0x1FBA0]  }
0x3da: {  	v23 =	vsub.f32 $1.500000000e+00, v27;
	v27 =	vld [tilespmem:$0x1FB70]  }
0x3db: {  	v14 =	vbroadcast v14, $0xF;
	[tilespmem:s15+$0xD30] =	vst v24;
	v24 =	vld [tilespmem:$0x1FEB0]  }
0x3dc: {  	v56 =	vmul.f32 v28, v23;
	v23 =	vld [tilespmem:$0x1FE30]  }
0x3dd: {  	v29 =	vsub.f32 v29, v14;
	v7 =	vadd.f32 v7, v20;
	v20 =	vld [tilespmem:$0x1FE20]  }
0x3de: {  	[tilespmem:s15+$0xD00] =	vst v25;
	v30 =	vsub.f32 v50, v14;
	v28 =	vld [tilespmem:$0x1FB80]  }
0x3df: {  	[tilespmem:s15+$0xD50] =	vst v16;
	v16 =	vbroadcast v34, $0xF;
	v25 =	vmul.f32 v22, v29;
	v29 =	vsub.f32 v52, v14;
	v52 =	vld [tilespmem:$0x1FED0]  }
0x3e0: {  	[tilespmem:s15+$0xD10] =	vst v0;
	v0 =	vmul.f32 v22, v30;
	v31 =	vmul.f32 v56, v60;
	v60 =	vsub.f32 v36, v14;
	v36 =	vld [tilespmem:$0x1FE00]  }
0x3e1: {  	v30 =	vsub.f32 v55, v14;
	[tilespmem:s18+$0xD00] =	vst v19;
	v19 =	vsub.f32 v61, v16;
	v61 =	vld [tilespmem:$0x1FE90];
	v23 =	vmul.f32 v43, v23  }
0x3e2: {  	v12 =	vsub.f32 v12, v16;
	v8 =	vsub.f32 v8, v16;
	v9 =	vmul.f32 v9, v20;
	v20 =	vld [tilespmem:$0x1FB60]  }
0x3e3: {  	v43 =	vld [tilespmem:$0x1FE50];
	v23 =	vadd.f32 v23, v24;
	v24 =	vmul.f32 v22, v30;
	v30 =	vsub.f32 v38, v16  }
0x3e4: {  	v38 =	vld [tilespmem:$0x1FE10];
	v9 =	vadd.f32 v9, v26;
	v26 =	vmul.f32 v22, v29;
	v29 =	vmul.f32 v31, v56  }
0x3e5: {  	v17 =	vsub.f32 v17, v16;
	v27 =	vsub.f32 v27, v14;
	[tilespmem:s18+$0xD10] =	vst v7;
	v7 =	vmul.f32 v40, v32;
	v40 =	vld [tilespmem:$0x1FE80]  }
0x3e6: {  	[tilespmem:s15+$0xD40] =	vst v2;
	v2 =	vmul.f32 v22, v60;
	v28 =	vsub.f32 v28, v14;
	v32 =	vld [tilespmem:$0x1FE40];
	v29 =	vsub.f32 $1.500000000e+00, v29  }
0x3e7: {  	[tilespmem:s14+$0xD30] =	vst v4;
	v27 =	vmul.f32 v22, v27;
	v10 =	vmul.f32 v10, v36;
	v36 =	vld [tilespmem:$0x1FEC0];
	v20 =	vsub.f32 v20, v14  }
0x3e8: {  	v28 =	vmul.f32 v22, v28;
	[tilespmem:s18+$0xD30] =	vst v23;
	v23 =	vld [tilespmem:$0x1FF90];
	v31 =	vsub.f32 v37, v16;
	v4 =	vmul.f32 v29, v56  }
0x3e9: {  	v29 =	vsub.f32 v62, v16;
	v20 =	vmul.f32 v22, v20;
	v22 =	vsub.f32 v48, v16;
	v16 =	vld [tilespmem:$0x1FED0]  }
0x3ea: {  	v6 =	vadd.f32 $9.999999960e-13, v6;
	v37 =	vld [tilespmem:$0x1FEF0]  }
0x3eb: {  	v0 =	vmul.f32 v0, v32;
	v32 =	vld [tilespmem:$0x1FEF0]  }
0x3ec: {  	v6 =	vbroadcast v6, $0xF;
	[tilespmem:s18+$0xD20] =	vst v9;
	v9 =	vmul.f32 v41, v33;
	v41 =	vld [tilespmem:$0x1FE30]  }
0x3ed: {  	v33 =	vld [tilespmem:$0x1FE50]  }
0x3ee: {  	v63 =	vshra.s32 v6, $0x1;
	v7 =	vadd.f32 v7, v16;
	v16 =	vld [tilespmem:$0x1FE70]  }
0x3ef: {  	v14 =	vsub.s32 $0x5F3759DF, v63;
	v63 =	vld [tilespmem:$0x1FEA0]  }
0x3f0: {  	v56 =	vld [tilespmem:$0x1FEF0]  }
0x3f1: {  	v6 =	vmul.f32 $5.000000000e-01, v6;
	v62 =	vld [tilespmem:$0x1FE30]  }
0x3f2: {  	v9 =	vadd.f32 v9, v35;
	v35 =	vld [tilespmem:$0x1FE60]  }
0x3f3: {  	v5 =	vadd.f32 v5, v18;
	v18 =	vmul.f32 v14, v6;
	v48 =	vld [tilespmem:$0x1FE10];
	v16 =	vmul.f32 v42, v16  }
0x3f4: {  	v55 =	vmul.f32 v4, v30;
	v30 =	vld [tilespmem:$0x1FFF0]  }
0x3f5: {  	v18 =	vmul.f32 v14, v18;
	[tilespmem:s18+$0xD50] =	vst v7;
	v7 =	vadd.f32 v16, v37;
	v16 =	vld [tilespmem:$0x1FE20]  }
0x3f6: {  	[tilespmem:s18+$0xD60] =	vst v9;
	v9 =	vadd.f32 v10, v40;
	v40 =	vld [tilespmem:$0x1FEE0]  }
0x3f7: {  	v10 =	vmul.f32 v44, v41;
	v44 =	vld [tilespmem:$0x1FEA0];
	v18 =	vsub.f32 $1.500000000e+00, v18  }
0x3f8: {  	v42 =	vld [tilespmem:$0x1FE90]  }
0x3f9: {  	v34 =	vmul.f32 v14, v18;
	v18 =	vld [tilespmem:$0x1FE40]  }
0x3fa: {  	v50 =	vmul.f32 v4, v22;
	v22 =	vld [tilespmem:$0x1FF80];
	v16 =	vmul.f32 v49, v16  }
0x3fb: {  	v41 =	vld [tilespmem:$0x1FE00];
	v14 =	vmul.f32 v21, v38  }
0x3fc: {  	[tilespmem:s20+$0xD00] =	vst v9;
	v9 =	vadd.f32 v16, v44;
	v16 =	vld [tilespmem:$0x1FE70]  }
0x3fd: {  	v21 =	vld [tilespmem:$0x1FF70];
	[tilespmem:s18+$0xD70] =	vst v7;
	v7 =	vadd.f32 v14, v42  }
0x3fe: {  	v6 =	vmul.f32 v34, v6;
	v1 =	vmul.f32 v1, v18;
	v18 =	vld [tilespmem:$0x1FE60]  }
0x3ff: {  	v14 =	vmul.f32 v53, v43;
	[tilespmem:s20+$0xD10] =	vst v7;
	v7 =	vadd.f32 v10, v46;
	v49 =	vld [tilespmem:$0x1FEC0]  }
0x400: {  	v38 =	vld [tilespmem:$0x1FE70];
	v6 =	vmul.f32 v6, v34  }
0x401: {  	[tilespmem:s20+$0xD30] =	vst v7;
	v7 =	vadd.f32 v14, v52;
	v11 =	vmul.f32 v11, v16;
	v16 =	vld [tilespmem:$0x1FE00]  }
0x402: {  	v6 =	vsub.f32 $1.500000000e+00, v6;
	v37 =	vld [tilespmem:$0x1FED0]  }
0x403: {  	[tilespmem:s20+$0xD50] =	vst v7;
	v7 =	vadd.f32 v11, v56;
	v11 =	vmul.f32 v4, v12;
	v12 =	vld [tilespmem:$0x1FE20]  }
0x404: {  	[tilespmem:s18+$0xD40] =	vst v5;
	v5 =	vmul.f32 v6, v34;
	v34 =	vld [tilespmem:$0x1FEB0];
	v3 =	vmul.f32 v3, v18;
	v1 =	vadd.f32 v1, v49  }
0x405: {  	v18 =	vmul.f32 v4, v19;
	v53 =	vmul.f32 v4, v29;
	v29 =	vld [tilespmem:$0x1FF30]  }
0x406: {  	v19 =	vmul.f32 v4, v31;
	v31 =	vld [tilespmem:$0x1FF40];
	[tilespmem:s20+$0xD40] =	vst v1;
	v1 =	vadd.f32 v3, v54;
	v16 =	vmul.f32 v20, v16  }
0x407: {  	v17 =	vmul.f32 v4, v17;
	v42 =	vld [tilespmem:$0x1FE10]  }
0x408: {  	v43 =	vld [tilespmem:$0x1FEF0];
	[tilespmem:s20+$0xD60] =	vst v1;
	v1 =	vmul.f32 v4, v8;
	v4 =	vadd.f32 v16, v58;
	v60 =	vmul.f32 v28, v12  }
0x409: {  	v10 =	vmul.f32 v27, v48;
	v27 =	vld [tilespmem:$0x1FFD0]  }
0x40a: {  	v48 =	vld [tilespmem:$0x1FE90];
	v8 =	vmul.f32 v26, v33;
	[tilespmem:s21+$0xD00] =	vst v4;
	v4 =	vadd.f32 v60, v63  }
0x40b: {  	v14 =	vld [tilespmem:$0x1FE50]  }
0x40c: {  	[tilespmem:s21+$0xD20] =	vst v4;
	v4 =	vadd.f32 v8, v37;
	v8 =	vmul.f32 v50, v42;
	v50 =	vld [tilespmem:$0x1FE40]  }
0x40d: {  	v52 =	vld [tilespmem:$0x1FBB0]  }
0x40e: {  	[tilespmem:s20+$0xD20] =	vst v9;
	v9 =	vbroadcast v13, $0xF;
	v13 =	vld [tilespmem:$0x1FE30]  }
0x40f: {  	[tilespmem:s20+$0xD70] =	vst v7;
	v7 =	vadd.f32 v10, v61;
	v61 =	vld [tilespmem:$0x1FE70]  }
0x410: {  	v10 =	vmul.f32 v25, v62;
	v16 =	vld [tilespmem:$0x1FE80]  }
0x411: {  	v0 =	vadd.f32 v0, v36;
	v3 =	vmul.f32 v55, v50;
	v55 =	vld [tilespmem:$0x1FBC0]  }
0x412: {  	v2 =	vmul.f32 v2, v38;
	[tilespmem:s21+$0xD10] =	vst v7;
	v6 =	vadd.f32 v10, v34;
	v7 =	vmul.f32 v24, v35;
	v58 =	vld [tilespmem:$0x1FE60]  }
0x413: {  	[tilespmem:s21+$0xD40] =	vst v0;
	v44 =	vmul.f32 v18, v12;
	v18 =	vld [tilespmem:$0x1FEB0]  }
0x414: {  	v0 =	vadd.f32 v2, v43;
	[tilespmem:s21+$0xD30] =	vst v6;
	v6 =	vadd.f32 v7, v40;
	v7 =	vmul.f32 v17, v41;
	v17 =	vld [tilespmem:$0x1FEA0]  }
0x415: {  	v60 =	vld [tilespmem:$0x1FED0]  }
0x416: {  	[tilespmem:s21+$0xD70] =	vst v0;
	v49 =	vmul.f32 v53, v13;
	v63 =	vld [tilespmem:$0x1FEE0];
	v10 =	vsub.f32 v55, v9  }
0x417: {  	v46 =	vadd.f32 v7, v16;
	[tilespmem:s21+$0xD50] =	vst v4;
	v4 =	vmul.f32 v11, v58;
	v11 =	vld [tilespmem:$0x1FBD0]  }
0x418: {  	v34 =	vsub.f32 v51, v9;
	[tilespmem:s21+$0xD60] =	vst v6;
	v53 =	vadd.f32 v49, v18;
	v62 =	vmul.f32 v5, v10;
	v10 =	vld [tilespmem:$0x1FE00]  }
0x419: {  	v56 =	vld [tilespmem:$0x1FEC0];
	v1 =	vmul.f32 v1, v61;
	v6 =	vsub.f32 v52, v9;
	v7 =	vadd.f32 v8, v48;
	[tilespmem:s23+$0xD00] =	vst v46  }
0x41a: {  	v54 =	vmul.f32 v19, v14;
	v33 =	vld [tilespmem:$0x1FE10];
	v2 =	vadd.f32 v44, v17;
	v48 =	vsub.f32 v59, v9;
	[tilespmem:s23+$0xD30] =	vst v53  }
0x41b: {  	v61 =	vld [tilespmem:$0x1FE70];
	v0 =	vadd.f32 v1, v32;
	v6 =	vmul.f32 v5, v6;
	v46 =	vmul.f32 v5, v34;
	[tilespmem:s23+$0xD10] =	vst v7  }
0x41c: {  	v7 =	vadd.f32 v54, v60;
	[tilespmem:s23+$0xD20] =	vst v2;
	v2 =	vadd.f32 v4, v63;
	v53 =	vmul.f32 v5, v48;
	v60 =	vld [tilespmem:$0x1FED0]  }
0x41d: {  	v44 =	vld [tilespmem:$0x1FE90];
	v52 =	vmul.f32 v46, v13;
	v4 =	vmul.f32 v6, v10;
	v6 =	vsub.f32 v11, v9  }
0x41e: {  	v43 =	vsub.f32 v57, v9;
	v51 =	vsub.f32 v39, v9;
	[tilespmem:s23+$0xD70] =	vst v0;
	v55 =	vld [tilespmem:$0x1FE40]  }
0x41f: {  	v58 =	vld [tilespmem:$0x1FEC0];
	[tilespmem:s23+$0xD50] =	vst v7;
	v57 =	vmul.f32 v53, v14;
	v0 =	vadd.f32 v52, v18;
	v42 =	vmul.f32 v5, v6  }
0x420: {  	v59 =	vld [tilespmem:$0x1FE60];
	v54 =	vsub.f32 v15, v9;
	[tilespmem:s23+$0xD60] =	vst v2;
	v3 =	vadd.f32 v3, v56;
	v1 =	vmul.f32 v62, v33  }
0x421: {  	v63 =	vld [tilespmem:$0x1FEF0];
	v50 =	vmul.f32 v5, v43;
	[tilespmem:s24+$0xD30] =	vst v0;
	v0 =	vadd.f32 v57, v60;
	v49 =	vmul.f32 v42, v12  }
0x422: {  	v56 =	vmul.f32 v5, v51;
	[tilespmem:s23+$0xD40] =	vst v3;
	v62 =	vld [tilespmem:$0x1FEE0];
	v1 =	vadd.f32 v1, v44;
	v5 =	vmul.f32 v5, v54  }
0x423: {  	v19 =	vld [tilespmem:$0x1FF50];
	[tilespmem:s24+$0xD50] =	vst v0;
	v3 =	vmul.f32 v50, v55;
	v2 =	vadd.f32 v49, v17  }
0x424: {  	p0 =	slt.u32 s6, $0x78;
	v26 =	vld [tilespmem:$0x1FFC0];
	[tilespmem:s24+$0xD10] =	vst v1;
	v35 =	vadd.f32 v4, v16;
	v1 =	vmul.f32 v5, v61  }
.Ltmp1:
0x425: {  	v25 =	vld [tilespmem:$0x1FFB0];
	[tilespmem:s24+$0xD20] =	vst v2;
	v2 =	vadd.f32 v3, v58;
	v3 =	vmul.f32 v56, v59;
	(pc) =	sbr.rel @p0 .LBB2_4-.Ltmp1, $4  }
0x426: {  	v20 =	vld [tilespmem:$0x1FF60];
	[tilespmem:s24+$0xD00] =	vst v35;
	v0 =	vadd.f32 v1, v63  }
0x427: {  	v24 =	vld [tilespmem:$0x1FFA0];
	[tilespmem:s24+$0xD40] =	vst v2;
	v2 =	vadd.f32 v3, v62  }
0x428: {  	v39 =	vld [tilespmem:$0x1FF10];
	[tilespmem:s24+$0xD70] =	vst v0  }
0x429: {  	s6 =	sadd.s32 $0x8, s6;
	v28 =	vld [tilespmem:$0x1FFE0];
	[tilespmem:s24+$0xD60] =	vst v2  }
0x42a: {  	s6 =	sadd.s32 $0x400, s10  }
0x42b: {  	[hbm4b:s6+s7] =	stream.linear.scatter [tilespmem:s26], [sflag:$0x3], $0x2000, $0x38;
	[tilespmem:$0x10F00] =	vst v63  }
0x42c: {  	_ =	swait.ge [sflag:s0], $0x1000  }
0x42d: {  	[sflag:s0] =	ssyncset.done $0x0  }
0x42e: {  	[sflag:s0] =	ssyncadd.s32 $0xFFFFF000  }
0x42f: {  	_ =	swait.ge [sflag:s0], $0x1000  }
0x430: {  	[sflag:s0] =	ssyncset.done $0x0  }
0x431: {  	[sflag:s0] =	ssyncadd.s32 $0xFFFFF000  }
0x432: {  	_ =	swait.ge [sflag:s0], $0x1000  }
0x433: {  	[sflag:s0] =	ssyncset.done $0x0  }
0x434: {  	[sflag:s0] =	ssyncadd.s32 $0xFFFFF000  }
0x435: {  	_ =	swait.ge [sflag:s0], $0x1000  }
0x436: {  	[sflag:s0] =	ssyncset.done $0x0  }
0x437: {  	s6 =	simm.s32 $0x80;
	[sflag:s0] =	ssyncadd.s32 $0xFFFFF000  }
.LBB2_6:
0x438: {  	s13 =	sshll.u32 s6, $0x7  }
0x439: {  	v1 =	vld [tilespmem:s13+$0xD00]  }
0x43a: {  	v0 =	vmov s6;
	v2 =	vld [tilespmem:s13+$0x8D00]  }
0x43b: {  	v0 =	vand.u32 $0xFFFFFFF8, v0;
	v3 =	vld [tilespmem:s13+$0xD10]  }
0x43c: {  	v4 =	vld [tilespmem:s13+$0x8D10];
	v0 =	vbroadcast v0, $0x0  }
0x43d: {  	v32 =	vld [tilespmem:s13+$0xD20]  }
0x43e: {  	v5 =	vld [tilespmem:s13+$0x8D20]  }
0x43f: {  	v35 =	vld [tilespmem:s13+$0xD30]  }
0x440: {  	v6 =	vld [tilespmem:s13+$0x8D30]  }
0x441: {  	v8 =	vld [tilespmem:s13+$0xD40]  }
0x442: {  	v0 =	vld.idx.msk [tilespmem:v0+s5+$0x0], $0xffff  }
0x443: {  	v9 =	vld [tilespmem:s13+$0x8D40]  }
0x444: {  	v11 =	vld [tilespmem:s13+$0xD50]  }
0x445: {  	v41 =	vld [tilespmem:s13+$0x8D50]  }
0x446: {  	v48 =	vld [tilespmem:s13+$0xD60]  }
0x447: {  	v15 =	vadd.f32 v2, v1;
	v13 =	vld [tilespmem:s13+$0x8D60];
	vm0 =	vgt.f32 v0, $5.000000000e-01  }
0x448: {  	s14 =	sor.u32 $0x1, s6;
	v34 =	vadd.f32 v4, v3;
	v33 =	vsel vm0, v22, v47  }
0x449: {  	v12 =	vmov s14;
	v2 =	vadd.f32 v5, v32;
	v0 =	vadd.f32 v15, v33  }
0x44a: {  	v40 =	vadd.f32 v6, v35;
	v46 =	vadd.f32 v9, v8;
	v36 =	vsel vm0, v23, v39  }
0x44b: {  	v42 =	vand.u32 $0xFFFFFFF9, v12;
	v1 =	vadd.f32 v34, v36;
	v7 =	vadd.f32 $0.0e+00, v0  }
0x44c: {  	v3 =	vadd.f32 v41, v11;
	v8 =	vadd.f32 v13, v48;
	v38 =	vsel vm0, v24, v45  }
0x44d: {  	v12 =	vbroadcast v42, $0x0;
	v50 =	vld [tilespmem:s13+$0xD70];
	v4 =	vadd.f32 v2, v38;
	v7 =	vadd.f32 v1, v7  }
0x44e: {  	s14 =	sshll.u32 s14, $0x7;
	v51 =	vld [tilespmem:s13+$0x8D70];
	v43 =	vsel vm0, v25, v29;
	v10 =	vmul.f32 v0, v0;
	v37 =	vmul.f32 v1, v1  }
0x44f: {  	v55 =	vld [tilespmem:s14+$0xD00];
	v5 =	vadd.f32 v40, v43;
	v7 =	vadd.f32 v4, v7  }
0x450: {  	v59 =	vld [tilespmem:s14+$0x8D00];
	v49 =	vsel vm0, v26, v31;
	v44 =	vmul.f32 v4, v4;
	v10 =	vadd.f32 v37, v10  }
0x451: {  	v60 =	vld [tilespmem:s14+$0xD10];
	v6 =	vadd.f32 v46, v49;
	v7 =	vadd.f32 v5, v7  }
0x452: {  	v63 =	vld [tilespmem:s14+$0x8D10];
	v53 =	vsel vm0, v27, v19;
	v58 =	vsel vm0, v28, v20;
	v10 =	vadd.f32 v44, v10  }
0x453: {  	v54 =	vld.idx.msk [tilespmem:v12+s5+$0x0], $0xffff;
	v14 =	vmul.f32 v5, v5;
	v15 =	vadd.f32 v6, v7;
	v7 =	vadd.f32 v3, v53  }
0x454: {  	v35 =	vld [tilespmem:s14+$0xD20];
	v62 =	vsel vm0, v30, v21;
	v32 =	vadd.f32 v8, v58;
	v2 =	vadd.f32 v51, v50  }
0x455: {  	v41 =	vld [tilespmem:s14+$0xD30];
	v52 =	vmul.f32 v6, v6;
	v10 =	vadd.f32 v14, v10;
	v56 =	vadd.f32 v7, v15  }
0x456: {  	v43 =	vld [tilespmem:s14+$0x8D30];
	v33 =	vadd.f32 v2, v62  }
0x457: {  	v48 =	vld [tilespmem:s14+$0x8D40];
	v10 =	vadd.f32 v52, v10;
	v57 =	vmul.f32 v7, v7;
	v12 =	vadd.f32 v32, v56  }
0x458: {  	s15 =	sor.u32 $0x2, s6;
	vm10 =	vgt.f32 v54, $5.000000000e-01;
	v38 =	vadd.f32 v59, v55;
	v8 =	vadd.f32 v63, v60;
	v37 =	vld [tilespmem:s14+$0x8D20]  }
0x459: {  	v54 =	vmov s15;
	v55 =	vld [tilespmem:s14+$0xD60];
	v61 =	vadd.f32 v57, v10;
	v10 =	vadd.f32 v33, v12  }
0x45a: {  	v40 =	vsel vm10, v22, v47;
	v42 =	vsel vm10, v23, v39;
	v44 =	vld [tilespmem:s14+$0xD40];
	v14 =	vmul.f32 v32, v32  }
0x45b: {  	v18 =	vsel vm10, v25, v29;
	v59 =	vld [tilespmem:s14+$0xD70];
	v16 =	vadd.f32 v8, v42;
	(xrf2) =	vadd.scan.msk.f32 $0xffff, v10;
	v10 =	vadd.f32 v43, v41  }
0x45c: {  	v36 =	vmul.f32 v33, v33;
	v52 =	vld [tilespmem:s14+$0xD50];
	v15 =	vadd.f32 v38, v40;
	v9 =	vadd.f32 v14, v61  }
0x45d: {  	v51 =	vsel vm10, v24, v45;
	v2 =	vadd.f32 v37, v35;
	v20 =	vadd.f32 v10, v18;
	v18 =	vld [tilespmem:s14+$0x8D60]  }
0x45e: {  	v50 =	vmul.f32 v16, v16;
	v53 =	vld [tilespmem:s14+$0x8D50];
	v46 =	vadd.f32 $0.0e+00, v15;
	v9 =	vadd.f32 v36, v9  }
0x45f: {  	v22 =	vld [tilespmem:$0x1FF50];
	v17 =	vadd.f32 v2, v51;
	v3 =	vadd.f32 v48, v44;
	v49 =	vmul.f32 v15, v15  }
0x460: {  	s15 =	sshll.u32 s15, $0x7;
	v13 =	vand.u32 $0xFFFFFFFA, v54;
	v60 =	vld [tilespmem:s14+$0x8D70];
	v57 =	vsel vm10, v26, v31;
	v8 =	vadd.f32 v16, v46;
	(xrf2) =	vadd.scan.msk.f32 $0xffff, v9  }
0x461: {  	v24 =	vld [tilespmem:s15+$0xD00];
	v21 =	vadd.f32 v3, v57;
	v12 =	vadd.f32 v50, v49;
	v14 =	vmul.f32 v17, v17  }
0x462: {  	v56 =	vbroadcast v13, $0x0;
	v8 =	vadd.f32 v17, v8;
	v9 =	vadd.f32 v18, v55;
	v18 =	vld [tilespmem:$0x1FF60]  }
0x463: {  	v34 =	vld [tilespmem:s15+$0x8D00];
	v2 =	vadd.f32 v53, v52;
	v12 =	vadd.f32 v14, v12;
	v58 =	vmul.f32 v20, v20  }
0x464: {  	v22 =	vsel vm10, v27, v22;
	v36 =	vld [tilespmem:$0x1FF70];
	v8 =	vadd.f32 v20, v8  }
0x465: {  	v37 =	vld [tilespmem:s15+$0xD10];
	v61 =	vmul.f32 v21, v21;
	v22 =	vadd.f32 v2, v22;
	v12 =	vadd.f32 v58, v12  }
0x466: {  	v38 =	vld [tilespmem:s15+$0x8D10];
	v3 =	vadd.f32 v60, v59;
	v8 =	vadd.f32 v21, v8  }
0x467: {  	v46 =	vld [tilespmem:$0x1FF90];
	v63 =	vmul.f32 v22, v22;
	v12 =	vadd.f32 v61, v12;
	v18 =	vsel vm10, v28, v18  }
0x468: {  	v10 =	vld.idx.msk [tilespmem:v56+s5+$0x0], $0xffff;
	v8 =	vadd.f32 v22, v8;
	v19, _, _ =	vpop (xrf2);
	v23 =	vadd.f32 v9, v18  }
0x469: {  	v43 =	vld [tilespmem:$0x1FF80];
	v35 =	vadd.f32 v63, v12;
	v12 =	vsel vm10, v30, v36;
	v13 =	vmul.f32 $7.812500000e-03, v19  }
0x46a: {  	v29 =	vld [tilespmem:s15+$0xD50];
	v25 =	vadd.f32 v3, v12;
	v19, _, _ =	vpop (xrf2);
	v8 =	vadd.f32 v23, v8;
	v18 =	vmul.f32 v23, v23  }
0x46b: {  	v27 =	vld [tilespmem:s15+$0x8D20];
	v40 =	vadd.f32 v34, v24;
	v19 =	vmul.f32 $7.812500000e-03, v19;
	v62 =	vmul.f32 v13, v13  }
0x46c: {  	v26 =	vld [tilespmem:s15+$0xD20];
	v12 =	vmul.f32 v25, v25;
	v11 =	vadd.f32 v18, v35;
	v8 =	vadd.f32 v25, v8  }
0x46d: {  	v54 =	vld [tilespmem:$0x1FF30];
	vm11 =	vgt.f32 v10, $5.000000000e-01;
	v3 =	vadd.f32 v38, v37;
	v2 =	vsub.f32 v19, v62  }
0x46e: {  	v44 =	vld [tilespmem:s15+$0x8D30];
	v11 =	vadd.f32 v12, v11;
	(xrf2) =	vadd.scan.msk.f32 $0xffff, v8;
	v12 =	vsel vm11, v43, v47;
	v8 =	vsel vm11, v46, v39  }
0x46f: {  	v48 =	vld [tilespmem:s15+$0xD40];
	v19 =	vadd.f32 v40, v12;
	v18 =	vadd.f32 v3, v8  }
0x470: {  	v53 =	vld [tilespmem:s15+$0x8D50]  }
0x471: {  	v52 =	vadd.f32 v27, v26;
	v28 =	vld [tilespmem:$0x1FFA0];
	v26 =	vmul.f32 v19, v19;
	v27 =	vmul.f32 v18, v18  }
0x472: {  	v41 =	vld [tilespmem:s15+$0xD30]  }
0x473: {  	v26 =	vadd.f32 v27, v26;
	v27 =	vld [tilespmem:$0x1FFB0]  }
0x474: {  	v49 =	vld [tilespmem:s15+$0x8D40]  }
0x475: {  	v58 =	vld [tilespmem:$0x1FFC0]  }
0x476: {  	v59 =	vadd.f32 v53, v29;
	v28 =	vsel vm11, v28, v45;
	v51 =	vadd.f32 $0.0e+00, v19  }
0x477: {  	v9 =	vadd.f32 v44, v41;
	v36 =	vadd.f32 v52, v28  }
0x478: {  	v55 =	vld [tilespmem:s15+$0x8D60];
	v2 =	vadd.f32 $9.999999960e-13, v2;
	(xrf2) =	vadd.scan.msk.f32 $0xffff, v11;
	v10 =	vadd.f32 v18, v51;
	v11 =	vsel vm11, v27, v54  }
0x479: {  	v28 =	vmul.f32 v36, v36;
	v3 =	vadd.f32 v49, v48;
	v27 =	vld [tilespmem:s15+$0xD60];
	v11 =	vadd.f32 v9, v11  }
0x47a: {  	v34 =	vld [tilespmem:s15+$0x8D70];
	v2 =	vbroadcast v2, $0xF;
	v57 =	vadd.f32 v36, v10;
	v10 =	vsel vm11, v58, v31  }
0x47b: {  	v29 =	vld [tilespmem:$0x1FF50];
	v26 =	vadd.f32 v28, v26;
	v3 =	vadd.f32 v3, v10;
	v28 =	vmul.f32 v11, v11  }
0x47c: {  	v61 =	vld [tilespmem:$0x1FF70];
	v42 =	vshra.s32 v2, $0x1;
	v2 =	vmul.f32 $5.000000000e-01, v2  }
0x47d: {  	v35 =	vld [tilespmem:$0x1FFD0];
	v24 =	vsub.s32 $0x5F3759DF, v42;
	v26 =	vadd.f32 v28, v26;
	v28 =	vmul.f32 v3, v3  }
0x47e: {  	v50 =	vmul.f32 v24, v2;
	v9 =	vadd.f32 v55, v27;
	v27 =	vld [tilespmem:$0x1FF60]  }
0x47f: {  	v26 =	vadd.f32 v28, v26;
	v28 =	vld [tilespmem:$0x1FFE0]  }
0x480: {  	v30 =	vld [tilespmem:s15+$0xD70];
	v8 =	vmul.f32 v24, v50  }
0x481: {  	v62 =	vld [tilespmem:$0x1FFF0]  }
0x482: {  	v29 =	vsel vm11, v35, v29;
	v56 =	vsub.f32 $1.500000000e+00, v8;
	v8 =	vadd.f32 v11, v57  }
0x483: {  	v10 =	vadd.f32 v59, v29  }
0x484: {  	v8 =	vadd.f32 v3, v8;
	v27 =	vsel vm11, v28, v27  }
0x485: {  	v28 =	vmul.f32 v10, v10;
	v9 =	vadd.f32 v9, v27;
	v27 =	vadd.f32 v34, v30  }
0x486: {  	v30 =	vadd.f32 v10, v8;
	v8 =	vsel vm11, v62, v61  }
0x487: {  	v26 =	vadd.f32 v28, v26;
	v28 =	vmul.f32 v9, v9;
	v8 =	vadd.f32 v27, v8  }
0x488: {  	s18 =	sor.u32 $0x3, s6  }
0x489: {  	v31, _, _ =	vpop (xrf2);
	v26 =	vadd.f32 v28, v26;
	v27 =	vmul.f32 v8, v8;
	v28 =	vmov s18  }
0x48a: {  	v31 =	vmul.f32 $7.812500000e-03, v31;
	v28 =	vand.u32 $0xFFFFFFFB, v28  }
0x48b: {  	v60, _, _ =	vpop (xrf2);
	v26 =	vadd.f32 v27, v26;
	v27 =	vbroadcast v28, $0x0  }
0x48c: {  	v14 =	vmul.f32 $7.812500000e-03, v60;
	v29 =	vmul.f32 v31, v31;
	_ =	sdelay $0x1  }
0x48d: {  	v12 =	vmul.f32 v24, v56;
	v14 =	vsub.f32 v14, v29;
	v24 =	vadd.f32 v9, v30;
	_ =	sdelay $0x1  }
0x48e: {  	v14 =	vadd.f32 $9.999999960e-13, v14;
	v24 =	vadd.f32 v8, v24  }
0x48f: {  	v2 =	vmul.f32 v12, v2;
	v35 =	vld.idx.msk [tilespmem:v27+s5+$0x0], $0xffff;
	v27 =	vbroadcast v31, $0xF  }
0x490: {  	v14 =	vbroadcast v14, $0xF;
	(xrf2) =	vadd.scan.msk.f32 $0xffff, v24  }
0x491: {  	v48 =	vld [tilespmem:$0x1FF90];
	s18 =	sshll.u32 s18, $0x7;
	(xrf2) =	vadd.scan.msk.f32 $0xffff, v26;
	v26 =	vmul.f32 v2, v12;
	v59 =	vsub.f32 v16, v27;
	v16 =	vsub.f32 v17, v27  }
0x492: {  	v63 =	vshra.s32 v14, $0x1;
	v24 =	vbroadcast v13, $0xF;
	v28 =	vld [tilespmem:s18+$0x8D00]  }
0x493: {  	s20 =	sor.u32 $0x4, s6;
	v2 =	vmul.f32 $5.000000000e-01, v14;
	v14 =	vsub.f32 $1.500000000e+00, v26;
	v26 =	vld [tilespmem:s18+$0xD00];
	[tilespmem:$0x1F7F0] =	vst v16;
	v16 =	vsub.f32 v20, v27  }
0x494: {  	v46 =	vmov s20;
	s20 =	sshll.u32 s20, $0x7;
	v20 =	vsub.f32 v22, v27;
	v22 =	vsub.f32 v25, v27;
	v25 =	vld [tilespmem:$0x1FF80]  }
0x495: {  	v54 =	vld [tilespmem:s20+$0xD00];
	v61 =	vsub.f32 v0, v24  }
0x496: {  	v41 =	vsub.f32 v1, v24;
	v4 =	vsub.f32 v4, v24;
	v17 =	vld [tilespmem:s18+$0xD20]  }
0x497: {  	v13 =	vsub.s32 $0x5F3759DF, v63;
	v40 =	vsub.f32 v5, v24;
	v57 =	vsub.f32 v21, v27;
	v21 =	vld [tilespmem:s18+$0x8D20]  }
0x498: {  	v38 =	vld [tilespmem:s18+$0xD10];
	v5 =	vsub.f32 v6, v24;
	v44 =	vadd.f32 v28, v26;
	vm12 =	vgt.f32 v35, $5.000000000e-01  }
0x499: {  	v43 =	vld [tilespmem:s18+$0x8D10];
	v6 =	vsub.f32 v7, v24;
	v34 =	vmul.f32 v13, v2;
	v25 =	vsel vm12, v25, v47  }
0x49a: {  	v50 =	vld [tilespmem:s18+$0x8D40];
	v7 =	vsub.f32 v32, v24;
	[tilespmem:$0x1F800] =	vst v16;
	v16, _, _ =	vpop (xrf2);
	v26 =	vadd.f32 v44, v25  }
0x49b: {  	v37 =	vsub.f32 v33, v24;
	v24 =	vld [tilespmem:s18+$0x8D30];
	v0 =	vmul.f32 v13, v34;
	[tilespmem:$0x1F810] =	vst v20;
	v16 =	vmul.f32 $7.812500000e-03, v16  }
0x49c: {  	v49 =	vadd.f32 v21, v17;
	v20, _, _ =	vpop (xrf2);
	[tilespmem:$0x1F890] =	vst v26;
	v17 =	vadd.f32 $0.0e+00, v26;
	v21 =	vmul.f32 v26, v26;
	v26 =	vld [tilespmem:$0x1FFA0]  }
0x49d: {  	v51 =	vsub.f32 v23, v27;
	[tilespmem:$0x1F820] =	vst v22;
	v22 =	vld [tilespmem:s18+$0xD30];
	v20 =	vmul.f32 $7.812500000e-03, v20;
	v23 =	vmul.f32 v16, v16  }
0x49e: {  	v42 =	vsub.f32 $1.500000000e+00, v0;
	v0 =	vadd.f32 v43, v38;
	v25 =	vld [tilespmem:s18+$0xD40]  }
0x49f: {  	v1 =	vsel vm12, v48, v39;
	v62 =	vsub.f32 v20, v23;
	v20 =	vld [tilespmem:$0x1FF30]  }
0x4a0: {  	v15 =	vsub.f32 v15, v27;
	v29 =	vadd.f32 v0, v1;
	v23 =	vld [tilespmem:$0x1FFB0]  }
0x4a1: {  	v56 =	vld [tilespmem:$0x1FF60];
	v26 =	vsel vm12, v26, v45  }
0x4a2: {  	[tilespmem:$0x1F7E0] =	vst v15;
	v15 =	vand.u32 $0xFFFFFFFC, v46;
	v27 =	vld [tilespmem:s18+$0xD50];
	v17 =	vadd.f32 v29, v17;
	v26 =	vadd.f32 v49, v26  }
0x4a3: {  	v15 =	vbroadcast v15, $0x0;
	v28 =	vmul.f32 v29, v29;
	v1 =	vadd.f32 v50, v25;
	v25 =	vld [tilespmem:$0x1FF40]  }
0x4a4: {  	v52 =	vadd.f32 v24, v22;
	[tilespmem:$0x1F8B0] =	vst v26;
	v24 =	vmul.f32 v26, v26;
	v17 =	vadd.f32 v26, v17;
	v26 =	vld [tilespmem:$0x1FFC0]  }
0x4a5: {  	v22 =	vld [tilespmem:s18+$0x8D50];
	v20 =	vsel vm12, v23, v20  }
0x4a6: {  	v60 =	vld [tilespmem:$0x1FF80];
	v21 =	vadd.f32 v28, v21;
	v35 =	vadd.f32 v52, v20  }
0x4a7: {  	v53 =	vld [tilespmem:s18+$0x8D60]  }
0x4a8: {  	v32 =	vld [tilespmem:$0x1FF90];
	v21 =	vadd.f32 v24, v21;
	v24 =	vmul.f32 v35, v35  }
0x4a9: {  	v25 =	vsel vm12, v26, v25;
	v26 =	vld.idx.msk [tilespmem:v15+s5+$0x0], $0xffff  }
0x4aa: {  	v15 =	vbroadcast v16, $0xF;
	v16 =	vadd.f32 v24, v21;
	v21 =	vadd.f32 v22, v27;
	v27 =	vld [tilespmem:$0x1FFD0]  }
0x4ab: {  	v34 =	vadd.f32 v1, v25;
	v25 =	vld [tilespmem:$0x1FF50]  }
0x4ac: {  	v23 =	vld [tilespmem:s18+$0xD60]  }
0x4ad: {  	v33 =	vld [tilespmem:$0x1FF70]  }
0x4ae: {  	v22 =	vld [tilespmem:s20+$0x8D00]  }
0x4af: {  	v55 =	vsub.f32 v19, v15;
	v19 =	vld [tilespmem:$0x1FFE0]  }
0x4b0: {  	v25 =	vsel vm12, v27, v25;
	v27 =	vld [tilespmem:s20+$0xD10]  }
0x4b1: {  	v43 =	vadd.f32 v21, v25;
	v21 =	vadd.f32 v53, v23;
	v23 =	vld [tilespmem:s20+$0x8D10]  }
0x4b2: {  	v38 =	vld [tilespmem:s20+$0xD40];
	v24 =	vmul.f32 v34, v34  }
0x4b3: {  	v20 =	vld [tilespmem:s18+$0xD70]  }
0x4b4: {  	v58 =	vsub.f32 v18, v15;
	v18 =	vld [tilespmem:s20+$0xD20];
	v16 =	vadd.f32 v24, v16;
	v19 =	vsel vm12, v19, v56  }
0x4b5: {  	vm1 =	vgt.f32 v26, $5.000000000e-01;
	v25 =	vmul.f32 v43, v43;
	v46 =	vadd.f32 v21, v19;
	v21 =	vld [tilespmem:s20+$0x8D20]  }
0x4b6: {  	v24 =	vld [tilespmem:s18+$0x8D70];
	v1 =	vadd.f32 v22, v54;
	v19 =	vsel vm1, v60, v47;
	v63 =	vadd.f32 v23, v27  }
0x4b7: {  	v48 =	vld [tilespmem:$0x1FFA0];
	v16 =	vadd.f32 v25, v16;
	v22 =	vmul.f32 v46, v46;
	v23 =	vsel vm1, v32, v39  }
0x4b8: {  	v50 =	vld [tilespmem:$0x1FF30];
	v44 =	vadd.f32 v1, v19;
	v49 =	vadd.f32 v63, v23  }
0x4b9: {  	v25 =	vld [tilespmem:$0x1FFF0];
	v16 =	vadd.f32 v22, v16  }
0x4ba: {  	v19 =	vld [tilespmem:s20+$0xD30];
	v22 =	vmul.f32 v44, v44;
	v18 =	vadd.f32 v21, v18;
	v21 =	vmul.f32 v49, v49  }
0x4bb: {  	v20 =	vadd.f32 v24, v20;
	v24 =	vld [tilespmem:s20+$0x8D30]  }
0x4bc: {  	v21 =	vadd.f32 v21, v22;
	v22 =	vld [tilespmem:$0x1FFB0]  }
0x4bd: {  	v52 =	vld [tilespmem:$0x1FF40]  }
0x4be: {  	[tilespmem:$0x1F830] =	vst v55;
	v55 =	vld [tilespmem:s20+$0x8D70];
	v25 =	vsel vm12, v25, v33  }
0x4bf: {  	v60 =	vld [tilespmem:$0x1FF50];
	v54 =	vadd.f32 v20, v25;
	v25 =	vsel vm1, v48, v45  }
0x4c0: {  	v32 =	vld [tilespmem:$0x1FF70];
	v53 =	vadd.f32 v18, v25;
	v18 =	vadd.f32 v24, v19  }
0x4c1: {  	v26 =	vadd.f32 $0.0e+00, v44;
	v20 =	vld [tilespmem:s20+$0x8D40];
	v22 =	vsel vm1, v22, v50  }
0x4c2: {  	v56 =	vadd.f32 v18, v22;
	v22 =	vld [tilespmem:$0x1FFC0]  }
0x4c3: {  	v23 =	vadd.f32 v49, v26;
	v26 =	vld [tilespmem:s20+$0xD50]  }
0x4c4: {  	s21 =	sor.u32 $0x5, s6;
	v19 =	vld [tilespmem:s20+$0x8D50]  }
0x4c5: {  	v27 =	vmov s21;
	v63 =	vld [tilespmem:$0x1FF60];
	v33 =	vsub.f32 v36, v15;
	v36 =	vsub.f32 v11, v15  }
0x4c6: {  	v24 =	vand.u32 $0xFFFFFFFD, v27;
	v25 =	vld [tilespmem:s20+$0xD60];
	v27 =	vmul.f32 v53, v53;
	v1 =	vadd.f32 v20, v38  }
0x4c7: {  	[tilespmem:$0x1F860] =	vst v36;
	v36 =	vld [tilespmem:$0x1FFA0];
	v20 =	vadd.f32 v53, v23;
	v22 =	vsel vm1, v22, v52  }
0x4c8: {  	[tilespmem:$0x1F840] =	vst v58;
	v23 =	vld [tilespmem:s20+$0xD70];
	v21 =	vadd.f32 v27, v21;
	v27 =	vmul.f32 v56, v56;
	v58 =	vadd.f32 v1, v22  }
0x4c9: {  	v17 =	vadd.f32 v35, v17;
	v24 =	vbroadcast v24, $0x0;
	v19 =	vadd.f32 v19, v26;
	v26 =	vld [tilespmem:$0x1FFD0]  }
0x4ca: {  	v50 =	vld [tilespmem:$0x1FF80];
	v21 =	vadd.f32 v27, v21;
	v22 =	vmul.f32 v58, v58  }
0x4cb: {  	v17 =	vadd.f32 v34, v17;
	v18 =	vld [tilespmem:s20+$0x8D60]  }
0x4cc: {  	s21 =	sshll.u32 s21, $0x7;
	v21 =	vadd.f32 v22, v21;
	v22 =	vld [tilespmem:$0x1FFE0]  }
0x4cd: {  	v17 =	vadd.f32 v43, v17;
	v27 =	vld [tilespmem:s21+$0xD20]  }
0x4ce: {  	v20 =	vadd.f32 v56, v20;
	v26 =	vsel vm1, v26, v60;
	v1 =	vadd.f32 v55, v23;
	v23 =	vld [tilespmem:$0x1FFF0]  }
0x4cf: {  	v17 =	vadd.f32 v46, v17;
	v60 =	vadd.f32 v19, v26;
	v19 =	vld.idx.msk [tilespmem:v24+s5+$0x0], $0xffff  }
0x4d0: {  	v18 =	vadd.f32 v18, v25;
	v24 =	vld [tilespmem:s21+$0xD00];
	v20 =	vadd.f32 v58, v20  }
0x4d1: {  	v17 =	vadd.f32 v54, v17;
	v26 =	vld [tilespmem:s21+$0xD10];
	v25 =	vmul.f32 v60, v60;
	v22 =	vsel vm1, v22, v63  }
0x4d2: {  	v55 =	vld [tilespmem:$0x1FF90];
	v20 =	vadd.f32 v60, v20;
	v63 =	vadd.f32 v18, v22  }
0x4d3: {  	v23 =	vsel vm1, v23, v32;
	v21 =	vadd.f32 v25, v21;
	v18 =	vld [tilespmem:s21+$0x8D00];
	v22 =	vmul.f32 v54, v54  }
0x4d4: {  	v32 =	vadd.f32 v1, v23;
	v23 =	vld [tilespmem:s21+$0x8D10];
	v25 =	vmul.f32 v63, v63;
	v20 =	vadd.f32 v63, v20  }
0x4d5: {  	s23 =	sor.u32 $0x6, s6;
	v16 =	vadd.f32 v22, v16;
	v22 =	vld [tilespmem:s21+$0x8D20]  }
0x4d6: {  	(xrf2) =	vadd.scan.msk.f32 $0xffff, v17;
	v17 =	vadd.f32 v25, v21;
	v38 =	vadd.f32 v32, v20;
	v20 =	vld [tilespmem:s21+$0xD30];
	v25 =	vmov s23  }
0x4d7: {  	vm13 =	vgt.f32 v19, $5.000000000e-01;
	v21 =	vmul.f32 v32, v32;
	v19 =	vand.u32 $0xFFFFFFFE, v25;
	v25 =	vld [tilespmem:s21+$0x8D40]  }
0x4d8: {  	v18 =	vadd.f32 v18, v24;
	v24 =	vsel vm13, v55, v39;
	v55 =	vld [tilespmem:$0x1FFB0]  }
0x4d9: {  	(xrf2) =	vadd.scan.msk.f32 $0xffff, v16;
	v16 =	vadd.f32 v21, v17;
	v17 =	vld [tilespmem:s21+$0x8D30]  }
0x4da: {  	v21 =	vadd.f32 v23, v26;
	v23 =	vld [tilespmem:s21+$0xD40]  }
0x4db: {  	s23 =	sshll.u32 s23, $0x7;
	v26 =	vmul.f32 v13, v42;
	v13 =	vld [tilespmem:$0x1FF40]  }
0x4dc: {  	v48 =	vsub.f32 v3, v15;
	v52 =	vsel vm13, v50, v47;
	(xrf2) =	vadd.scan.msk.f32 $0xffff, v38;
	v38 =	vsel vm13, v36, v45;
	v36 =	vld [tilespmem:s23+$0x8D00]  }
0x4dd: {  	v42 =	vsub.f32 v9, v15;
	v30 =	vadd.f32 v18, v52;
	v52 =	vld [tilespmem:$0x1FF30]  }
0x4de: {  	v18 =	vmul.f32 v14, v12;
	v14 =	vsub.f32 v10, v15;
	v10 =	vsub.f32 v8, v15;
	v15 =	vld [tilespmem:$0x1FFC0]  }
0x4df: {  	(xrf2) =	vadd.scan.msk.f32 $0xffff, v16;
	v16 =	vld [tilespmem:s21+$0xD50]  }
0x4e0: {  	[tilespmem:$0x1F850] =	vst v33;
	v33 =	vadd.f32 v22, v27;
	v0 =	vadd.f32 v21, v24;
	v24 =	vld [tilespmem:s21+$0xD60]  }
0x4e1: {  	[tilespmem:$0x1F880] =	vst v14;
	v14 =	vld [tilespmem:s21+$0x8D50]  }
0x4e2: {  	v19 =	vbroadcast v19, $0x0;
	v31 =	vadd.f32 v33, v38;
	v38 =	vld [tilespmem:s23+$0xD10];
	v41 =	vmul.f32 v18, v41  }
0x4e3: {  	[tilespmem:$0x1F870] =	vst v48;
	v21 =	vmul.f32 v30, v30;
	v22 =	vmul.f32 v0, v0;
	v48 =	vadd.f32 v17, v20;
	v17 =	vld [tilespmem:s21+$0x8D60]  }
0x4e4: {  	[tilespmem:$0x1F8D0] =	vst v41;
	v41 =	vld [tilespmem:s23+$0x8D40]  }
0x4e5: {  	v50 =	vadd.f32 v22, v21;
	v22 =	vadd.f32 v25, v23;
	v23 =	vld [tilespmem:s23+$0xD00]  }
0x4e6: {  	v11 =	vsel vm13, v55, v52;
	v52 =	vld [tilespmem:$0x1FFD0]  }
0x4e7: {  	v20, _, _ =	vpop (xrf2);
	v12 =	vadd.f32 v48, v11;
	v48 =	vld [tilespmem:$0x1FF50]  }
0x4e8: {  	v19 =	vld.idx.msk [tilespmem:v19+s5+$0x0], $0xffff;
	v21 =	vmul.f32 v31, v31;
	v11 =	vmul.f32 $7.812500000e-03, v20;
	v20, _, _ =	vpop (xrf2)  }
0x4e9: {  	v33 =	vsel vm13, v15, v13;
	v25 =	vld [tilespmem:s23+$0x8D10];
	v20 =	vmul.f32 $7.812500000e-03, v20  }
0x4ea: {  	v55 =	vld [tilespmem:$0x1FF60];
	v9 =	vadd.f32 v21, v50;
	v50 =	vadd.f32 v22, v33;
	v21 =	vmul.f32 v12, v12  }
0x4eb: {  	v16 =	vadd.f32 v14, v16;
	v22 =	vmul.f32 v11, v11;
	v15 =	vadd.f32 v36, v23;
	v36 =	vld [tilespmem:$0x1FF90]  }
0x4ec: {  	[tilespmem:$0x1F8A0] =	vst v29;
	v27, _, _ =	vpop (xrf2);
	v28 =	vmul.f32 v50, v50;
	v21 =	vadd.f32 v21, v9;
	v9 =	vld [tilespmem:$0x1FFE0];
	v29 =	vsel vm13, v52, v48  }
0x4ed: {  	s24 =	sor.u32 $0x7, s6;
	v13 =	vld [tilespmem:$0x1FF80];
	v14 =	vsub.f32 v20, v22;
	vm14 =	vgt.f32 v19, $5.000000000e-01;
	v20, _, _ =	vpop (xrf2);
	v52 =	vadd.f32 v16, v29  }
0x4ee: {  	v19 =	vld [tilespmem:s23+$0xD20];
	v16 =	vmul.f32 $7.812500000e-03, v20;
	v20 =	vadd.f32 v28, v21;
	v21 =	vmov s24;
	s24 =	sshll.u32 s24, $0x7  }
0x4ef: {  	v17 =	vadd.f32 v17, v24;
	v28 =	vld [tilespmem:s24+$0x8D00]  }
0x4f0: {  	v8 =	vadd.f32 v25, v38;
	v29 =	vld [tilespmem:s24+$0xD20];
	v23 =	vsel vm14, v36, v39;
	v36 =	vmul.f32 v18, v61  }
0x4f1: {  	v24 =	vsel vm13, v9, v55;
	v61 =	vmul.f32 v18, v4;
	v9 =	vmul.f32 v18, v5;
	v5 =	vld [tilespmem:s23+$0xD40]  }
0x4f2: {  	v4 =	vmul.f32 v18, v40;
	v40 =	vadd.f32 $9.999999960e-13, v62;
	v62 =	vmul.f32 v18, v37;
	v37 =	vld [tilespmem:$0x1FFB0]  }
0x4f3: {  	v55 =	vadd.f32 v17, v24;
	v24 =	vld [tilespmem:s23+$0x8D20]  }
0x4f4: {  	v48 =	vadd.f32 v8, v23;
	v8 =	vld [tilespmem:s23+$0xD30]  }
0x4f5: {  	v33 =	vmul.f32 $7.812500000e-03, v27;
	v23 =	vld [tilespmem:s23+$0x8D30];
	[tilespmem:$0x1F8C0] =	vst v36  }
0x4f6: {  	v22 =	vmul.f32 v52, v52;
	v17 =	vsel vm14, v13, v47;
	[tilespmem:$0x1F8F0] =	vst v4;
	v4 =	vld [tilespmem:s21+$0x8D70]  }
0x4f7: {  	v38 =	vmul.f32 v33, v33;
	v13 =	vadd.f32 v15, v17;
	[tilespmem:$0x1F900] =	vst v9;
	v36 =	vmul.f32 v18, v6;
	v9 =	vld [tilespmem:$0x1FFA0]  }
0x4f8: {  	v17 =	vadd.f32 v22, v20;
	v20 =	vmul.f32 v55, v55;
	v21 =	vld.idx.msk [tilespmem:v21+s5+$0x0], $0xffff  }
0x4f9: {  	v22 =	vsub.f32 v16, v38;
	v16 =	vmul.f32 v48, v48;
	v38 =	vmul.f32 v13, v13;
	[tilespmem:$0x1F910] =	vst v36;
	v36 =	vld [tilespmem:$0x1FF30]  }
0x4fa: {  	v17 =	vadd.f32 v20, v17;
	v20 =	vld [tilespmem:s21+$0xD70]  }
0x4fb: {  	v15 =	vadd.f32 v16, v38;
	v38 =	vmul.f32 v18, v7;
	v18 =	vld [tilespmem:s23+$0xD50]  }
0x4fc: {  	v2 =	vmul.f32 v26, v2;
	v16 =	vadd.f32 v24, v19;
	v24 =	vld [tilespmem:s23+$0x8D50]  }
0x4fd: {  	v6 =	vbroadcast v40, $0xF;
	v40 =	vadd.f32 $0.0e+00, v30;
	v19 =	vsel vm14, v9, v45;
	v9 =	vld [tilespmem:$0x1FF40]  }
0x4fe: {  	v3 =	vmov v0;
	[tilespmem:$0x1F8E0] =	vst v61;
	v8 =	vadd.f32 v23, v8;
	v61 =	vadd.f32 v16, v19;
	v19 =	vld [tilespmem:s23+$0x8D60]  }
0x4ff: {  	[tilespmem:$0x1F920] =	vst v38;
	v38 =	vshra.s32 v6, $0x1;
	v16 =	vmul.f32 $5.000000000e-01, v6;
	v6 =	vadd.f32 v3, v40;
	v40 =	vld [tilespmem:$0x1FF70]  }
0x500: {  	v2 =	vmul.f32 v2, v26;
	v23 =	vsel vm14, v37, v36;
	v36 =	vld [tilespmem:$0x1FFC0]  }
0x501: {  	[tilespmem:$0x1F930] =	vst v62;
	v5 =	vadd.f32 v41, v5;
	v62 =	vadd.f32 v8, v23;
	v8 =	vld [tilespmem:s23+$0xD60];
	v41 =	vmul.f32 v61, v61  }
0x502: {  	v2 =	vsub.f32 $1.500000000e+00, v2;
	v23 =	vld [tilespmem:s24+$0xD00];
	v6 =	vadd.f32 v31, v6  }
0x503: {  	v7 =	vsub.s32 $0x5F3759DF, v38;
	v15 =	vadd.f32 v41, v15;
	v41 =	vld [tilespmem:$0x1FFF0]  }
0x504: {  	[tilespmem:$0x1F990] =	vst v12;
	v25 =	vmul.f32 v2, v26;
	v26 =	vmul.f32 v7, v16;
	v6 =	vadd.f32 v12, v6;
	v12 =	vld [tilespmem:$0x1FFD0]  }
0x505: {  	v27 =	vsel vm14, v36, v9;
	v9 =	vld [tilespmem:$0x1FF50]  }
0x506: {  	v4 =	vadd.f32 v4, v20;
	v20 =	vmul.f32 v7, v26;
	v26 =	vld [tilespmem:s24+$0x8D10]  }
0x507: {  	v37 =	vmul.f32 v62, v62;
	v38 =	vadd.f32 v5, v27;
	v27 =	vld [tilespmem:s24+$0xD10]  }
0x508: {  	v6 =	vadd.f32 v50, v6;
	v2 =	vsel vm13, v41, v40;
	v41 =	vld [tilespmem:$0x1FF80]  }
0x509: {  	[tilespmem:$0x1F960] =	vst v30;
	v30 =	vld [tilespmem:s24+$0x8D20];
	v18 =	vadd.f32 v24, v18;
	v15 =	vadd.f32 v37, v15;
	v24 =	vmul.f32 v38, v38  }
0x50a: {  	v20 =	vsub.f32 $1.500000000e+00, v20;
	v6 =	vadd.f32 v52, v6;
	v37 =	vsel vm14, v12, v9;
	v9 =	vld [tilespmem:$0x1FF90]  }
0x50b: {  	v40 =	vadd.f32 v28, v23;
	v15 =	vadd.f32 v24, v15;
	v12 =	vld [tilespmem:$0x1FFA0]  }
0x50c: {  	vm15 =	vgt.f32 v21, $5.000000000e-01;
	v37 =	vadd.f32 v18, v37;
	v18 =	vadd.f32 v26, v27;
	v26 =	vld [tilespmem:s24+$0xD30]  }
0x50d: {  	v24 =	vmul.f32 v7, v20;
	v7 =	vadd.f32 v19, v8;
	v19 =	vsel vm15, v41, v47;
	v41 =	vld [tilespmem:$0x1FFE0]  }
0x50e: {  	v36 =	vadd.f32 v4, v2;
	v4 =	vadd.f32 v40, v19;
	v40 =	vld [tilespmem:$0x1FF60]  }
0x50f: {  	v47 =	vadd.f32 v30, v29;
	v29 =	vld [tilespmem:s24+$0x8D40]  }
0x510: {  	v6 =	vadd.f32 v55, v6;
	v19 =	vld [tilespmem:s23+$0xD70];
	v20 =	vsel vm15, v9, v39;
	v39 =	vmul.f32 v36, v36  }
0x511: {  	v9 =	vadd.f32 v18, v20;
	v18 =	vld [tilespmem:s23+$0x8D70]  }
0x512: {  	v6 =	vadd.f32 v36, v6;
	v8 =	vadd.f32 v39, v17;
	v17 =	vld [tilespmem:s24+$0x8D30]  }
0x513: {  	v20 =	vsel vm15, v12, v45;
	v45 =	vsel vm14, v41, v40;
	v40 =	vld [tilespmem:$0x1F7E0]  }
0x514: {  	(xrf2) =	vadd.scan.msk.f32 $0xffff, v6;
	v5 =	vadd.f32 v47, v20;
	v20 =	vmul.f32 v37, v37;
	v41 =	vld [tilespmem:$0x1F7F0]  }
0x515: {  	v21 =	vmul.f32 v4, v4;
	v23 =	vmul.f32 v9, v9;
	(xrf2) =	vadd.scan.msk.f32 $0xffff, v8;
	v8 =	vld [tilespmem:$0x1FF30]  }
0x516: {  	v27 =	vadd.f32 v20, v15;
	v15 =	vld [tilespmem:$0x1FFB0]  }
0x517: {  	v14 =	vadd.f32 $9.999999960e-13, v14;
	v47 =	vadd.f32 v23, v21;
	v23 =	vld [tilespmem:s24+$0xD40]  }
0x518: {  	v39 =	vmul.f32 v5, v5;
	v12 =	vadd.f32 v7, v45;
	v45 =	vld [tilespmem:$0x1F800]  }
0x519: {  	v14 =	vbroadcast v14, $0xF;
	v28 =	vadd.f32 v18, v19;
	v19 =	vmul.f32 v25, v59;
	v59 =	vld [tilespmem:$0x1F810]  }
0x51a: {  	v30 =	vadd.f32 v39, v47;
	v47 =	vmul.f32 v25, v57;
	v57 =	vmul.f32 v24, v16;
	v39 =	vld [tilespmem:$0x1F820]  }
0x51b: {  	v26 =	vadd.f32 v17, v26;
	v18 =	vmul.f32 v25, v40;
	v20 =	vmul.f32 v25, v41;
	v41 =	vld [tilespmem:$0x1FF70]  }
0x51c: {  	[tilespmem:$0x1F980] =	vst v31;
	v7 =	vmul.f32 v57, v24;
	v31 =	vsel vm15, v15, v8;
	v40 =	vshra.s32 v14, $0x1;
	v57 =	vld [tilespmem:$0x1FFF0]  }
0x51d: {  	v6 =	vmul.f32 v25, v51;
	v51 =	vadd.f32 v26, v31;
	v31 =	vsub.s32 $0x5F3759DF, v40;
	v40 =	vld [tilespmem:$0x1FFC0]  }
0x51e: {  	[tilespmem:$0x1F940] =	vst v47;
	v47 =	vmul.f32 v25, v59;
	v59 =	vld [tilespmem:s24+$0xD50]  }
0x51f: {  	v21 =	vmul.f32 v25, v45;
	v45 =	vmul.f32 v25, v39;
	v39 =	vld [tilespmem:$0x1FF40]  }
0x520: {  	v25 =	vld [tilespmem:s24+$0x8D50]  }
0x521: {  	v23 =	vadd.f32 v29, v23;
	v29 =	vmul.f32 $5.000000000e-01, v14  }
0x522: {  	v15 =	vld [tilespmem:$0x1FFD0];
	v3 =	vsel vm14, v57, v41  }
0x523: {  	v26 =	vsub.f32 $1.500000000e+00, v7;
	v7 =	vld [tilespmem:$0x1FF50];
	v8 =	vadd.f32 v28, v3;
	v28 =	vmul.f32 v31, v29  }
0x524: {  	v41 =	vsel vm15, v40, v39;
	v40 =	vld [tilespmem:s24+$0x8D60]  }
0x525: {  	v57 =	vadd.f32 v23, v41;
	v23 =	vadd.f32 v25, v59;
	v25 =	vmul.f32 v31, v28;
	v28 =	vld [tilespmem:s24+$0xD60]  }
0x526: {  	[tilespmem:$0x1F970] =	vst v0;
	v14 =	vmul.f32 v51, v51  }
0x527: {  	[tilespmem:$0x1F950] =	vst v6;
	v6, _, _ =	vpop (xrf2);
	v0 =	vmul.f32 v26, v24  }
0x528: {  	v24 =	vadd.f32 v14, v30;
	v14 =	vmul.f32 $7.812500000e-03, v6;
	v6 =	vld [tilespmem:$0x1F830];
	v39 =	vsel vm15, v15, v7  }
0x529: {  	v30 =	vmul.f32 v12, v12;
	v59 =	vadd.f32 v23, v39;
	v39 =	vld [tilespmem:$0x1FF60]  }
0x52a: {  	v22 =	vadd.f32 $9.999999960e-13, v22;
	v26, _, _ =	vpop (xrf2);
	v41 =	vmul.f32 v57, v57;
	v2 =	vadd.f32 v40, v28;
	v40 =	vld [tilespmem:$0x1FFE0]  }
0x52b: {  	v26 =	vmul.f32 $7.812500000e-03, v26;
	v27 =	vadd.f32 v30, v27;
	v23 =	vmul.f32 v14, v14  }
0x52c: {  	v30 =	vmul.f32 v8, v8;
	v25 =	vsub.f32 $1.500000000e+00, v25;
	v1 =	vadd.f32 v41, v24;
	v41 =	vld [tilespmem:$0x1F840]  }
0x52d: {  	[tilespmem:$0x1F9A0] =	vst v13;
	v23 =	vsub.f32 v26, v23;
	v24 =	vmul.f32 v59, v59;
	v26 =	vadd.f32 $0.0e+00, v13  }
0x52e: {  	[tilespmem:$0x1F9B0] =	vst v4;
	v31 =	vmul.f32 v31, v25;
	v25 =	vmul.f32 v0, v6;
	v13 =	vadd.f32 $0.0e+00, v4;
	v4 =	vld [tilespmem:$0x1F850]  }
0x52f: {  	v6 =	vld [tilespmem:$0x1F860];
	v15 =	vadd.f32 v24, v1;
	v26 =	vadd.f32 v48, v26;
	v24 =	vsel vm15, v40, v39  }
0x530: {  	[tilespmem:$0x1F9C0] =	vst v9;
	v9 =	vadd.f32 v9, v13;
	v13 =	vld [tilespmem:$0x1F870];
	v39 =	vadd.f32 v2, v24  }
0x531: {  	v7 =	vadd.f32 v30, v27;
	v27 =	vmul.f32 v0, v41;
	v41 =	vld [tilespmem:$0x1F880];
	v2 =	vadd.f32 v61, v26  }
0x532: {  	v22 =	vbroadcast v22, $0xF;
	v3 =	vadd.f32 v5, v9;
	v40 =	vmul.f32 v39, v39  }
0x533: {  	v17 =	vmul.f32 v0, v10;
	v28 =	vmul.f32 v0, v4;
	v2 =	vadd.f32 v62, v2  }
0x534: {  	v9 =	vld [tilespmem:s24+$0x8D70];
	v24 =	vmul.f32 v0, v6;
	v6 =	vadd.f32 v40, v15;
	v15 =	vadd.f32 v51, v3  }
0x535: {  	v4 =	vld [tilespmem:s24+$0xD70];
	v16 =	vmul.f32 v0, v13;
	v40 =	vmul.f32 v31, v29  }
0x536: {  	v26 =	vmul.f32 v0, v41;
	v13 =	vadd.f32 v38, v2;
	v2 =	vadd.f32 v57, v15;
	v15 =	vld [tilespmem:$0x1FF70]  }
0x537: {  	v29 =	vshra.s32 v22, $0x1;
	v22 =	vmul.f32 $5.000000000e-01, v22;
	v41 =	vmul.f32 v40, v31;
	v40 =	vld [tilespmem:$0x1FFF0]  }
0x538: {  	v30 =	vmul.f32 v0, v42;
	v29 =	vsub.s32 $0x5F3759DF, v29;
	v0 =	vadd.f32 v37, v13  }
0x539: {  	v42 =	vmul.f32 v29, v22;
	v13 =	vld [tilespmem:$0x1F8A0]  }
0x53a: {  	[tilespmem:$0x1F9D0] =	vst v5;
	v5 =	vbroadcast v11, $0xF;
	v4 =	vadd.f32 v9, v4;
	v0 =	vadd.f32 v12, v0  }
0x53b: {  	v10 =	vld [tilespmem:$0x1F890];
	v2 =	vadd.f32 v59, v2;
	v41 =	vsub.f32 $1.500000000e+00, v41;
	v1 =	vmul.f32 v29, v42  }
0x53c: {  	v42 =	vadd.f32 $9.999999960e-13, v23;
	v0 =	vadd.f32 v8, v0;
	v3 =	vsel vm15, v40, v15  }
0x53d: {  	v2 =	vadd.f32 v39, v2;
	v15 =	vadd.f32 v4, v3  }
0x53e: {  	v1 =	vsub.f32 $1.500000000e+00, v1;
	v11 =	vbroadcast v42, $0xF;
	v40 =	vsub.f32 v13, v5;
	(xrf2) =	vadd.scan.msk.f32 $0xffff, v0  }
0x53f: {  	v13 =	vsub.f32 v43, v5;
	(xrf2) =	vadd.scan.msk.f32 $0xffff, v7;
	v2 =	vadd.f32 v15, v2;
	v23 =	vmul.f32 v15, v15  }
0x540: {  	v4 =	vmul.f32 v41, v31;
	v0 =	vsub.f32 v10, v5;
	v1 =	vmul.f32 v29, v1;
	v41 =	vld [tilespmem:$0x1F8B0]  }
0x541: {  	v42 =	vshra.s32 v11, $0x1;
	v10 =	vsub.f32 v35, v5;
	v6 =	vadd.f32 v23, v6;
	(xrf2) =	vadd.scan.msk.f32 $0xffff, v2  }
0x542: {  	v11 =	vmul.f32 $5.000000000e-01, v11;
	v29 =	vsub.f32 v34, v5;
	v7 =	vmul.f32 v4, v40  }
0x543: {  	v43 =	vmul.f32 v4, v10;
	(xrf2) =	vadd.scan.msk.f32 $0xffff, v6;
	v6 =	vmul.f32 v1, v22;
	v22 =	vsub.s32 $0x5F3759DF, v42  }
0x544: {  	v46 =	vsub.f32 v46, v5;
	v29 =	vmul.f32 v4, v29;
	v31 =	vmul.f32 v22, v11  }
0x545: {  	v23 =	vmul.f32 v4, v0;
	v0 =	vsub.f32 v41, v5;
	v5 =	vsub.f32 v54, v5  }
0x546: {  	v40 =	vmul.f32 v4, v13;
	v31 =	vmul.f32 v22, v31  }
0x547: {  	v41 =	vmul.f32 v4, v46;
	v9 =	vmul.f32 v4, v0  }
0x548: {  	v42 =	vmul.f32 v4, v5;
	v0 =	vmul.f32 v6, v1;
	v4, _, _ =	vpop (xrf2);
	v31 =	vsub.f32 $1.500000000e+00, v31  }
0x549: {  	v33 =	vbroadcast v33, $0xF;
	v5, _, _ =	vpop (xrf2);
	v34 =	vmul.f32 $7.812500000e-03, v4  }
0x54a: {  	v3 =	vsub.f32 $1.500000000e+00, v0;
	v4 =	vld [tilespmem:$0x1FE00];
	v10 =	vmul.f32 $7.812500000e-03, v5;
	v22 =	vmul.f32 v22, v31  }
0x54b: {  	v5 =	vld [tilespmem:$0x1F8C0];
	v31 =	vsub.f32 v44, v33;
	v44 =	vsub.f32 v49, v33;
	v2 =	vmul.f32 v34, v34;
	v6, _, _ =	vpop (xrf2)  }
0x54c: {  	v49 =	vsub.f32 v53, v33;
	v53 =	vsub.f32 v56, v33;
	v13 =	vmul.f32 $7.812500000e-03, v6;
	v6 =	vld [tilespmem:$0x1FE10]  }
0x54d: {  	v56 =	vsub.f32 v60, v33;
	v60 =	vsub.f32 v10, v2;
	v10 =	vld [tilespmem:$0x1F8D0]  }
0x54e: {  	v54 =	vsub.f32 v58, v33;
	v46 =	vmul.f32 v3, v1;
	v3, _, _ =	vpop (xrf2)  }
0x54f: {  	v58 =	vsub.f32 v63, v33;
	v63 =	vsub.f32 v32, v33;
	v32 =	vmul.f32 $7.812500000e-03, v3  }
0x550: {  	v33 =	vmul.f32 v13, v13;
	v1 =	vmul.f32 v5, v4;
	v4 =	vld [tilespmem:$0x1FE30]  }
0x551: {  	v5 =	vld [tilespmem:$0x1F8F0]  }
0x552: {  	v35 =	vmul.f32 v10, v6;
	v6 =	vsub.f32 v32, v33;
	v32 =	vld [tilespmem:$0x1FE20]  }
0x553: {  	v33 =	vld [tilespmem:$0x1F8E0]  }
0x554: {  	v10 =	vld [tilespmem:$0x1FE80];
	_ =	sdelay $0x3  }
0x555: {  	v32 =	vmul.f32 v33, v32;
	v33 =	vmul.f32 v5, v4;
	v4 =	vld [tilespmem:$0x1FE40]  }
0x556: {  	v5 =	vadd.f32 v1, v10;
	v10 =	vld [tilespmem:$0x1F900];
	_ =	sdelay $0x4  }
0x557: {  	v0 =	vmul.f32 v10, v4;
	v4 =	vld [tilespmem:$0x1FE50]  }
0x558: {  	v10 =	vld [tilespmem:$0x1F910];
	_ =	sdelay $0x3  }
0x559: {  	v2 =	vld [tilespmem:$0x1FE60]  }
0x55a: {  	v1 =	vmul.f32 v10, v4;
	v10 =	vld [tilespmem:$0x1F920];
	_ =	sdelay $0x3  }
0x55b: {  	v3 =	vld [tilespmem:$0x1FE70]  }
0x55c: {  	v2 =	vmul.f32 v10, v2;
	v10 =	vld [tilespmem:$0x1F930];
	_ =	sdelay $0x4  }
0x55d: {  	v3 =	vmul.f32 v10, v3;
	v10 =	vld [tilespmem:$0x1FEA0];
	_ =	sdelay $0x4  }
0x55e: {  	v32 =	vadd.f32 v32, v10;
	v10 =	vld [tilespmem:$0x1FE00];
	_ =	sdelay $0x4  }
0x55f: {  	v18 =	vmul.f32 v18, v10;
	v10 =	vld [tilespmem:$0x1FE10];
	_ =	sdelay $0x4  }
0x560: {  	v19 =	vmul.f32 v19, v10;
	v10 =	vld [tilespmem:$0x1FEB0];
	_ =	sdelay $0x4  }
0x561: {  	v33 =	vadd.f32 v33, v10;
	v10 =	vld [tilespmem:$0x1FE20];
	_ =	sdelay $0x3  }
0x562: {  	v4 =	vld [tilespmem:$0x1FE90]  }
0x563: {  	v20 =	vmul.f32 v20, v10;
	v10 =	vld [tilespmem:$0x1FE30];
	_ =	sdelay $0x4  }
0x564: {  	v35 =	vadd.f32 v35, v4;
	v4 =	vmul.f32 v21, v10;
	v10 =	vld [tilespmem:$0x1FEC0];
	_ =	sdelay $0x2  }
0x565: {  	v21 =	vmul.f32 v46, v44;
	v44 =	vmul.f32 v46, v53;
	v53 =	vld [tilespmem:$0x1FEE0];
	_ =	sdelay $0x1  }
0x566: {  	v0 =	vadd.f32 v0, v10;
	v10 =	vmul.f32 v46, v31;
	v31 =	vld [tilespmem:$0x1FED0];
	_ =	sdelay $0x2  }
0x567: {  	v2 =	vadd.f32 v2, v53;
	v53 =	vmul.f32 v46, v56  }
0x568: {  	v56 =	vmul.f32 v22, v11;
	v11 =	vmul.f32 v46, v63;
	v63 =	vld [tilespmem:$0x1FE80]  }
0x569: {  	v31 =	vadd.f32 v1, v31;
	v1 =	vmul.f32 v46, v54;
	v54 =	vld [tilespmem:$0x1FEF0];
	_ =	sdelay $0x3  }
0x56a: {  	v49 =	vmul.f32 v46, v49;
	[tilespmem:s13+$0xD00] =	vst v5;
	v5 =	vld [tilespmem:$0x1FE60];
	v18 =	vadd.f32 v18, v63  }
0x56b: {  	v63 =	vld [tilespmem:$0x1FEA0];
	v54 =	vadd.f32 v3, v54;
	v3 =	vmul.f32 v46, v58;
	v46 =	vmul.f32 v56, v22  }
0x56c: {  	[tilespmem:s13+$0xD30] =	vst v33;
	v33 =	vld [tilespmem:$0x1FE90]  }
0x56d: {  	v58 =	vld [tilespmem:$0x1FE90];
	v46 =	vsub.f32 $1.500000000e+00, v46  }
0x56e: {  	v56 =	vld [tilespmem:$0x1FE40]  }
0x56f: {  	v22 =	vmul.f32 v46, v22;
	v46 =	vld [tilespmem:$0x1FE00]  }
0x570: {  	v20 =	vadd.f32 v20, v63;
	v63 =	vld [tilespmem:$0x1F940]  }
0x571: {  	[tilespmem:s13+$0xD50] =	vst v31;
	v31 =	vld [tilespmem:$0x1FE80]  }
0x572: {  	[tilespmem:s14+$0xD00] =	vst v18;
	v18 =	vld [tilespmem:$0x1FEC0]  }
0x573: {  	v19 =	vadd.f32 v19, v58;
	v58 =	vld [tilespmem:$0x1FEB0]  }
0x574: {  	v25 =	vmul.f32 v25, v46;
	v46 =	vld [tilespmem:$0x1FE40]  }
0x575: {  	v56 =	vmul.f32 v63, v56;
	v63 =	vld [tilespmem:$0x1FE50]  }
0x576: {  	[tilespmem:s14+$0xD20] =	vst v20;
	v20 =	vld [tilespmem:$0x1FEE0]  }
0x577: {  	[tilespmem:s13+$0xD70] =	vst v54;
	v54 =	vld [tilespmem:$0x1FEE0]  }
0x578: {  	v4 =	vadd.f32 v4, v58;
	v58 =	vadd.f32 $9.999999960e-13, v60;
	v60 =	vld [tilespmem:$0x1F950]  }
0x579: {  	[tilespmem:s13+$0xD60] =	vst v2;
	v2 =	vmul.f32 v16, v46;
	v16 =	vld [tilespmem:$0x1FE50]  }
0x57a: {  	v47 =	vmul.f32 v47, v63;
	v63 =	vld [tilespmem:$0x1FED0]  }
0x57b: {  	v2 =	vadd.f32 v2, v18;
	v18 =	vld [tilespmem:$0x1FED0]  }
0x57c: {  	[tilespmem:s14+$0xD10] =	vst v19;
	v19 =	vld [tilespmem:$0x1FE70]  }
0x57d: {  	v5 =	vmul.f32 v60, v5;
	v60 =	vld [tilespmem:$0x1FE70]  }
0x57e: {  	v25 =	vadd.f32 v25, v31;
	v31 =	vld [tilespmem:$0x1FE30];
	v16 =	vmul.f32 v26, v16  }
0x57f: {  	v47 =	vadd.f32 v47, v63;
	v63 =	vld [tilespmem:$0x1FEF0]  }
0x580: {  	v16 =	vadd.f32 v16, v18;
	v18 =	vld [tilespmem:$0x1FE60]  }
0x581: {  	v17 =	vmul.f32 v17, v19;
	v19 =	vld [tilespmem:$0x1FE00]  }
0x582: {  	v46 =	vld [tilespmem:$0x1FEB0];
	v45 =	vmul.f32 v45, v60  }
0x583: {  	[tilespmem:s14+$0xD50] =	vst v47;
	v47 =	vld [tilespmem:$0x1FF00]  }
0x584: {  	[tilespmem:s13+$0xD20] =	vst v32;
	v32 =	vadd.f32 v45, v63;
	v63 =	vld [tilespmem:$0x1FE10]  }
0x585: {  	v26 =	vld [tilespmem:$0x1FEA0];
	v18 =	vmul.f32 v30, v18  }
0x586: {  	v60 =	vld [tilespmem:$0x1FEC0]  }
0x587: {  	v18 =	vadd.f32 v18, v20;
	v20 =	vld [tilespmem:$0x1FE10]  }
0x588: {  	v45 =	vld [tilespmem:$0x1FF20]  }
0x589: {  	[tilespmem:s13+$0xD40] =	vst v0;
	v0 =	vmul.f32 v27, v63;
	v27 =	vld [tilespmem:$0x1FE20]  }
0x58a: {  	[tilespmem:s14+$0xD70] =	vst v32;
	v32 =	vld [tilespmem:$0x1FE50]  }
0x58b: {  	[tilespmem:s13+$0xD10] =	vst v35;
	v35 =	vadd.f32 v56, v60;
	v60 =	vld [tilespmem:$0x1FEE0]  }
0x58c: {  	v56 =	vbroadcast v58, $0xF;
	v7 =	vmul.f32 v7, v20;
	v20 =	vld [tilespmem:$0x1FEF0]  }
0x58d: {  	[tilespmem:s14+$0xD40] =	vst v35;
	v35 =	vld [tilespmem:$0x1FEE0]  }
0x58e: {  	v58 =	vshra.s32 v56, $0x1;
	v0 =	vadd.f32 v0, v33;
	v33 =	vld [tilespmem:$0x1FE60];
	v27 =	vmul.f32 v28, v27  }
0x58f: {  	v28 =	vsub.s32 $0x5F3759DF, v58;
	v58 =	vld [tilespmem:$0x1FE40]  }
0x590: {  	v26 =	vadd.f32 v27, v26;
	v27 =	vld [tilespmem:$0x1FEB0]  }
0x591: {  	v17 =	vadd.f32 v17, v20;
	v20 =	vld [tilespmem:$0x1FE80]  }
0x592: {  	v5 =	vadd.f32 v5, v60;
	v60 =	vmul.f32 $5.000000000e-01, v56;
	[tilespmem:s15+$0xD60] =	vst v18;
	v18 =	vld [tilespmem:$0x1FEC0]  }
0x593: {  	v24 =	vmul.f32 v24, v31;
	v19 =	vmul.f32 v23, v19;
	[tilespmem:s15+$0xD20] =	vst v26;
	v26 =	vld [tilespmem:$0x1FEA0]  }
0x594: {  	[tilespmem:s14+$0xD60] =	vst v5;
	v31 =	vmul.f32 v28, v60;
	v5 =	vmul.f32 v29, v58;
	v29 =	vld [tilespmem:$0x1F990]  }
0x595: {  	v58 =	vld [tilespmem:$0x1FE80]  }
0x596: {  	v24 =	vadd.f32 v24, v27;
	v27 =	vmul.f32 v28, v31;
	v19 =	vadd.f32 v19, v20;
	v20 =	vld [tilespmem:$0x1FE90]  }
0x597: {  	[tilespmem:s15+$0xD70] =	vst v17;
	v17 =	vld [tilespmem:$0x1F9A0]  }
0x598: {  	v23 =	vsub.f32 $1.500000000e+00, v27;
	v27 =	vld [tilespmem:$0x1F970]  }
0x599: {  	v14 =	vbroadcast v14, $0xF;
	[tilespmem:s15+$0xD30] =	vst v24;
	v24 =	vld [tilespmem:$0x1FEB0]  }
0x59a: {  	v56 =	vmul.f32 v28, v23;
	v23 =	vld [tilespmem:$0x1FE30]  }
0x59b: {  	v29 =	vsub.f32 v29, v14;
	v7 =	vadd.f32 v7, v20;
	v20 =	vld [tilespmem:$0x1FE20]  }
0x59c: {  	[tilespmem:s15+$0xD00] =	vst v25;
	v30 =	vsub.f32 v50, v14;
	v28 =	vld [tilespmem:$0x1F980]  }
0x59d: {  	[tilespmem:s15+$0xD50] =	vst v16;
	v16 =	vbroadcast v34, $0xF;
	v25 =	vmul.f32 v22, v29;
	v29 =	vsub.f32 v52, v14;
	v52 =	vld [tilespmem:$0x1FED0]  }
0x59e: {  	[tilespmem:s15+$0xD10] =	vst v0;
	v0 =	vmul.f32 v22, v30;
	v31 =	vmul.f32 v56, v60;
	v60 =	vsub.f32 v36, v14;
	v36 =	vld [tilespmem:$0x1FE00]  }
0x59f: {  	v30 =	vsub.f32 v55, v14;
	[tilespmem:s18+$0xD00] =	vst v19;
	v19 =	vsub.f32 v61, v16;
	v61 =	vld [tilespmem:$0x1FE90];
	v23 =	vmul.f32 v43, v23  }
0x5a0: {  	v12 =	vsub.f32 v12, v16;
	v8 =	vsub.f32 v8, v16;
	v9 =	vmul.f32 v9, v20;
	v20 =	vld [tilespmem:$0x1F960]  }
0x5a1: {  	v43 =	vld [tilespmem:$0x1FE50];
	v23 =	vadd.f32 v23, v24;
	v24 =	vmul.f32 v22, v30;
	v30 =	vsub.f32 v38, v16  }
0x5a2: {  	v38 =	vld [tilespmem:$0x1FE10];
	v9 =	vadd.f32 v9, v26;
	v26 =	vmul.f32 v22, v29;
	v29 =	vmul.f32 v31, v56  }
0x5a3: {  	v17 =	vsub.f32 v17, v16;
	v27 =	vsub.f32 v27, v14;
	[tilespmem:s18+$0xD10] =	vst v7;
	v7 =	vmul.f32 v40, v32;
	v40 =	vld [tilespmem:$0x1FE80]  }
0x5a4: {  	[tilespmem:s15+$0xD40] =	vst v2;
	v2 =	vmul.f32 v22, v60;
	v28 =	vsub.f32 v28, v14;
	v32 =	vld [tilespmem:$0x1FE40];
	v29 =	vsub.f32 $1.500000000e+00, v29  }
0x5a5: {  	[tilespmem:s14+$0xD30] =	vst v4;
	v27 =	vmul.f32 v22, v27;
	v10 =	vmul.f32 v10, v36;
	v36 =	vld [tilespmem:$0x1FEC0];
	v20 =	vsub.f32 v20, v14  }
0x5a6: {  	v28 =	vmul.f32 v22, v28;
	[tilespmem:s18+$0xD30] =	vst v23;
	v23 =	vld [tilespmem:$0x1FF90];
	v31 =	vsub.f32 v37, v16;
	v4 =	vmul.f32 v29, v56  }
0x5a7: {  	v29 =	vsub.f32 v62, v16;
	v20 =	vmul.f32 v22, v20;
	v22 =	vsub.f32 v48, v16;
	v16 =	vld [tilespmem:$0x1FED0]  }
0x5a8: {  	v6 =	vadd.f32 $9.999999960e-13, v6;
	v37 =	vld [tilespmem:$0x1FEF0]  }
0x5a9: {  	v0 =	vmul.f32 v0, v32;
	v32 =	vld [tilespmem:$0x1FEF0]  }
0x5aa: {  	v6 =	vbroadcast v6, $0xF;
	[tilespmem:s18+$0xD20] =	vst v9;
	v9 =	vmul.f32 v41, v33;
	v41 =	vld [tilespmem:$0x1FE30]  }
0x5ab: {  	v33 =	vld [tilespmem:$0x1FE50]  }
0x5ac: {  	v63 =	vshra.s32 v6, $0x1;
	v7 =	vadd.f32 v7, v16;
	v16 =	vld [tilespmem:$0x1FE70]  }
0x5ad: {  	v14 =	vsub.s32 $0x5F3759DF, v63;
	v63 =	vld [tilespmem:$0x1FEA0]  }
0x5ae: {  	v56 =	vld [tilespmem:$0x1FEF0]  }
0x5af: {  	v6 =	vmul.f32 $5.000000000e-01, v6;
	v62 =	vld [tilespmem:$0x1FE30]  }
0x5b0: {  	v9 =	vadd.f32 v9, v35;
	v35 =	vld [tilespmem:$0x1FE60]  }
0x5b1: {  	v5 =	vadd.f32 v5, v18;
	v18 =	vmul.f32 v14, v6;
	v48 =	vld [tilespmem:$0x1FE10];
	v16 =	vmul.f32 v42, v16  }
0x5b2: {  	v55 =	vmul.f32 v4, v30;
	v30 =	vld [tilespmem:$0x1FFF0]  }
0x5b3: {  	v18 =	vmul.f32 v14, v18;
	[tilespmem:s18+$0xD50] =	vst v7;
	v7 =	vadd.f32 v16, v37;
	v16 =	vld [tilespmem:$0x1FE20]  }
0x5b4: {  	[tilespmem:s18+$0xD60] =	vst v9;
	v9 =	vadd.f32 v10, v40;
	v40 =	vld [tilespmem:$0x1FEE0]  }
0x5b5: {  	v10 =	vmul.f32 v44, v41;
	v44 =	vld [tilespmem:$0x1FEA0];
	v18 =	vsub.f32 $1.500000000e+00, v18  }
0x5b6: {  	v42 =	vld [tilespmem:$0x1FE90]  }
0x5b7: {  	v34 =	vmul.f32 v14, v18;
	v18 =	vld [tilespmem:$0x1FE40]  }
0x5b8: {  	v50 =	vmul.f32 v4, v22;
	v22 =	vld [tilespmem:$0x1FF80];
	v16 =	vmul.f32 v49, v16  }
0x5b9: {  	v41 =	vld [tilespmem:$0x1FE00];
	v14 =	vmul.f32 v21, v38  }
0x5ba: {  	[tilespmem:s20+$0xD00] =	vst v9;
	v9 =	vadd.f32 v16, v44;
	v16 =	vld [tilespmem:$0x1FE70]  }
0x5bb: {  	v21 =	vld [tilespmem:$0x1FF70];
	[tilespmem:s18+$0xD70] =	vst v7;
	v7 =	vadd.f32 v14, v42  }
0x5bc: {  	v6 =	vmul.f32 v34, v6;
	v1 =	vmul.f32 v1, v18;
	v18 =	vld [tilespmem:$0x1FE60]  }
0x5bd: {  	v14 =	vmul.f32 v53, v43;
	[tilespmem:s20+$0xD10] =	vst v7;
	v7 =	vadd.f32 v10, v46;
	v49 =	vld [tilespmem:$0x1FEC0]  }
0x5be: {  	v38 =	vld [tilespmem:$0x1FE70];
	v6 =	vmul.f32 v6, v34  }
0x5bf: {  	[tilespmem:s20+$0xD30] =	vst v7;
	v7 =	vadd.f32 v14, v52;
	v11 =	vmul.f32 v11, v16;
	v16 =	vld [tilespmem:$0x1FE00]  }
0x5c0: {  	v6 =	vsub.f32 $1.500000000e+00, v6;
	v37 =	vld [tilespmem:$0x1FED0]  }
0x5c1: {  	[tilespmem:s20+$0xD50] =	vst v7;
	v7 =	vadd.f32 v11, v56;
	v11 =	vmul.f32 v4, v12;
	v12 =	vld [tilespmem:$0x1FE20]  }
0x5c2: {  	[tilespmem:s18+$0xD40] =	vst v5;
	v5 =	vmul.f32 v6, v34;
	v34 =	vld [tilespmem:$0x1FEB0];
	v3 =	vmul.f32 v3, v18;
	v1 =	vadd.f32 v1, v49  }
0x5c3: {  	v18 =	vmul.f32 v4, v19;
	v53 =	vmul.f32 v4, v29;
	v29 =	vld [tilespmem:$0x1FF30]  }
0x5c4: {  	v19 =	vmul.f32 v4, v31;
	v31 =	vld [tilespmem:$0x1FF40];
	[tilespmem:s20+$0xD40] =	vst v1;
	v1 =	vadd.f32 v3, v54;
	v16 =	vmul.f32 v20, v16  }
0x5c5: {  	v17 =	vmul.f32 v4, v17;
	v42 =	vld [tilespmem:$0x1FE10]  }
0x5c6: {  	v43 =	vld [tilespmem:$0x1FEF0];
	[tilespmem:s20+$0xD60] =	vst v1;
	v1 =	vmul.f32 v4, v8;
	v4 =	vadd.f32 v16, v58;
	v60 =	vmul.f32 v28, v12  }
0x5c7: {  	v10 =	vmul.f32 v27, v48;
	v27 =	vld [tilespmem:$0x1FFD0]  }
0x5c8: {  	v48 =	vld [tilespmem:$0x1FE90];
	v8 =	vmul.f32 v26, v33;
	[tilespmem:s21+$0xD00] =	vst v4;
	v4 =	vadd.f32 v60, v63  }
0x5c9: {  	v14 =	vld [tilespmem:$0x1FE50]  }
0x5ca: {  	[tilespmem:s21+$0xD20] =	vst v4;
	v4 =	vadd.f32 v8, v37;
	v8 =	vmul.f32 v50, v42;
	v50 =	vld [tilespmem:$0x1FE40]  }
0x5cb: {  	v52 =	vld [tilespmem:$0x1F9B0]  }
0x5cc: {  	[tilespmem:s20+$0xD20] =	vst v9;
	v9 =	vbroadcast v13, $0xF;
	v13 =	vld [tilespmem:$0x1FE30]  }
0x5cd: {  	[tilespmem:s20+$0xD70] =	vst v7;
	v7 =	vadd.f32 v10, v61;
	v61 =	vld [tilespmem:$0x1FE70]  }
0x5ce: {  	v10 =	vmul.f32 v25, v62;
	v16 =	vld [tilespmem:$0x1FE80]  }
0x5cf: {  	v0 =	vadd.f32 v0, v36;
	v3 =	vmul.f32 v55, v50;
	v55 =	vld [tilespmem:$0x1F9C0]  }
0x5d0: {  	v2 =	vmul.f32 v2, v38;
	[tilespmem:s21+$0xD10] =	vst v7;
	v6 =	vadd.f32 v10, v34;
	v7 =	vmul.f32 v24, v35;
	v58 =	vld [tilespmem:$0x1FE60]  }
0x5d1: {  	[tilespmem:s21+$0xD40] =	vst v0;
	v44 =	vmul.f32 v18, v12;
	v18 =	vld [tilespmem:$0x1FEB0]  }
0x5d2: {  	v0 =	vadd.f32 v2, v43;
	[tilespmem:s21+$0xD30] =	vst v6;
	v6 =	vadd.f32 v7, v40;
	v7 =	vmul.f32 v17, v41;
	v17 =	vld [tilespmem:$0x1FEA0]  }
0x5d3: {  	v60 =	vld [tilespmem:$0x1FED0]  }
0x5d4: {  	[tilespmem:s21+$0xD70] =	vst v0;
	v49 =	vmul.f32 v53, v13;
	v63 =	vld [tilespmem:$0x1FEE0];
	v10 =	vsub.f32 v55, v9  }
0x5d5: {  	v46 =	vadd.f32 v7, v16;
	[tilespmem:s21+$0xD50] =	vst v4;
	v4 =	vmul.f32 v11, v58;
	v11 =	vld [tilespmem:$0x1F9D0]  }
0x5d6: {  	v34 =	vsub.f32 v51, v9;
	[tilespmem:s21+$0xD60] =	vst v6;
	v53 =	vadd.f32 v49, v18;
	v62 =	vmul.f32 v5, v10;
	v10 =	vld [tilespmem:$0x1FE00]  }
0x5d7: {  	v56 =	vld [tilespmem:$0x1FEC0];
	v1 =	vmul.f32 v1, v61;
	v6 =	vsub.f32 v52, v9;
	v7 =	vadd.f32 v8, v48;
	[tilespmem:s23+$0xD00] =	vst v46  }
0x5d8: {  	v54 =	vmul.f32 v19, v14;
	v33 =	vld [tilespmem:$0x1FE10];
	v2 =	vadd.f32 v44, v17;
	v48 =	vsub.f32 v59, v9;
	[tilespmem:s23+$0xD30] =	vst v53  }
0x5d9: {  	v61 =	vld [tilespmem:$0x1FE70];
	v0 =	vadd.f32 v1, v32;
	v6 =	vmul.f32 v5, v6;
	v46 =	vmul.f32 v5, v34;
	[tilespmem:s23+$0xD10] =	vst v7  }
0x5da: {  	v7 =	vadd.f32 v54, v60;
	[tilespmem:s23+$0xD20] =	vst v2;
	v2 =	vadd.f32 v4, v63;
	v53 =	vmul.f32 v5, v48;
	v60 =	vld [tilespmem:$0x1FED0]  }
0x5db: {  	v44 =	vld [tilespmem:$0x1FE90];
	v52 =	vmul.f32 v46, v13;
	v4 =	vmul.f32 v6, v10;
	v6 =	vsub.f32 v11, v9  }
0x5dc: {  	v43 =	vsub.f32 v57, v9;
	v51 =	vsub.f32 v39, v9;
	[tilespmem:s23+$0xD70] =	vst v0;
	v55 =	vld [tilespmem:$0x1FE40]  }
0x5dd: {  	v58 =	vld [tilespmem:$0x1FEC0];
	[tilespmem:s23+$0xD50] =	vst v7;
	v57 =	vmul.f32 v53, v14;
	v0 =	vadd.f32 v52, v18;
	v42 =	vmul.f32 v5, v6  }
0x5de: {  	v59 =	vld [tilespmem:$0x1FE60];
	v54 =	vsub.f32 v15, v9;
	[tilespmem:s23+$0xD60] =	vst v2;
	v3 =	vadd.f32 v3, v56;
	v1 =	vmul.f32 v62, v33  }
0x5df: {  	v63 =	vld [tilespmem:$0x1FEF0];
	v50 =	vmul.f32 v5, v43;
	[tilespmem:s24+$0xD30] =	vst v0;
	v0 =	vadd.f32 v57, v60;
	v49 =	vmul.f32 v42, v12  }
0x5e0: {  	v56 =	vmul.f32 v5, v51;
	[tilespmem:s23+$0xD40] =	vst v3;
	v62 =	vld [tilespmem:$0x1FEE0];
	v1 =	vadd.f32 v1, v44;
	v5 =	vmul.f32 v5, v54  }
0x5e1: {  	v19 =	vld [tilespmem:$0x1FF50];
	[tilespmem:s24+$0xD50] =	vst v0;
	v3 =	vmul.f32 v50, v55;
	v2 =	vadd.f32 v49, v17  }
0x5e2: {  	p0 =	slt.u32 s6, $0xB8;
	v26 =	vld [tilespmem:$0x1FFC0];
	[tilespmem:s24+$0xD10] =	vst v1;
	v35 =	vadd.f32 v4, v16;
	v1 =	vmul.f32 v5, v61  }
.Ltmp2:
0x5e3: {  	v25 =	vld [tilespmem:$0x1FFB0];
	[tilespmem:s24+$0xD20] =	vst v2;
	v2 =	vadd.f32 v3, v58;
	v3 =	vmul.f32 v56, v59;
	(pc) =	sbr.rel @p0 .LBB2_6-.Ltmp2, $4  }
0x5e4: {  	v20 =	vld [tilespmem:$0x1FF60];
	[tilespmem:s24+$0xD00] =	vst v35;
	v0 =	vadd.f32 v1, v63  }
0x5e5: {  	v24 =	vld [tilespmem:$0x1FFA0];
	[tilespmem:s24+$0xD40] =	vst v2;
	v2 =	vadd.f32 v3, v62  }
0x5e6: {  	v39 =	vld [tilespmem:$0x1FF10];
	[tilespmem:s24+$0xD70] =	vst v0  }
0x5e7: {  	s6 =	sadd.s32 $0x8, s6;
	v28 =	vld [tilespmem:$0x1FFE0];
	[tilespmem:s24+$0xD60] =	vst v2  }
0x5e8: {  	s6 =	sadd.s32 $0x800, s10  }
0x5e9: {  	[hbm4b:s6+s7] =	stream.linear.scatter [tilespmem:s4], [sflag:$0x3], $0x2000, $0x38;
	[tilespmem:$0x10F00] =	vst v63  }
0x5ea: {  	_ =	swait.ge [sflag:s0], $0x1000  }
0x5eb: {  	[sflag:s0] =	ssyncset.done $0x0  }
0x5ec: {  	[sflag:s0] =	ssyncadd.s32 $0xFFFFF000  }
0x5ed: {  	_ =	swait.ge [sflag:s0], $0x1000  }
0x5ee: {  	[sflag:s0] =	ssyncset.done $0x0  }
0x5ef: {  	[sflag:s0] =	ssyncadd.s32 $0xFFFFF000  }
0x5f0: {  	_ =	swait.ge [sflag:s0], $0x1000  }
0x5f1: {  	[sflag:s0] =	ssyncset.done $0x0  }
0x5f2: {  	[sflag:s0] =	ssyncadd.s32 $0xFFFFF000  }
0x5f3: {  	_ =	swait.ge [sflag:s0], $0x1000  }
0x5f4: {  	[sflag:s0] =	ssyncset.done $0x0  }
0x5f5: {  	s6 =	simm.s32 $0xC0;
	[sflag:s0] =	ssyncadd.s32 $0xFFFFF000  }
.LBB2_8:
0x5f6: {  	s13 =	sshll.u32 s6, $0x7  }
0x5f7: {  	v1 =	vld [tilespmem:s13+$0xD00]  }
0x5f8: {  	v0 =	vmov s6;
	v2 =	vld [tilespmem:s13+$0x8D00]  }
0x5f9: {  	v0 =	vand.u32 $0xFFFFFFF8, v0;
	v3 =	vld [tilespmem:s13+$0xD10]  }
0x5fa: {  	v4 =	vld [tilespmem:s13+$0x8D10];
	v0 =	vbroadcast v0, $0x0  }
0x5fb: {  	v32 =	vld [tilespmem:s13+$0xD20]  }
0x5fc: {  	v5 =	vld [tilespmem:s13+$0x8D20]  }
0x5fd: {  	v35 =	vld [tilespmem:s13+$0xD30]  }
0x5fe: {  	v6 =	vld [tilespmem:s13+$0x8D30]  }
0x5ff: {  	v8 =	vld [tilespmem:s13+$0xD40]  }
0x600: {  	v0 =	vld.idx.msk [tilespmem:v0+s5+$0x0], $0xffff  }
0x601: {  	v9 =	vld [tilespmem:s13+$0x8D40]  }
0x602: {  	v11 =	vld [tilespmem:s13+$0xD50]  }
0x603: {  	v41 =	vld [tilespmem:s13+$0x8D50]  }
0x604: {  	v48 =	vld [tilespmem:s13+$0xD60]  }
0x605: {  	v15 =	vadd.f32 v2, v1;
	v13 =	vld [tilespmem:s13+$0x8D60];
	vm0 =	vgt.f32 v0, $5.000000000e-01  }
0x606: {  	s14 =	sor.u32 $0x1, s6;
	v34 =	vadd.f32 v4, v3;
	v33 =	vsel vm0, v22, v47  }
0x607: {  	v12 =	vmov s14;
	v2 =	vadd.f32 v5, v32;
	v0 =	vadd.f32 v15, v33  }
0x608: {  	v40 =	vadd.f32 v6, v35;
	v46 =	vadd.f32 v9, v8;
	v36 =	vsel vm0, v23, v39  }
0x609: {  	v42 =	vand.u32 $0xFFFFFFF9, v12;
	v1 =	vadd.f32 v34, v36;
	v7 =	vadd.f32 $0.0e+00, v0  }
0x60a: {  	v3 =	vadd.f32 v41, v11;
	v8 =	vadd.f32 v13, v48;
	v38 =	vsel vm0, v24, v45  }
0x60b: {  	v12 =	vbroadcast v42, $0x0;
	v50 =	vld [tilespmem:s13+$0xD70];
	v4 =	vadd.f32 v2, v38;
	v7 =	vadd.f32 v1, v7  }
0x60c: {  	s14 =	sshll.u32 s14, $0x7;
	v51 =	vld [tilespmem:s13+$0x8D70];
	v43 =	vsel vm0, v25, v29;
	v10 =	vmul.f32 v0, v0;
	v37 =	vmul.f32 v1, v1  }
0x60d: {  	v55 =	vld [tilespmem:s14+$0xD00];
	v5 =	vadd.f32 v40, v43;
	v7 =	vadd.f32 v4, v7  }
0x60e: {  	v59 =	vld [tilespmem:s14+$0x8D00];
	v49 =	vsel vm0, v26, v31;
	v44 =	vmul.f32 v4, v4;
	v10 =	vadd.f32 v37, v10  }
0x60f: {  	v60 =	vld [tilespmem:s14+$0xD10];
	v6 =	vadd.f32 v46, v49;
	v7 =	vadd.f32 v5, v7  }
0x610: {  	v63 =	vld [tilespmem:s14+$0x8D10];
	v53 =	vsel vm0, v27, v19;
	v58 =	vsel vm0, v28, v20;
	v10 =	vadd.f32 v44, v10  }
0x611: {  	v54 =	vld.idx.msk [tilespmem:v12+s5+$0x0], $0xffff;
	v14 =	vmul.f32 v5, v5;
	v15 =	vadd.f32 v6, v7;
	v7 =	vadd.f32 v3, v53  }
0x612: {  	v35 =	vld [tilespmem:s14+$0xD20];
	v62 =	vsel vm0, v30, v21;
	v32 =	vadd.f32 v8, v58;
	v2 =	vadd.f32 v51, v50  }
0x613: {  	v41 =	vld [tilespmem:s14+$0xD30];
	v52 =	vmul.f32 v6, v6;
	v10 =	vadd.f32 v14, v10;
	v56 =	vadd.f32 v7, v15  }
0x614: {  	v43 =	vld [tilespmem:s14+$0x8D30];
	v33 =	vadd.f32 v2, v62  }
0x615: {  	v48 =	vld [tilespmem:s14+$0x8D40];
	v10 =	vadd.f32 v52, v10;
	v57 =	vmul.f32 v7, v7;
	v12 =	vadd.f32 v32, v56  }
0x616: {  	s15 =	sor.u32 $0x2, s6;
	vm10 =	vgt.f32 v54, $5.000000000e-01;
	v38 =	vadd.f32 v59, v55;
	v8 =	vadd.f32 v63, v60;
	v37 =	vld [tilespmem:s14+$0x8D20]  }
0x617: {  	v54 =	vmov s15;
	v55 =	vld [tilespmem:s14+$0xD60];
	v61 =	vadd.f32 v57, v10;
	v10 =	vadd.f32 v33, v12  }
0x618: {  	v40 =	vsel vm10, v22, v47;
	v42 =	vsel vm10, v23, v39;
	v44 =	vld [tilespmem:s14+$0xD40];
	v14 =	vmul.f32 v32, v32  }
0x619: {  	v18 =	vsel vm10, v25, v29;
	v59 =	vld [tilespmem:s14+$0xD70];
	v16 =	vadd.f32 v8, v42;
	(xrf2) =	vadd.scan.msk.f32 $0xffff, v10;
	v10 =	vadd.f32 v43, v41  }
0x61a: {  	v36 =	vmul.f32 v33, v33;
	v52 =	vld [tilespmem:s14+$0xD50];
	v15 =	vadd.f32 v38, v40;
	v9 =	vadd.f32 v14, v61  }
0x61b: {  	v51 =	vsel vm10, v24, v45;
	v2 =	vadd.f32 v37, v35;
	v20 =	vadd.f32 v10, v18;
	v18 =	vld [tilespmem:s14+$0x8D60]  }
0x61c: {  	v50 =	vmul.f32 v16, v16;
	v53 =	vld [tilespmem:s14+$0x8D50];
	v46 =	vadd.f32 $0.0e+00, v15;
	v9 =	vadd.f32 v36, v9  }
0x61d: {  	v22 =	vld [tilespmem:$0x1FF50];
	v17 =	vadd.f32 v2, v51;
	v3 =	vadd.f32 v48, v44;
	v49 =	vmul.f32 v15, v15  }
0x61e: {  	s15 =	sshll.u32 s15, $0x7;
	v13 =	vand.u32 $0xFFFFFFFA, v54;
	v60 =	vld [tilespmem:s14+$0x8D70];
	v57 =	vsel vm10, v26, v31;
	v8 =	vadd.f32 v16, v46;
	(xrf2) =	vadd.scan.msk.f32 $0xffff, v9  }
0x61f: {  	v24 =	vld [tilespmem:s15+$0xD00];
	v21 =	vadd.f32 v3, v57;
	v12 =	vadd.f32 v50, v49;
	v14 =	vmul.f32 v17, v17  }
0x620: {  	v56 =	vbroadcast v13, $0x0;
	v8 =	vadd.f32 v17, v8;
	v9 =	vadd.f32 v18, v55;
	v18 =	vld [tilespmem:$0x1FF60]  }
0x621: {  	v34 =	vld [tilespmem:s15+$0x8D00];
	v2 =	vadd.f32 v53, v52;
	v12 =	vadd.f32 v14, v12;
	v58 =	vmul.f32 v20, v20  }
0x622: {  	v22 =	vsel vm10, v27, v22;
	v36 =	vld [tilespmem:$0x1FF70];
	v8 =	vadd.f32 v20, v8  }
0x623: {  	v37 =	vld [tilespmem:s15+$0xD10];
	v61 =	vmul.f32 v21, v21;
	v22 =	vadd.f32 v2, v22;
	v12 =	vadd.f32 v58, v12  }
0x624: {  	v38 =	vld [tilespmem:s15+$0x8D10];
	v3 =	vadd.f32 v60, v59;
	v8 =	vadd.f32 v21, v8  }
0x625: {  	v46 =	vld [tilespmem:$0x1FF90];
	v63 =	vmul.f32 v22, v22;
	v12 =	vadd.f32 v61, v12;
	v18 =	vsel vm10, v28, v18  }
0x626: {  	v10 =	vld.idx.msk [tilespmem:v56+s5+$0x0], $0xffff;
	v8 =	vadd.f32 v22, v8;
	v19, _, _ =	vpop (xrf2);
	v23 =	vadd.f32 v9, v18  }
0x627: {  	v43 =	vld [tilespmem:$0x1FF80];
	v35 =	vadd.f32 v63, v12;
	v12 =	vsel vm10, v30, v36;
	v13 =	vmul.f32 $7.812500000e-03, v19  }
0x628: {  	v29 =	vld [tilespmem:s15+$0xD50];
	v25 =	vadd.f32 v3, v12;
	v19, _, _ =	vpop (xrf2);
	v8 =	vadd.f32 v23, v8;
	v18 =	vmul.f32 v23, v23  }
0x629: {  	v27 =	vld [tilespmem:s15+$0x8D20];
	v40 =	vadd.f32 v34, v24;
	v19 =	vmul.f32 $7.812500000e-03, v19;
	v62 =	vmul.f32 v13, v13  }
0x62a: {  	v26 =	vld [tilespmem:s15+$0xD20];
	v12 =	vmul.f32 v25, v25;
	v11 =	vadd.f32 v18, v35;
	v8 =	vadd.f32 v25, v8  }
0x62b: {  	v54 =	vld [tilespmem:$0x1FF30];
	vm11 =	vgt.f32 v10, $5.000000000e-01;
	v3 =	vadd.f32 v38, v37;
	v2 =	vsub.f32 v19, v62  }
0x62c: {  	v44 =	vld [tilespmem:s15+$0x8D30];
	v11 =	vadd.f32 v12, v11;
	(xrf2) =	vadd.scan.msk.f32 $0xffff, v8;
	v12 =	vsel vm11, v43, v47;
	v8 =	vsel vm11, v46, v39  }
0x62d: {  	v48 =	vld [tilespmem:s15+$0xD40];
	v19 =	vadd.f32 v40, v12;
	v18 =	vadd.f32 v3, v8  }
0x62e: {  	v53 =	vld [tilespmem:s15+$0x8D50]  }
0x62f: {  	v52 =	vadd.f32 v27, v26;
	v28 =	vld [tilespmem:$0x1FFA0];
	v26 =	vmul.f32 v19, v19;
	v27 =	vmul.f32 v18, v18  }
0x630: {  	v41 =	vld [tilespmem:s15+$0xD30]  }
0x631: {  	v26 =	vadd.f32 v27, v26;
	v27 =	vld [tilespmem:$0x1FFB0]  }
0x632: {  	v49 =	vld [tilespmem:s15+$0x8D40]  }
0x633: {  	v58 =	vld [tilespmem:$0x1FFC0]  }
0x634: {  	v59 =	vadd.f32 v53, v29;
	v28 =	vsel vm11, v28, v45;
	v51 =	vadd.f32 $0.0e+00, v19  }
0x635: {  	v9 =	vadd.f32 v44, v41;
	v36 =	vadd.f32 v52, v28  }
0x636: {  	v55 =	vld [tilespmem:s15+$0x8D60];
	v2 =	vadd.f32 $9.999999960e-13, v2;
	(xrf2) =	vadd.scan.msk.f32 $0xffff, v11;
	v10 =	vadd.f32 v18, v51;
	v11 =	vsel vm11, v27, v54  }
0x637: {  	v28 =	vmul.f32 v36, v36;
	v3 =	vadd.f32 v49, v48;
	v27 =	vld [tilespmem:s15+$0xD60];
	v11 =	vadd.f32 v9, v11  }
0x638: {  	v34 =	vld [tilespmem:s15+$0x8D70];
	v2 =	vbroadcast v2, $0xF;
	v57 =	vadd.f32 v36, v10;
	v10 =	vsel vm11, v58, v31  }
0x639: {  	v29 =	vld [tilespmem:$0x1FF50];
	v26 =	vadd.f32 v28, v26;
	v3 =	vadd.f32 v3, v10;
	v28 =	vmul.f32 v11, v11  }
0x63a: {  	v61 =	vld [tilespmem:$0x1FF70];
	v42 =	vshra.s32 v2, $0x1;
	v2 =	vmul.f32 $5.000000000e-01, v2  }
0x63b: {  	v35 =	vld [tilespmem:$0x1FFD0];
	v24 =	vsub.s32 $0x5F3759DF, v42;
	v26 =	vadd.f32 v28, v26;
	v28 =	vmul.f32 v3, v3  }
0x63c: {  	v50 =	vmul.f32 v24, v2;
	v9 =	vadd.f32 v55, v27;
	v27 =	vld [tilespmem:$0x1FF60]  }
0x63d: {  	v26 =	vadd.f32 v28, v26;
	v28 =	vld [tilespmem:$0x1FFE0]  }
0x63e: {  	v30 =	vld [tilespmem:s15+$0xD70];
	v8 =	vmul.f32 v24, v50  }
0x63f: {  	v62 =	vld [tilespmem:$0x1FFF0]  }
0x640: {  	v29 =	vsel vm11, v35, v29;
	v56 =	vsub.f32 $1.500000000e+00, v8;
	v8 =	vadd.f32 v11, v57  }
0x641: {  	v10 =	vadd.f32 v59, v29  }
0x642: {  	v8 =	vadd.f32 v3, v8;
	v27 =	vsel vm11, v28, v27  }
0x643: {  	v28 =	vmul.f32 v10, v10;
	v9 =	vadd.f32 v9, v27;
	v27 =	vadd.f32 v34, v30  }
0x644: {  	v30 =	vadd.f32 v10, v8;
	v8 =	vsel vm11, v62, v61  }
0x645: {  	v26 =	vadd.f32 v28, v26;
	v28 =	vmul.f32 v9, v9;
	v8 =	vadd.f32 v27, v8  }
0x646: {  	s18 =	sor.u32 $0x3, s6  }
0x647: {  	v31, _, _ =	vpop (xrf2);
	v26 =	vadd.f32 v28, v26;
	v27 =	vmul.f32 v8, v8;
	v28 =	vmov s18  }
0x648: {  	v31 =	vmul.f32 $7.812500000e-03, v31;
	v28 =	vand.u32 $0xFFFFFFFB, v28  }
0x649: {  	v60, _, _ =	vpop (xrf2);
	v26 =	vadd.f32 v27, v26;
	v27 =	vbroadcast v28, $0x0  }
0x64a: {  	v14 =	vmul.f32 $7.812500000e-03, v60;
	v29 =	vmul.f32 v31, v31;
	_ =	sdelay $0x1  }
0x64b: {  	v12 =	vmul.f32 v24, v56;
	v14 =	vsub.f32 v14, v29;
	v24 =	vadd.f32 v9, v30;
	_ =	sdelay $0x1  }
0x64c: {  	v14 =	vadd.f32 $9.999999960e-13, v14;
	v24 =	vadd.f32 v8, v24  }
0x64d: {  	v2 =	vmul.f32 v12, v2;
	v35 =	vld.idx.msk [tilespmem:v27+s5+$0x0], $0xffff;
	v27 =	vbroadcast v31, $0xF  }
0x64e: {  	v14 =	vbroadcast v14, $0xF;
	(xrf2) =	vadd.scan.msk.f32 $0xffff, v24  }
0x64f: {  	v48 =	vld [tilespmem:$0x1FF90];
	s18 =	sshll.u32 s18, $0x7;
	(xrf2) =	vadd.scan.msk.f32 $0xffff, v26;
	v26 =	vmul.f32 v2, v12;
	v59 =	vsub.f32 v16, v27;
	v16 =	vsub.f32 v17, v27  }
0x650: {  	v63 =	vshra.s32 v14, $0x1;
	v24 =	vbroadcast v13, $0xF;
	v28 =	vld [tilespmem:s18+$0x8D00]  }
0x651: {  	s20 =	sor.u32 $0x4, s6;
	v2 =	vmul.f32 $5.000000000e-01, v14;
	v14 =	vsub.f32 $1.500000000e+00, v26;
	v26 =	vld [tilespmem:s18+$0xD00];
	[tilespmem:$0x1F5F0] =	vst v16;
	v16 =	vsub.f32 v20, v27  }
0x652: {  	v46 =	vmov s20;
	s20 =	sshll.u32 s20, $0x7;
	v20 =	vsub.f32 v22, v27;
	v22 =	vsub.f32 v25, v27;
	v25 =	vld [tilespmem:$0x1FF80]  }
0x653: {  	v54 =	vld [tilespmem:s20+$0xD00];
	v61 =	vsub.f32 v0, v24  }
0x654: {  	v41 =	vsub.f32 v1, v24;
	v4 =	vsub.f32 v4, v24;
	v17 =	vld [tilespmem:s18+$0xD20]  }
0x655: {  	v13 =	vsub.s32 $0x5F3759DF, v63;
	v40 =	vsub.f32 v5, v24;
	v57 =	vsub.f32 v21, v27;
	v21 =	vld [tilespmem:s18+$0x8D20]  }
0x656: {  	v38 =	vld [tilespmem:s18+$0xD10];
	v5 =	vsub.f32 v6, v24;
	v44 =	vadd.f32 v28, v26;
	vm12 =	vgt.f32 v35, $5.000000000e-01  }
0x657: {  	v43 =	vld [tilespmem:s18+$0x8D10];
	v6 =	vsub.f32 v7, v24;
	v34 =	vmul.f32 v13, v2;
	v25 =	vsel vm12, v25, v47  }
0x658: {  	v50 =	vld [tilespmem:s18+$0x8D40];
	v7 =	vsub.f32 v32, v24;
	[tilespmem:$0x1F600] =	vst v16;
	v16, _, _ =	vpop (xrf2);
	v26 =	vadd.f32 v44, v25  }
0x659: {  	v37 =	vsub.f32 v33, v24;
	v24 =	vld [tilespmem:s18+$0x8D30];
	v0 =	vmul.f32 v13, v34;
	[tilespmem:$0x1F610] =	vst v20;
	v16 =	vmul.f32 $7.812500000e-03, v16  }
0x65a: {  	v49 =	vadd.f32 v21, v17;
	v20, _, _ =	vpop (xrf2);
	[tilespmem:$0x1F690] =	vst v26;
	v17 =	vadd.f32 $0.0e+00, v26;
	v21 =	vmul.f32 v26, v26;
	v26 =	vld [tilespmem:$0x1FFA0]  }
0x65b: {  	v51 =	vsub.f32 v23, v27;
	[tilespmem:$0x1F620] =	vst v22;
	v22 =	vld [tilespmem:s18+$0xD30];
	v20 =	vmul.f32 $7.812500000e-03, v20;
	v23 =	vmul.f32 v16, v16  }
0x65c: {  	v42 =	vsub.f32 $1.500000000e+00, v0;
	v0 =	vadd.f32 v43, v38;
	v25 =	vld [tilespmem:s18+$0xD40]  }
0x65d: {  	v1 =	vsel vm12, v48, v39;
	v62 =	vsub.f32 v20, v23;
	v20 =	vld [tilespmem:$0x1FF30]  }
0x65e: {  	v15 =	vsub.f32 v15, v27;
	v29 =	vadd.f32 v0, v1;
	v23 =	vld [tilespmem:$0x1FFB0]  }
0x65f: {  	v56 =	vld [tilespmem:$0x1FF60];
	v26 =	vsel vm12, v26, v45  }
0x660: {  	[tilespmem:$0x1F5E0] =	vst v15;
	v15 =	vand.u32 $0xFFFFFFFC, v46;
	v27 =	vld [tilespmem:s18+$0xD50];
	v17 =	vadd.f32 v29, v17;
	v26 =	vadd.f32 v49, v26  }
0x661: {  	v15 =	vbroadcast v15, $0x0;
	v28 =	vmul.f32 v29, v29;
	v1 =	vadd.f32 v50, v25;
	v25 =	vld [tilespmem:$0x1FF40]  }
0x662: {  	v52 =	vadd.f32 v24, v22;
	[tilespmem:$0x1F6B0] =	vst v26;
	v24 =	vmul.f32 v26, v26;
	v17 =	vadd.f32 v26, v17;
	v26 =	vld [tilespmem:$0x1FFC0]  }
0x663: {  	v22 =	vld [tilespmem:s18+$0x8D50];
	v20 =	vsel vm12, v23, v20  }
0x664: {  	v60 =	vld [tilespmem:$0x1FF80];
	v21 =	vadd.f32 v28, v21;
	v35 =	vadd.f32 v52, v20  }
0x665: {  	v53 =	vld [tilespmem:s18+$0x8D60]  }
0x666: {  	v32 =	vld [tilespmem:$0x1FF90];
	v21 =	vadd.f32 v24, v21;
	v24 =	vmul.f32 v35, v35  }
0x667: {  	v25 =	vsel vm12, v26, v25;
	v26 =	vld.idx.msk [tilespmem:v15+s5+$0x0], $0xffff  }
0x668: {  	v15 =	vbroadcast v16, $0xF;
	v16 =	vadd.f32 v24, v21;
	v21 =	vadd.f32 v22, v27;
	v27 =	vld [tilespmem:$0x1FFD0]  }
0x669: {  	v34 =	vadd.f32 v1, v25;
	v25 =	vld [tilespmem:$0x1FF50]  }
0x66a: {  	v23 =	vld [tilespmem:s18+$0xD60]  }
0x66b: {  	v33 =	vld [tilespmem:$0x1FF70]  }
0x66c: {  	v22 =	vld [tilespmem:s20+$0x8D00]  }
0x66d: {  	v55 =	vsub.f32 v19, v15;
	v19 =	vld [tilespmem:$0x1FFE0]  }
0x66e: {  	v25 =	vsel vm12, v27, v25;
	v27 =	vld [tilespmem:s20+$0xD10]  }
0x66f: {  	v43 =	vadd.f32 v21, v25;
	v21 =	vadd.f32 v53, v23;
	v23 =	vld [tilespmem:s20+$0x8D10]  }
0x670: {  	v38 =	vld [tilespmem:s20+$0xD40];
	v24 =	vmul.f32 v34, v34  }
0x671: {  	v20 =	vld [tilespmem:s18+$0xD70]  }
0x672: {  	v58 =	vsub.f32 v18, v15;
	v18 =	vld [tilespmem:s20+$0xD20];
	v16 =	vadd.f32 v24, v16;
	v19 =	vsel vm12, v19, v56  }
0x673: {  	vm1 =	vgt.f32 v26, $5.000000000e-01;
	v25 =	vmul.f32 v43, v43;
	v46 =	vadd.f32 v21, v19;
	v21 =	vld [tilespmem:s20+$0x8D20]  }
0x674: {  	v24 =	vld [tilespmem:s18+$0x8D70];
	v1 =	vadd.f32 v22, v54;
	v19 =	vsel vm1, v60, v47;
	v63 =	vadd.f32 v23, v27  }
0x675: {  	v48 =	vld [tilespmem:$0x1FFA0];
	v16 =	vadd.f32 v25, v16;
	v22 =	vmul.f32 v46, v46;
	v23 =	vsel vm1, v32, v39  }
0x676: {  	v50 =	vld [tilespmem:$0x1FF30];
	v44 =	vadd.f32 v1, v19;
	v49 =	vadd.f32 v63, v23  }
0x677: {  	v25 =	vld [tilespmem:$0x1FFF0];
	v16 =	vadd.f32 v22, v16  }
0x678: {  	v19 =	vld [tilespmem:s20+$0xD30];
	v22 =	vmul.f32 v44, v44;
	v18 =	vadd.f32 v21, v18;
	v21 =	vmul.f32 v49, v49  }
0x679: {  	v20 =	vadd.f32 v24, v20;
	v24 =	vld [tilespmem:s20+$0x8D30]  }
0x67a: {  	v21 =	vadd.f32 v21, v22;
	v22 =	vld [tilespmem:$0x1FFB0]  }
0x67b: {  	v52 =	vld [tilespmem:$0x1FF40]  }
0x67c: {  	[tilespmem:$0x1F630] =	vst v55;
	v55 =	vld [tilespmem:s20+$0x8D70];
	v25 =	vsel vm12, v25, v33  }
0x67d: {  	v60 =	vld [tilespmem:$0x1FF50];
	v54 =	vadd.f32 v20, v25;
	v25 =	vsel vm1, v48, v45  }
0x67e: {  	v32 =	vld [tilespmem:$0x1FF70];
	v53 =	vadd.f32 v18, v25;
	v18 =	vadd.f32 v24, v19  }
0x67f: {  	v26 =	vadd.f32 $0.0e+00, v44;
	v20 =	vld [tilespmem:s20+$0x8D40];
	v22 =	vsel vm1, v22, v50  }
0x680: {  	v56 =	vadd.f32 v18, v22;
	v22 =	vld [tilespmem:$0x1FFC0]  }
0x681: {  	v23 =	vadd.f32 v49, v26;
	v26 =	vld [tilespmem:s20+$0xD50]  }
0x682: {  	s21 =	sor.u32 $0x5, s6;
	v19 =	vld [tilespmem:s20+$0x8D50]  }
0x683: {  	v27 =	vmov s21;
	v63 =	vld [tilespmem:$0x1FF60];
	v33 =	vsub.f32 v36, v15;
	v36 =	vsub.f32 v11, v15  }
0x684: {  	v24 =	vand.u32 $0xFFFFFFFD, v27;
	v25 =	vld [tilespmem:s20+$0xD60];
	v27 =	vmul.f32 v53, v53;
	v1 =	vadd.f32 v20, v38  }
0x685: {  	[tilespmem:$0x1F660] =	vst v36;
	v36 =	vld [tilespmem:$0x1FFA0];
	v20 =	vadd.f32 v53, v23;
	v22 =	vsel vm1, v22, v52  }
0x686: {  	[tilespmem:$0x1F640] =	vst v58;
	v23 =	vld [tilespmem:s20+$0xD70];
	v21 =	vadd.f32 v27, v21;
	v27 =	vmul.f32 v56, v56;
	v58 =	vadd.f32 v1, v22  }
0x687: {  	v17 =	vadd.f32 v35, v17;
	v24 =	vbroadcast v24, $0x0;
	v19 =	vadd.f32 v19, v26;
	v26 =	vld [tilespmem:$0x1FFD0]  }
0x688: {  	v50 =	vld [tilespmem:$0x1FF80];
	v21 =	vadd.f32 v27, v21;
	v22 =	vmul.f32 v58, v58  }
0x689: {  	v17 =	vadd.f32 v34, v17;
	v18 =	vld [tilespmem:s20+$0x8D60]  }
0x68a: {  	s21 =	sshll.u32 s21, $0x7;
	v21 =	vadd.f32 v22, v21;
	v22 =	vld [tilespmem:$0x1FFE0]  }
0x68b: {  	v17 =	vadd.f32 v43, v17;
	v27 =	vld [tilespmem:s21+$0xD20]  }
0x68c: {  	v20 =	vadd.f32 v56, v20;
	v26 =	vsel vm1, v26, v60;
	v1 =	vadd.f32 v55, v23;
	v23 =	vld [tilespmem:$0x1FFF0]  }
0x68d: {  	v17 =	vadd.f32 v46, v17;
	v60 =	vadd.f32 v19, v26;
	v19 =	vld.idx.msk [tilespmem:v24+s5+$0x0], $0xffff  }
0x68e: {  	v18 =	vadd.f32 v18, v25;
	v24 =	vld [tilespmem:s21+$0xD00];
	v20 =	vadd.f32 v58, v20  }
0x68f: {  	v17 =	vadd.f32 v54, v17;
	v26 =	vld [tilespmem:s21+$0xD10];
	v25 =	vmul.f32 v60, v60;
	v22 =	vsel vm1, v22, v63  }
0x690: {  	v55 =	vld [tilespmem:$0x1FF90];
	v20 =	vadd.f32 v60, v20;
	v63 =	vadd.f32 v18, v22  }
0x691: {  	v23 =	vsel vm1, v23, v32;
	v21 =	vadd.f32 v25, v21;
	v18 =	vld [tilespmem:s21+$0x8D00];
	v22 =	vmul.f32 v54, v54  }
0x692: {  	v32 =	vadd.f32 v1, v23;
	v23 =	vld [tilespmem:s21+$0x8D10];
	v25 =	vmul.f32 v63, v63;
	v20 =	vadd.f32 v63, v20  }
0x693: {  	s23 =	sor.u32 $0x6, s6;
	v16 =	vadd.f32 v22, v16;
	v22 =	vld [tilespmem:s21+$0x8D20]  }
0x694: {  	(xrf2) =	vadd.scan.msk.f32 $0xffff, v17;
	v17 =	vadd.f32 v25, v21;
	v38 =	vadd.f32 v32, v20;
	v20 =	vld [tilespmem:s21+$0xD30];
	v25 =	vmov s23  }
0x695: {  	vm13 =	vgt.f32 v19, $5.000000000e-01;
	v21 =	vmul.f32 v32, v32;
	v19 =	vand.u32 $0xFFFFFFFE, v25;
	v25 =	vld [tilespmem:s21+$0x8D40]  }
0x696: {  	v18 =	vadd.f32 v18, v24;
	v24 =	vsel vm13, v55, v39;
	v55 =	vld [tilespmem:$0x1FFB0]  }
0x697: {  	(xrf2) =	vadd.scan.msk.f32 $0xffff, v16;
	v16 =	vadd.f32 v21, v17;
	v17 =	vld [tilespmem:s21+$0x8D30]  }
0x698: {  	v21 =	vadd.f32 v23, v26;
	v23 =	vld [tilespmem:s21+$0xD40]  }
0x699: {  	s23 =	sshll.u32 s23, $0x7;
	v26 =	vmul.f32 v13, v42;
	v13 =	vld [tilespmem:$0x1FF40]  }
0x69a: {  	v48 =	vsub.f32 v3, v15;
	v52 =	vsel vm13, v50, v47;
	(xrf2) =	vadd.scan.msk.f32 $0xffff, v38;
	v38 =	vsel vm13, v36, v45;
	v36 =	vld [tilespmem:s23+$0x8D00]  }
0x69b: {  	v42 =	vsub.f32 v9, v15;
	v30 =	vadd.f32 v18, v52;
	v52 =	vld [tilespmem:$0x1FF30]  }
0x69c: {  	v18 =	vmul.f32 v14, v12;
	v14 =	vsub.f32 v10, v15;
	v10 =	vsub.f32 v8, v15;
	v15 =	vld [tilespmem:$0x1FFC0]  }
0x69d: {  	(xrf2) =	vadd.scan.msk.f32 $0xffff, v16;
	v16 =	vld [tilespmem:s21+$0xD50]  }
0x69e: {  	[tilespmem:$0x1F650] =	vst v33;
	v33 =	vadd.f32 v22, v27;
	v0 =	vadd.f32 v21, v24;
	v24 =	vld [tilespmem:s21+$0xD60]  }
0x69f: {  	[tilespmem:$0x1F680] =	vst v14;
	v14 =	vld [tilespmem:s21+$0x8D50]  }
0x6a0: {  	v19 =	vbroadcast v19, $0x0;
	v31 =	vadd.f32 v33, v38;
	v38 =	vld [tilespmem:s23+$0xD10];
	v41 =	vmul.f32 v18, v41  }
0x6a1: {  	[tilespmem:$0x1F670] =	vst v48;
	v21 =	vmul.f32 v30, v30;
	v22 =	vmul.f32 v0, v0;
	v48 =	vadd.f32 v17, v20;
	v17 =	vld [tilespmem:s21+$0x8D60]  }
0x6a2: {  	[tilespmem:$0x1F6D0] =	vst v41;
	v41 =	vld [tilespmem:s23+$0x8D40]  }
0x6a3: {  	v50 =	vadd.f32 v22, v21;
	v22 =	vadd.f32 v25, v23;
	v23 =	vld [tilespmem:s23+$0xD00]  }
0x6a4: {  	v11 =	vsel vm13, v55, v52;
	v52 =	vld [tilespmem:$0x1FFD0]  }
0x6a5: {  	v20, _, _ =	vpop (xrf2);
	v12 =	vadd.f32 v48, v11;
	v48 =	vld [tilespmem:$0x1FF50]  }
0x6a6: {  	v19 =	vld.idx.msk [tilespmem:v19+s5+$0x0], $0xffff;
	v21 =	vmul.f32 v31, v31;
	v11 =	vmul.f32 $7.812500000e-03, v20;
	v20, _, _ =	vpop (xrf2)  }
0x6a7: {  	v33 =	vsel vm13, v15, v13;
	v25 =	vld [tilespmem:s23+$0x8D10];
	v20 =	vmul.f32 $7.812500000e-03, v20  }
0x6a8: {  	v55 =	vld [tilespmem:$0x1FF60];
	v9 =	vadd.f32 v21, v50;
	v50 =	vadd.f32 v22, v33;
	v21 =	vmul.f32 v12, v12  }
0x6a9: {  	v16 =	vadd.f32 v14, v16;
	v22 =	vmul.f32 v11, v11;
	v15 =	vadd.f32 v36, v23;
	v36 =	vld [tilespmem:$0x1FF90]  }
0x6aa: {  	[tilespmem:$0x1F6A0] =	vst v29;
	v27, _, _ =	vpop (xrf2);
	v28 =	vmul.f32 v50, v50;
	v21 =	vadd.f32 v21, v9;
	v9 =	vld [tilespmem:$0x1FFE0];
	v29 =	vsel vm13, v52, v48  }
0x6ab: {  	s24 =	sor.u32 $0x7, s6;
	v13 =	vld [tilespmem:$0x1FF80];
	v14 =	vsub.f32 v20, v22;
	vm14 =	vgt.f32 v19, $5.000000000e-01;
	v20, _, _ =	vpop (xrf2);
	v52 =	vadd.f32 v16, v29  }
0x6ac: {  	v19 =	vld [tilespmem:s23+$0xD20];
	v16 =	vmul.f32 $7.812500000e-03, v20;
	v20 =	vadd.f32 v28, v21;
	v21 =	vmov s24;
	s24 =	sshll.u32 s24, $0x7  }
0x6ad: {  	v17 =	vadd.f32 v17, v24;
	v28 =	vld [tilespmem:s24+$0x8D00]  }
0x6ae: {  	v8 =	vadd.f32 v25, v38;
	v29 =	vld [tilespmem:s24+$0xD20];
	v23 =	vsel vm14, v36, v39;
	v36 =	vmul.f32 v18, v61  }
0x6af: {  	v24 =	vsel vm13, v9, v55;
	v61 =	vmul.f32 v18, v4;
	v9 =	vmul.f32 v18, v5;
	v5 =	vld [tilespmem:s23+$0xD40]  }
0x6b0: {  	v4 =	vmul.f32 v18, v40;
	v40 =	vadd.f32 $9.999999960e-13, v62;
	v62 =	vmul.f32 v18, v37;
	v37 =	vld [tilespmem:$0x1FFB0]  }
0x6b1: {  	v55 =	vadd.f32 v17, v24;
	v24 =	vld [tilespmem:s23+$0x8D20]  }
0x6b2: {  	v48 =	vadd.f32 v8, v23;
	v8 =	vld [tilespmem:s23+$0xD30]  }
0x6b3: {  	v33 =	vmul.f32 $7.812500000e-03, v27;
	v23 =	vld [tilespmem:s23+$0x8D30];
	[tilespmem:$0x1F6C0] =	vst v36  }
0x6b4: {  	v22 =	vmul.f32 v52, v52;
	v17 =	vsel vm14, v13, v47;
	[tilespmem:$0x1F6F0] =	vst v4;
	v4 =	vld [tilespmem:s21+$0x8D70]  }
0x6b5: {  	v38 =	vmul.f32 v33, v33;
	v13 =	vadd.f32 v15, v17;
	[tilespmem:$0x1F700] =	vst v9;
	v36 =	vmul.f32 v18, v6;
	v9 =	vld [tilespmem:$0x1FFA0]  }
0x6b6: {  	v17 =	vadd.f32 v22, v20;
	v20 =	vmul.f32 v55, v55;
	v21 =	vld.idx.msk [tilespmem:v21+s5+$0x0], $0xffff  }
0x6b7: {  	v22 =	vsub.f32 v16, v38;
	v16 =	vmul.f32 v48, v48;
	v38 =	vmul.f32 v13, v13;
	[tilespmem:$0x1F710] =	vst v36;
	v36 =	vld [tilespmem:$0x1FF30]  }
0x6b8: {  	v17 =	vadd.f32 v20, v17;
	v20 =	vld [tilespmem:s21+$0xD70]  }
0x6b9: {  	v15 =	vadd.f32 v16, v38;
	v38 =	vmul.f32 v18, v7;
	v18 =	vld [tilespmem:s23+$0xD50]  }
0x6ba: {  	v2 =	vmul.f32 v26, v2;
	v16 =	vadd.f32 v24, v19;
	v24 =	vld [tilespmem:s23+$0x8D50]  }
0x6bb: {  	v6 =	vbroadcast v40, $0xF;
	v40 =	vadd.f32 $0.0e+00, v30;
	v19 =	vsel vm14, v9, v45;
	v9 =	vld [tilespmem:$0x1FF40]  }
0x6bc: {  	v3 =	vmov v0;
	[tilespmem:$0x1F6E0] =	vst v61;
	v8 =	vadd.f32 v23, v8;
	v61 =	vadd.f32 v16, v19;
	v19 =	vld [tilespmem:s23+$0x8D60]  }
0x6bd: {  	[tilespmem:$0x1F720] =	vst v38;
	v38 =	vshra.s32 v6, $0x1;
	v16 =	vmul.f32 $5.000000000e-01, v6;
	v6 =	vadd.f32 v3, v40;
	v40 =	vld [tilespmem:$0x1FF70]  }
0x6be: {  	v2 =	vmul.f32 v2, v26;
	v23 =	vsel vm14, v37, v36;
	v36 =	vld [tilespmem:$0x1FFC0]  }
0x6bf: {  	[tilespmem:$0x1F730] =	vst v62;
	v5 =	vadd.f32 v41, v5;
	v62 =	vadd.f32 v8, v23;
	v8 =	vld [tilespmem:s23+$0xD60];
	v41 =	vmul.f32 v61, v61  }
0x6c0: {  	v2 =	vsub.f32 $1.500000000e+00, v2;
	v23 =	vld [tilespmem:s24+$0xD00];
	v6 =	vadd.f32 v31, v6  }
0x6c1: {  	v7 =	vsub.s32 $0x5F3759DF, v38;
	v15 =	vadd.f32 v41, v15;
	v41 =	vld [tilespmem:$0x1FFF0]  }
0x6c2: {  	[tilespmem:$0x1F790] =	vst v12;
	v25 =	vmul.f32 v2, v26;
	v26 =	vmul.f32 v7, v16;
	v6 =	vadd.f32 v12, v6;
	v12 =	vld [tilespmem:$0x1FFD0]  }
0x6c3: {  	v27 =	vsel vm14, v36, v9;
	v9 =	vld [tilespmem:$0x1FF50]  }
0x6c4: {  	v4 =	vadd.f32 v4, v20;
	v20 =	vmul.f32 v7, v26;
	v26 =	vld [tilespmem:s24+$0x8D10]  }
0x6c5: {  	v37 =	vmul.f32 v62, v62;
	v38 =	vadd.f32 v5, v27;
	v27 =	vld [tilespmem:s24+$0xD10]  }
0x6c6: {  	v6 =	vadd.f32 v50, v6;
	v2 =	vsel vm13, v41, v40;
	v41 =	vld [tilespmem:$0x1FF80]  }
0x6c7: {  	[tilespmem:$0x1F760] =	vst v30;
	v30 =	vld [tilespmem:s24+$0x8D20];
	v18 =	vadd.f32 v24, v18;
	v15 =	vadd.f32 v37, v15;
	v24 =	vmul.f32 v38, v38  }
0x6c8: {  	v20 =	vsub.f32 $1.500000000e+00, v20;
	v6 =	vadd.f32 v52, v6;
	v37 =	vsel vm14, v12, v9;
	v9 =	vld [tilespmem:$0x1FF90]  }
0x6c9: {  	v40 =	vadd.f32 v28, v23;
	v15 =	vadd.f32 v24, v15;
	v12 =	vld [tilespmem:$0x1FFA0]  }
0x6ca: {  	vm15 =	vgt.f32 v21, $5.000000000e-01;
	v37 =	vadd.f32 v18, v37;
	v18 =	vadd.f32 v26, v27;
	v26 =	vld [tilespmem:s24+$0xD30]  }
0x6cb: {  	v24 =	vmul.f32 v7, v20;
	v7 =	vadd.f32 v19, v8;
	v19 =	vsel vm15, v41, v47;
	v41 =	vld [tilespmem:$0x1FFE0]  }
0x6cc: {  	v36 =	vadd.f32 v4, v2;
	v4 =	vadd.f32 v40, v19;
	v40 =	vld [tilespmem:$0x1FF60]  }
0x6cd: {  	v47 =	vadd.f32 v30, v29;
	v29 =	vld [tilespmem:s24+$0x8D40]  }
0x6ce: {  	v6 =	vadd.f32 v55, v6;
	v19 =	vld [tilespmem:s23+$0xD70];
	v20 =	vsel vm15, v9, v39;
	v39 =	vmul.f32 v36, v36  }
0x6cf: {  	v9 =	vadd.f32 v18, v20;
	v18 =	vld [tilespmem:s23+$0x8D70]  }
0x6d0: {  	v6 =	vadd.f32 v36, v6;
	v8 =	vadd.f32 v39, v17;
	v17 =	vld [tilespmem:s24+$0x8D30]  }
0x6d1: {  	v20 =	vsel vm15, v12, v45;
	v45 =	vsel vm14, v41, v40;
	v40 =	vld [tilespmem:$0x1F5E0]  }
0x6d2: {  	(xrf2) =	vadd.scan.msk.f32 $0xffff, v6;
	v5 =	vadd.f32 v47, v20;
	v20 =	vmul.f32 v37, v37;
	v41 =	vld [tilespmem:$0x1F5F0]  }
0x6d3: {  	v21 =	vmul.f32 v4, v4;
	v23 =	vmul.f32 v9, v9;
	(xrf2) =	vadd.scan.msk.f32 $0xffff, v8;
	v8 =	vld [tilespmem:$0x1FF30]  }
0x6d4: {  	v27 =	vadd.f32 v20, v15;
	v15 =	vld [tilespmem:$0x1FFB0]  }
0x6d5: {  	v14 =	vadd.f32 $9.999999960e-13, v14;
	v47 =	vadd.f32 v23, v21;
	v23 =	vld [tilespmem:s24+$0xD40]  }
0x6d6: {  	v39 =	vmul.f32 v5, v5;
	v12 =	vadd.f32 v7, v45;
	v45 =	vld [tilespmem:$0x1F600]  }
0x6d7: {  	v14 =	vbroadcast v14, $0xF;
	v28 =	vadd.f32 v18, v19;
	v19 =	vmul.f32 v25, v59;
	v59 =	vld [tilespmem:$0x1F610]  }
0x6d8: {  	v30 =	vadd.f32 v39, v47;
	v47 =	vmul.f32 v25, v57;
	v57 =	vmul.f32 v24, v16;
	v39 =	vld [tilespmem:$0x1F620]  }
0x6d9: {  	v26 =	vadd.f32 v17, v26;
	v18 =	vmul.f32 v25, v40;
	v20 =	vmul.f32 v25, v41;
	v41 =	vld [tilespmem:$0x1FF70]  }
0x6da: {  	[tilespmem:$0x1F780] =	vst v31;
	v7 =	vmul.f32 v57, v24;
	v31 =	vsel vm15, v15, v8;
	v40 =	vshra.s32 v14, $0x1;
	v57 =	vld [tilespmem:$0x1FFF0]  }
0x6db: {  	v6 =	vmul.f32 v25, v51;
	v51 =	vadd.f32 v26, v31;
	v31 =	vsub.s32 $0x5F3759DF, v40;
	v40 =	vld [tilespmem:$0x1FFC0]  }
0x6dc: {  	[tilespmem:$0x1F740] =	vst v47;
	v47 =	vmul.f32 v25, v59;
	v59 =	vld [tilespmem:s24+$0xD50]  }
0x6dd: {  	v21 =	vmul.f32 v25, v45;
	v45 =	vmul.f32 v25, v39;
	v39 =	vld [tilespmem:$0x1FF40]  }
0x6de: {  	v25 =	vld [tilespmem:s24+$0x8D50]  }
0x6df: {  	v23 =	vadd.f32 v29, v23;
	v29 =	vmul.f32 $5.000000000e-01, v14  }
0x6e0: {  	v15 =	vld [tilespmem:$0x1FFD0];
	v3 =	vsel vm14, v57, v41  }
0x6e1: {  	v26 =	vsub.f32 $1.500000000e+00, v7;
	v7 =	vld [tilespmem:$0x1FF50];
	v8 =	vadd.f32 v28, v3;
	v28 =	vmul.f32 v31, v29  }
0x6e2: {  	v41 =	vsel vm15, v40, v39;
	v40 =	vld [tilespmem:s24+$0x8D60]  }
0x6e3: {  	v57 =	vadd.f32 v23, v41;
	v23 =	vadd.f32 v25, v59;
	v25 =	vmul.f32 v31, v28;
	v28 =	vld [tilespmem:s24+$0xD60]  }
0x6e4: {  	[tilespmem:$0x1F770] =	vst v0;
	v14 =	vmul.f32 v51, v51  }
0x6e5: {  	[tilespmem:$0x1F750] =	vst v6;
	v6, _, _ =	vpop (xrf2);
	v0 =	vmul.f32 v26, v24  }
0x6e6: {  	v24 =	vadd.f32 v14, v30;
	v14 =	vmul.f32 $7.812500000e-03, v6;
	v6 =	vld [tilespmem:$0x1F630];
	v39 =	vsel vm15, v15, v7  }
0x6e7: {  	v30 =	vmul.f32 v12, v12;
	v59 =	vadd.f32 v23, v39;
	v39 =	vld [tilespmem:$0x1FF60]  }
0x6e8: {  	v22 =	vadd.f32 $9.999999960e-13, v22;
	v26, _, _ =	vpop (xrf2);
	v41 =	vmul.f32 v57, v57;
	v2 =	vadd.f32 v40, v28;
	v40 =	vld [tilespmem:$0x1FFE0]  }
0x6e9: {  	v26 =	vmul.f32 $7.812500000e-03, v26;
	v27 =	vadd.f32 v30, v27;
	v23 =	vmul.f32 v14, v14  }
0x6ea: {  	v30 =	vmul.f32 v8, v8;
	v25 =	vsub.f32 $1.500000000e+00, v25;
	v1 =	vadd.f32 v41, v24;
	v41 =	vld [tilespmem:$0x1F640]  }
0x6eb: {  	[tilespmem:$0x1F7A0] =	vst v13;
	v23 =	vsub.f32 v26, v23;
	v24 =	vmul.f32 v59, v59;
	v26 =	vadd.f32 $0.0e+00, v13  }
0x6ec: {  	[tilespmem:$0x1F7B0] =	vst v4;
	v31 =	vmul.f32 v31, v25;
	v25 =	vmul.f32 v0, v6;
	v13 =	vadd.f32 $0.0e+00, v4;
	v4 =	vld [tilespmem:$0x1F650]  }
0x6ed: {  	v6 =	vld [tilespmem:$0x1F660];
	v15 =	vadd.f32 v24, v1;
	v26 =	vadd.f32 v48, v26;
	v24 =	vsel vm15, v40, v39  }
0x6ee: {  	[tilespmem:$0x1F7C0] =	vst v9;
	v9 =	vadd.f32 v9, v13;
	v13 =	vld [tilespmem:$0x1F670];
	v39 =	vadd.f32 v2, v24  }
0x6ef: {  	v7 =	vadd.f32 v30, v27;
	v27 =	vmul.f32 v0, v41;
	v41 =	vld [tilespmem:$0x1F680];
	v2 =	vadd.f32 v61, v26  }
0x6f0: {  	v22 =	vbroadcast v22, $0xF;
	v3 =	vadd.f32 v5, v9;
	v40 =	vmul.f32 v39, v39  }
0x6f1: {  	v17 =	vmul.f32 v0, v10;
	v28 =	vmul.f32 v0, v4;
	v2 =	vadd.f32 v62, v2  }
0x6f2: {  	v9 =	vld [tilespmem:s24+$0x8D70];
	v24 =	vmul.f32 v0, v6;
	v6 =	vadd.f32 v40, v15;
	v15 =	vadd.f32 v51, v3  }
0x6f3: {  	v4 =	vld [tilespmem:s24+$0xD70];
	v16 =	vmul.f32 v0, v13;
	v40 =	vmul.f32 v31, v29  }
0x6f4: {  	v26 =	vmul.f32 v0, v41;
	v13 =	vadd.f32 v38, v2;
	v2 =	vadd.f32 v57, v15;
	v15 =	vld [tilespmem:$0x1FF70]  }
0x6f5: {  	v29 =	vshra.s32 v22, $0x1;
	v22 =	vmul.f32 $5.000000000e-01, v22;
	v41 =	vmul.f32 v40, v31;
	v40 =	vld [tilespmem:$0x1FFF0]  }
0x6f6: {  	v30 =	vmul.f32 v0, v42;
	v29 =	vsub.s32 $0x5F3759DF, v29;
	v0 =	vadd.f32 v37, v13  }
0x6f7: {  	v42 =	vmul.f32 v29, v22;
	v13 =	vld [tilespmem:$0x1F6A0]  }
0x6f8: {  	[tilespmem:$0x1F7D0] =	vst v5;
	v5 =	vbroadcast v11, $0xF;
	v4 =	vadd.f32 v9, v4;
	v0 =	vadd.f32 v12, v0  }
0x6f9: {  	v10 =	vld [tilespmem:$0x1F690];
	v2 =	vadd.f32 v59, v2;
	v41 =	vsub.f32 $1.500000000e+00, v41;
	v1 =	vmul.f32 v29, v42  }
0x6fa: {  	v42 =	vadd.f32 $9.999999960e-13, v23;
	v0 =	vadd.f32 v8, v0;
	v3 =	vsel vm15, v40, v15  }
0x6fb: {  	v2 =	vadd.f32 v39, v2;
	v15 =	vadd.f32 v4, v3  }
0x6fc: {  	v1 =	vsub.f32 $1.500000000e+00, v1;
	v11 =	vbroadcast v42, $0xF;
	v40 =	vsub.f32 v13, v5;
	(xrf2) =	vadd.scan.msk.f32 $0xffff, v0  }
0x6fd: {  	v13 =	vsub.f32 v43, v5;
	(xrf2) =	vadd.scan.msk.f32 $0xffff, v7;
	v2 =	vadd.f32 v15, v2;
	v23 =	vmul.f32 v15, v15  }
0x6fe: {  	v4 =	vmul.f32 v41, v31;
	v0 =	vsub.f32 v10, v5;
	v1 =	vmul.f32 v29, v1;
	v41 =	vld [tilespmem:$0x1F6B0]  }
0x6ff: {  	v42 =	vshra.s32 v11, $0x1;
	v10 =	vsub.f32 v35, v5;
	v6 =	vadd.f32 v23, v6;
	(xrf2) =	vadd.scan.msk.f32 $0xffff, v2  }
0x700: {  	v11 =	vmul.f32 $5.000000000e-01, v11;
	v29 =	vsub.f32 v34, v5;
	v7 =	vmul.f32 v4, v40  }
0x701: {  	v43 =	vmul.f32 v4, v10;
	(xrf2) =	vadd.scan.msk.f32 $0xffff, v6;
	v6 =	vmul.f32 v1, v22;
	v22 =	vsub.s32 $0x5F3759DF, v42  }
0x702: {  	v46 =	vsub.f32 v46, v5;
	v29 =	vmul.f32 v4, v29;
	v31 =	vmul.f32 v22, v11  }
0x703: {  	v23 =	vmul.f32 v4, v0;
	v0 =	vsub.f32 v41, v5;
	v5 =	vsub.f32 v54, v5  }
0x704: {  	v40 =	vmul.f32 v4, v13;
	v31 =	vmul.f32 v22, v31  }
0x705: {  	v41 =	vmul.f32 v4, v46;
	v9 =	vmul.f32 v4, v0  }
0x706: {  	v42 =	vmul.f32 v4, v5;
	v0 =	vmul.f32 v6, v1;
	v4, _, _ =	vpop (xrf2);
	v31 =	vsub.f32 $1.500000000e+00, v31  }
0x707: {  	v33 =	vbroadcast v33, $0xF;
	v5, _, _ =	vpop (xrf2);
	v34 =	vmul.f32 $7.812500000e-03, v4  }
0x708: {  	v3 =	vsub.f32 $1.500000000e+00, v0;
	v4 =	vld [tilespmem:$0x1FE00];
	v10 =	vmul.f32 $7.812500000e-03, v5;
	v22 =	vmul.f32 v22, v31  }
0x709: {  	v5 =	vld [tilespmem:$0x1F6C0];
	v31 =	vsub.f32 v44, v33;
	v44 =	vsub.f32 v49, v33;
	v2 =	vmul.f32 v34, v34;
	v6, _, _ =	vpop (xrf2)  }
0x70a: {  	v49 =	vsub.f32 v53, v33;
	v53 =	vsub.f32 v56, v33;
	v13 =	vmul.f32 $7.812500000e-03, v6;
	v6 =	vld [tilespmem:$0x1FE10]  }
0x70b: {  	v56 =	vsub.f32 v60, v33;
	v60 =	vsub.f32 v10, v2;
	v10 =	vld [tilespmem:$0x1F6D0]  }
0x70c: {  	v54 =	vsub.f32 v58, v33;
	v46 =	vmul.f32 v3, v1;
	v3, _, _ =	vpop (xrf2)  }
0x70d: {  	v58 =	vsub.f32 v63, v33;
	v63 =	vsub.f32 v32, v33;
	v32 =	vmul.f32 $7.812500000e-03, v3  }
0x70e: {  	v33 =	vmul.f32 v13, v13;
	v1 =	vmul.f32 v5, v4;
	v4 =	vld [tilespmem:$0x1FE30]  }
0x70f: {  	v5 =	vld [tilespmem:$0x1F6F0]  }
0x710: {  	v35 =	vmul.f32 v10, v6;
	v6 =	vsub.f32 v32, v33;
	v32 =	vld [tilespmem:$0x1FE20]  }
0x711: {  	v33 =	vld [tilespmem:$0x1F6E0]  }
0x712: {  	v10 =	vld [tilespmem:$0x1FE80];
	_ =	sdelay $0x3  }
0x713: {  	v32 =	vmul.f32 v33, v32;
	v33 =	vmul.f32 v5, v4;
	v4 =	vld [tilespmem:$0x1FE40]  }
0x714: {  	v5 =	vadd.f32 v1, v10;
	v10 =	vld [tilespmem:$0x1F700];
	_ =	sdelay $0x4  }
0x715: {  	v0 =	vmul.f32 v10, v4;
	v4 =	vld [tilespmem:$0x1FE50]  }
0x716: {  	v10 =	vld [tilespmem:$0x1F710];
	_ =	sdelay $0x3  }
0x717: {  	v2 =	vld [tilespmem:$0x1FE60]  }
0x718: {  	v1 =	vmul.f32 v10, v4;
	v10 =	vld [tilespmem:$0x1F720];
	_ =	sdelay $0x3  }
0x719: {  	v3 =	vld [tilespmem:$0x1FE70]  }
0x71a: {  	v2 =	vmul.f32 v10, v2;
	v10 =	vld [tilespmem:$0x1F730];
	_ =	sdelay $0x4  }
0x71b: {  	v3 =	vmul.f32 v10, v3;
	v10 =	vld [tilespmem:$0x1FEA0];
	_ =	sdelay $0x4  }
0x71c: {  	v32 =	vadd.f32 v32, v10;
	v10 =	vld [tilespmem:$0x1FE00];
	_ =	sdelay $0x4  }
0x71d: {  	v18 =	vmul.f32 v18, v10;
	v10 =	vld [tilespmem:$0x1FE10];
	_ =	sdelay $0x4  }
0x71e: {  	v19 =	vmul.f32 v19, v10;
	v10 =	vld [tilespmem:$0x1FEB0];
	_ =	sdelay $0x4  }
0x71f: {  	v33 =	vadd.f32 v33, v10;
	v10 =	vld [tilespmem:$0x1FE20];
	_ =	sdelay $0x3  }
0x720: {  	v4 =	vld [tilespmem:$0x1FE90]  }
0x721: {  	v20 =	vmul.f32 v20, v10;
	v10 =	vld [tilespmem:$0x1FE30];
	_ =	sdelay $0x4  }
0x722: {  	v35 =	vadd.f32 v35, v4;
	v4 =	vmul.f32 v21, v10;
	v10 =	vld [tilespmem:$0x1FEC0];
	_ =	sdelay $0x2  }
0x723: {  	v21 =	vmul.f32 v46, v44;
	v44 =	vmul.f32 v46, v53;
	v53 =	vld [tilespmem:$0x1FEE0];
	_ =	sdelay $0x1  }
0x724: {  	v0 =	vadd.f32 v0, v10;
	v10 =	vmul.f32 v46, v31;
	v31 =	vld [tilespmem:$0x1FED0];
	_ =	sdelay $0x2  }
0x725: {  	v2 =	vadd.f32 v2, v53;
	v53 =	vmul.f32 v46, v56  }
0x726: {  	v56 =	vmul.f32 v22, v11;
	v11 =	vmul.f32 v46, v63;
	v63 =	vld [tilespmem:$0x1FE80]  }
0x727: {  	v31 =	vadd.f32 v1, v31;
	v1 =	vmul.f32 v46, v54;
	v54 =	vld [tilespmem:$0x1FEF0];
	_ =	sdelay $0x3  }
0x728: {  	v49 =	vmul.f32 v46, v49;
	[tilespmem:s13+$0xD00] =	vst v5;
	v5 =	vld [tilespmem:$0x1FE60];
	v18 =	vadd.f32 v18, v63  }
0x729: {  	v63 =	vld [tilespmem:$0x1FEA0];
	v54 =	vadd.f32 v3, v54;
	v3 =	vmul.f32 v46, v58;
	v46 =	vmul.f32 v56, v22  }
0x72a: {  	[tilespmem:s13+$0xD30] =	vst v33;
	v33 =	vld [tilespmem:$0x1FE90]  }
0x72b: {  	v58 =	vld [tilespmem:$0x1FE90];
	v46 =	vsub.f32 $1.500000000e+00, v46  }
0x72c: {  	v56 =	vld [tilespmem:$0x1FE40]  }
0x72d: {  	v22 =	vmul.f32 v46, v22;
	v46 =	vld [tilespmem:$0x1FE00]  }
0x72e: {  	v20 =	vadd.f32 v20, v63;
	v63 =	vld [tilespmem:$0x1F740]  }
0x72f: {  	[tilespmem:s13+$0xD50] =	vst v31;
	v31 =	vld [tilespmem:$0x1FE80]  }
0x730: {  	[tilespmem:s14+$0xD00] =	vst v18;
	v18 =	vld [tilespmem:$0x1FEC0]  }
0x731: {  	v19 =	vadd.f32 v19, v58;
	v58 =	vld [tilespmem:$0x1FEB0]  }
0x732: {  	v25 =	vmul.f32 v25, v46;
	v46 =	vld [tilespmem:$0x1FE40]  }
0x733: {  	v56 =	vmul.f32 v63, v56;
	v63 =	vld [tilespmem:$0x1FE50]  }
0x734: {  	[tilespmem:s14+$0xD20] =	vst v20;
	v20 =	vld [tilespmem:$0x1FEE0]  }
0x735: {  	[tilespmem:s13+$0xD70] =	vst v54;
	v54 =	vld [tilespmem:$0x1FEE0]  }
0x736: {  	v4 =	vadd.f32 v4, v58;
	v58 =	vadd.f32 $9.999999960e-13, v60;
	v60 =	vld [tilespmem:$0x1F750]  }
0x737: {  	[tilespmem:s13+$0xD60] =	vst v2;
	v2 =	vmul.f32 v16, v46;
	v16 =	vld [tilespmem:$0x1FE50]  }
0x738: {  	v47 =	vmul.f32 v47, v63;
	v63 =	vld [tilespmem:$0x1FED0]  }
0x739: {  	v2 =	vadd.f32 v2, v18;
	v18 =	vld [tilespmem:$0x1FED0]  }
0x73a: {  	[tilespmem:s14+$0xD10] =	vst v19;
	v19 =	vld [tilespmem:$0x1FE70]  }
0x73b: {  	v5 =	vmul.f32 v60, v5;
	v60 =	vld [tilespmem:$0x1FE70]  }
0x73c: {  	v25 =	vadd.f32 v25, v31;
	v31 =	vld [tilespmem:$0x1FE30];
	v16 =	vmul.f32 v26, v16  }
0x73d: {  	v47 =	vadd.f32 v47, v63;
	v63 =	vld [tilespmem:$0x1FEF0]  }
0x73e: {  	v16 =	vadd.f32 v16, v18;
	v18 =	vld [tilespmem:$0x1FE60]  }
0x73f: {  	v17 =	vmul.f32 v17, v19;
	v19 =	vld [tilespmem:$0x1FE00]  }
0x740: {  	v46 =	vld [tilespmem:$0x1FEB0];
	v45 =	vmul.f32 v45, v60  }
0x741: {  	[tilespmem:s14+$0xD50] =	vst v47;
	v47 =	vld [tilespmem:$0x1FF00]  }
0x742: {  	[tilespmem:s13+$0xD20] =	vst v32;
	v32 =	vadd.f32 v45, v63;
	v63 =	vld [tilespmem:$0x1FE10]  }
0x743: {  	v26 =	vld [tilespmem:$0x1FEA0];
	v18 =	vmul.f32 v30, v18  }
0x744: {  	v60 =	vld [tilespmem:$0x1FEC0]  }
0x745: {  	v18 =	vadd.f32 v18, v20;
	v20 =	vld [tilespmem:$0x1FE10]  }
0x746: {  	v45 =	vld [tilespmem:$0x1FF20]  }
0x747: {  	[tilespmem:s13+$0xD40] =	vst v0;
	v0 =	vmul.f32 v27, v63;
	v27 =	vld [tilespmem:$0x1FE20]  }
0x748: {  	[tilespmem:s14+$0xD70] =	vst v32;
	v32 =	vld [tilespmem:$0x1FE50]  }
0x749: {  	[tilespmem:s13+$0xD10] =	vst v35;
	v35 =	vadd.f32 v56, v60;
	v60 =	vld [tilespmem:$0x1FEE0]  }
0x74a: {  	v56 =	vbroadcast v58, $0xF;
	v7 =	vmul.f32 v7, v20;
	v20 =	vld [tilespmem:$0x1FEF0]  }
0x74b: {  	[tilespmem:s14+$0xD40] =	vst v35;
	v35 =	vld [tilespmem:$0x1FEE0]  }
0x74c: {  	v58 =	vshra.s32 v56, $0x1;
	v0 =	vadd.f32 v0, v33;
	v33 =	vld [tilespmem:$0x1FE60];
	v27 =	vmul.f32 v28, v27  }
0x74d: {  	v28 =	vsub.s32 $0x5F3759DF, v58;
	v58 =	vld [tilespmem:$0x1FE40]  }
0x74e: {  	v26 =	vadd.f32 v27, v26;
	v27 =	vld [tilespmem:$0x1FEB0]  }
0x74f: {  	v17 =	vadd.f32 v17, v20;
	v20 =	vld [tilespmem:$0x1FE80]  }
0x750: {  	v5 =	vadd.f32 v5, v60;
	v60 =	vmul.f32 $5.000000000e-01, v56;
	[tilespmem:s15+$0xD60] =	vst v18;
	v18 =	vld [tilespmem:$0x1FEC0]  }
0x751: {  	v24 =	vmul.f32 v24, v31;
	v19 =	vmul.f32 v23, v19;
	[tilespmem:s15+$0xD20] =	vst v26;
	v26 =	vld [tilespmem:$0x1FEA0]  }
0x752: {  	[tilespmem:s14+$0xD60] =	vst v5;
	v31 =	vmul.f32 v28, v60;
	v5 =	vmul.f32 v29, v58;
	v29 =	vld [tilespmem:$0x1F790]  }
0x753: {  	v58 =	vld [tilespmem:$0x1FE80]  }
0x754: {  	v24 =	vadd.f32 v24, v27;
	v27 =	vmul.f32 v28, v31;
	v19 =	vadd.f32 v19, v20;
	v20 =	vld [tilespmem:$0x1FE90]  }
0x755: {  	[tilespmem:s15+$0xD70] =	vst v17;
	v17 =	vld [tilespmem:$0x1F7A0]  }
0x756: {  	v23 =	vsub.f32 $1.500000000e+00, v27;
	v27 =	vld [tilespmem:$0x1F770]  }
0x757: {  	v14 =	vbroadcast v14, $0xF;
	[tilespmem:s15+$0xD30] =	vst v24;
	v24 =	vld [tilespmem:$0x1FEB0]  }
0x758: {  	v56 =	vmul.f32 v28, v23;
	v23 =	vld [tilespmem:$0x1FE30]  }
0x759: {  	v29 =	vsub.f32 v29, v14;
	v7 =	vadd.f32 v7, v20;
	v20 =	vld [tilespmem:$0x1FE20]  }
0x75a: {  	[tilespmem:s15+$0xD00] =	vst v25;
	v30 =	vsub.f32 v50, v14;
	v28 =	vld [tilespmem:$0x1F780]  }
0x75b: {  	[tilespmem:s15+$0xD50] =	vst v16;
	v16 =	vbroadcast v34, $0xF;
	v25 =	vmul.f32 v22, v29;
	v29 =	vsub.f32 v52, v14;
	v52 =	vld [tilespmem:$0x1FED0]  }
0x75c: {  	[tilespmem:s15+$0xD10] =	vst v0;
	v0 =	vmul.f32 v22, v30;
	v31 =	vmul.f32 v56, v60;
	v60 =	vsub.f32 v36, v14;
	v36 =	vld [tilespmem:$0x1FE00]  }
0x75d: {  	v30 =	vsub.f32 v55, v14;
	[tilespmem:s18+$0xD00] =	vst v19;
	v19 =	vsub.f32 v61, v16;
	v61 =	vld [tilespmem:$0x1FE90];
	v23 =	vmul.f32 v43, v23  }
0x75e: {  	v12 =	vsub.f32 v12, v16;
	v8 =	vsub.f32 v8, v16;
	v9 =	vmul.f32 v9, v20;
	v20 =	vld [tilespmem:$0x1F760]  }
0x75f: {  	v43 =	vld [tilespmem:$0x1FE50];
	v23 =	vadd.f32 v23, v24;
	v24 =	vmul.f32 v22, v30;
	v30 =	vsub.f32 v38, v16  }
0x760: {  	v38 =	vld [tilespmem:$0x1FE10];
	v9 =	vadd.f32 v9, v26;
	v26 =	vmul.f32 v22, v29;
	v29 =	vmul.f32 v31, v56  }
0x761: {  	v17 =	vsub.f32 v17, v16;
	v27 =	vsub.f32 v27, v14;
	[tilespmem:s18+$0xD10] =	vst v7;
	v7 =	vmul.f32 v40, v32;
	v40 =	vld [tilespmem:$0x1FE80]  }
0x762: {  	[tilespmem:s15+$0xD40] =	vst v2;
	v2 =	vmul.f32 v22, v60;
	v28 =	vsub.f32 v28, v14;
	v32 =	vld [tilespmem:$0x1FE40];
	v29 =	vsub.f32 $1.500000000e+00, v29  }
0x763: {  	[tilespmem:s14+$0xD30] =	vst v4;
	v27 =	vmul.f32 v22, v27;
	v10 =	vmul.f32 v10, v36;
	v36 =	vld [tilespmem:$0x1FEC0];
	v20 =	vsub.f32 v20, v14  }
0x764: {  	v28 =	vmul.f32 v22, v28;
	[tilespmem:s18+$0xD30] =	vst v23;
	v23 =	vld [tilespmem:$0x1FF90];
	v31 =	vsub.f32 v37, v16;
	v4 =	vmul.f32 v29, v56  }
0x765: {  	v29 =	vsub.f32 v62, v16;
	v20 =	vmul.f32 v22, v20;
	v22 =	vsub.f32 v48, v16;
	v16 =	vld [tilespmem:$0x1FED0]  }
0x766: {  	v6 =	vadd.f32 $9.999999960e-13, v6;
	v37 =	vld [tilespmem:$0x1FEF0]  }
0x767: {  	v0 =	vmul.f32 v0, v32;
	v32 =	vld [tilespmem:$0x1FEF0]  }
0x768: {  	v6 =	vbroadcast v6, $0xF;
	[tilespmem:s18+$0xD20] =	vst v9;
	v9 =	vmul.f32 v41, v33;
	v41 =	vld [tilespmem:$0x1FE30]  }
0x769: {  	v33 =	vld [tilespmem:$0x1FE50]  }
0x76a: {  	v63 =	vshra.s32 v6, $0x1;
	v7 =	vadd.f32 v7, v16;
	v16 =	vld [tilespmem:$0x1FE70]  }
0x76b: {  	v14 =	vsub.s32 $0x5F3759DF, v63;
	v63 =	vld [tilespmem:$0x1FEA0]  }
0x76c: {  	v56 =	vld [tilespmem:$0x1FEF0]  }
0x76d: {  	v6 =	vmul.f32 $5.000000000e-01, v6;
	v62 =	vld [tilespmem:$0x1FE30]  }
0x76e: {  	v9 =	vadd.f32 v9, v35;
	v35 =	vld [tilespmem:$0x1FE60]  }
0x76f: {  	v5 =	vadd.f32 v5, v18;
	v18 =	vmul.f32 v14, v6;
	v48 =	vld [tilespmem:$0x1FE10];
	v16 =	vmul.f32 v42, v16  }
0x770: {  	v55 =	vmul.f32 v4, v30;
	v30 =	vld [tilespmem:$0x1FFF0]  }
0x771: {  	v18 =	vmul.f32 v14, v18;
	[tilespmem:s18+$0xD50] =	vst v7;
	v7 =	vadd.f32 v16, v37;
	v16 =	vld [tilespmem:$0x1FE20]  }
0x772: {  	[tilespmem:s18+$0xD60] =	vst v9;
	v9 =	vadd.f32 v10, v40;
	v40 =	vld [tilespmem:$0x1FEE0]  }
0x773: {  	v10 =	vmul.f32 v44, v41;
	v44 =	vld [tilespmem:$0x1FEA0];
	v18 =	vsub.f32 $1.500000000e+00, v18  }
0x774: {  	v42 =	vld [tilespmem:$0x1FE90]  }
0x775: {  	v34 =	vmul.f32 v14, v18;
	v18 =	vld [tilespmem:$0x1FE40]  }
0x776: {  	v50 =	vmul.f32 v4, v22;
	v22 =	vld [tilespmem:$0x1FF80];
	v16 =	vmul.f32 v49, v16  }
0x777: {  	v41 =	vld [tilespmem:$0x1FE00];
	v14 =	vmul.f32 v21, v38  }
0x778: {  	[tilespmem:s20+$0xD00] =	vst v9;
	v9 =	vadd.f32 v16, v44;
	v16 =	vld [tilespmem:$0x1FE70]  }
0x779: {  	v21 =	vld [tilespmem:$0x1FF70];
	[tilespmem:s18+$0xD70] =	vst v7;
	v7 =	vadd.f32 v14, v42  }
0x77a: {  	v6 =	vmul.f32 v34, v6;
	v1 =	vmul.f32 v1, v18;
	v18 =	vld [tilespmem:$0x1FE60]  }
0x77b: {  	v14 =	vmul.f32 v53, v43;
	[tilespmem:s20+$0xD10] =	vst v7;
	v7 =	vadd.f32 v10, v46;
	v49 =	vld [tilespmem:$0x1FEC0]  }
0x77c: {  	v38 =	vld [tilespmem:$0x1FE70];
	v6 =	vmul.f32 v6, v34  }
0x77d: {  	[tilespmem:s20+$0xD30] =	vst v7;
	v7 =	vadd.f32 v14, v52;
	v11 =	vmul.f32 v11, v16;
	v16 =	vld [tilespmem:$0x1FE00]  }
0x77e: {  	v6 =	vsub.f32 $1.500000000e+00, v6;
	v37 =	vld [tilespmem:$0x1FED0]  }
0x77f: {  	[tilespmem:s20+$0xD50] =	vst v7;
	v7 =	vadd.f32 v11, v56;
	v11 =	vmul.f32 v4, v12;
	v12 =	vld [tilespmem:$0x1FE20]  }
0x780: {  	[tilespmem:s18+$0xD40] =	vst v5;
	v5 =	vmul.f32 v6, v34;
	v34 =	vld [tilespmem:$0x1FEB0];
	v3 =	vmul.f32 v3, v18;
	v1 =	vadd.f32 v1, v49  }
0x781: {  	v18 =	vmul.f32 v4, v19;
	v53 =	vmul.f32 v4, v29;
	v29 =	vld [tilespmem:$0x1FF30]  }
0x782: {  	v19 =	vmul.f32 v4, v31;
	v31 =	vld [tilespmem:$0x1FF40];
	[tilespmem:s20+$0xD40] =	vst v1;
	v1 =	vadd.f32 v3, v54;
	v16 =	vmul.f32 v20, v16  }
0x783: {  	v17 =	vmul.f32 v4, v17;
	v42 =	vld [tilespmem:$0x1FE10]  }
0x784: {  	v43 =	vld [tilespmem:$0x1FEF0];
	[tilespmem:s20+$0xD60] =	vst v1;
	v1 =	vmul.f32 v4, v8;
	v4 =	vadd.f32 v16, v58;
	v60 =	vmul.f32 v28, v12  }
0x785: {  	v10 =	vmul.f32 v27, v48;
	v27 =	vld [tilespmem:$0x1FFD0]  }
0x786: {  	v48 =	vld [tilespmem:$0x1FE90];
	v8 =	vmul.f32 v26, v33;
	[tilespmem:s21+$0xD00] =	vst v4;
	v4 =	vadd.f32 v60, v63  }
0x787: {  	v14 =	vld [tilespmem:$0x1FE50]  }
0x788: {  	[tilespmem:s21+$0xD20] =	vst v4;
	v4 =	vadd.f32 v8, v37;
	v8 =	vmul.f32 v50, v42;
	v50 =	vld [tilespmem:$0x1FE40]  }
0x789: {  	v52 =	vld [tilespmem:$0x1F7B0]  }
0x78a: {  	[tilespmem:s20+$0xD20] =	vst v9;
	v9 =	vbroadcast v13, $0xF;
	v13 =	vld [tilespmem:$0x1FE30]  }
0x78b: {  	[tilespmem:s20+$0xD70] =	vst v7;
	v7 =	vadd.f32 v10, v61;
	v61 =	vld [tilespmem:$0x1FE70]  }
0x78c: {  	v10 =	vmul.f32 v25, v62;
	v16 =	vld [tilespmem:$0x1FE80]  }
0x78d: {  	v0 =	vadd.f32 v0, v36;
	v3 =	vmul.f32 v55, v50;
	v55 =	vld [tilespmem:$0x1F7C0]  }
0x78e: {  	v2 =	vmul.f32 v2, v38;
	[tilespmem:s21+$0xD10] =	vst v7;
	v6 =	vadd.f32 v10, v34;
	v7 =	vmul.f32 v24, v35;
	v58 =	vld [tilespmem:$0x1FE60]  }
0x78f: {  	[tilespmem:s21+$0xD40] =	vst v0;
	v44 =	vmul.f32 v18, v12;
	v18 =	vld [tilespmem:$0x1FEB0]  }
0x790: {  	v0 =	vadd.f32 v2, v43;
	[tilespmem:s21+$0xD30] =	vst v6;
	v6 =	vadd.f32 v7, v40;
	v7 =	vmul.f32 v17, v41;
	v17 =	vld [tilespmem:$0x1FEA0]  }
0x791: {  	v60 =	vld [tilespmem:$0x1FED0]  }
0x792: {  	[tilespmem:s21+$0xD70] =	vst v0;
	v49 =	vmul.f32 v53, v13;
	v63 =	vld [tilespmem:$0x1FEE0];
	v10 =	vsub.f32 v55, v9  }
0x793: {  	v46 =	vadd.f32 v7, v16;
	[tilespmem:s21+$0xD50] =	vst v4;
	v4 =	vmul.f32 v11, v58;
	v11 =	vld [tilespmem:$0x1F7D0]  }
0x794: {  	v34 =	vsub.f32 v51, v9;
	[tilespmem:s21+$0xD60] =	vst v6;
	v53 =	vadd.f32 v49, v18;
	v62 =	vmul.f32 v5, v10;
	v10 =	vld [tilespmem:$0x1FE00]  }
0x795: {  	v56 =	vld [tilespmem:$0x1FEC0];
	v1 =	vmul.f32 v1, v61;
	v6 =	vsub.f32 v52, v9;
	v7 =	vadd.f32 v8, v48;
	[tilespmem:s23+$0xD00] =	vst v46  }
0x796: {  	v54 =	vmul.f32 v19, v14;
	v33 =	vld [tilespmem:$0x1FE10];
	v2 =	vadd.f32 v44, v17;
	v48 =	vsub.f32 v59, v9;
	[tilespmem:s23+$0xD30] =	vst v53  }
0x797: {  	v61 =	vld [tilespmem:$0x1FE70];
	v0 =	vadd.f32 v1, v32;
	v6 =	vmul.f32 v5, v6;
	v46 =	vmul.f32 v5, v34;
	[tilespmem:s23+$0xD10] =	vst v7  }
0x798: {  	v7 =	vadd.f32 v54, v60;
	[tilespmem:s23+$0xD20] =	vst v2;
	v2 =	vadd.f32 v4, v63;
	v53 =	vmul.f32 v5, v48;
	v60 =	vld [tilespmem:$0x1FED0]  }
0x799: {  	v44 =	vld [tilespmem:$0x1FE90];
	v52 =	vmul.f32 v46, v13;
	v4 =	vmul.f32 v6, v10;
	v6 =	vsub.f32 v11, v9  }
0x79a: {  	v43 =	vsub.f32 v57, v9;
	v51 =	vsub.f32 v39, v9;
	[tilespmem:s23+$0xD70] =	vst v0;
	v55 =	vld [tilespmem:$0x1FE40]  }
0x79b: {  	v58 =	vld [tilespmem:$0x1FEC0];
	[tilespmem:s23+$0xD50] =	vst v7;
	v57 =	vmul.f32 v53, v14;
	v0 =	vadd.f32 v52, v18;
	v42 =	vmul.f32 v5, v6  }
0x79c: {  	v59 =	vld [tilespmem:$0x1FE60];
	v54 =	vsub.f32 v15, v9;
	[tilespmem:s23+$0xD60] =	vst v2;
	v3 =	vadd.f32 v3, v56;
	v1 =	vmul.f32 v62, v33  }
0x79d: {  	v63 =	vld [tilespmem:$0x1FEF0];
	v50 =	vmul.f32 v5, v43;
	[tilespmem:s24+$0xD30] =	vst v0;
	v0 =	vadd.f32 v57, v60;
	v49 =	vmul.f32 v42, v12  }
0x79e: {  	v56 =	vmul.f32 v5, v51;
	[tilespmem:s23+$0xD40] =	vst v3;
	v62 =	vld [tilespmem:$0x1FEE0];
	v1 =	vadd.f32 v1, v44;
	v5 =	vmul.f32 v5, v54  }
0x79f: {  	v19 =	vld [tilespmem:$0x1FF50];
	[tilespmem:s24+$0xD50] =	vst v0;
	v3 =	vmul.f32 v50, v55;
	v2 =	vadd.f32 v49, v17  }
0x7a0: {  	p0 =	slt.u32 s6, $0xF8;
	v26 =	vld [tilespmem:$0x1FFC0];
	[tilespmem:s24+$0xD10] =	vst v1;
	v35 =	vadd.f32 v4, v16;
	v1 =	vmul.f32 v5, v61  }
.Ltmp3:
0x7a1: {  	v25 =	vld [tilespmem:$0x1FFB0];
	[tilespmem:s24+$0xD20] =	vst v2;
	v2 =	vadd.f32 v3, v58;
	v3 =	vmul.f32 v56, v59;
	(pc) =	sbr.rel @p0 .LBB2_8-.Ltmp3, $4  }
0x7a2: {  	v20 =	vld [tilespmem:$0x1FF60];
	[tilespmem:s24+$0xD00] =	vst v35;
	v0 =	vadd.f32 v1, v63  }
0x7a3: {  	v24 =	vld [tilespmem:$0x1FFA0];
	[tilespmem:s24+$0xD40] =	vst v2;
	v2 =	vadd.f32 v3, v62  }
0x7a4: {  	v39 =	vld [tilespmem:$0x1FF10];
	[tilespmem:s24+$0xD70] =	vst v0  }
0x7a5: {  	s6 =	sadd.s32 $0x8, s6;
	v28 =	vld [tilespmem:$0x1FFE0];
	[tilespmem:s24+$0xD60] =	vst v2  }
0x7a6: {  	s6 =	sadd.s32 $0xC00, s10  }
0x7a7: {  	[hbm4b:s6+s7] =	stream.linear.scatter [tilespmem:s22], [sflag:$0x3], $0x2000, $0x38;
	[tilespmem:$0x10F00] =	vst v63  }
0x7a8: {  	_ =	swait.ge [sflag:s16], $0x2000  }
0x7a9: {  	[sflag:s16] =	ssyncset.done $0x0  }
0x7aa: {  	[sflag:s16] =	ssyncadd.s32 $0xFFFFE000  }
0x7ab: {  	_ =	swait.ge [sflag:s16], $0x2000  }
0x7ac: {  	[sflag:s16] =	ssyncset.done $0x0  }
0x7ad: {  	s3 =	sadd.s32 $0x1, s3;
	[sflag:s16] =	ssyncadd.s32 $0xFFFFE000  }
0x7ae: {  	p0 =	sne.s32 s3, s11;
	_ =	swait.ge [sflag:s16], $0x2000  }
.Ltmp4:
0x7af: {  	[sflag:s16] =	ssyncset.done $0x0;
	(pc) =	sbr.rel @p0 .LBB2_1-.Ltmp4, $4  }
0x7b0: {  	[sflag:s16] =	ssyncadd.s32 $0xFFFFE000  }
0x7b1: {  	_ =	swait.ge [sflag:s16], $0x2000  }
0x7b2: {  	[sflag:s16] =	ssyncset.done $0x0  }
0x7b3: {  	[sflag:s16] =	ssyncadd.s32 $0xFFFFE000  }
0x7b4: {  	_ =	sfence.sel $0x180000  }
0x7b5: {  	[bflag:$0x0] =	sbarrier.arrive $0xFFFF  }
0x7b6: {  	_ =	strace $0x90000047  }
0x7b7: {  	s0 =	stileid.u32;
	[bflag:$0x2] =	sbarrier.arrive $0xFFFF  }
0x7b8: {  	p0 =	sne.s32 s0, $0x0;
	s0 =	rddreg [dreg:$0x7]  }
0x7b9: {  	s0 =	sadd.s32 @!p0 $0x100000, s0  }
0x7ba: {  	[sflag:s0] =	ssyncadd.tile.s32 @!p0 $0x1;
	_ =	shalt  }
.Lfunc_end2:
_tile_overlayer_lowered:
.L_overlay_start_2:
0x7bb: {  	(tag) =	ssettag $0x2  }
0x7bc: {  	s0 =	rddreg [dreg:$0x0];
	s2 =	stileid.u32  }
0x7bd: {  	s1 =	rddreg [dreg:$0x1];
	p0 =	sne.s32 s2, $0x0  }
0x7be: {  	s3 =	rddreg [dreg:$0x2];
	[bflag:$0x3] =	sbarrier.arrive $0xFFFF;
	s2 =	simm.s32 @!p0 $0x1C04  }
0x7bf: {  	[timem:s3], [sflag:s2] =	dma.local @!p0 [hbm:s0], s1  }
0x7c0: {  	s0 =	simm.s32 @!p0 $0x4  }
0x7c1: {  	_ =	swait.ge @!p0 [sflag:s0], s1  }
0x7c2: {  	s1 =	ssub.s32 @!p0 $0x0, s1;
	[sflag:s0] =	ssyncset.done @!p0 $0x0  }
0x7c3: {  	[sflag:s0] =	ssyncadd.s32 @!p0 s1  }
0x7c4: {  	[bflag:$0x3] =	sbarrier.arrive $0xFFFF  }
0x7c5: {  	_ =	shalt  }

</sc_bundles>
